<compile_context>
chip_gen: v7x
topology: tpu7x:2x2x1
jax: 0.10.2.dev20260603
libtpu: 0.0.44.dev20260713+nightly
codegen_flags: <defaults>
</compile_context>

<pallas_src>
import functools

import jax
import jax.numpy as jnp
from jax import lax
from jax.experimental import pallas as pl
from jax.experimental.pallas import tpu as pltpu
from jax.experimental.pallas import tpu_sc as plsc

N = 10000
E = 320000
D = 128
NC = 2
NS = 16
NW = NC * NS
E_PER_W = E // NW
CHUNK = 80
N_CHUNKS = E_PER_W // CHUNK
ROWS_PER_TILE = 624
ROWS_TAIL_START = NS * ROWS_PER_TILE
ROWS_TAIL = N - ROWS_TAIL_START

_MESH = plsc.VectorSubcoreMesh(core_axis_name="c", subcore_axis_name="s")


def _sc_segment_sum(h, src, dst, zrows, iota, gather):

    @functools.partial(
        pl.kernel,
        out_type=jax.ShapeDtypeStruct((NC, N, D), jnp.float32),
        mesh=_MESH,
        scratch_types=[
            pltpu.VMEM_SHARED((N, D), jnp.float32),
            pltpu.VMEM((N_CHUNKS, CHUNK), jnp.int32),
            pltpu.VMEM((N_CHUNKS, CHUNK), jnp.int32),
            pltpu.VMEM((CHUNK, D), jnp.float32),
            pltpu.VMEM((CHUNK,), jnp.int32),
            pltpu.VMEM((64,), jnp.int32),
            pltpu.VMEM((ROWS_TAIL,), jnp.int32),
            pltpu.SemaphoreType.DMA,
        ],
    )
    def k(h_hbm, src_hbm, dst_hbm, zrows_hbm, iota_hbm,
          acc_out, s_acc, src_b, dst_b, rows_v, ii80, ii64, ii16, sem):
        cid = lax.axis_index("c")
        sid = lax.axis_index("s")
        wid = cid * NS + sid
        row0 = sid * ROWS_PER_TILE

        def slabs(fn):
            for j in range(7):
                fn(ii80, row0 + j * CHUNK, CHUNK)
            fn(ii64, row0 + 7 * CHUNK, 64)

        pltpu.sync_copy(zrows_hbm, rows_v)

        def init(ii, off, sz):
            pltpu.sync_copy(iota_hbm.at[pl.ds(off, sz)], ii)
            pltpu.sync_copy(rows_v.at[pl.ds(0, sz)], s_acc.at[ii])
        slabs(init)
        @pl.when(sid == 0)
        def _():
            init(ii16, ROWS_TAIL_START, ROWS_TAIL)
        pltpu.sync_copy(dst_hbm.at[wid], dst_b)
        if gather:
            pltpu.sync_copy(src_hbm.at[wid], src_b)
        else:
            pltpu.sync_copy(h_hbm, rows_v)
        plsc.subcore_barrier()

        def body(i, carry):
            if gather:
                pltpu.async_copy(h_hbm.at[src_b.at[i]], rows_v, sem).wait()
            pltpu.sync_copy(rows_v, s_acc.at[dst_b.at[i]], add=True)
            return carry

        lax.fori_loop(0, N_CHUNKS, body, 0)
        plsc.subcore_barrier()

        def readout(ii, off, sz):
            pltpu.sync_copy(iota_hbm.at[pl.ds(off, sz)], ii)
            pltpu.async_copy(s_acc.at[ii], rows_v.at[pl.ds(0, sz)], sem).wait()
            pltpu.sync_copy(rows_v.at[pl.ds(0, sz)],
                            acc_out.at[cid, pl.ds(off, sz)])
        slabs(readout)
        @pl.when(sid == 0)
        def _():
            readout(ii16, ROWS_TAIL_START, ROWS_TAIL)

    return k(h, src, dst, zrows, iota)


_BLK = 1000


def _tc_combine_mm(part, degp, h, w_msg, w_self, b, relu):
    def body(part_ref, deg_ref, h_ref, wm_ref, ws_ref, b_ref, o_ref):
        d = jnp.maximum(deg_ref[0] + deg_ref[1], 1.0)
        agg = (part_ref[0] + part_ref[1]) / d
        r = (jnp.dot(agg, wm_ref[...], preferred_element_type=jnp.float32)
             + jnp.dot(h_ref[...], ws_ref[...], preferred_element_type=jnp.float32)
             + b_ref[...])
        if relu:
            r = jnp.maximum(r, 0.0)
        o_ref[...] = r

    return pl.pallas_call(
        body,
        grid=(N // _BLK,),
        in_specs=[
            pl.BlockSpec((NC, _BLK, D), lambda i: (0, i, 0)),
            pl.BlockSpec((NC, _BLK, 1), lambda i: (0, i, 0)),
            pl.BlockSpec((_BLK, D), lambda i: (i, 0)),
            pl.BlockSpec((D, D), lambda i: (0, 0)),
            pl.BlockSpec((D, D), lambda i: (0, 0)),
            pl.BlockSpec((1, D), lambda i: (0, 0)),
        ],
        out_specs=pl.BlockSpec((_BLK, D), lambda i: (i, 0)),
        out_shape=jax.ShapeDtypeStruct((N, D), jnp.float32),
    )(part, degp, h, w_msg, w_self, b)


def kernel(x, edge_index, W_msg1, W_self1, b1, W_msg2, W_self2, b2):
    src = edge_index[0].astype(jnp.int32).reshape(NW, N_CHUNKS, CHUNK)
    dst = edge_index[1].astype(jnp.int32).reshape(NW, N_CHUNKS, CHUNK)
    iota = jnp.arange(N, dtype=jnp.int32)
    zrows = jnp.zeros((CHUNK, D), jnp.float32)
    ones = jnp.ones((CHUNK, D), jnp.float32)

    deg_parts = _sc_segment_sum(ones, src, dst, zrows, iota, gather=False)
    degp = deg_parts[:, :, 0:1]

    acc1 = _sc_segment_sum(x, src, dst, zrows, iota, gather=True)
    h = _tc_combine_mm(acc1, degp, x, W_msg1, W_self1, b1.reshape(1, D),
                       relu=True)
    acc2 = _sc_segment_sum(h, src, dst, zrows, iota, gather=True)
    out = _tc_combine_mm(acc2, degp, h, W_msg2, W_self2, b2.reshape(1, D),
                         relu=False)
    return out

# --- scband reference (transcript-rebuilt; emitter-appended) ---
"""Pipeline reference for scband-basic-gnn-28020366639698 (READ-ONLY COPY).

The authoritative reference and input builder live on the scoring server;
editing this copy changes nothing except your own understanding.
"""

import jax, jax.numpy as jnp
import numpy as np

N_NODES = 10000
N_EDGES = 320000
D_IN = 128
D_HID = 128
D_OUT = 128


def setup_inputs(seed: int = 0) -> dict:
    key = jax.random.key(seed)
    ks = jax.random.split(key, 8)
    x = jax.random.normal(ks[0], (N_NODES, D_IN), dtype=jnp.float32)
    edge_index = jax.random.randint(ks[1], (2, N_EDGES), 0, N_NODES, dtype=jnp.int64 if jax.config.jax_enable_x64 else jnp.int32)
    s1 = 1.0 / np.sqrt(D_IN)
    s2 = 1.0 / np.sqrt(D_HID)
    W_msg1 = jax.random.uniform(ks[2], (D_IN, D_HID), minval=-s1, maxval=s1, dtype=jnp.float32)
    W_self1 = jax.random.uniform(ks[3], (D_IN, D_HID), minval=-s1, maxval=s1, dtype=jnp.float32)
    b1 = jnp.zeros((D_HID,), dtype=jnp.float32)
    W_msg2 = jax.random.uniform(ks[4], (D_HID, D_OUT), minval=-s2, maxval=s2, dtype=jnp.float32)
    W_self2 = jax.random.uniform(ks[5], (D_HID, D_OUT), minval=-s2, maxval=s2, dtype=jnp.float32)
    b2 = jnp.zeros((D_OUT,), dtype=jnp.float32)
    return {"x": x, "edge_index": edge_index, "W_msg1": W_msg1, "W_self1": W_self1, "b1": b1, "W_msg2": W_msg2, "W_self2": W_self2, "b2": b2}


def _sage_conv(h, src, dst, W_msg, W_self, b, num_nodes):
    # mean aggregation over incoming edges (SAGEConv, aggr='mean')
    msgs = jnp.take(h, src, axis=0)                       # gather  [E, d]
    agg = jax.ops.segment_sum(msgs, dst, num_segments=num_nodes)  # scatter-add
    deg = jax.ops.segment_sum(jnp.ones((src.shape[0], 1), dtype=h.dtype), dst, num_segments=num_nodes)
    agg = agg / jnp.clip(deg, 1.0)
    return agg @ W_msg + h @ W_self + b


def reference(x, edge_index, W_msg1, W_self1, b1, W_msg2, W_self2, b2):
    src = edge_index[0]
    dst = edge_index[1]
    n = x.shape[0]
    # layer 1: conv -> act (relu) -> identity norm -> dropout(p=0, eval)
    h = _sage_conv(x, src, dst, W_msg1, W_self1, b1, n)
    h = jax.nn.relu(h)
    # layer 2 (last layer, jk=None): conv only, no act/norm/dropout
    out = _sage_conv(h, src, dst, W_msg2, W_self2, b2, n)
    return out

if __name__ == "__main__":
    import jax
    _d = setup_inputs()
    print(jax.jit(kernel)(*tuple(_d.values())))

</pallas_src>

<mosaic_0001>
#map = affine_map<(d0, d1) -> (0, 0)>
#map1 = affine_map<(d0, d1) -> (0, 0, 0)>
#map2 = affine_map<(d0, d1) -> (0)>
module attributes {stable_mosaic.version = 14 : i64} {
  func.func @k(%arg0: i32, %arg1: i32, %arg2: memref<10000x128xf32, #tpu.memory_space<hbm>>, %arg3: memref<32x125x80xi32, #tpu.memory_space<hbm>>, %arg4: memref<32x125x80xi32, #tpu.memory_space<hbm>>, %arg5: memref<80x128xf32, #tpu.memory_space<hbm>>, %arg6: memref<10000xi32, #tpu.memory_space<hbm>>, %arg7: memref<2x10000x128xf32, #tpu.memory_space<hbm>>, %arg8: memref<10000x128xf32, #tpu.memory_space<vmem_shared>>, %arg9: memref<125x80xi32, #tpu.memory_space<vmem>>, %arg10: memref<125x80xi32, #tpu.memory_space<vmem>>, %arg11: memref<80x128xf32, #tpu.memory_space<vmem>>, %arg12: memref<80xi32, #tpu.memory_space<vmem>>, %arg13: memref<64xi32, #tpu.memory_space<vmem>>, %arg14: memref<16xi32, #tpu.memory_space<vmem>>, %arg15: memref<!tpu.dma_semaphore, #tpu.memory_space<semaphore_mem>>) attributes {dimension_semantics = [#tpu.dimension_semantics<core_parallel>, #tpu.dimension_semantics<subcore_parallel>], iteration_bounds = array<i64: 2, 16>, scalar_prefetch = 0 : i64, scratch_operands = 8 : i64, tpu.core_type = #tpu.core_type<sc_vector_subcore>, window_params = [{transform_indices = #map}, {transform_indices = #map1}, {transform_indices = #map1}, {transform_indices = #map}, {transform_indices = #map2}, {transform_indices = #map1}]} {
    %mul3A = arith.constant 16 : i32
    %mul3A_0 = arith.muli %arg0, %mul3A : i32
    %add3A = arith.addi %mul3A_0, %arg1 : i32
    %mul3A_1 = arith.constant 624 : i32
    %mul3A_2 = arith.muli %arg1, %mul3A_1 : i32
    "tpu.region"() ({
      %run_scoped3A = tpu.sem_alloc : memref<!tpu.dma_semaphore, #tpu.memory_space<semaphore_mem>>
      tpu.enqueue_dma source(%arg5 : memref<80x128xf32, #tpu.memory_space<hbm>>) target(%arg11 : memref<80x128xf32, #tpu.memory_space<vmem>>) target_semaphore(%run_scoped3A : memref<!tpu.dma_semaphore, #tpu.memory_space<semaphore_mem>>)
      tpu.wait_dma2 semaphore(%run_scoped3A : memref<!tpu.dma_semaphore, #tpu.memory_space<semaphore_mem>>) src(%arg5 : memref<80x128xf32, #tpu.memory_space<hbm>>) dst(%arg11 : memref<80x128xf32, #tpu.memory_space<vmem>>)
      tpu.yield
    }) : () -> ()
    %add3A_3 = arith.constant 0 : i32
    %add3A_4 = arith.addi %mul3A_2, %add3A_3 : i32
    "tpu.region"() ({
      %run_scoped3A = tpu.sem_alloc : memref<!tpu.dma_semaphore, #tpu.memory_space<semaphore_mem>>
      %dma_start3A_142 = tpu.memref_slice %arg6[%add3A_4] : memref<10000xi32, #tpu.memory_space<hbm>> -> memref<80xi32, #tpu.memory_space<hbm>>
      %dma_start3A_143 = tpu.memref_slice %arg6[%add3A_4] : memref<10000xi32, #tpu.memory_space<hbm>> -> memref<80xi32, #tpu.memory_space<hbm>>
      tpu.enqueue_dma source(%dma_start3A_143 : memref<80xi32, #tpu.memory_space<hbm>>) target(%arg12 : memref<80xi32, #tpu.memory_space<vmem>>) target_semaphore(%run_scoped3A : memref<!tpu.dma_semaphore, #tpu.memory_space<semaphore_mem>>)
      %dma_wait3A_144 = tpu.memref_slice %arg6[%add3A_4] : memref<10000xi32, #tpu.memory_space<hbm>> -> memref<80xi32, #tpu.memory_space<hbm>>
      %dma_wait3A_145 = tpu.memref_slice %arg6[%add3A_4] : memref<10000xi32, #tpu.memory_space<hbm>> -> memref<80xi32, #tpu.memory_space<hbm>>
      tpu.wait_dma2 semaphore(%run_scoped3A : memref<!tpu.dma_semaphore, #tpu.memory_space<semaphore_mem>>) src(%dma_wait3A_145 : memref<80xi32, #tpu.memory_space<hbm>>) dst(%arg12 : memref<80xi32, #tpu.memory_space<vmem>>)
      tpu.yield
    }) : () -> ()
    "tpu.region"() ({
      %run_scoped3A = tpu.sem_alloc : memref<!tpu.dma_semaphore, #tpu.memory_space<semaphore_mem>>
      %dma_start3A_142 = arith.constant 0 : i32
      %dma_start3A_143 = arith.constant 0 : i32
      %dma_start3A_144 = tpu.memref_slice %arg11[%dma_start3A_142, %dma_start3A_143] : memref<80x128xf32, #tpu.memory_space<vmem>> -> memref<80x128xf32, #tpu.memory_space<vmem>>
      %dma_start3A_145 = arith.constant 0 : i32
      %dma_start3A_146 = arith.constant 0 : i32
      %dma_start3A_147 = tpu.memref_slice %arg8[%dma_start3A_145, %dma_start3A_146] : memref<10000x128xf32, #tpu.memory_space<vmem_shared>> -> memref<10000x128xf32, #tpu.memory_space<vmem_shared>>
      tpu.enqueue_indirect_dma source(%dma_start3A_144 : memref<80x128xf32, #tpu.memory_space<vmem>>) target(%dma_start3A_147 : memref<10000x128xf32, #tpu.memory_space<vmem_shared>>) offsets(%arg12 : memref<80xi32, #tpu.memory_space<vmem>>) semaphore(%run_scoped3A : memref<!tpu.dma_semaphore, #tpu.memory_space<semaphore_mem>>)
      %dma_wait3A_148 = arith.constant 0 : i32
      %dma_wait3A_149 = arith.constant 0 : i32
      %dma_wait3A_150 = tpu.memref_slice %arg11[%dma_wait3A_148, %dma_wait3A_149] : memref<80x128xf32, #tpu.memory_space<vmem>> -> memref<80x128xf32, #tpu.memory_space<vmem>>
      %dma_wait3A_151 = arith.constant 0 : i32
      %dma_wait3A_152 = arith.constant 0 : i32
      %dma_wait3A_153 = tpu.memref_slice %arg8[%dma_wait3A_151, %dma_wait3A_152] : memref<10000x128xf32, #tpu.memory_space<vmem_shared>> -> memref<10000x128xf32, #tpu.memory_space<vmem_shared>>
      tpu.wait_indirect_dma semaphore(%run_scoped3A : memref<!tpu.dma_semaphore, #tpu.memory_space<semaphore_mem>>) src(%dma_wait3A_150 : memref<80x128xf32, #tpu.memory_space<vmem>>) dst(%dma_wait3A_153 : memref<10000x128xf32, #tpu.memory_space<vmem_shared>>)
      tpu.yield
    }) : () -> ()
    %add3A_5 = arith.constant 80 : i32
    %add3A_6 = arith.addi %mul3A_2, %add3A_5 : i32
    "tpu.region"() ({
      %run_scoped3A = tpu.sem_alloc : memref<!tpu.dma_semaphore, #tpu.memory_space<semaphore_mem>>
      %dma_start3A_142 = tpu.memref_slice %arg6[%add3A_6] : memref<10000xi32, #tpu.memory_space<hbm>> -> memref<80xi32, #tpu.memory_space<hbm>>
      %dma_start3A_143 = tpu.memref_slice %arg6[%add3A_6] : memref<10000xi32, #tpu.memory_space<hbm>> -> memref<80xi32, #tpu.memory_space<hbm>>
      tpu.enqueue_dma source(%dma_start3A_143 : memref<80xi32, #tpu.memory_space<hbm>>) target(%arg12 : memref<80xi32, #tpu.memory_space<vmem>>) target_semaphore(%run_scoped3A : memref<!tpu.dma_semaphore, #tpu.memory_space<semaphore_mem>>)
      %dma_wait3A_144 = tpu.memref_slice %arg6[%add3A_6] : memref<10000xi32, #tpu.memory_space<hbm>> -> memref<80xi32, #tpu.memory_space<hbm>>
      %dma_wait3A_145 = tpu.memref_slice %arg6[%add3A_6] : memref<10000xi32, #tpu.memory_space<hbm>> -> memref<80xi32, #tpu.memory_space<hbm>>
      tpu.wait_dma2 semaphore(%run_scoped3A : memref<!tpu.dma_semaphore, #tpu.memory_space<semaphore_mem>>) src(%dma_wait3A_145 : memref<80xi32, #tpu.memory_space<hbm>>) dst(%arg12 : memref<80xi32, #tpu.memory_space<vmem>>)
      tpu.yield
    }) : () -> ()
    "tpu.region"() ({
      %run_scoped3A = tpu.sem_alloc : memref<!tpu.dma_semaphore, #tpu.memory_space<semaphore_mem>>
      %dma_start3A_142 = arith.constant 0 : i32
      %dma_start3A_143 = arith.constant 0 : i32
      %dma_start3A_144 = tpu.memref_slice %arg11[%dma_start3A_142, %dma_start3A_143] : memref<80x128xf32, #tpu.memory_space<vmem>> -> memref<80x128xf32, #tpu.memory_space<vmem>>
      %dma_start3A_145 = arith.constant 0 : i32
      %dma_start3A_146 = arith.constant 0 : i32
      %dma_start3A_147 = tpu.memref_slice %arg8[%dma_start3A_145, %dma_start3A_146] : memref<10000x128xf32, #tpu.memory_space<vmem_shared>> -> memref<10000x128xf32, #tpu.memory_space<vmem_shared>>
      tpu.enqueue_indirect_dma source(%dma_start3A_144 : memref<80x128xf32, #tpu.memory_space<vmem>>) target(%dma_start3A_147 : memref<10000x128xf32, #tpu.memory_space<vmem_shared>>) offsets(%arg12 : memref<80xi32, #tpu.memory_space<vmem>>) semaphore(%run_scoped3A : memref<!tpu.dma_semaphore, #tpu.memory_space<semaphore_mem>>)
      %dma_wait3A_148 = arith.constant 0 : i32
      %dma_wait3A_149 = arith.constant 0 : i32
      %dma_wait3A_150 = tpu.memref_slice %arg11[%dma_wait3A_148, %dma_wait3A_149] : memref<80x128xf32, #tpu.memory_space<vmem>> -> memref<80x128xf32, #tpu.memory_space<vmem>>
      %dma_wait3A_151 = arith.constant 0 : i32
      %dma_wait3A_152 = arith.constant 0 : i32
      %dma_wait3A_153 = tpu.memref_slice %arg8[%dma_wait3A_151, %dma_wait3A_152] : memref<10000x128xf32, #tpu.memory_space<vmem_shared>> -> memref<10000x128xf32, #tpu.memory_space<vmem_shared>>
      tpu.wait_indirect_dma semaphore(%run_scoped3A : memref<!tpu.dma_semaphore, #tpu.memory_space<semaphore_mem>>) src(%dma_wait3A_150 : memref<80x128xf32, #tpu.memory_space<vmem>>) dst(%dma_wait3A_153 : memref<10000x128xf32, #tpu.memory_space<vmem_shared>>)
      tpu.yield
    }) : () -> ()
    %add3A_7 = arith.constant 160 : i32
    %add3A_8 = arith.addi %mul3A_2, %add3A_7 : i32
    "tpu.region"() ({
      %run_scoped3A = tpu.sem_alloc : memref<!tpu.dma_semaphore, #tpu.memory_space<semaphore_mem>>
      %dma_start3A_142 = tpu.memref_slice %arg6[%add3A_8] : memref<10000xi32, #tpu.memory_space<hbm>> -> memref<80xi32, #tpu.memory_space<hbm>>
      %dma_start3A_143 = tpu.memref_slice %arg6[%add3A_8] : memref<10000xi32, #tpu.memory_space<hbm>> -> memref<80xi32, #tpu.memory_space<hbm>>
      tpu.enqueue_dma source(%dma_start3A_143 : memref<80xi32, #tpu.memory_space<hbm>>) target(%arg12 : memref<80xi32, #tpu.memory_space<vmem>>) target_semaphore(%run_scoped3A : memref<!tpu.dma_semaphore, #tpu.memory_space<semaphore_mem>>)
      %dma_wait3A_144 = tpu.memref_slice %arg6[%add3A_8] : memref<10000xi32, #tpu.memory_space<hbm>> -> memref<80xi32, #tpu.memory_space<hbm>>
      %dma_wait3A_145 = tpu.memref_slice %arg6[%add3A_8] : memref<10000xi32, #tpu.memory_space<hbm>> -> memref<80xi32, #tpu.memory_space<hbm>>
      tpu.wait_dma2 semaphore(%run_scoped3A : memref<!tpu.dma_semaphore, #tpu.memory_space<semaphore_mem>>) src(%dma_wait3A_145 : memref<80xi32, #tpu.memory_space<hbm>>) dst(%arg12 : memref<80xi32, #tpu.memory_space<vmem>>)
      tpu.yield
    }) : () -> ()
    "tpu.region"() ({
      %run_scoped3A = tpu.sem_alloc : memref<!tpu.dma_semaphore, #tpu.memory_space<semaphore_mem>>
      %dma_start3A_142 = arith.constant 0 : i32
      %dma_start3A_143 = arith.constant 0 : i32
      %dma_start3A_144 = tpu.memref_slice %arg11[%dma_start3A_142, %dma_start3A_143] : memref<80x128xf32, #tpu.memory_space<vmem>> -> memref<80x128xf32, #tpu.memory_space<vmem>>
      %dma_start3A_145 = arith.constant 0 : i32
      %dma_start3A_146 = arith.constant 0 : i32
      %dma_start3A_147 = tpu.memref_slice %arg8[%dma_start3A_145, %dma_start3A_146] : memref<10000x128xf32, #tpu.memory_space<vmem_shared>> -> memref<10000x128xf32, #tpu.memory_space<vmem_shared>>
      tpu.enqueue_indirect_dma source(%dma_start3A_144 : memref<80x128xf32, #tpu.memory_space<vmem>>) target(%dma_start3A_147 : memref<10000x128xf32, #tpu.memory_space<vmem_shared>>) offsets(%arg12 : memref<80xi32, #tpu.memory_space<vmem>>) semaphore(%run_scoped3A : memref<!tpu.dma_semaphore, #tpu.memory_space<semaphore_mem>>)
      %dma_wait3A_148 = arith.constant 0 : i32
      %dma_wait3A_149 = arith.constant 0 : i32
      %dma_wait3A_150 = tpu.memref_slice %arg11[%dma_wait3A_148, %dma_wait3A_149] : memref<80x128xf32, #tpu.memory_space<vmem>> -> memref<80x128xf32, #tpu.memory_space<vmem>>
      %dma_wait3A_151 = arith.constant 0 : i32
      %dma_wait3A_152 = arith.constant 0 : i32
      %dma_wait3A_153 = tpu.memref_slice %arg8[%dma_wait3A_151, %dma_wait3A_152] : memref<10000x128xf32, #tpu.memory_space<vmem_shared>> -> memref<10000x128xf32, #tpu.memory_space<vmem_shared>>
      tpu.wait_indirect_dma semaphore(%run_scoped3A : memref<!tpu.dma_semaphore, #tpu.memory_space<semaphore_mem>>) src(%dma_wait3A_150 : memref<80x128xf32, #tpu.memory_space<vmem>>) dst(%dma_wait3A_153 : memref<10000x128xf32, #tpu.memory_space<vmem_shared>>)
      tpu.yield
    }) : () -> ()
    %add3A_9 = arith.constant 240 : i32
    %add3A_10 = arith.addi %mul3A_2, %add3A_9 : i32
    "tpu.region"() ({
      %run_scoped3A = tpu.sem_alloc : memref<!tpu.dma_semaphore, #tpu.memory_space<semaphore_mem>>
      %dma_start3A_142 = tpu.memref_slice %arg6[%add3A_10] : memref<10000xi32, #tpu.memory_space<hbm>> -> memref<80xi32, #tpu.memory_space<hbm>>
      %dma_start3A_143 = tpu.memref_slice %arg6[%add3A_10] : memref<10000xi32, #tpu.memory_space<hbm>> -> memref<80xi32, #tpu.memory_space<hbm>>
      tpu.enqueue_dma source(%dma_start3A_143 : memref<80xi32, #tpu.memory_space<hbm>>) target(%arg12 : memref<80xi32, #tpu.memory_space<vmem>>) target_semaphore(%run_scoped3A : memref<!tpu.dma_semaphore, #tpu.memory_space<semaphore_mem>>)
      %dma_wait3A_144 = tpu.memref_slice %arg6[%add3A_10] : memref<10000xi32, #tpu.memory_space<hbm>> -> memref<80xi32, #tpu.memory_space<hbm>>
      %dma_wait3A_145 = tpu.memref_slice %arg6[%add3A_10] : memref<10000xi32, #tpu.memory_space<hbm>> -> memref<80xi32, #tpu.memory_space<hbm>>
      tpu.wait_dma2 semaphore(%run_scoped3A : memref<!tpu.dma_semaphore, #tpu.memory_space<semaphore_mem>>) src(%dma_wait3A_145 : memref<80xi32, #tpu.memory_space<hbm>>) dst(%arg12 : memref<80xi32, #tpu.memory_space<vmem>>)
      tpu.yield
    }) : () -> ()
    "tpu.region"() ({
      %run_scoped3A = tpu.sem_alloc : memref<!tpu.dma_semaphore, #tpu.memory_space<semaphore_mem>>
      %dma_start3A_142 = arith.constant 0 : i32
      %dma_start3A_143 = arith.constant 0 : i32
      %dma_start3A_144 = tpu.memref_slice %arg11[%dma_start3A_142, %dma_start3A_143] : memref<80x128xf32, #tpu.memory_space<vmem>> -> memref<80x128xf32, #tpu.memory_space<vmem>>
      %dma_start3A_145 = arith.constant 0 : i32
      %dma_start3A_146 = arith.constant 0 : i32
      %dma_start3A_147 = tpu.memref_slice %arg8[%dma_start3A_145, %dma_start3A_146] : memref<10000x128xf32, #tpu.memory_space<vmem_shared>> -> memref<10000x128xf32, #tpu.memory_space<vmem_shared>>
      tpu.enqueue_indirect_dma source(%dma_start3A_144 : memref<80x128xf32, #tpu.memory_space<vmem>>) target(%dma_start3A_147 : memref<10000x128xf32, #tpu.memory_space<vmem_shared>>) offsets(%arg12 : memref<80xi32, #tpu.memory_space<vmem>>) semaphore(%run_scoped3A : memref<!tpu.dma_semaphore, #tpu.memory_space<semaphore_mem>>)
      %dma_wait3A_148 = arith.constant 0 : i32
      %dma_wait3A_149 = arith.constant 0 : i32
      %dma_wait3A_150 = tpu.memref_slice %arg11[%dma_wait3A_148, %dma_wait3A_149] : memref<80x128xf32, #tpu.memory_space<vmem>> -> memref<80x128xf32, #tpu.memory_space<vmem>>
      %dma_wait3A_151 = arith.constant 0 : i32
      %dma_wait3A_152 = arith.constant 0 : i32
      %dma_wait3A_153 = tpu.memref_slice %arg8[%dma_wait3A_151, %dma_wait3A_152] : memref<10000x128xf32, #tpu.memory_space<vmem_shared>> -> memref<10000x128xf32, #tpu.memory_space<vmem_shared>>
      tpu.wait_indirect_dma semaphore(%run_scoped3A : memref<!tpu.dma_semaphore, #tpu.memory_space<semaphore_mem>>) src(%dma_wait3A_150 : memref<80x128xf32, #tpu.memory_space<vmem>>) dst(%dma_wait3A_153 : memref<10000x128xf32, #tpu.memory_space<vmem_shared>>)
      tpu.yield
    }) : () -> ()
    %add3A_11 = arith.constant 320 : i32
    %add3A_12 = arith.addi %mul3A_2, %add3A_11 : i32
    "tpu.region"() ({
      %run_scoped3A = tpu.sem_alloc : memref<!tpu.dma_semaphore, #tpu.memory_space<semaphore_mem>>
      %dma_start3A_142 = tpu.memref_slice %arg6[%add3A_12] : memref<10000xi32, #tpu.memory_space<hbm>> -> memref<80xi32, #tpu.memory_space<hbm>>
      %dma_start3A_143 = tpu.memref_slice %arg6[%add3A_12] : memref<10000xi32, #tpu.memory_space<hbm>> -> memref<80xi32, #tpu.memory_space<hbm>>
      tpu.enqueue_dma source(%dma_start3A_143 : memref<80xi32, #tpu.memory_space<hbm>>) target(%arg12 : memref<80xi32, #tpu.memory_space<vmem>>) target_semaphore(%run_scoped3A : memref<!tpu.dma_semaphore, #tpu.memory_space<semaphore_mem>>)
      %dma_wait3A_144 = tpu.memref_slice %arg6[%add3A_12] : memref<10000xi32, #tpu.memory_space<hbm>> -> memref<80xi32, #tpu.memory_space<hbm>>
      %dma_wait3A_145 = tpu.memref_slice %arg6[%add3A_12] : memref<10000xi32, #tpu.memory_space<hbm>> -> memref<80xi32, #tpu.memory_space<hbm>>
      tpu.wait_dma2 semaphore(%run_scoped3A : memref<!tpu.dma_semaphore, #tpu.memory_space<semaphore_mem>>) src(%dma_wait3A_145 : memref<80xi32, #tpu.memory_space<hbm>>) dst(%arg12 : memref<80xi32, #tpu.memory_space<vmem>>)
      tpu.yield
    }) : () -> ()
    "tpu.region"() ({
      %run_scoped3A = tpu.sem_alloc : memref<!tpu.dma_semaphore, #tpu.memory_space<semaphore_mem>>
      %dma_start3A_142 = arith.constant 0 : i32
      %dma_start3A_143 = arith.constant 0 : i32
      %dma_start3A_144 = tpu.memref_slice %arg11[%dma_start3A_142, %dma_start3A_143] : memref<80x128xf32, #tpu.memory_space<vmem>> -> memref<80x128xf32, #tpu.memory_space<vmem>>
      %dma_start3A_145 = arith.constant 0 : i32
      %dma_start3A_146 = arith.constant 0 : i32
      %dma_start3A_147 = tpu.memref_slice %arg8[%dma_start3A_145, %dma_start3A_146] : memref<10000x128xf32, #tpu.memory_space<vmem_shared>> -> memref<10000x128xf32, #tpu.memory_space<vmem_shared>>
      tpu.enqueue_indirect_dma source(%dma_start3A_144 : memref<80x128xf32, #tpu.memory_space<vmem>>) target(%dma_start3A_147 : memref<10000x128xf32, #tpu.memory_space<vmem_shared>>) offsets(%arg12 : memref<80xi32, #tpu.memory_space<vmem>>) semaphore(%run_scoped3A : memref<!tpu.dma_semaphore, #tpu.memory_space<semaphore_mem>>)
      %dma_wait3A_148 = arith.constant 0 : i32
      %dma_wait3A_149 = arith.constant 0 : i32
      %dma_wait3A_150 = tpu.memref_slice %arg11[%dma_wait3A_148, %dma_wait3A_149] : memref<80x128xf32, #tpu.memory_space<vmem>> -> memref<80x128xf32, #tpu.memory_space<vmem>>
      %dma_wait3A_151 = arith.constant 0 : i32
      %dma_wait3A_152 = arith.constant 0 : i32
      %dma_wait3A_153 = tpu.memref_slice %arg8[%dma_wait3A_151, %dma_wait3A_152] : memref<10000x128xf32, #tpu.memory_space<vmem_shared>> -> memref<10000x128xf32, #tpu.memory_space<vmem_shared>>
      tpu.wait_indirect_dma semaphore(%run_scoped3A : memref<!tpu.dma_semaphore, #tpu.memory_space<semaphore_mem>>) src(%dma_wait3A_150 : memref<80x128xf32, #tpu.memory_space<vmem>>) dst(%dma_wait3A_153 : memref<10000x128xf32, #tpu.memory_space<vmem_shared>>)
      tpu.yield
    }) : () -> ()
    %add3A_13 = arith.constant 400 : i32
    %add3A_14 = arith.addi %mul3A_2, %add3A_13 : i32
    "tpu.region"() ({
      %run_scoped3A = tpu.sem_alloc : memref<!tpu.dma_semaphore, #tpu.memory_space<semaphore_mem>>
      %dma_start3A_142 = tpu.memref_slice %arg6[%add3A_14] : memref<10000xi32, #tpu.memory_space<hbm>> -> memref<80xi32, #tpu.memory_space<hbm>>
      %dma_start3A_143 = tpu.memref_slice %arg6[%add3A_14] : memref<10000xi32, #tpu.memory_space<hbm>> -> memref<80xi32, #tpu.memory_space<hbm>>
      tpu.enqueue_dma source(%dma_start3A_143 : memref<80xi32, #tpu.memory_space<hbm>>) target(%arg12 : memref<80xi32, #tpu.memory_space<vmem>>) target_semaphore(%run_scoped3A : memref<!tpu.dma_semaphore, #tpu.memory_space<semaphore_mem>>)
      %dma_wait3A_144 = tpu.memref_slice %arg6[%add3A_14] : memref<10000xi32, #tpu.memory_space<hbm>> -> memref<80xi32, #tpu.memory_space<hbm>>
      %dma_wait3A_145 = tpu.memref_slice %arg6[%add3A_14] : memref<10000xi32, #tpu.memory_space<hbm>> -> memref<80xi32, #tpu.memory_space<hbm>>
      tpu.wait_dma2 semaphore(%run_scoped3A : memref<!tpu.dma_semaphore, #tpu.memory_space<semaphore_mem>>) src(%dma_wait3A_145 : memref<80xi32, #tpu.memory_space<hbm>>) dst(%arg12 : memref<80xi32, #tpu.memory_space<vmem>>)
      tpu.yield
    }) : () -> ()
    "tpu.region"() ({
      %run_scoped3A = tpu.sem_alloc : memref<!tpu.dma_semaphore, #tpu.memory_space<semaphore_mem>>
      %dma_start3A_142 = arith.constant 0 : i32
      %dma_start3A_143 = arith.constant 0 : i32
      %dma_start3A_144 = tpu.memref_slice %arg11[%dma_start3A_142, %dma_start3A_143] : memref<80x128xf32, #tpu.memory_space<vmem>> -> memref<80x128xf32, #tpu.memory_space<vmem>>
      %dma_start3A_145 = arith.constant 0 : i32
      %dma_start3A_146 = arith.constant 0 : i32
      %dma_start3A_147 = tpu.memref_slice %arg8[%dma_start3A_145, %dma_start3A_146] : memref<10000x128xf32, #tpu.memory_space<vmem_shared>> -> memref<10000x128xf32, #tpu.memory_space<vmem_shared>>
      tpu.enqueue_indirect_dma source(%dma_start3A_144 : memref<80x128xf32, #tpu.memory_space<vmem>>) target(%dma_start3A_147 : memref<10000x128xf32, #tpu.memory_space<vmem_shared>>) offsets(%arg12 : memref<80xi32, #tpu.memory_space<vmem>>) semaphore(%run_scoped3A : memref<!tpu.dma_semaphore, #tpu.memory_space<semaphore_mem>>)
      %dma_wait3A_148 = arith.constant 0 : i32
      %dma_wait3A_149 = arith.constant 0 : i32
      %dma_wait3A_150 = tpu.memref_slice %arg11[%dma_wait3A_148, %dma_wait3A_149] : memref<80x128xf32, #tpu.memory_space<vmem>> -> memref<80x128xf32, #tpu.memory_space<vmem>>
      %dma_wait3A_151 = arith.constant 0 : i32
      %dma_wait3A_152 = arith.constant 0 : i32
      %dma_wait3A_153 = tpu.memref_slice %arg8[%dma_wait3A_151, %dma_wait3A_152] : memref<10000x128xf32, #tpu.memory_space<vmem_shared>> -> memref<10000x128xf32, #tpu.memory_space<vmem_shared>>
      tpu.wait_indirect_dma semaphore(%run_scoped3A : memref<!tpu.dma_semaphore, #tpu.memory_space<semaphore_mem>>) src(%dma_wait3A_150 : memref<80x128xf32, #tpu.memory_space<vmem>>) dst(%dma_wait3A_153 : memref<10000x128xf32, #tpu.memory_space<vmem_shared>>)
      tpu.yield
    }) : () -> ()
    %add3A_15 = arith.constant 480 : i32
    %add3A_16 = arith.addi %mul3A_2, %add3A_15 : i32
    "tpu.region"() ({
      %run_scoped3A = tpu.sem_alloc : memref<!tpu.dma_semaphore, #tpu.memory_space<semaphore_mem>>
      %dma_start3A_142 = tpu.memref_slice %arg6[%add3A_16] : memref<10000xi32, #tpu.memory_space<hbm>> -> memref<80xi32, #tpu.memory_space<hbm>>
      %dma_start3A_143 = tpu.memref_slice %arg6[%add3A_16] : memref<10000xi32, #tpu.memory_space<hbm>> -> memref<80xi32, #tpu.memory_space<hbm>>
      tpu.enqueue_dma source(%dma_start3A_143 : memref<80xi32, #tpu.memory_space<hbm>>) target(%arg12 : memref<80xi32, #tpu.memory_space<vmem>>) target_semaphore(%run_scoped3A : memref<!tpu.dma_semaphore, #tpu.memory_space<semaphore_mem>>)
      %dma_wait3A_144 = tpu.memref_slice %arg6[%add3A_16] : memref<10000xi32, #tpu.memory_space<hbm>> -> memref<80xi32, #tpu.memory_space<hbm>>
      %dma_wait3A_145 = tpu.memref_slice %arg6[%add3A_16] : memref<10000xi32, #tpu.memory_space<hbm>> -> memref<80xi32, #tpu.memory_space<hbm>>
      tpu.wait_dma2 semaphore(%run_scoped3A : memref<!tpu.dma_semaphore, #tpu.memory_space<semaphore_mem>>) src(%dma_wait3A_145 : memref<80xi32, #tpu.memory_space<hbm>>) dst(%arg12 : memref<80xi32, #tpu.memory_space<vmem>>)
      tpu.yield
    }) : () -> ()
    "tpu.region"() ({
      %run_scoped3A = tpu.sem_alloc : memref<!tpu.dma_semaphore, #tpu.memory_space<semaphore_mem>>
      %dma_start3A_142 = arith.constant 0 : i32
      %dma_start3A_143 = arith.constant 0 : i32
      %dma_start3A_144 = tpu.memref_slice %arg11[%dma_start3A_142, %dma_start3A_143] : memref<80x128xf32, #tpu.memory_space<vmem>> -> memref<80x128xf32, #tpu.memory_space<vmem>>
      %dma_start3A_145 = arith.constant 0 : i32
      %dma_start3A_146 = arith.constant 0 : i32
      %dma_start3A_147 = tpu.memref_slice %arg8[%dma_start3A_145, %dma_start3A_146] : memref<10000x128xf32, #tpu.memory_space<vmem_shared>> -> memref<10000x128xf32, #tpu.memory_space<vmem_shared>>
      tpu.enqueue_indirect_dma source(%dma_start3A_144 : memref<80x128xf32, #tpu.memory_space<vmem>>) target(%dma_start3A_147 : memref<10000x128xf32, #tpu.memory_space<vmem_shared>>) offsets(%arg12 : memref<80xi32, #tpu.memory_space<vmem>>) semaphore(%run_scoped3A : memref<!tpu.dma_semaphore, #tpu.memory_space<semaphore_mem>>)
      %dma_wait3A_148 = arith.constant 0 : i32
      %dma_wait3A_149 = arith.constant 0 : i32
      %dma_wait3A_150 = tpu.memref_slice %arg11[%dma_wait3A_148, %dma_wait3A_149] : memref<80x128xf32, #tpu.memory_space<vmem>> -> memref<80x128xf32, #tpu.memory_space<vmem>>
      %dma_wait3A_151 = arith.constant 0 : i32
      %dma_wait3A_152 = arith.constant 0 : i32
      %dma_wait3A_153 = tpu.memref_slice %arg8[%dma_wait3A_151, %dma_wait3A_152] : memref<10000x128xf32, #tpu.memory_space<vmem_shared>> -> memref<10000x128xf32, #tpu.memory_space<vmem_shared>>
      tpu.wait_indirect_dma semaphore(%run_scoped3A : memref<!tpu.dma_semaphore, #tpu.memory_space<semaphore_mem>>) src(%dma_wait3A_150 : memref<80x128xf32, #tpu.memory_space<vmem>>) dst(%dma_wait3A_153 : memref<10000x128xf32, #tpu.memory_space<vmem_shared>>)
      tpu.yield
    }) : () -> ()
    %add3A_17 = arith.constant 560 : i32
    %add3A_18 = arith.addi %mul3A_2, %add3A_17 : i32
    "tpu.region"() ({
      %run_scoped3A = tpu.sem_alloc : memref<!tpu.dma_semaphore, #tpu.memory_space<semaphore_mem>>
      %dma_start3A_142 = tpu.memref_slice %arg6[%add3A_18] : memref<10000xi32, #tpu.memory_space<hbm>> -> memref<64xi32, #tpu.memory_space<hbm>>
      %dma_start3A_143 = tpu.memref_slice %arg6[%add3A_18] : memref<10000xi32, #tpu.memory_space<hbm>> -> memref<64xi32, #tpu.memory_space<hbm>>
      tpu.enqueue_dma source(%dma_start3A_143 : memref<64xi32, #tpu.memory_space<hbm>>) target(%arg13 : memref<64xi32, #tpu.memory_space<vmem>>) target_semaphore(%run_scoped3A : memref<!tpu.dma_semaphore, #tpu.memory_space<semaphore_mem>>)
      %dma_wait3A_144 = tpu.memref_slice %arg6[%add3A_18] : memref<10000xi32, #tpu.memory_space<hbm>> -> memref<64xi32, #tpu.memory_space<hbm>>
      %dma_wait3A_145 = tpu.memref_slice %arg6[%add3A_18] : memref<10000xi32, #tpu.memory_space<hbm>> -> memref<64xi32, #tpu.memory_space<hbm>>
      tpu.wait_dma2 semaphore(%run_scoped3A : memref<!tpu.dma_semaphore, #tpu.memory_space<semaphore_mem>>) src(%dma_wait3A_145 : memref<64xi32, #tpu.memory_space<hbm>>) dst(%arg13 : memref<64xi32, #tpu.memory_space<vmem>>)
      tpu.yield
    }) : () -> ()
    "tpu.region"() ({
      %run_scoped3A = tpu.sem_alloc : memref<!tpu.dma_semaphore, #tpu.memory_space<semaphore_mem>>
      %dma_start3A_142 = arith.constant 0 : i32
      %dma_start3A_143 = arith.constant 0 : i32
      %dma_start3A_144 = tpu.memref_slice %arg11[%dma_start3A_142, %dma_start3A_143] : memref<80x128xf32, #tpu.memory_space<vmem>> -> memref<64x128xf32, #tpu.memory_space<vmem>>
      %dma_start3A_145 = arith.constant 0 : i32
      %dma_start3A_146 = arith.constant 0 : i32
      %dma_start3A_147 = tpu.memref_slice %arg8[%dma_start3A_145, %dma_start3A_146] : memref<10000x128xf32, #tpu.memory_space<vmem_shared>> -> memref<10000x128xf32, #tpu.memory_space<vmem_shared>>
      tpu.enqueue_indirect_dma source(%dma_start3A_144 : memref<64x128xf32, #tpu.memory_space<vmem>>) target(%dma_start3A_147 : memref<10000x128xf32, #tpu.memory_space<vmem_shared>>) offsets(%arg13 : memref<64xi32, #tpu.memory_space<vmem>>) semaphore(%run_scoped3A : memref<!tpu.dma_semaphore, #tpu.memory_space<semaphore_mem>>)
      %dma_wait3A_148 = arith.constant 0 : i32
      %dma_wait3A_149 = arith.constant 0 : i32
      %dma_wait3A_150 = tpu.memref_slice %arg11[%dma_wait3A_148, %dma_wait3A_149] : memref<80x128xf32, #tpu.memory_space<vmem>> -> memref<64x128xf32, #tpu.memory_space<vmem>>
      %dma_wait3A_151 = arith.constant 0 : i32
      %dma_wait3A_152 = arith.constant 0 : i32
      %dma_wait3A_153 = tpu.memref_slice %arg8[%dma_wait3A_151, %dma_wait3A_152] : memref<10000x128xf32, #tpu.memory_space<vmem_shared>> -> memref<10000x128xf32, #tpu.memory_space<vmem_shared>>
      tpu.wait_indirect_dma semaphore(%run_scoped3A : memref<!tpu.dma_semaphore, #tpu.memory_space<semaphore_mem>>) src(%dma_wait3A_150 : memref<64x128xf32, #tpu.memory_space<vmem>>) dst(%dma_wait3A_153 : memref<10000x128xf32, #tpu.memory_space<vmem_shared>>)
      tpu.yield
    }) : () -> ()
    %eq3A = arith.constant 0 : i32
    %eq3A_19 = arith.cmpi eq, %arg1, %eq3A : i32
    %convert_element_type3A = arith.extui %eq3A_19 : i1 to i32
    %cond3A = arith.constant 0 : i32
    %cond3A_20 = arith.cmpi ne, %convert_element_type3A, %cond3A : i32
    scf.if %cond3A_20 {
      "tpu.region"() ({
        %run_scoped3A = tpu.sem_alloc : memref<!tpu.dma_semaphore, #tpu.memory_space<semaphore_mem>>
        %dma_start3A_142 = arith.constant 9984 : i32
        %dma_start3A_143 = tpu.memref_slice %arg6[%dma_start3A_142] : memref<10000xi32, #tpu.memory_space<hbm>> -> memref<16xi32, #tpu.memory_space<hbm>>
        %dma_start3A_144 = arith.constant 9984 : i32
        %dma_start3A_145 = tpu.memref_slice %arg6[%dma_start3A_144] : memref<10000xi32, #tpu.memory_space<hbm>> -> memref<16xi32, #tpu.memory_space<hbm>>
        tpu.enqueue_dma source(%dma_start3A_145 : memref<16xi32, #tpu.memory_space<hbm>>) target(%arg14 : memref<16xi32, #tpu.memory_space<vmem>>) target_semaphore(%run_scoped3A : memref<!tpu.dma_semaphore, #tpu.memory_space<semaphore_mem>>)
        %dma_wait3A_146 = arith.constant 9984 : i32
        %dma_wait3A_147 = tpu.memref_slice %arg6[%dma_wait3A_146] : memref<10000xi32, #tpu.memory_space<hbm>> -> memref<16xi32, #tpu.memory_space<hbm>>
        %dma_wait3A_148 = arith.constant 9984 : i32
        %dma_wait3A_149 = tpu.memref_slice %arg6[%dma_wait3A_148] : memref<10000xi32, #tpu.memory_space<hbm>> -> memref<16xi32, #tpu.memory_space<hbm>>
        tpu.wait_dma2 semaphore(%run_scoped3A : memref<!tpu.dma_semaphore, #tpu.memory_space<semaphore_mem>>) src(%dma_wait3A_149 : memref<16xi32, #tpu.memory_space<hbm>>) dst(%arg14 : memref<16xi32, #tpu.memory_space<vmem>>)
        tpu.yield
      }) : () -> ()
      "tpu.region"() ({
        %run_scoped3A = tpu.sem_alloc : memref<!tpu.dma_semaphore, #tpu.memory_space<semaphore_mem>>
        %dma_start3A_142 = arith.constant 0 : i32
        %dma_start3A_143 = arith.constant 0 : i32
        %dma_start3A_144 = tpu.memref_slice %arg11[%dma_start3A_142, %dma_start3A_143] : memref<80x128xf32, #tpu.memory_space<vmem>> -> memref<16x128xf32, #tpu.memory_space<vmem>>
        %dma_start3A_145 = arith.constant 0 : i32
        %dma_start3A_146 = arith.constant 0 : i32
        %dma_start3A_147 = tpu.memref_slice %arg8[%dma_start3A_145, %dma_start3A_146] : memref<10000x128xf32, #tpu.memory_space<vmem_shared>> -> memref<10000x128xf32, #tpu.memory_space<vmem_shared>>
        tpu.enqueue_indirect_dma source(%dma_start3A_144 : memref<16x128xf32, #tpu.memory_space<vmem>>) target(%dma_start3A_147 : memref<10000x128xf32, #tpu.memory_space<vmem_shared>>) offsets(%arg14 : memref<16xi32, #tpu.memory_space<vmem>>) semaphore(%run_scoped3A : memref<!tpu.dma_semaphore, #tpu.memory_space<semaphore_mem>>)
        %dma_wait3A_148 = arith.constant 0 : i32
        %dma_wait3A_149 = arith.constant 0 : i32
        %dma_wait3A_150 = tpu.memref_slice %arg11[%dma_wait3A_148, %dma_wait3A_149] : memref<80x128xf32, #tpu.memory_space<vmem>> -> memref<16x128xf32, #tpu.memory_space<vmem>>
        %dma_wait3A_151 = arith.constant 0 : i32
        %dma_wait3A_152 = arith.constant 0 : i32
        %dma_wait3A_153 = tpu.memref_slice %arg8[%dma_wait3A_151, %dma_wait3A_152] : memref<10000x128xf32, #tpu.memory_space<vmem_shared>> -> memref<10000x128xf32, #tpu.memory_space<vmem_shared>>
        tpu.wait_indirect_dma semaphore(%run_scoped3A : memref<!tpu.dma_semaphore, #tpu.memory_space<semaphore_mem>>) src(%dma_wait3A_150 : memref<16x128xf32, #tpu.memory_space<vmem>>) dst(%dma_wait3A_153 : memref<10000x128xf32, #tpu.memory_space<vmem_shared>>)
        tpu.yield
      }) : () -> ()
    } else {
    }
    "tpu.region"() ({
      %run_scoped3A = tpu.sem_alloc : memref<!tpu.dma_semaphore, #tpu.memory_space<semaphore_mem>>
      %dma_start3A_142 = arith.constant 0 : i32
      %dma_start3A_143 = arith.constant 0 : i32
      %dma_start3A_144 = tpu.memref_slice %arg4[%add3A, %dma_start3A_142, %dma_start3A_143] : memref<32x125x80xi32, #tpu.memory_space<hbm>> -> memref<1x125x80xi32, #tpu.memory_space<hbm>>
      %dma_start3A_145 = tpu.memref_squeeze %dma_start3A_144 : memref<1x125x80xi32, #tpu.memory_space<hbm>> -> memref<125x80xi32, #tpu.memory_space<hbm>>
      %dma_start3A_146 = arith.constant 0 : i32
      %dma_start3A_147 = arith.constant 0 : i32
      %dma_start3A_148 = tpu.memref_slice %arg4[%add3A, %dma_start3A_146, %dma_start3A_147] : memref<32x125x80xi32, #tpu.memory_space<hbm>> -> memref<1x125x80xi32, #tpu.memory_space<hbm>>
      %dma_start3A_149 = tpu.memref_squeeze %dma_start3A_148 : memref<1x125x80xi32, #tpu.memory_space<hbm>> -> memref<125x80xi32, #tpu.memory_space<hbm>>
      tpu.enqueue_dma source(%dma_start3A_149 : memref<125x80xi32, #tpu.memory_space<hbm>>) target(%arg10 : memref<125x80xi32, #tpu.memory_space<vmem>>) target_semaphore(%run_scoped3A : memref<!tpu.dma_semaphore, #tpu.memory_space<semaphore_mem>>)
      %dma_wait3A_150 = arith.constant 0 : i32
      %dma_wait3A_151 = arith.constant 0 : i32
      %dma_wait3A_152 = tpu.memref_slice %arg4[%add3A, %dma_wait3A_150, %dma_wait3A_151] : memref<32x125x80xi32, #tpu.memory_space<hbm>> -> memref<1x125x80xi32, #tpu.memory_space<hbm>>
      %dma_wait3A_153 = tpu.memref_squeeze %dma_wait3A_152 : memref<1x125x80xi32, #tpu.memory_space<hbm>> -> memref<125x80xi32, #tpu.memory_space<hbm>>
      %dma_wait3A_154 = arith.constant 0 : i32
      %dma_wait3A_155 = arith.constant 0 : i32
      %dma_wait3A_156 = tpu.memref_slice %arg4[%add3A, %dma_wait3A_154, %dma_wait3A_155] : memref<32x125x80xi32, #tpu.memory_space<hbm>> -> memref<1x125x80xi32, #tpu.memory_space<hbm>>
      %dma_wait3A_157 = tpu.memref_squeeze %dma_wait3A_156 : memref<1x125x80xi32, #tpu.memory_space<hbm>> -> memref<125x80xi32, #tpu.memory_space<hbm>>
      tpu.wait_dma2 semaphore(%run_scoped3A : memref<!tpu.dma_semaphore, #tpu.memory_space<semaphore_mem>>) src(%dma_wait3A_157 : memref<125x80xi32, #tpu.memory_space<hbm>>) dst(%arg10 : memref<125x80xi32, #tpu.memory_space<vmem>>)
      tpu.yield
    }) : () -> ()
    "tpu.region"() ({
      %run_scoped3A = tpu.sem_alloc : memref<!tpu.dma_semaphore, #tpu.memory_space<semaphore_mem>>
      %dma_start3A_142 = arith.constant 0 : i32
      %dma_start3A_143 = arith.constant 0 : i32
      %dma_start3A_144 = tpu.memref_slice %arg3[%add3A, %dma_start3A_142, %dma_start3A_143] : memref<32x125x80xi32, #tpu.memory_space<hbm>> -> memref<1x125x80xi32, #tpu.memory_space<hbm>>
      %dma_start3A_145 = tpu.memref_squeeze %dma_start3A_144 : memref<1x125x80xi32, #tpu.memory_space<hbm>> -> memref<125x80xi32, #tpu.memory_space<hbm>>
      %dma_start3A_146 = arith.constant 0 : i32
      %dma_start3A_147 = arith.constant 0 : i32
      %dma_start3A_148 = tpu.memref_slice %arg3[%add3A, %dma_start3A_146, %dma_start3A_147] : memref<32x125x80xi32, #tpu.memory_space<hbm>> -> memref<1x125x80xi32, #tpu.memory_space<hbm>>
      %dma_start3A_149 = tpu.memref_squeeze %dma_start3A_148 : memref<1x125x80xi32, #tpu.memory_space<hbm>> -> memref<125x80xi32, #tpu.memory_space<hbm>>
      tpu.enqueue_dma source(%dma_start3A_149 : memref<125x80xi32, #tpu.memory_space<hbm>>) target(%arg9 : memref<125x80xi32, #tpu.memory_space<vmem>>) target_semaphore(%run_scoped3A : memref<!tpu.dma_semaphore, #tpu.memory_space<semaphore_mem>>)
      %dma_wait3A_150 = arith.constant 0 : i32
      %dma_wait3A_151 = arith.constant 0 : i32
      %dma_wait3A_152 = tpu.memref_slice %arg3[%add3A, %dma_wait3A_150, %dma_wait3A_151] : memref<32x125x80xi32, #tpu.memory_space<hbm>> -> memref<1x125x80xi32, #tpu.memory_space<hbm>>
      %dma_wait3A_153 = tpu.memref_squeeze %dma_wait3A_152 : memref<1x125x80xi32, #tpu.memory_space<hbm>> -> memref<125x80xi32, #tpu.memory_space<hbm>>
      %dma_wait3A_154 = arith.constant 0 : i32
      %dma_wait3A_155 = arith.constant 0 : i32
      %dma_wait3A_156 = tpu.memref_slice %arg3[%add3A, %dma_wait3A_154, %dma_wait3A_155] : memref<32x125x80xi32, #tpu.memory_space<hbm>> -> memref<1x125x80xi32, #tpu.memory_space<hbm>>
      %dma_wait3A_157 = tpu.memref_squeeze %dma_wait3A_156 : memref<1x125x80xi32, #tpu.memory_space<hbm>> -> memref<125x80xi32, #tpu.memory_space<hbm>>
      tpu.wait_dma2 semaphore(%run_scoped3A : memref<!tpu.dma_semaphore, #tpu.memory_space<semaphore_mem>>) src(%dma_wait3A_157 : memref<125x80xi32, #tpu.memory_space<hbm>>) dst(%arg9 : memref<125x80xi32, #tpu.memory_space<vmem>>)
      tpu.yield
    }) : () -> ()
    %barrier3A = arith.constant 0 : index
    tpu.barrier barrier_id(%barrier3A)
    %scan3A = arith.constant 0 : i32
    %scan3A_21 = arith.constant 0 : i32
    %scan3A_22 = arith.constant 125 : i32
    %scan3A_23 = arith.addi %scan3A_21, %scan3A_22 : i32
    %scan3A_24 = arith.constant 1 : i32
    scf.for %scan3A_142 = %scan3A_21 to %scan3A_23 step %scan3A_24  : i32 {
      %dma_start3A_143 = arith.constant 0 : i32
      %dma_start3A_144 = tpu.memref_slice %arg9[%scan3A_142, %dma_start3A_143] : memref<125x80xi32, #tpu.memory_space<vmem>> -> memref<1x80xi32, #tpu.memory_space<vmem>>
      %dma_start3A_145 = tpu.memref_squeeze %dma_start3A_144 : memref<1x80xi32, #tpu.memory_space<vmem>> -> memref<80xi32, #tpu.memory_space<vmem>>
      %dma_start3A_146 = arith.constant 0 : i32
      %dma_start3A_147 = arith.constant 0 : i32
      %dma_start3A_148 = tpu.memref_slice %arg2[%dma_start3A_146, %dma_start3A_147] : memref<10000x128xf32, #tpu.memory_space<hbm>> -> memref<10000x128xf32, #tpu.memory_space<hbm>>
      tpu.enqueue_indirect_dma source(%dma_start3A_148 : memref<10000x128xf32, #tpu.memory_space<hbm>>) target(%arg11 : memref<80x128xf32, #tpu.memory_space<vmem>>) offsets(%dma_start3A_145 : memref<80xi32, #tpu.memory_space<vmem>>) semaphore(%arg15 : memref<!tpu.dma_semaphore, #tpu.memory_space<semaphore_mem>>)
      %dma_wait3A_149 = arith.constant 0 : i32
      %dma_wait3A_150 = tpu.memref_slice %arg9[%scan3A_142, %dma_wait3A_149] : memref<125x80xi32, #tpu.memory_space<vmem>> -> memref<1x80xi32, #tpu.memory_space<vmem>>
      %dma_wait3A_151 = tpu.memref_squeeze %dma_wait3A_150 : memref<1x80xi32, #tpu.memory_space<vmem>> -> memref<80xi32, #tpu.memory_space<vmem>>
      %dma_wait3A_152 = arith.constant 0 : i32
      %dma_wait3A_153 = arith.constant 0 : i32
      %dma_wait3A_154 = tpu.memref_slice %arg2[%dma_wait3A_152, %dma_wait3A_153] : memref<10000x128xf32, #tpu.memory_space<hbm>> -> memref<10000x128xf32, #tpu.memory_space<hbm>>
      tpu.wait_indirect_dma semaphore(%arg15 : memref<!tpu.dma_semaphore, #tpu.memory_space<semaphore_mem>>) src(%dma_wait3A_154 : memref<10000x128xf32, #tpu.memory_space<hbm>>) dst(%arg11 : memref<80x128xf32, #tpu.memory_space<vmem>>)
      "tpu.region"() ({
        %run_scoped3A = tpu.sem_alloc : memref<!tpu.dma_semaphore, #tpu.memory_space<semaphore_mem>>
        %dma_start3A_155 = arith.constant 0 : i32
        %dma_start3A_156 = tpu.memref_slice %arg10[%scan3A_142, %dma_start3A_155] : memref<125x80xi32, #tpu.memory_space<vmem>> -> memref<1x80xi32, #tpu.memory_space<vmem>>
        %dma_start3A_157 = tpu.memref_squeeze %dma_start3A_156 : memref<1x80xi32, #tpu.memory_space<vmem>> -> memref<80xi32, #tpu.memory_space<vmem>>
        %dma_start3A_158 = arith.constant 0 : i32
        %dma_start3A_159 = arith.constant 0 : i32
        %dma_start3A_160 = tpu.memref_slice %arg8[%dma_start3A_158, %dma_start3A_159] : memref<10000x128xf32, #tpu.memory_space<vmem_shared>> -> memref<10000x128xf32, #tpu.memory_space<vmem_shared>>
        tpu.enqueue_indirect_dma source(%arg11 : memref<80x128xf32, #tpu.memory_space<vmem>>) target(%dma_start3A_160 : memref<10000x128xf32, #tpu.memory_space<vmem_shared>>) offsets(%dma_start3A_157 : memref<80xi32, #tpu.memory_space<vmem>>) semaphore(%run_scoped3A : memref<!tpu.dma_semaphore, #tpu.memory_space<semaphore_mem>>) {add = true}
        %dma_wait3A_161 = arith.constant 0 : i32
        %dma_wait3A_162 = tpu.memref_slice %arg10[%scan3A_142, %dma_wait3A_161] : memref<125x80xi32, #tpu.memory_space<vmem>> -> memref<1x80xi32, #tpu.memory_space<vmem>>
        %dma_wait3A_163 = tpu.memref_squeeze %dma_wait3A_162 : memref<1x80xi32, #tpu.memory_space<vmem>> -> memref<80xi32, #tpu.memory_space<vmem>>
        %dma_wait3A_164 = arith.constant 0 : i32
        %dma_wait3A_165 = arith.constant 0 : i32
        %dma_wait3A_166 = tpu.memref_slice %arg8[%dma_wait3A_164, %dma_wait3A_165] : memref<10000x128xf32, #tpu.memory_space<vmem_shared>> -> memref<10000x128xf32, #tpu.memory_space<vmem_shared>>
        tpu.wait_indirect_dma semaphore(%run_scoped3A : memref<!tpu.dma_semaphore, #tpu.memory_space<semaphore_mem>>) src(%arg11 : memref<80x128xf32, #tpu.memory_space<vmem>>) dst(%dma_wait3A_166 : memref<10000x128xf32, #tpu.memory_space<vmem_shared>>)
        tpu.yield
      }) : () -> ()
    }
    %scan3A_25 = arith.constant 125 : i32
    %barrier3A_26 = arith.constant 0 : index
    tpu.barrier barrier_id(%barrier3A_26)
    %add3A_27 = arith.constant 0 : i32
    %add3A_28 = arith.addi %mul3A_2, %add3A_27 : i32
    "tpu.region"() ({
      %run_scoped3A = tpu.sem_alloc : memref<!tpu.dma_semaphore, #tpu.memory_space<semaphore_mem>>
      %dma_start3A_142 = tpu.memref_slice %arg6[%add3A_28] : memref<10000xi32, #tpu.memory_space<hbm>> -> memref<80xi32, #tpu.memory_space<hbm>>
      %dma_start3A_143 = tpu.memref_slice %arg6[%add3A_28] : memref<10000xi32, #tpu.memory_space<hbm>> -> memref<80xi32, #tpu.memory_space<hbm>>
      tpu.enqueue_dma source(%dma_start3A_143 : memref<80xi32, #tpu.memory_space<hbm>>) target(%arg12 : memref<80xi32, #tpu.memory_space<vmem>>) target_semaphore(%run_scoped3A : memref<!tpu.dma_semaphore, #tpu.memory_space<semaphore_mem>>)
      %dma_wait3A_144 = tpu.memref_slice %arg6[%add3A_28] : memref<10000xi32, #tpu.memory_space<hbm>> -> memref<80xi32, #tpu.memory_space<hbm>>
      %dma_wait3A_145 = tpu.memref_slice %arg6[%add3A_28] : memref<10000xi32, #tpu.memory_space<hbm>> -> memref<80xi32, #tpu.memory_space<hbm>>
      tpu.wait_dma2 semaphore(%run_scoped3A : memref<!tpu.dma_semaphore, #tpu.memory_space<semaphore_mem>>) src(%dma_wait3A_145 : memref<80xi32, #tpu.memory_space<hbm>>) dst(%arg12 : memref<80xi32, #tpu.memory_space<vmem>>)
      tpu.yield
    }) : () -> ()
    %dma_start3A = arith.constant 0 : i32
    %dma_start3A_29 = arith.constant 0 : i32
    %dma_start3A_30 = tpu.memref_slice %arg11[%dma_start3A, %dma_start3A_29] : memref<80x128xf32, #tpu.memory_space<vmem>> -> memref<80x128xf32, #tpu.memory_space<vmem>>
    %dma_start3A_31 = arith.constant 0 : i32
    %dma_start3A_32 = arith.constant 0 : i32
    %dma_start3A_33 = tpu.memref_slice %arg8[%dma_start3A_31, %dma_start3A_32] : memref<10000x128xf32, #tpu.memory_space<vmem_shared>> -> memref<10000x128xf32, #tpu.memory_space<vmem_shared>>
    tpu.enqueue_indirect_dma source(%dma_start3A_33 : memref<10000x128xf32, #tpu.memory_space<vmem_shared>>) target(%dma_start3A_30 : memref<80x128xf32, #tpu.memory_space<vmem>>) offsets(%arg12 : memref<80xi32, #tpu.memory_space<vmem>>) semaphore(%arg15 : memref<!tpu.dma_semaphore, #tpu.memory_space<semaphore_mem>>)
    %dma_wait3A = arith.constant 0 : i32
    %dma_wait3A_34 = arith.constant 0 : i32
    %dma_wait3A_35 = tpu.memref_slice %arg11[%dma_wait3A, %dma_wait3A_34] : memref<80x128xf32, #tpu.memory_space<vmem>> -> memref<80x128xf32, #tpu.memory_space<vmem>>
    %dma_wait3A_36 = arith.constant 0 : i32
    %dma_wait3A_37 = arith.constant 0 : i32
    %dma_wait3A_38 = tpu.memref_slice %arg8[%dma_wait3A_36, %dma_wait3A_37] : memref<10000x128xf32, #tpu.memory_space<vmem_shared>> -> memref<10000x128xf32, #tpu.memory_space<vmem_shared>>
    tpu.wait_indirect_dma semaphore(%arg15 : memref<!tpu.dma_semaphore, #tpu.memory_space<semaphore_mem>>) src(%dma_wait3A_38 : memref<10000x128xf32, #tpu.memory_space<vmem_shared>>) dst(%dma_wait3A_35 : memref<80x128xf32, #tpu.memory_space<vmem>>)
    "tpu.region"() ({
      %run_scoped3A = tpu.sem_alloc : memref<!tpu.dma_semaphore, #tpu.memory_space<semaphore_mem>>
      %dma_start3A_142 = arith.constant 0 : i32
      %dma_start3A_143 = arith.constant 0 : i32
      %dma_start3A_144 = tpu.memref_slice %arg11[%dma_start3A_142, %dma_start3A_143] : memref<80x128xf32, #tpu.memory_space<vmem>> -> memref<80x128xf32, #tpu.memory_space<vmem>>
      %dma_start3A_145 = arith.constant 0 : i32
      %dma_start3A_146 = tpu.memref_slice %arg7[%arg0, %add3A_28, %dma_start3A_145] : memref<2x10000x128xf32, #tpu.memory_space<hbm>> -> memref<1x80x128xf32, #tpu.memory_space<hbm>>
      %dma_start3A_147 = tpu.memref_squeeze %dma_start3A_146 : memref<1x80x128xf32, #tpu.memory_space<hbm>> -> memref<80x128xf32, #tpu.memory_space<hbm>>
      %dma_start3A_148 = arith.constant 0 : i32
      %dma_start3A_149 = tpu.memref_slice %arg7[%arg0, %add3A_28, %dma_start3A_148] : memref<2x10000x128xf32, #tpu.memory_space<hbm>> -> memref<1x80x128xf32, #tpu.memory_space<hbm>>
      %dma_start3A_150 = tpu.memref_squeeze %dma_start3A_149 : memref<1x80x128xf32, #tpu.memory_space<hbm>> -> memref<80x128xf32, #tpu.memory_space<hbm>>
      %dma_start3A_151 = arith.constant 0 : i32
      %dma_start3A_152 = arith.constant 0 : i32
      %dma_start3A_153 = tpu.memref_slice %arg11[%dma_start3A_151, %dma_start3A_152] : memref<80x128xf32, #tpu.memory_space<vmem>> -> memref<80x128xf32, #tpu.memory_space<vmem>>
      tpu.enqueue_dma source(%dma_start3A_153 : memref<80x128xf32, #tpu.memory_space<vmem>>) target(%dma_start3A_150 : memref<80x128xf32, #tpu.memory_space<hbm>>) target_semaphore(%run_scoped3A : memref<!tpu.dma_semaphore, #tpu.memory_space<semaphore_mem>>)
      %dma_wait3A_154 = arith.constant 0 : i32
      %dma_wait3A_155 = arith.constant 0 : i32
      %dma_wait3A_156 = tpu.memref_slice %arg11[%dma_wait3A_154, %dma_wait3A_155] : memref<80x128xf32, #tpu.memory_space<vmem>> -> memref<80x128xf32, #tpu.memory_space<vmem>>
      %dma_wait3A_157 = arith.constant 0 : i32
      %dma_wait3A_158 = tpu.memref_slice %arg7[%arg0, %add3A_28, %dma_wait3A_157] : memref<2x10000x128xf32, #tpu.memory_space<hbm>> -> memref<1x80x128xf32, #tpu.memory_space<hbm>>
      %dma_wait3A_159 = tpu.memref_squeeze %dma_wait3A_158 : memref<1x80x128xf32, #tpu.memory_space<hbm>> -> memref<80x128xf32, #tpu.memory_space<hbm>>
      %dma_wait3A_160 = arith.constant 0 : i32
      %dma_wait3A_161 = tpu.memref_slice %arg7[%arg0, %add3A_28, %dma_wait3A_160] : memref<2x10000x128xf32, #tpu.memory_space<hbm>> -> memref<1x80x128xf32, #tpu.memory_space<hbm>>
      %dma_wait3A_162 = tpu.memref_squeeze %dma_wait3A_161 : memref<1x80x128xf32, #tpu.memory_space<hbm>> -> memref<80x128xf32, #tpu.memory_space<hbm>>
      %dma_wait3A_163 = arith.constant 0 : i32
      %dma_wait3A_164 = arith.constant 0 : i32
      %dma_wait3A_165 = tpu.memref_slice %arg11[%dma_wait3A_163, %dma_wait3A_164] : memref<80x128xf32, #tpu.memory_space<vmem>> -> memref<80x128xf32, #tpu.memory_space<vmem>>
      tpu.wait_dma2 semaphore(%run_scoped3A : memref<!tpu.dma_semaphore, #tpu.memory_space<semaphore_mem>>) src(%dma_wait3A_165 : memref<80x128xf32, #tpu.memory_space<vmem>>) dst(%dma_wait3A_162 : memref<80x128xf32, #tpu.memory_space<hbm>>)
      tpu.yield
    }) : () -> ()
    %add3A_39 = arith.constant 80 : i32
    %add3A_40 = arith.addi %mul3A_2, %add3A_39 : i32
    "tpu.region"() ({
      %run_scoped3A = tpu.sem_alloc : memref<!tpu.dma_semaphore, #tpu.memory_space<semaphore_mem>>
      %dma_start3A_142 = tpu.memref_slice %arg6[%add3A_40] : memref<10000xi32, #tpu.memory_space<hbm>> -> memref<80xi32, #tpu.memory_space<hbm>>
      %dma_start3A_143 = tpu.memref_slice %arg6[%add3A_40] : memref<10000xi32, #tpu.memory_space<hbm>> -> memref<80xi32, #tpu.memory_space<hbm>>
      tpu.enqueue_dma source(%dma_start3A_143 : memref<80xi32, #tpu.memory_space<hbm>>) target(%arg12 : memref<80xi32, #tpu.memory_space<vmem>>) target_semaphore(%run_scoped3A : memref<!tpu.dma_semaphore, #tpu.memory_space<semaphore_mem>>)
      %dma_wait3A_144 = tpu.memref_slice %arg6[%add3A_40] : memref<10000xi32, #tpu.memory_space<hbm>> -> memref<80xi32, #tpu.memory_space<hbm>>
      %dma_wait3A_145 = tpu.memref_slice %arg6[%add3A_40] : memref<10000xi32, #tpu.memory_space<hbm>> -> memref<80xi32, #tpu.memory_space<hbm>>
      tpu.wait_dma2 semaphore(%run_scoped3A : memref<!tpu.dma_semaphore, #tpu.memory_space<semaphore_mem>>) src(%dma_wait3A_145 : memref<80xi32, #tpu.memory_space<hbm>>) dst(%arg12 : memref<80xi32, #tpu.memory_space<vmem>>)
      tpu.yield
    }) : () -> ()
    %dma_start3A_41 = arith.constant 0 : i32
    %dma_start3A_42 = arith.constant 0 : i32
    %dma_start3A_43 = tpu.memref_slice %arg11[%dma_start3A_41, %dma_start3A_42] : memref<80x128xf32, #tpu.memory_space<vmem>> -> memref<80x128xf32, #tpu.memory_space<vmem>>
    %dma_start3A_44 = arith.constant 0 : i32
    %dma_start3A_45 = arith.constant 0 : i32
    %dma_start3A_46 = tpu.memref_slice %arg8[%dma_start3A_44, %dma_start3A_45] : memref<10000x128xf32, #tpu.memory_space<vmem_shared>> -> memref<10000x128xf32, #tpu.memory_space<vmem_shared>>
    tpu.enqueue_indirect_dma source(%dma_start3A_46 : memref<10000x128xf32, #tpu.memory_space<vmem_shared>>) target(%dma_start3A_43 : memref<80x128xf32, #tpu.memory_space<vmem>>) offsets(%arg12 : memref<80xi32, #tpu.memory_space<vmem>>) semaphore(%arg15 : memref<!tpu.dma_semaphore, #tpu.memory_space<semaphore_mem>>)
    %dma_wait3A_47 = arith.constant 0 : i32
    %dma_wait3A_48 = arith.constant 0 : i32
    %dma_wait3A_49 = tpu.memref_slice %arg11[%dma_wait3A_47, %dma_wait3A_48] : memref<80x128xf32, #tpu.memory_space<vmem>> -> memref<80x128xf32, #tpu.memory_space<vmem>>
    %dma_wait3A_50 = arith.constant 0 : i32
    %dma_wait3A_51 = arith.constant 0 : i32
    %dma_wait3A_52 = tpu.memref_slice %arg8[%dma_wait3A_50, %dma_wait3A_51] : memref<10000x128xf32, #tpu.memory_space<vmem_shared>> -> memref<10000x128xf32, #tpu.memory_space<vmem_shared>>
    tpu.wait_indirect_dma semaphore(%arg15 : memref<!tpu.dma_semaphore, #tpu.memory_space<semaphore_mem>>) src(%dma_wait3A_52 : memref<10000x128xf32, #tpu.memory_space<vmem_shared>>) dst(%dma_wait3A_49 : memref<80x128xf32, #tpu.memory_space<vmem>>)
    "tpu.region"() ({
      %run_scoped3A = tpu.sem_alloc : memref<!tpu.dma_semaphore, #tpu.memory_space<semaphore_mem>>
      %dma_start3A_142 = arith.constant 0 : i32
      %dma_start3A_143 = arith.constant 0 : i32
      %dma_start3A_144 = tpu.memref_slice %arg11[%dma_start3A_142, %dma_start3A_143] : memref<80x128xf32, #tpu.memory_space<vmem>> -> memref<80x128xf32, #tpu.memory_space<vmem>>
      %dma_start3A_145 = arith.constant 0 : i32
      %dma_start3A_146 = tpu.memref_slice %arg7[%arg0, %add3A_40, %dma_start3A_145] : memref<2x10000x128xf32, #tpu.memory_space<hbm>> -> memref<1x80x128xf32, #tpu.memory_space<hbm>>
      %dma_start3A_147 = tpu.memref_squeeze %dma_start3A_146 : memref<1x80x128xf32, #tpu.memory_space<hbm>> -> memref<80x128xf32, #tpu.memory_space<hbm>>
      %dma_start3A_148 = arith.constant 0 : i32
      %dma_start3A_149 = tpu.memref_slice %arg7[%arg0, %add3A_40, %dma_start3A_148] : memref<2x10000x128xf32, #tpu.memory_space<hbm>> -> memref<1x80x128xf32, #tpu.memory_space<hbm>>
      %dma_start3A_150 = tpu.memref_squeeze %dma_start3A_149 : memref<1x80x128xf32, #tpu.memory_space<hbm>> -> memref<80x128xf32, #tpu.memory_space<hbm>>
      %dma_start3A_151 = arith.constant 0 : i32
      %dma_start3A_152 = arith.constant 0 : i32
      %dma_start3A_153 = tpu.memref_slice %arg11[%dma_start3A_151, %dma_start3A_152] : memref<80x128xf32, #tpu.memory_space<vmem>> -> memref<80x128xf32, #tpu.memory_space<vmem>>
      tpu.enqueue_dma source(%dma_start3A_153 : memref<80x128xf32, #tpu.memory_space<vmem>>) target(%dma_start3A_150 : memref<80x128xf32, #tpu.memory_space<hbm>>) target_semaphore(%run_scoped3A : memref<!tpu.dma_semaphore, #tpu.memory_space<semaphore_mem>>)
      %dma_wait3A_154 = arith.constant 0 : i32
      %dma_wait3A_155 = arith.constant 0 : i32
      %dma_wait3A_156 = tpu.memref_slice %arg11[%dma_wait3A_154, %dma_wait3A_155] : memref<80x128xf32, #tpu.memory_space<vmem>> -> memref<80x128xf32, #tpu.memory_space<vmem>>
      %dma_wait3A_157 = arith.constant 0 : i32
      %dma_wait3A_158 = tpu.memref_slice %arg7[%arg0, %add3A_40, %dma_wait3A_157] : memref<2x10000x128xf32, #tpu.memory_space<hbm>> -> memref<1x80x128xf32, #tpu.memory_space<hbm>>
      %dma_wait3A_159 = tpu.memref_squeeze %dma_wait3A_158 : memref<1x80x128xf32, #tpu.memory_space<hbm>> -> memref<80x128xf32, #tpu.memory_space<hbm>>
      %dma_wait3A_160 = arith.constant 0 : i32
      %dma_wait3A_161 = tpu.memref_slice %arg7[%arg0, %add3A_40, %dma_wait3A_160] : memref<2x10000x128xf32, #tpu.memory_space<hbm>> -> memref<1x80x128xf32, #tpu.memory_space<hbm>>
      %dma_wait3A_162 = tpu.memref_squeeze %dma_wait3A_161 : memref<1x80x128xf32, #tpu.memory_space<hbm>> -> memref<80x128xf32, #tpu.memory_space<hbm>>
      %dma_wait3A_163 = arith.constant 0 : i32
      %dma_wait3A_164 = arith.constant 0 : i32
      %dma_wait3A_165 = tpu.memref_slice %arg11[%dma_wait3A_163, %dma_wait3A_164] : memref<80x128xf32, #tpu.memory_space<vmem>> -> memref<80x128xf32, #tpu.memory_space<vmem>>
      tpu.wait_dma2 semaphore(%run_scoped3A : memref<!tpu.dma_semaphore, #tpu.memory_space<semaphore_mem>>) src(%dma_wait3A_165 : memref<80x128xf32, #tpu.memory_space<vmem>>) dst(%dma_wait3A_162 : memref<80x128xf32, #tpu.memory_space<hbm>>)
      tpu.yield
    }) : () -> ()
    %add3A_53 = arith.constant 160 : i32
    %add3A_54 = arith.addi %mul3A_2, %add3A_53 : i32
    "tpu.region"() ({
      %run_scoped3A = tpu.sem_alloc : memref<!tpu.dma_semaphore, #tpu.memory_space<semaphore_mem>>
      %dma_start3A_142 = tpu.memref_slice %arg6[%add3A_54] : memref<10000xi32, #tpu.memory_space<hbm>> -> memref<80xi32, #tpu.memory_space<hbm>>
      %dma_start3A_143 = tpu.memref_slice %arg6[%add3A_54] : memref<10000xi32, #tpu.memory_space<hbm>> -> memref<80xi32, #tpu.memory_space<hbm>>
      tpu.enqueue_dma source(%dma_start3A_143 : memref<80xi32, #tpu.memory_space<hbm>>) target(%arg12 : memref<80xi32, #tpu.memory_space<vmem>>) target_semaphore(%run_scoped3A : memref<!tpu.dma_semaphore, #tpu.memory_space<semaphore_mem>>)
      %dma_wait3A_144 = tpu.memref_slice %arg6[%add3A_54] : memref<10000xi32, #tpu.memory_space<hbm>> -> memref<80xi32, #tpu.memory_space<hbm>>
      %dma_wait3A_145 = tpu.memref_slice %arg6[%add3A_54] : memref<10000xi32, #tpu.memory_space<hbm>> -> memref<80xi32, #tpu.memory_space<hbm>>
      tpu.wait_dma2 semaphore(%run_scoped3A : memref<!tpu.dma_semaphore, #tpu.memory_space<semaphore_mem>>) src(%dma_wait3A_145 : memref<80xi32, #tpu.memory_space<hbm>>) dst(%arg12 : memref<80xi32, #tpu.memory_space<vmem>>)
      tpu.yield
    }) : () -> ()
    %dma_start3A_55 = arith.constant 0 : i32
    %dma_start3A_56 = arith.constant 0 : i32
    %dma_start3A_57 = tpu.memref_slice %arg11[%dma_start3A_55, %dma_start3A_56] : memref<80x128xf32, #tpu.memory_space<vmem>> -> memref<80x128xf32, #tpu.memory_space<vmem>>
    %dma_start3A_58 = arith.constant 0 : i32
    %dma_start3A_59 = arith.constant 0 : i32
    %dma_start3A_60 = tpu.memref_slice %arg8[%dma_start3A_58, %dma_start3A_59] : memref<10000x128xf32, #tpu.memory_space<vmem_shared>> -> memref<10000x128xf32, #tpu.memory_space<vmem_shared>>
    tpu.enqueue_indirect_dma source(%dma_start3A_60 : memref<10000x128xf32, #tpu.memory_space<vmem_shared>>) target(%dma_start3A_57 : memref<80x128xf32, #tpu.memory_space<vmem>>) offsets(%arg12 : memref<80xi32, #tpu.memory_space<vmem>>) semaphore(%arg15 : memref<!tpu.dma_semaphore, #tpu.memory_space<semaphore_mem>>)
    %dma_wait3A_61 = arith.constant 0 : i32
    %dma_wait3A_62 = arith.constant 0 : i32
    %dma_wait3A_63 = tpu.memref_slice %arg11[%dma_wait3A_61, %dma_wait3A_62] : memref<80x128xf32, #tpu.memory_space<vmem>> -> memref<80x128xf32, #tpu.memory_space<vmem>>
    %dma_wait3A_64 = arith.constant 0 : i32
    %dma_wait3A_65 = arith.constant 0 : i32
    %dma_wait3A_66 = tpu.memref_slice %arg8[%dma_wait3A_64, %dma_wait3A_65] : memref<10000x128xf32, #tpu.memory_space<vmem_shared>> -> memref<10000x128xf32, #tpu.memory_space<vmem_shared>>
    tpu.wait_indirect_dma semaphore(%arg15 : memref<!tpu.dma_semaphore, #tpu.memory_space<semaphore_mem>>) src(%dma_wait3A_66 : memref<10000x128xf32, #tpu.memory_space<vmem_shared>>) dst(%dma_wait3A_63 : memref<80x128xf32, #tpu.memory_space<vmem>>)
    "tpu.region"() ({
      %run_scoped3A = tpu.sem_alloc : memref<!tpu.dma_semaphore, #tpu.memory_space<semaphore_mem>>
      %dma_start3A_142 = arith.constant 0 : i32
      %dma_start3A_143 = arith.constant 0 : i32
      %dma_start3A_144 = tpu.memref_slice %arg11[%dma_start3A_142, %dma_start3A_143] : memref<80x128xf32, #tpu.memory_space<vmem>> -> memref<80x128xf32, #tpu.memory_space<vmem>>
      %dma_start3A_145 = arith.constant 0 : i32
      %dma_start3A_146 = tpu.memref_slice %arg7[%arg0, %add3A_54, %dma_start3A_145] : memref<2x10000x128xf32, #tpu.memory_space<hbm>> -> memref<1x80x128xf32, #tpu.memory_space<hbm>>
      %dma_start3A_147 = tpu.memref_squeeze %dma_start3A_146 : memref<1x80x128xf32, #tpu.memory_space<hbm>> -> memref<80x128xf32, #tpu.memory_space<hbm>>
      %dma_start3A_148 = arith.constant 0 : i32
      %dma_start3A_149 = tpu.memref_slice %arg7[%arg0, %add3A_54, %dma_start3A_148] : memref<2x10000x128xf32, #tpu.memory_space<hbm>> -> memref<1x80x128xf32, #tpu.memory_space<hbm>>
      %dma_start3A_150 = tpu.memref_squeeze %dma_start3A_149 : memref<1x80x128xf32, #tpu.memory_space<hbm>> -> memref<80x128xf32, #tpu.memory_space<hbm>>
      %dma_start3A_151 = arith.constant 0 : i32
      %dma_start3A_152 = arith.constant 0 : i32
      %dma_start3A_153 = tpu.memref_slice %arg11[%dma_start3A_151, %dma_start3A_152] : memref<80x128xf32, #tpu.memory_space<vmem>> -> memref<80x128xf32, #tpu.memory_space<vmem>>
      tpu.enqueue_dma source(%dma_start3A_153 : memref<80x128xf32, #tpu.memory_space<vmem>>) target(%dma_start3A_150 : memref<80x128xf32, #tpu.memory_space<hbm>>) target_semaphore(%run_scoped3A : memref<!tpu.dma_semaphore, #tpu.memory_space<semaphore_mem>>)
      %dma_wait3A_154 = arith.constant 0 : i32
      %dma_wait3A_155 = arith.constant 0 : i32
      %dma_wait3A_156 = tpu.memref_slice %arg11[%dma_wait3A_154, %dma_wait3A_155] : memref<80x128xf32, #tpu.memory_space<vmem>> -> memref<80x128xf32, #tpu.memory_space<vmem>>
      %dma_wait3A_157 = arith.constant 0 : i32
      %dma_wait3A_158 = tpu.memref_slice %arg7[%arg0, %add3A_54, %dma_wait3A_157] : memref<2x10000x128xf32, #tpu.memory_space<hbm>> -> memref<1x80x128xf32, #tpu.memory_space<hbm>>
      %dma_wait3A_159 = tpu.memref_squeeze %dma_wait3A_158 : memref<1x80x128xf32, #tpu.memory_space<hbm>> -> memref<80x128xf32, #tpu.memory_space<hbm>>
      %dma_wait3A_160 = arith.constant 0 : i32
      %dma_wait3A_161 = tpu.memref_slice %arg7[%arg0, %add3A_54, %dma_wait3A_160] : memref<2x10000x128xf32, #tpu.memory_space<hbm>> -> memref<1x80x128xf32, #tpu.memory_space<hbm>>
      %dma_wait3A_162 = tpu.memref_squeeze %dma_wait3A_161 : memref<1x80x128xf32, #tpu.memory_space<hbm>> -> memref<80x128xf32, #tpu.memory_space<hbm>>
      %dma_wait3A_163 = arith.constant 0 : i32
      %dma_wait3A_164 = arith.constant 0 : i32
      %dma_wait3A_165 = tpu.memref_slice %arg11[%dma_wait3A_163, %dma_wait3A_164] : memref<80x128xf32, #tpu.memory_space<vmem>> -> memref<80x128xf32, #tpu.memory_space<vmem>>
      tpu.wait_dma2 semaphore(%run_scoped3A : memref<!tpu.dma_semaphore, #tpu.memory_space<semaphore_mem>>) src(%dma_wait3A_165 : memref<80x128xf32, #tpu.memory_space<vmem>>) dst(%dma_wait3A_162 : memref<80x128xf32, #tpu.memory_space<hbm>>)
      tpu.yield
    }) : () -> ()
    %add3A_67 = arith.constant 240 : i32
    %add3A_68 = arith.addi %mul3A_2, %add3A_67 : i32
    "tpu.region"() ({
      %run_scoped3A = tpu.sem_alloc : memref<!tpu.dma_semaphore, #tpu.memory_space<semaphore_mem>>
      %dma_start3A_142 = tpu.memref_slice %arg6[%add3A_68] : memref<10000xi32, #tpu.memory_space<hbm>> -> memref<80xi32, #tpu.memory_space<hbm>>
      %dma_start3A_143 = tpu.memref_slice %arg6[%add3A_68] : memref<10000xi32, #tpu.memory_space<hbm>> -> memref<80xi32, #tpu.memory_space<hbm>>
      tpu.enqueue_dma source(%dma_start3A_143 : memref<80xi32, #tpu.memory_space<hbm>>) target(%arg12 : memref<80xi32, #tpu.memory_space<vmem>>) target_semaphore(%run_scoped3A : memref<!tpu.dma_semaphore, #tpu.memory_space<semaphore_mem>>)
      %dma_wait3A_144 = tpu.memref_slice %arg6[%add3A_68] : memref<10000xi32, #tpu.memory_space<hbm>> -> memref<80xi32, #tpu.memory_space<hbm>>
      %dma_wait3A_145 = tpu.memref_slice %arg6[%add3A_68] : memref<10000xi32, #tpu.memory_space<hbm>> -> memref<80xi32, #tpu.memory_space<hbm>>
      tpu.wait_dma2 semaphore(%run_scoped3A : memref<!tpu.dma_semaphore, #tpu.memory_space<semaphore_mem>>) src(%dma_wait3A_145 : memref<80xi32, #tpu.memory_space<hbm>>) dst(%arg12 : memref<80xi32, #tpu.memory_space<vmem>>)
      tpu.yield
    }) : () -> ()
    %dma_start3A_69 = arith.constant 0 : i32
    %dma_start3A_70 = arith.constant 0 : i32
    %dma_start3A_71 = tpu.memref_slice %arg11[%dma_start3A_69, %dma_start3A_70] : memref<80x128xf32, #tpu.memory_space<vmem>> -> memref<80x128xf32, #tpu.memory_space<vmem>>
    %dma_start3A_72 = arith.constant 0 : i32
    %dma_start3A_73 = arith.constant 0 : i32
    %dma_start3A_74 = tpu.memref_slice %arg8[%dma_start3A_72, %dma_start3A_73] : memref<10000x128xf32, #tpu.memory_space<vmem_shared>> -> memref<10000x128xf32, #tpu.memory_space<vmem_shared>>
    tpu.enqueue_indirect_dma source(%dma_start3A_74 : memref<10000x128xf32, #tpu.memory_space<vmem_shared>>) target(%dma_start3A_71 : memref<80x128xf32, #tpu.memory_space<vmem>>) offsets(%arg12 : memref<80xi32, #tpu.memory_space<vmem>>) semaphore(%arg15 : memref<!tpu.dma_semaphore, #tpu.memory_space<semaphore_mem>>)
    %dma_wait3A_75 = arith.constant 0 : i32
    %dma_wait3A_76 = arith.constant 0 : i32
    %dma_wait3A_77 = tpu.memref_slice %arg11[%dma_wait3A_75, %dma_wait3A_76] : memref<80x128xf32, #tpu.memory_space<vmem>> -> memref<80x128xf32, #tpu.memory_space<vmem>>
    %dma_wait3A_78 = arith.constant 0 : i32
    %dma_wait3A_79 = arith.constant 0 : i32
    %dma_wait3A_80 = tpu.memref_slice %arg8[%dma_wait3A_78, %dma_wait3A_79] : memref<10000x128xf32, #tpu.memory_space<vmem_shared>> -> memref<10000x128xf32, #tpu.memory_space<vmem_shared>>
    tpu.wait_indirect_dma semaphore(%arg15 : memref<!tpu.dma_semaphore, #tpu.memory_space<semaphore_mem>>) src(%dma_wait3A_80 : memref<10000x128xf32, #tpu.memory_space<vmem_shared>>) dst(%dma_wait3A_77 : memref<80x128xf32, #tpu.memory_space<vmem>>)
    "tpu.region"() ({
      %run_scoped3A = tpu.sem_alloc : memref<!tpu.dma_semaphore, #tpu.memory_space<semaphore_mem>>
      %dma_start3A_142 = arith.constant 0 : i32
      %dma_start3A_143 = arith.constant 0 : i32
      %dma_start3A_144 = tpu.memref_slice %arg11[%dma_start3A_142, %dma_start3A_143] : memref<80x128xf32, #tpu.memory_space<vmem>> -> memref<80x128xf32, #tpu.memory_space<vmem>>
      %dma_start3A_145 = arith.constant 0 : i32
      %dma_start3A_146 = tpu.memref_slice %arg7[%arg0, %add3A_68, %dma_start3A_145] : memref<2x10000x128xf32, #tpu.memory_space<hbm>> -> memref<1x80x128xf32, #tpu.memory_space<hbm>>
      %dma_start3A_147 = tpu.memref_squeeze %dma_start3A_146 : memref<1x80x128xf32, #tpu.memory_space<hbm>> -> memref<80x128xf32, #tpu.memory_space<hbm>>
      %dma_start3A_148 = arith.constant 0 : i32
      %dma_start3A_149 = tpu.memref_slice %arg7[%arg0, %add3A_68, %dma_start3A_148] : memref<2x10000x128xf32, #tpu.memory_space<hbm>> -> memref<1x80x128xf32, #tpu.memory_space<hbm>>
      %dma_start3A_150 = tpu.memref_squeeze %dma_start3A_149 : memref<1x80x128xf32, #tpu.memory_space<hbm>> -> memref<80x128xf32, #tpu.memory_space<hbm>>
      %dma_start3A_151 = arith.constant 0 : i32
      %dma_start3A_152 = arith.constant 0 : i32
      %dma_start3A_153 = tpu.memref_slice %arg11[%dma_start3A_151, %dma_start3A_152] : memref<80x128xf32, #tpu.memory_space<vmem>> -> memref<80x128xf32, #tpu.memory_space<vmem>>
      tpu.enqueue_dma source(%dma_start3A_153 : memref<80x128xf32, #tpu.memory_space<vmem>>) target(%dma_start3A_150 : memref<80x128xf32, #tpu.memory_space<hbm>>) target_semaphore(%run_scoped3A : memref<!tpu.dma_semaphore, #tpu.memory_space<semaphore_mem>>)
      %dma_wait3A_154 = arith.constant 0 : i32
      %dma_wait3A_155 = arith.constant 0 : i32
      %dma_wait3A_156 = tpu.memref_slice %arg11[%dma_wait3A_154, %dma_wait3A_155] : memref<80x128xf32, #tpu.memory_space<vmem>> -> memref<80x128xf32, #tpu.memory_space<vmem>>
      %dma_wait3A_157 = arith.constant 0 : i32
      %dma_wait3A_158 = tpu.memref_slice %arg7[%arg0, %add3A_68, %dma_wait3A_157] : memref<2x10000x128xf32, #tpu.memory_space<hbm>> -> memref<1x80x128xf32, #tpu.memory_space<hbm>>
      %dma_wait3A_159 = tpu.memref_squeeze %dma_wait3A_158 : memref<1x80x128xf32, #tpu.memory_space<hbm>> -> memref<80x128xf32, #tpu.memory_space<hbm>>
      %dma_wait3A_160 = arith.constant 0 : i32
      %dma_wait3A_161 = tpu.memref_slice %arg7[%arg0, %add3A_68, %dma_wait3A_160] : memref<2x10000x128xf32, #tpu.memory_space<hbm>> -> memref<1x80x128xf32, #tpu.memory_space<hbm>>
      %dma_wait3A_162 = tpu.memref_squeeze %dma_wait3A_161 : memref<1x80x128xf32, #tpu.memory_space<hbm>> -> memref<80x128xf32, #tpu.memory_space<hbm>>
      %dma_wait3A_163 = arith.constant 0 : i32
      %dma_wait3A_164 = arith.constant 0 : i32
      %dma_wait3A_165 = tpu.memref_slice %arg11[%dma_wait3A_163, %dma_wait3A_164] : memref<80x128xf32, #tpu.memory_space<vmem>> -> memref<80x128xf32, #tpu.memory_space<vmem>>
      tpu.wait_dma2 semaphore(%run_scoped3A : memref<!tpu.dma_semaphore, #tpu.memory_space<semaphore_mem>>) src(%dma_wait3A_165 : memref<80x128xf32, #tpu.memory_space<vmem>>) dst(%dma_wait3A_162 : memref<80x128xf32, #tpu.memory_space<hbm>>)
      tpu.yield
    }) : () -> ()
    %add3A_81 = arith.constant 320 : i32
    %add3A_82 = arith.addi %mul3A_2, %add3A_81 : i32
    "tpu.region"() ({
      %run_scoped3A = tpu.sem_alloc : memref<!tpu.dma_semaphore, #tpu.memory_space<semaphore_mem>>
      %dma_start3A_142 = tpu.memref_slice %arg6[%add3A_82] : memref<10000xi32, #tpu.memory_space<hbm>> -> memref<80xi32, #tpu.memory_space<hbm>>
      %dma_start3A_143 = tpu.memref_slice %arg6[%add3A_82] : memref<10000xi32, #tpu.memory_space<hbm>> -> memref<80xi32, #tpu.memory_space<hbm>>
      tpu.enqueue_dma source(%dma_start3A_143 : memref<80xi32, #tpu.memory_space<hbm>>) target(%arg12 : memref<80xi32, #tpu.memory_space<vmem>>) target_semaphore(%run_scoped3A : memref<!tpu.dma_semaphore, #tpu.memory_space<semaphore_mem>>)
      %dma_wait3A_144 = tpu.memref_slice %arg6[%add3A_82] : memref<10000xi32, #tpu.memory_space<hbm>> -> memref<80xi32, #tpu.memory_space<hbm>>
      %dma_wait3A_145 = tpu.memref_slice %arg6[%add3A_82] : memref<10000xi32, #tpu.memory_space<hbm>> -> memref<80xi32, #tpu.memory_space<hbm>>
      tpu.wait_dma2 semaphore(%run_scoped3A : memref<!tpu.dma_semaphore, #tpu.memory_space<semaphore_mem>>) src(%dma_wait3A_145 : memref<80xi32, #tpu.memory_space<hbm>>) dst(%arg12 : memref<80xi32, #tpu.memory_space<vmem>>)
      tpu.yield
    }) : () -> ()
    %dma_start3A_83 = arith.constant 0 : i32
    %dma_start3A_84 = arith.constant 0 : i32
    %dma_start3A_85 = tpu.memref_slice %arg11[%dma_start3A_83, %dma_start3A_84] : memref<80x128xf32, #tpu.memory_space<vmem>> -> memref<80x128xf32, #tpu.memory_space<vmem>>
    %dma_start3A_86 = arith.constant 0 : i32
    %dma_start3A_87 = arith.constant 0 : i32
    %dma_start3A_88 = tpu.memref_slice %arg8[%dma_start3A_86, %dma_start3A_87] : memref<10000x128xf32, #tpu.memory_space<vmem_shared>> -> memref<10000x128xf32, #tpu.memory_space<vmem_shared>>
    tpu.enqueue_indirect_dma source(%dma_start3A_88 : memref<10000x128xf32, #tpu.memory_space<vmem_shared>>) target(%dma_start3A_85 : memref<80x128xf32, #tpu.memory_space<vmem>>) offsets(%arg12 : memref<80xi32, #tpu.memory_space<vmem>>) semaphore(%arg15 : memref<!tpu.dma_semaphore, #tpu.memory_space<semaphore_mem>>)
    %dma_wait3A_89 = arith.constant 0 : i32
    %dma_wait3A_90 = arith.constant 0 : i32
    %dma_wait3A_91 = tpu.memref_slice %arg11[%dma_wait3A_89, %dma_wait3A_90] : memref<80x128xf32, #tpu.memory_space<vmem>> -> memref<80x128xf32, #tpu.memory_space<vmem>>
    %dma_wait3A_92 = arith.constant 0 : i32
    %dma_wait3A_93 = arith.constant 0 : i32
    %dma_wait3A_94 = tpu.memref_slice %arg8[%dma_wait3A_92, %dma_wait3A_93] : memref<10000x128xf32, #tpu.memory_space<vmem_shared>> -> memref<10000x128xf32, #tpu.memory_space<vmem_shared>>
    tpu.wait_indirect_dma semaphore(%arg15 : memref<!tpu.dma_semaphore, #tpu.memory_space<semaphore_mem>>) src(%dma_wait3A_94 : memref<10000x128xf32, #tpu.memory_space<vmem_shared>>) dst(%dma_wait3A_91 : memref<80x128xf32, #tpu.memory_space<vmem>>)
    "tpu.region"() ({
      %run_scoped3A = tpu.sem_alloc : memref<!tpu.dma_semaphore, #tpu.memory_space<semaphore_mem>>
      %dma_start3A_142 = arith.constant 0 : i32
      %dma_start3A_143 = arith.constant 0 : i32
      %dma_start3A_144 = tpu.memref_slice %arg11[%dma_start3A_142, %dma_start3A_143] : memref<80x128xf32, #tpu.memory_space<vmem>> -> memref<80x128xf32, #tpu.memory_space<vmem>>
      %dma_start3A_145 = arith.constant 0 : i32
      %dma_start3A_146 = tpu.memref_slice %arg7[%arg0, %add3A_82, %dma_start3A_145] : memref<2x10000x128xf32, #tpu.memory_space<hbm>> -> memref<1x80x128xf32, #tpu.memory_space<hbm>>
      %dma_start3A_147 = tpu.memref_squeeze %dma_start3A_146 : memref<1x80x128xf32, #tpu.memory_space<hbm>> -> memref<80x128xf32, #tpu.memory_space<hbm>>
      %dma_start3A_148 = arith.constant 0 : i32
      %dma_start3A_149 = tpu.memref_slice %arg7[%arg0, %add3A_82, %dma_start3A_148] : memref<2x10000x128xf32, #tpu.memory_space<hbm>> -> memref<1x80x128xf32, #tpu.memory_space<hbm>>
      %dma_start3A_150 = tpu.memref_squeeze %dma_start3A_149 : memref<1x80x128xf32, #tpu.memory_space<hbm>> -> memref<80x128xf32, #tpu.memory_space<hbm>>
      %dma_start3A_151 = arith.constant 0 : i32
      %dma_start3A_152 = arith.constant 0 : i32
      %dma_start3A_153 = tpu.memref_slice %arg11[%dma_start3A_151, %dma_start3A_152] : memref<80x128xf32, #tpu.memory_space<vmem>> -> memref<80x128xf32, #tpu.memory_space<vmem>>
      tpu.enqueue_dma source(%dma_start3A_153 : memref<80x128xf32, #tpu.memory_space<vmem>>) target(%dma_start3A_150 : memref<80x128xf32, #tpu.memory_space<hbm>>) target_semaphore(%run_scoped3A : memref<!tpu.dma_semaphore, #tpu.memory_space<semaphore_mem>>)
      %dma_wait3A_154 = arith.constant 0 : i32
      %dma_wait3A_155 = arith.constant 0 : i32
      %dma_wait3A_156 = tpu.memref_slice %arg11[%dma_wait3A_154, %dma_wait3A_155] : memref<80x128xf32, #tpu.memory_space<vmem>> -> memref<80x128xf32, #tpu.memory_space<vmem>>
      %dma_wait3A_157 = arith.constant 0 : i32
      %dma_wait3A_158 = tpu.memref_slice %arg7[%arg0, %add3A_82, %dma_wait3A_157] : memref<2x10000x128xf32, #tpu.memory_space<hbm>> -> memref<1x80x128xf32, #tpu.memory_space<hbm>>
      %dma_wait3A_159 = tpu.memref_squeeze %dma_wait3A_158 : memref<1x80x128xf32, #tpu.memory_space<hbm>> -> memref<80x128xf32, #tpu.memory_space<hbm>>
      %dma_wait3A_160 = arith.constant 0 : i32
      %dma_wait3A_161 = tpu.memref_slice %arg7[%arg0, %add3A_82, %dma_wait3A_160] : memref<2x10000x128xf32, #tpu.memory_space<hbm>> -> memref<1x80x128xf32, #tpu.memory_space<hbm>>
      %dma_wait3A_162 = tpu.memref_squeeze %dma_wait3A_161 : memref<1x80x128xf32, #tpu.memory_space<hbm>> -> memref<80x128xf32, #tpu.memory_space<hbm>>
      %dma_wait3A_163 = arith.constant 0 : i32
      %dma_wait3A_164 = arith.constant 0 : i32
      %dma_wait3A_165 = tpu.memref_slice %arg11[%dma_wait3A_163, %dma_wait3A_164] : memref<80x128xf32, #tpu.memory_space<vmem>> -> memref<80x128xf32, #tpu.memory_space<vmem>>
      tpu.wait_dma2 semaphore(%run_scoped3A : memref<!tpu.dma_semaphore, #tpu.memory_space<semaphore_mem>>) src(%dma_wait3A_165 : memref<80x128xf32, #tpu.memory_space<vmem>>) dst(%dma_wait3A_162 : memref<80x128xf32, #tpu.memory_space<hbm>>)
      tpu.yield
    }) : () -> ()
    %add3A_95 = arith.constant 400 : i32
    %add3A_96 = arith.addi %mul3A_2, %add3A_95 : i32
    "tpu.region"() ({
      %run_scoped3A = tpu.sem_alloc : memref<!tpu.dma_semaphore, #tpu.memory_space<semaphore_mem>>
      %dma_start3A_142 = tpu.memref_slice %arg6[%add3A_96] : memref<10000xi32, #tpu.memory_space<hbm>> -> memref<80xi32, #tpu.memory_space<hbm>>
      %dma_start3A_143 = tpu.memref_slice %arg6[%add3A_96] : memref<10000xi32, #tpu.memory_space<hbm>> -> memref<80xi32, #tpu.memory_space<hbm>>
      tpu.enqueue_dma source(%dma_start3A_143 : memref<80xi32, #tpu.memory_space<hbm>>) target(%arg12 : memref<80xi32, #tpu.memory_space<vmem>>) target_semaphore(%run_scoped3A : memref<!tpu.dma_semaphore, #tpu.memory_space<semaphore_mem>>)
      %dma_wait3A_144 = tpu.memref_slice %arg6[%add3A_96] : memref<10000xi32, #tpu.memory_space<hbm>> -> memref<80xi32, #tpu.memory_space<hbm>>
      %dma_wait3A_145 = tpu.memref_slice %arg6[%add3A_96] : memref<10000xi32, #tpu.memory_space<hbm>> -> memref<80xi32, #tpu.memory_space<hbm>>
      tpu.wait_dma2 semaphore(%run_scoped3A : memref<!tpu.dma_semaphore, #tpu.memory_space<semaphore_mem>>) src(%dma_wait3A_145 : memref<80xi32, #tpu.memory_space<hbm>>) dst(%arg12 : memref<80xi32, #tpu.memory_space<vmem>>)
      tpu.yield
    }) : () -> ()
    %dma_start3A_97 = arith.constant 0 : i32
    %dma_start3A_98 = arith.constant 0 : i32
    %dma_start3A_99 = tpu.memref_slice %arg11[%dma_start3A_97, %dma_start3A_98] : memref<80x128xf32, #tpu.memory_space<vmem>> -> memref<80x128xf32, #tpu.memory_space<vmem>>
    %dma_start3A_100 = arith.constant 0 : i32
    %dma_start3A_101 = arith.constant 0 : i32
    %dma_start3A_102 = tpu.memref_slice %arg8[%dma_start3A_100, %dma_start3A_101] : memref<10000x128xf32, #tpu.memory_space<vmem_shared>> -> memref<10000x128xf32, #tpu.memory_space<vmem_shared>>
    tpu.enqueue_indirect_dma source(%dma_start3A_102 : memref<10000x128xf32, #tpu.memory_space<vmem_shared>>) target(%dma_start3A_99 : memref<80x128xf32, #tpu.memory_space<vmem>>) offsets(%arg12 : memref<80xi32, #tpu.memory_space<vmem>>) semaphore(%arg15 : memref<!tpu.dma_semaphore, #tpu.memory_space<semaphore_mem>>)
    %dma_wait3A_103 = arith.constant 0 : i32
    %dma_wait3A_104 = arith.constant 0 : i32
    %dma_wait3A_105 = tpu.memref_slice %arg11[%dma_wait3A_103, %dma_wait3A_104] : memref<80x128xf32, #tpu.memory_space<vmem>> -> memref<80x128xf32, #tpu.memory_space<vmem>>
    %dma_wait3A_106 = arith.constant 0 : i32
    %dma_wait3A_107 = arith.constant 0 : i32
    %dma_wait3A_108 = tpu.memref_slice %arg8[%dma_wait3A_106, %dma_wait3A_107] : memref<10000x128xf32, #tpu.memory_space<vmem_shared>> -> memref<10000x128xf32, #tpu.memory_space<vmem_shared>>
    tpu.wait_indirect_dma semaphore(%arg15 : memref<!tpu.dma_semaphore, #tpu.memory_space<semaphore_mem>>) src(%dma_wait3A_108 : memref<10000x128xf32, #tpu.memory_space<vmem_shared>>) dst(%dma_wait3A_105 : memref<80x128xf32, #tpu.memory_space<vmem>>)
    "tpu.region"() ({
      %run_scoped3A = tpu.sem_alloc : memref<!tpu.dma_semaphore, #tpu.memory_space<semaphore_mem>>
      %dma_start3A_142 = arith.constant 0 : i32
      %dma_start3A_143 = arith.constant 0 : i32
      %dma_start3A_144 = tpu.memref_slice %arg11[%dma_start3A_142, %dma_start3A_143] : memref<80x128xf32, #tpu.memory_space<vmem>> -> memref<80x128xf32, #tpu.memory_space<vmem>>
      %dma_start3A_145 = arith.constant 0 : i32
      %dma_start3A_146 = tpu.memref_slice %arg7[%arg0, %add3A_96, %dma_start3A_145] : memref<2x10000x128xf32, #tpu.memory_space<hbm>> -> memref<1x80x128xf32, #tpu.memory_space<hbm>>
      %dma_start3A_147 = tpu.memref_squeeze %dma_start3A_146 : memref<1x80x128xf32, #tpu.memory_space<hbm>> -> memref<80x128xf32, #tpu.memory_space<hbm>>
      %dma_start3A_148 = arith.constant 0 : i32
      %dma_start3A_149 = tpu.memref_slice %arg7[%arg0, %add3A_96, %dma_start3A_148] : memref<2x10000x128xf32, #tpu.memory_space<hbm>> -> memref<1x80x128xf32, #tpu.memory_space<hbm>>
      %dma_start3A_150 = tpu.memref_squeeze %dma_start3A_149 : memref<1x80x128xf32, #tpu.memory_space<hbm>> -> memref<80x128xf32, #tpu.memory_space<hbm>>
      %dma_start3A_151 = arith.constant 0 : i32
      %dma_start3A_152 = arith.constant 0 : i32
      %dma_start3A_153 = tpu.memref_slice %arg11[%dma_start3A_151, %dma_start3A_152] : memref<80x128xf32, #tpu.memory_space<vmem>> -> memref<80x128xf32, #tpu.memory_space<vmem>>
      tpu.enqueue_dma source(%dma_start3A_153 : memref<80x128xf32, #tpu.memory_space<vmem>>) target(%dma_start3A_150 : memref<80x128xf32, #tpu.memory_space<hbm>>) target_semaphore(%run_scoped3A : memref<!tpu.dma_semaphore, #tpu.memory_space<semaphore_mem>>)
      %dma_wait3A_154 = arith.constant 0 : i32
      %dma_wait3A_155 = arith.constant 0 : i32
      %dma_wait3A_156 = tpu.memref_slice %arg11[%dma_wait3A_154, %dma_wait3A_155] : memref<80x128xf32, #tpu.memory_space<vmem>> -> memref<80x128xf32, #tpu.memory_space<vmem>>
      %dma_wait3A_157 = arith.constant 0 : i32
      %dma_wait3A_158 = tpu.memref_slice %arg7[%arg0, %add3A_96, %dma_wait3A_157] : memref<2x10000x128xf32, #tpu.memory_space<hbm>> -> memref<1x80x128xf32, #tpu.memory_space<hbm>>
      %dma_wait3A_159 = tpu.memref_squeeze %dma_wait3A_158 : memref<1x80x128xf32, #tpu.memory_space<hbm>> -> memref<80x128xf32, #tpu.memory_space<hbm>>
      %dma_wait3A_160 = arith.constant 0 : i32
      %dma_wait3A_161 = tpu.memref_slice %arg7[%arg0, %add3A_96, %dma_wait3A_160] : memref<2x10000x128xf32, #tpu.memory_space<hbm>> -> memref<1x80x128xf32, #tpu.memory_space<hbm>>
      %dma_wait3A_162 = tpu.memref_squeeze %dma_wait3A_161 : memref<1x80x128xf32, #tpu.memory_space<hbm>> -> memref<80x128xf32, #tpu.memory_space<hbm>>
      %dma_wait3A_163 = arith.constant 0 : i32
      %dma_wait3A_164 = arith.constant 0 : i32
      %dma_wait3A_165 = tpu.memref_slice %arg11[%dma_wait3A_163, %dma_wait3A_164] : memref<80x128xf32, #tpu.memory_space<vmem>> -> memref<80x128xf32, #tpu.memory_space<vmem>>
      tpu.wait_dma2 semaphore(%run_scoped3A : memref<!tpu.dma_semaphore, #tpu.memory_space<semaphore_mem>>) src(%dma_wait3A_165 : memref<80x128xf32, #tpu.memory_space<vmem>>) dst(%dma_wait3A_162 : memref<80x128xf32, #tpu.memory_space<hbm>>)
      tpu.yield
    }) : () -> ()
    %add3A_109 = arith.constant 480 : i32
    %add3A_110 = arith.addi %mul3A_2, %add3A_109 : i32
    "tpu.region"() ({
      %run_scoped3A = tpu.sem_alloc : memref<!tpu.dma_semaphore, #tpu.memory_space<semaphore_mem>>
      %dma_start3A_142 = tpu.memref_slice %arg6[%add3A_110] : memref<10000xi32, #tpu.memory_space<hbm>> -> memref<80xi32, #tpu.memory_space<hbm>>
      %dma_start3A_143 = tpu.memref_slice %arg6[%add3A_110] : memref<10000xi32, #tpu.memory_space<hbm>> -> memref<80xi32, #tpu.memory_space<hbm>>
      tpu.enqueue_dma source(%dma_start3A_143 : memref<80xi32, #tpu.memory_space<hbm>>) target(%arg12 : memref<80xi32, #tpu.memory_space<vmem>>) target_semaphore(%run_scoped3A : memref<!tpu.dma_semaphore, #tpu.memory_space<semaphore_mem>>)
      %dma_wait3A_144 = tpu.memref_slice %arg6[%add3A_110] : memref<10000xi32, #tpu.memory_space<hbm>> -> memref<80xi32, #tpu.memory_space<hbm>>
      %dma_wait3A_145 = tpu.memref_slice %arg6[%add3A_110] : memref<10000xi32, #tpu.memory_space<hbm>> -> memref<80xi32, #tpu.memory_space<hbm>>
      tpu.wait_dma2 semaphore(%run_scoped3A : memref<!tpu.dma_semaphore, #tpu.memory_space<semaphore_mem>>) src(%dma_wait3A_145 : memref<80xi32, #tpu.memory_space<hbm>>) dst(%arg12 : memref<80xi32, #tpu.memory_space<vmem>>)
      tpu.yield
    }) : () -> ()
    %dma_start3A_111 = arith.constant 0 : i32
    %dma_start3A_112 = arith.constant 0 : i32
    %dma_start3A_113 = tpu.memref_slice %arg11[%dma_start3A_111, %dma_start3A_112] : memref<80x128xf32, #tpu.memory_space<vmem>> -> memref<80x128xf32, #tpu.memory_space<vmem>>
    %dma_start3A_114 = arith.constant 0 : i32
    %dma_start3A_115 = arith.constant 0 : i32
    %dma_start3A_116 = tpu.memref_slice %arg8[%dma_start3A_114, %dma_start3A_115] : memref<10000x128xf32, #tpu.memory_space<vmem_shared>> -> memref<10000x128xf32, #tpu.memory_space<vmem_shared>>
    tpu.enqueue_indirect_dma source(%dma_start3A_116 : memref<10000x128xf32, #tpu.memory_space<vmem_shared>>) target(%dma_start3A_113 : memref<80x128xf32, #tpu.memory_space<vmem>>) offsets(%arg12 : memref<80xi32, #tpu.memory_space<vmem>>) semaphore(%arg15 : memref<!tpu.dma_semaphore, #tpu.memory_space<semaphore_mem>>)
    %dma_wait3A_117 = arith.constant 0 : i32
    %dma_wait3A_118 = arith.constant 0 : i32
    %dma_wait3A_119 = tpu.memref_slice %arg11[%dma_wait3A_117, %dma_wait3A_118] : memref<80x128xf32, #tpu.memory_space<vmem>> -> memref<80x128xf32, #tpu.memory_space<vmem>>
    %dma_wait3A_120 = arith.constant 0 : i32
    %dma_wait3A_121 = arith.constant 0 : i32
    %dma_wait3A_122 = tpu.memref_slice %arg8[%dma_wait3A_120, %dma_wait3A_121] : memref<10000x128xf32, #tpu.memory_space<vmem_shared>> -> memref<10000x128xf32, #tpu.memory_space<vmem_shared>>
    tpu.wait_indirect_dma semaphore(%arg15 : memref<!tpu.dma_semaphore, #tpu.memory_space<semaphore_mem>>) src(%dma_wait3A_122 : memref<10000x128xf32, #tpu.memory_space<vmem_shared>>) dst(%dma_wait3A_119 : memref<80x128xf32, #tpu.memory_space<vmem>>)
    "tpu.region"() ({
      %run_scoped3A = tpu.sem_alloc : memref<!tpu.dma_semaphore, #tpu.memory_space<semaphore_mem>>
      %dma_start3A_142 = arith.constant 0 : i32
      %dma_start3A_143 = arith.constant 0 : i32
      %dma_start3A_144 = tpu.memref_slice %arg11[%dma_start3A_142, %dma_start3A_143] : memref<80x128xf32, #tpu.memory_space<vmem>> -> memref<80x128xf32, #tpu.memory_space<vmem>>
      %dma_start3A_145 = arith.constant 0 : i32
      %dma_start3A_146 = tpu.memref_slice %arg7[%arg0, %add3A_110, %dma_start3A_145] : memref<2x10000x128xf32, #tpu.memory_space<hbm>> -> memref<1x80x128xf32, #tpu.memory_space<hbm>>
      %dma_start3A_147 = tpu.memref_squeeze %dma_start3A_146 : memref<1x80x128xf32, #tpu.memory_space<hbm>> -> memref<80x128xf32, #tpu.memory_space<hbm>>
      %dma_start3A_148 = arith.constant 0 : i32
      %dma_start3A_149 = tpu.memref_slice %arg7[%arg0, %add3A_110, %dma_start3A_148] : memref<2x10000x128xf32, #tpu.memory_space<hbm>> -> memref<1x80x128xf32, #tpu.memory_space<hbm>>
      %dma_start3A_150 = tpu.memref_squeeze %dma_start3A_149 : memref<1x80x128xf32, #tpu.memory_space<hbm>> -> memref<80x128xf32, #tpu.memory_space<hbm>>
      %dma_start3A_151 = arith.constant 0 : i32
      %dma_start3A_152 = arith.constant 0 : i32
      %dma_start3A_153 = tpu.memref_slice %arg11[%dma_start3A_151, %dma_start3A_152] : memref<80x128xf32, #tpu.memory_space<vmem>> -> memref<80x128xf32, #tpu.memory_space<vmem>>
      tpu.enqueue_dma source(%dma_start3A_153 : memref<80x128xf32, #tpu.memory_space<vmem>>) target(%dma_start3A_150 : memref<80x128xf32, #tpu.memory_space<hbm>>) target_semaphore(%run_scoped3A : memref<!tpu.dma_semaphore, #tpu.memory_space<semaphore_mem>>)
      %dma_wait3A_154 = arith.constant 0 : i32
      %dma_wait3A_155 = arith.constant 0 : i32
      %dma_wait3A_156 = tpu.memref_slice %arg11[%dma_wait3A_154, %dma_wait3A_155] : memref<80x128xf32, #tpu.memory_space<vmem>> -> memref<80x128xf32, #tpu.memory_space<vmem>>
      %dma_wait3A_157 = arith.constant 0 : i32
      %dma_wait3A_158 = tpu.memref_slice %arg7[%arg0, %add3A_110, %dma_wait3A_157] : memref<2x10000x128xf32, #tpu.memory_space<hbm>> -> memref<1x80x128xf32, #tpu.memory_space<hbm>>
      %dma_wait3A_159 = tpu.memref_squeeze %dma_wait3A_158 : memref<1x80x128xf32, #tpu.memory_space<hbm>> -> memref<80x128xf32, #tpu.memory_space<hbm>>
      %dma_wait3A_160 = arith.constant 0 : i32
      %dma_wait3A_161 = tpu.memref_slice %arg7[%arg0, %add3A_110, %dma_wait3A_160] : memref<2x10000x128xf32, #tpu.memory_space<hbm>> -> memref<1x80x128xf32, #tpu.memory_space<hbm>>
      %dma_wait3A_162 = tpu.memref_squeeze %dma_wait3A_161 : memref<1x80x128xf32, #tpu.memory_space<hbm>> -> memref<80x128xf32, #tpu.memory_space<hbm>>
      %dma_wait3A_163 = arith.constant 0 : i32
      %dma_wait3A_164 = arith.constant 0 : i32
      %dma_wait3A_165 = tpu.memref_slice %arg11[%dma_wait3A_163, %dma_wait3A_164] : memref<80x128xf32, #tpu.memory_space<vmem>> -> memref<80x128xf32, #tpu.memory_space<vmem>>
      tpu.wait_dma2 semaphore(%run_scoped3A : memref<!tpu.dma_semaphore, #tpu.memory_space<semaphore_mem>>) src(%dma_wait3A_165 : memref<80x128xf32, #tpu.memory_space<vmem>>) dst(%dma_wait3A_162 : memref<80x128xf32, #tpu.memory_space<hbm>>)
      tpu.yield
    }) : () -> ()
    %add3A_123 = arith.constant 560 : i32
    %add3A_124 = arith.addi %mul3A_2, %add3A_123 : i32
    "tpu.region"() ({
      %run_scoped3A = tpu.sem_alloc : memref<!tpu.dma_semaphore, #tpu.memory_space<semaphore_mem>>
      %dma_start3A_142 = tpu.memref_slice %arg6[%add3A_124] : memref<10000xi32, #tpu.memory_space<hbm>> -> memref<64xi32, #tpu.memory_space<hbm>>
      %dma_start3A_143 = tpu.memref_slice %arg6[%add3A_124] : memref<10000xi32, #tpu.memory_space<hbm>> -> memref<64xi32, #tpu.memory_space<hbm>>
      tpu.enqueue_dma source(%dma_start3A_143 : memref<64xi32, #tpu.memory_space<hbm>>) target(%arg13 : memref<64xi32, #tpu.memory_space<vmem>>) target_semaphore(%run_scoped3A : memref<!tpu.dma_semaphore, #tpu.memory_space<semaphore_mem>>)
      %dma_wait3A_144 = tpu.memref_slice %arg6[%add3A_124] : memref<10000xi32, #tpu.memory_space<hbm>> -> memref<64xi32, #tpu.memory_space<hbm>>
      %dma_wait3A_145 = tpu.memref_slice %arg6[%add3A_124] : memref<10000xi32, #tpu.memory_space<hbm>> -> memref<64xi32, #tpu.memory_space<hbm>>
      tpu.wait_dma2 semaphore(%run_scoped3A : memref<!tpu.dma_semaphore, #tpu.memory_space<semaphore_mem>>) src(%dma_wait3A_145 : memref<64xi32, #tpu.memory_space<hbm>>) dst(%arg13 : memref<64xi32, #tpu.memory_space<vmem>>)
      tpu.yield
    }) : () -> ()
    %dma_start3A_125 = arith.constant 0 : i32
    %dma_start3A_126 = arith.constant 0 : i32
    %dma_start3A_127 = tpu.memref_slice %arg11[%dma_start3A_125, %dma_start3A_126] : memref<80x128xf32, #tpu.memory_space<vmem>> -> memref<64x128xf32, #tpu.memory_space<vmem>>
    %dma_start3A_128 = arith.constant 0 : i32
    %dma_start3A_129 = arith.constant 0 : i32
    %dma_start3A_130 = tpu.memref_slice %arg8[%dma_start3A_128, %dma_start3A_129] : memref<10000x128xf32, #tpu.memory_space<vmem_shared>> -> memref<10000x128xf32, #tpu.memory_space<vmem_shared>>
    tpu.enqueue_indirect_dma source(%dma_start3A_130 : memref<10000x128xf32, #tpu.memory_space<vmem_shared>>) target(%dma_start3A_127 : memref<64x128xf32, #tpu.memory_space<vmem>>) offsets(%arg13 : memref<64xi32, #tpu.memory_space<vmem>>) semaphore(%arg15 : memref<!tpu.dma_semaphore, #tpu.memory_space<semaphore_mem>>)
    %dma_wait3A_131 = arith.constant 0 : i32
    %dma_wait3A_132 = arith.constant 0 : i32
    %dma_wait3A_133 = tpu.memref_slice %arg11[%dma_wait3A_131, %dma_wait3A_132] : memref<80x128xf32, #tpu.memory_space<vmem>> -> memref<64x128xf32, #tpu.memory_space<vmem>>
    %dma_wait3A_134 = arith.constant 0 : i32
    %dma_wait3A_135 = arith.constant 0 : i32
    %dma_wait3A_136 = tpu.memref_slice %arg8[%dma_wait3A_134, %dma_wait3A_135] : memref<10000x128xf32, #tpu.memory_space<vmem_shared>> -> memref<10000x128xf32, #tpu.memory_space<vmem_shared>>
    tpu.wait_indirect_dma semaphore(%arg15 : memref<!tpu.dma_semaphore, #tpu.memory_space<semaphore_mem>>) src(%dma_wait3A_136 : memref<10000x128xf32, #tpu.memory_space<vmem_shared>>) dst(%dma_wait3A_133 : memref<64x128xf32, #tpu.memory_space<vmem>>)
    "tpu.region"() ({
      %run_scoped3A = tpu.sem_alloc : memref<!tpu.dma_semaphore, #tpu.memory_space<semaphore_mem>>
      %dma_start3A_142 = arith.constant 0 : i32
      %dma_start3A_143 = arith.constant 0 : i32
      %dma_start3A_144 = tpu.memref_slice %arg11[%dma_start3A_142, %dma_start3A_143] : memref<80x128xf32, #tpu.memory_space<vmem>> -> memref<64x128xf32, #tpu.memory_space<vmem>>
      %dma_start3A_145 = arith.constant 0 : i32
      %dma_start3A_146 = tpu.memref_slice %arg7[%arg0, %add3A_124, %dma_start3A_145] : memref<2x10000x128xf32, #tpu.memory_space<hbm>> -> memref<1x64x128xf32, #tpu.memory_space<hbm>>
      %dma_start3A_147 = tpu.memref_squeeze %dma_start3A_146 : memref<1x64x128xf32, #tpu.memory_space<hbm>> -> memref<64x128xf32, #tpu.memory_space<hbm>>
      %dma_start3A_148 = arith.constant 0 : i32
      %dma_start3A_149 = tpu.memref_slice %arg7[%arg0, %add3A_124, %dma_start3A_148] : memref<2x10000x128xf32, #tpu.memory_space<hbm>> -> memref<1x64x128xf32, #tpu.memory_space<hbm>>
      %dma_start3A_150 = tpu.memref_squeeze %dma_start3A_149 : memref<1x64x128xf32, #tpu.memory_space<hbm>> -> memref<64x128xf32, #tpu.memory_space<hbm>>
      %dma_start3A_151 = arith.constant 0 : i32
      %dma_start3A_152 = arith.constant 0 : i32
      %dma_start3A_153 = tpu.memref_slice %arg11[%dma_start3A_151, %dma_start3A_152] : memref<80x128xf32, #tpu.memory_space<vmem>> -> memref<64x128xf32, #tpu.memory_space<vmem>>
      tpu.enqueue_dma source(%dma_start3A_153 : memref<64x128xf32, #tpu.memory_space<vmem>>) target(%dma_start3A_150 : memref<64x128xf32, #tpu.memory_space<hbm>>) target_semaphore(%run_scoped3A : memref<!tpu.dma_semaphore, #tpu.memory_space<semaphore_mem>>)
      %dma_wait3A_154 = arith.constant 0 : i32
      %dma_wait3A_155 = arith.constant 0 : i32
      %dma_wait3A_156 = tpu.memref_slice %arg11[%dma_wait3A_154, %dma_wait3A_155] : memref<80x128xf32, #tpu.memory_space<vmem>> -> memref<64x128xf32, #tpu.memory_space<vmem>>
      %dma_wait3A_157 = arith.constant 0 : i32
      %dma_wait3A_158 = tpu.memref_slice %arg7[%arg0, %add3A_124, %dma_wait3A_157] : memref<2x10000x128xf32, #tpu.memory_space<hbm>> -> memref<1x64x128xf32, #tpu.memory_space<hbm>>
      %dma_wait3A_159 = tpu.memref_squeeze %dma_wait3A_158 : memref<1x64x128xf32, #tpu.memory_space<hbm>> -> memref<64x128xf32, #tpu.memory_space<hbm>>
      %dma_wait3A_160 = arith.constant 0 : i32
      %dma_wait3A_161 = tpu.memref_slice %arg7[%arg0, %add3A_124, %dma_wait3A_160] : memref<2x10000x128xf32, #tpu.memory_space<hbm>> -> memref<1x64x128xf32, #tpu.memory_space<hbm>>
      %dma_wait3A_162 = tpu.memref_squeeze %dma_wait3A_161 : memref<1x64x128xf32, #tpu.memory_space<hbm>> -> memref<64x128xf32, #tpu.memory_space<hbm>>
      %dma_wait3A_163 = arith.constant 0 : i32
      %dma_wait3A_164 = arith.constant 0 : i32
      %dma_wait3A_165 = tpu.memref_slice %arg11[%dma_wait3A_163, %dma_wait3A_164] : memref<80x128xf32, #tpu.memory_space<vmem>> -> memref<64x128xf32, #tpu.memory_space<vmem>>
      tpu.wait_dma2 semaphore(%run_scoped3A : memref<!tpu.dma_semaphore, #tpu.memory_space<semaphore_mem>>) src(%dma_wait3A_165 : memref<64x128xf32, #tpu.memory_space<vmem>>) dst(%dma_wait3A_162 : memref<64x128xf32, #tpu.memory_space<hbm>>)
      tpu.yield
    }) : () -> ()
    %eq3A_137 = arith.constant 0 : i32
    %eq3A_138 = arith.cmpi eq, %arg1, %eq3A_137 : i32
    %convert_element_type3A_139 = arith.extui %eq3A_138 : i1 to i32
    %cond3A_140 = arith.constant 0 : i32
    %cond3A_141 = arith.cmpi ne, %convert_element_type3A_139, %cond3A_140 : i32
    scf.if %cond3A_141 {
      "tpu.region"() ({
        %run_scoped3A = tpu.sem_alloc : memref<!tpu.dma_semaphore, #tpu.memory_space<semaphore_mem>>
        %dma_start3A_154 = arith.constant 9984 : i32
        %dma_start3A_155 = tpu.memref_slice %arg6[%dma_start3A_154] : memref<10000xi32, #tpu.memory_space<hbm>> -> memref<16xi32, #tpu.memory_space<hbm>>
        %dma_start3A_156 = arith.constant 9984 : i32
        %dma_start3A_157 = tpu.memref_slice %arg6[%dma_start3A_156] : memref<10000xi32, #tpu.memory_space<hbm>> -> memref<16xi32, #tpu.memory_space<hbm>>
        tpu.enqueue_dma source(%dma_start3A_157 : memref<16xi32, #tpu.memory_space<hbm>>) target(%arg14 : memref<16xi32, #tpu.memory_space<vmem>>) target_semaphore(%run_scoped3A : memref<!tpu.dma_semaphore, #tpu.memory_space<semaphore_mem>>)
        %dma_wait3A_158 = arith.constant 9984 : i32
        %dma_wait3A_159 = tpu.memref_slice %arg6[%dma_wait3A_158] : memref<10000xi32, #tpu.memory_space<hbm>> -> memref<16xi32, #tpu.memory_space<hbm>>
        %dma_wait3A_160 = arith.constant 9984 : i32
        %dma_wait3A_161 = tpu.memref_slice %arg6[%dma_wait3A_160] : memref<10000xi32, #tpu.memory_space<hbm>> -> memref<16xi32, #tpu.memory_space<hbm>>
        tpu.wait_dma2 semaphore(%run_scoped3A : memref<!tpu.dma_semaphore, #tpu.memory_space<semaphore_mem>>) src(%dma_wait3A_161 : memref<16xi32, #tpu.memory_space<hbm>>) dst(%arg14 : memref<16xi32, #tpu.memory_space<vmem>>)
        tpu.yield
      }) : () -> ()
      %dma_start3A_142 = arith.constant 0 : i32
      %dma_start3A_143 = arith.constant 0 : i32
      %dma_start3A_144 = tpu.memref_slice %arg11[%dma_start3A_142, %dma_start3A_143] : memref<80x128xf32, #tpu.memory_space<vmem>> -> memref<16x128xf32, #tpu.memory_space<vmem>>
      %dma_start3A_145 = arith.constant 0 : i32
      %dma_start3A_146 = arith.constant 0 : i32
      %dma_start3A_147 = tpu.memref_slice %arg8[%dma_start3A_145, %dma_start3A_146] : memref<10000x128xf32, #tpu.memory_space<vmem_shared>> -> memref<10000x128xf32, #tpu.memory_space<vmem_shared>>
      tpu.enqueue_indirect_dma source(%dma_start3A_147 : memref<10000x128xf32, #tpu.memory_space<vmem_shared>>) target(%dma_start3A_144 : memref<16x128xf32, #tpu.memory_space<vmem>>) offsets(%arg14 : memref<16xi32, #tpu.memory_space<vmem>>) semaphore(%arg15 : memref<!tpu.dma_semaphore, #tpu.memory_space<semaphore_mem>>)
      %dma_wait3A_148 = arith.constant 0 : i32
      %dma_wait3A_149 = arith.constant 0 : i32
      %dma_wait3A_150 = tpu.memref_slice %arg11[%dma_wait3A_148, %dma_wait3A_149] : memref<80x128xf32, #tpu.memory_space<vmem>> -> memref<16x128xf32, #tpu.memory_space<vmem>>
      %dma_wait3A_151 = arith.constant 0 : i32
      %dma_wait3A_152 = arith.constant 0 : i32
      %dma_wait3A_153 = tpu.memref_slice %arg8[%dma_wait3A_151, %dma_wait3A_152] : memref<10000x128xf32, #tpu.memory_space<vmem_shared>> -> memref<10000x128xf32, #tpu.memory_space<vmem_shared>>
      tpu.wait_indirect_dma semaphore(%arg15 : memref<!tpu.dma_semaphore, #tpu.memory_space<semaphore_mem>>) src(%dma_wait3A_153 : memref<10000x128xf32, #tpu.memory_space<vmem_shared>>) dst(%dma_wait3A_150 : memref<16x128xf32, #tpu.memory_space<vmem>>)
      "tpu.region"() ({
        %run_scoped3A = tpu.sem_alloc : memref<!tpu.dma_semaphore, #tpu.memory_space<semaphore_mem>>
        %dma_start3A_154 = arith.constant 0 : i32
        %dma_start3A_155 = arith.constant 0 : i32
        %dma_start3A_156 = tpu.memref_slice %arg11[%dma_start3A_154, %dma_start3A_155] : memref<80x128xf32, #tpu.memory_space<vmem>> -> memref<16x128xf32, #tpu.memory_space<vmem>>
        %dma_start3A_157 = arith.constant 9984 : i32
        %dma_start3A_158 = arith.constant 0 : i32
        %dma_start3A_159 = tpu.memref_slice %arg7[%arg0, %dma_start3A_157, %dma_start3A_158] : memref<2x10000x128xf32, #tpu.memory_space<hbm>> -> memref<1x16x128xf32, #tpu.memory_space<hbm>>
        %dma_start3A_160 = tpu.memref_squeeze %dma_start3A_159 : memref<1x16x128xf32, #tpu.memory_space<hbm>> -> memref<16x128xf32, #tpu.memory_space<hbm>>
        %dma_start3A_161 = arith.constant 9984 : i32
        %dma_start3A_162 = arith.constant 0 : i32
        %dma_start3A_163 = tpu.memref_slice %arg7[%arg0, %dma_start3A_161, %dma_start3A_162] : memref<2x10000x128xf32, #tpu.memory_space<hbm>> -> memref<1x16x128xf32, #tpu.memory_space<hbm>>
        %dma_start3A_164 = tpu.memref_squeeze %dma_start3A_163 : memref<1x16x128xf32, #tpu.memory_space<hbm>> -> memref<16x128xf32, #tpu.memory_space<hbm>>
        %dma_start3A_165 = arith.constant 0 : i32
        %dma_start3A_166 = arith.constant 0 : i32
        %dma_start3A_167 = tpu.memref_slice %arg11[%dma_start3A_165, %dma_start3A_166] : memref<80x128xf32, #tpu.memory_space<vmem>> -> memref<16x128xf32, #tpu.memory_space<vmem>>
        tpu.enqueue_dma source(%dma_start3A_167 : memref<16x128xf32, #tpu.memory_space<vmem>>) target(%dma_start3A_164 : memref<16x128xf32, #tpu.memory_space<hbm>>) target_semaphore(%run_scoped3A : memref<!tpu.dma_semaphore, #tpu.memory_space<semaphore_mem>>)
        %dma_wait3A_168 = arith.constant 0 : i32
        %dma_wait3A_169 = arith.constant 0 : i32
        %dma_wait3A_170 = tpu.memref_slice %arg11[%dma_wait3A_168, %dma_wait3A_169] : memref<80x128xf32, #tpu.memory_space<vmem>> -> memref<16x128xf32, #tpu.memory_space<vmem>>
        %dma_wait3A_171 = arith.constant 9984 : i32
        %dma_wait3A_172 = arith.constant 0 : i32
        %dma_wait3A_173 = tpu.memref_slice %arg7[%arg0, %dma_wait3A_171, %dma_wait3A_172] : memref<2x10000x128xf32, #tpu.memory_space<hbm>> -> memref<1x16x128xf32, #tpu.memory_space<hbm>>
        %dma_wait3A_174 = tpu.memref_squeeze %dma_wait3A_173 : memref<1x16x128xf32, #tpu.memory_space<hbm>> -> memref<16x128xf32, #tpu.memory_space<hbm>>
        %dma_wait3A_175 = arith.constant 9984 : i32
        %dma_wait3A_176 = arith.constant 0 : i32
        %dma_wait3A_177 = tpu.memref_slice %arg7[%arg0, %dma_wait3A_175, %dma_wait3A_176] : memref<2x10000x128xf32, #tpu.memory_space<hbm>> -> memref<1x16x128xf32, #tpu.memory_space<hbm>>
        %dma_wait3A_178 = tpu.memref_squeeze %dma_wait3A_177 : memref<1x16x128xf32, #tpu.memory_space<hbm>> -> memref<16x128xf32, #tpu.memory_space<hbm>>
        %dma_wait3A_179 = arith.constant 0 : i32
        %dma_wait3A_180 = arith.constant 0 : i32
        %dma_wait3A_181 = tpu.memref_slice %arg11[%dma_wait3A_179, %dma_wait3A_180] : memref<80x128xf32, #tpu.memory_space<vmem>> -> memref<16x128xf32, #tpu.memory_space<vmem>>
        tpu.wait_dma2 semaphore(%run_scoped3A : memref<!tpu.dma_semaphore, #tpu.memory_space<semaphore_mem>>) src(%dma_wait3A_181 : memref<16x128xf32, #tpu.memory_space<vmem>>) dst(%dma_wait3A_178 : memref<16x128xf32, #tpu.memory_space<hbm>>)
        tpu.yield
      }) : () -> ()
    } else {
    }
    return
  }
}

#map = affine_map<(d0, d1) -> (0, 0)>
#map1 = affine_map<(d0, d1) -> (0, 0, 0)>
#map2 = affine_map<(d0, d1) -> (0)>
module attributes {stable_mosaic.version = 14 : i64} {
  func.func @k(%arg0: i32, %arg1: i32, %arg2: memref<80x128xf32, #tpu.memory_space<hbm>>, %arg3: memref<32x125x80xi32, #tpu.memory_space<hbm>>, %arg4: memref<32x125x80xi32, #tpu.memory_space<hbm>>, %arg5: memref<80x128xf32, #tpu.memory_space<hbm>>, %arg6: memref<10000xi32, #tpu.memory_space<hbm>>, %arg7: memref<2x10000x128xf32, #tpu.memory_space<hbm>>, %arg8: memref<10000x128xf32, #tpu.memory_space<vmem_shared>>, %arg9: memref<125x80xi32, #tpu.memory_space<vmem>>, %arg10: memref<125x80xi32, #tpu.memory_space<vmem>>, %arg11: memref<80x128xf32, #tpu.memory_space<vmem>>, %arg12: memref<80xi32, #tpu.memory_space<vmem>>, %arg13: memref<64xi32, #tpu.memory_space<vmem>>, %arg14: memref<16xi32, #tpu.memory_space<vmem>>, %arg15: memref<!tpu.dma_semaphore, #tpu.memory_space<semaphore_mem>>) attributes {dimension_semantics = [#tpu.dimension_semantics<core_parallel>, #tpu.dimension_semantics<subcore_parallel>], iteration_bounds = array<i64: 2, 16>, scalar_prefetch = 0 : i64, scratch_operands = 8 : i64, tpu.core_type = #tpu.core_type<sc_vector_subcore>, window_params = [{transform_indices = #map}, {transform_indices = #map1}, {transform_indices = #map1}, {transform_indices = #map}, {transform_indices = #map2}, {transform_indices = #map1}]} {
    %mul3A = arith.constant 16 : i32
    %mul3A_0 = arith.muli %arg0, %mul3A : i32
    %add3A = arith.addi %mul3A_0, %arg1 : i32
    %mul3A_1 = arith.constant 624 : i32
    %mul3A_2 = arith.muli %arg1, %mul3A_1 : i32
    "tpu.region"() ({
      %run_scoped3A = tpu.sem_alloc : memref<!tpu.dma_semaphore, #tpu.memory_space<semaphore_mem>>
      tpu.enqueue_dma source(%arg5 : memref<80x128xf32, #tpu.memory_space<hbm>>) target(%arg11 : memref<80x128xf32, #tpu.memory_space<vmem>>) target_semaphore(%run_scoped3A : memref<!tpu.dma_semaphore, #tpu.memory_space<semaphore_mem>>)
      tpu.wait_dma2 semaphore(%run_scoped3A : memref<!tpu.dma_semaphore, #tpu.memory_space<semaphore_mem>>) src(%arg5 : memref<80x128xf32, #tpu.memory_space<hbm>>) dst(%arg11 : memref<80x128xf32, #tpu.memory_space<vmem>>)
      tpu.yield
    }) : () -> ()
    %add3A_3 = arith.constant 0 : i32
    %add3A_4 = arith.addi %mul3A_2, %add3A_3 : i32
    "tpu.region"() ({
      %run_scoped3A = tpu.sem_alloc : memref<!tpu.dma_semaphore, #tpu.memory_space<semaphore_mem>>
      %dma_start3A_142 = tpu.memref_slice %arg6[%add3A_4] : memref<10000xi32, #tpu.memory_space<hbm>> -> memref<80xi32, #tpu.memory_space<hbm>>
      %dma_start3A_143 = tpu.memref_slice %arg6[%add3A_4] : memref<10000xi32, #tpu.memory_space<hbm>> -> memref<80xi32, #tpu.memory_space<hbm>>
      tpu.enqueue_dma source(%dma_start3A_143 : memref<80xi32, #tpu.memory_space<hbm>>) target(%arg12 : memref<80xi32, #tpu.memory_space<vmem>>) target_semaphore(%run_scoped3A : memref<!tpu.dma_semaphore, #tpu.memory_space<semaphore_mem>>)
      %dma_wait3A_144 = tpu.memref_slice %arg6[%add3A_4] : memref<10000xi32, #tpu.memory_space<hbm>> -> memref<80xi32, #tpu.memory_space<hbm>>
      %dma_wait3A_145 = tpu.memref_slice %arg6[%add3A_4] : memref<10000xi32, #tpu.memory_space<hbm>> -> memref<80xi32, #tpu.memory_space<hbm>>
      tpu.wait_dma2 semaphore(%run_scoped3A : memref<!tpu.dma_semaphore, #tpu.memory_space<semaphore_mem>>) src(%dma_wait3A_145 : memref<80xi32, #tpu.memory_space<hbm>>) dst(%arg12 : memref<80xi32, #tpu.memory_space<vmem>>)
      tpu.yield
    }) : () -> ()
    "tpu.region"() ({
      %run_scoped3A = tpu.sem_alloc : memref<!tpu.dma_semaphore, #tpu.memory_space<semaphore_mem>>
      %dma_start3A_142 = arith.constant 0 : i32
      %dma_start3A_143 = arith.constant 0 : i32
      %dma_start3A_144 = tpu.memref_slice %arg11[%dma_start3A_142, %dma_start3A_143] : memref<80x128xf32, #tpu.memory_space<vmem>> -> memref<80x128xf32, #tpu.memory_space<vmem>>
      %dma_start3A_145 = arith.constant 0 : i32
      %dma_start3A_146 = arith.constant 0 : i32
      %dma_start3A_147 = tpu.memref_slice %arg8[%dma_start3A_145, %dma_start3A_146] : memref<10000x128xf32, #tpu.memory_space<vmem_shared>> -> memref<10000x128xf32, #tpu.memory_space<vmem_shared>>
      tpu.enqueue_indirect_dma source(%dma_start3A_144 : memref<80x128xf32, #tpu.memory_space<vmem>>) target(%dma_start3A_147 : memref<10000x128xf32, #tpu.memory_space<vmem_shared>>) offsets(%arg12 : memref<80xi32, #tpu.memory_space<vmem>>) semaphore(%run_scoped3A : memref<!tpu.dma_semaphore, #tpu.memory_space<semaphore_mem>>)
      %dma_wait3A_148 = arith.constant 0 : i32
      %dma_wait3A_149 = arith.constant 0 : i32
      %dma_wait3A_150 = tpu.memref_slice %arg11[%dma_wait3A_148, %dma_wait3A_149] : memref<80x128xf32, #tpu.memory_space<vmem>> -> memref<80x128xf32, #tpu.memory_space<vmem>>
      %dma_wait3A_151 = arith.constant 0 : i32
      %dma_wait3A_152 = arith.constant 0 : i32
      %dma_wait3A_153 = tpu.memref_slice %arg8[%dma_wait3A_151, %dma_wait3A_152] : memref<10000x128xf32, #tpu.memory_space<vmem_shared>> -> memref<10000x128xf32, #tpu.memory_space<vmem_shared>>
      tpu.wait_indirect_dma semaphore(%run_scoped3A : memref<!tpu.dma_semaphore, #tpu.memory_space<semaphore_mem>>) src(%dma_wait3A_150 : memref<80x128xf32, #tpu.memory_space<vmem>>) dst(%dma_wait3A_153 : memref<10000x128xf32, #tpu.memory_space<vmem_shared>>)
      tpu.yield
    }) : () -> ()
    %add3A_5 = arith.constant 80 : i32
    %add3A_6 = arith.addi %mul3A_2, %add3A_5 : i32
    "tpu.region"() ({
      %run_scoped3A = tpu.sem_alloc : memref<!tpu.dma_semaphore, #tpu.memory_space<semaphore_mem>>
      %dma_start3A_142 = tpu.memref_slice %arg6[%add3A_6] : memref<10000xi32, #tpu.memory_space<hbm>> -> memref<80xi32, #tpu.memory_space<hbm>>
      %dma_start3A_143 = tpu.memref_slice %arg6[%add3A_6] : memref<10000xi32, #tpu.memory_space<hbm>> -> memref<80xi32, #tpu.memory_space<hbm>>
      tpu.enqueue_dma source(%dma_start3A_143 : memref<80xi32, #tpu.memory_space<hbm>>) target(%arg12 : memref<80xi32, #tpu.memory_space<vmem>>) target_semaphore(%run_scoped3A : memref<!tpu.dma_semaphore, #tpu.memory_space<semaphore_mem>>)
      %dma_wait3A_144 = tpu.memref_slice %arg6[%add3A_6] : memref<10000xi32, #tpu.memory_space<hbm>> -> memref<80xi32, #tpu.memory_space<hbm>>
      %dma_wait3A_145 = tpu.memref_slice %arg6[%add3A_6] : memref<10000xi32, #tpu.memory_space<hbm>> -> memref<80xi32, #tpu.memory_space<hbm>>
      tpu.wait_dma2 semaphore(%run_scoped3A : memref<!tpu.dma_semaphore, #tpu.memory_space<semaphore_mem>>) src(%dma_wait3A_145 : memref<80xi32, #tpu.memory_space<hbm>>) dst(%arg12 : memref<80xi32, #tpu.memory_space<vmem>>)
      tpu.yield
    }) : () -> ()
    "tpu.region"() ({
      %run_scoped3A = tpu.sem_alloc : memref<!tpu.dma_semaphore, #tpu.memory_space<semaphore_mem>>
      %dma_start3A_142 = arith.constant 0 : i32
      %dma_start3A_143 = arith.constant 0 : i32
      %dma_start3A_144 = tpu.memref_slice %arg11[%dma_start3A_142, %dma_start3A_143] : memref<80x128xf32, #tpu.memory_space<vmem>> -> memref<80x128xf32, #tpu.memory_space<vmem>>
      %dma_start3A_145 = arith.constant 0 : i32
      %dma_start3A_146 = arith.constant 0 : i32
      %dma_start3A_147 = tpu.memref_slice %arg8[%dma_start3A_145, %dma_start3A_146] : memref<10000x128xf32, #tpu.memory_space<vmem_shared>> -> memref<10000x128xf32, #tpu.memory_space<vmem_shared>>
      tpu.enqueue_indirect_dma source(%dma_start3A_144 : memref<80x128xf32, #tpu.memory_space<vmem>>) target(%dma_start3A_147 : memref<10000x128xf32, #tpu.memory_space<vmem_shared>>) offsets(%arg12 : memref<80xi32, #tpu.memory_space<vmem>>) semaphore(%run_scoped3A : memref<!tpu.dma_semaphore, #tpu.memory_space<semaphore_mem>>)
      %dma_wait3A_148 = arith.constant 0 : i32
      %dma_wait3A_149 = arith.constant 0 : i32
      %dma_wait3A_150 = tpu.memref_slice %arg11[%dma_wait3A_148, %dma_wait3A_149] : memref<80x128xf32, #tpu.memory_space<vmem>> -> memref<80x128xf32, #tpu.memory_space<vmem>>
      %dma_wait3A_151 = arith.constant 0 : i32
      %dma_wait3A_152 = arith.constant 0 : i32
      %dma_wait3A_153 = tpu.memref_slice %arg8[%dma_wait3A_151, %dma_wait3A_152] : memref<10000x128xf32, #tpu.memory_space<vmem_shared>> -> memref<10000x128xf32, #tpu.memory_space<vmem_shared>>
      tpu.wait_indirect_dma semaphore(%run_scoped3A : memref<!tpu.dma_semaphore, #tpu.memory_space<semaphore_mem>>) src(%dma_wait3A_150 : memref<80x128xf32, #tpu.memory_space<vmem>>) dst(%dma_wait3A_153 : memref<10000x128xf32, #tpu.memory_space<vmem_shared>>)
      tpu.yield
    }) : () -> ()
    %add3A_7 = arith.constant 160 : i32
    %add3A_8 = arith.addi %mul3A_2, %add3A_7 : i32
    "tpu.region"() ({
      %run_scoped3A = tpu.sem_alloc : memref<!tpu.dma_semaphore, #tpu.memory_space<semaphore_mem>>
      %dma_start3A_142 = tpu.memref_slice %arg6[%add3A_8] : memref<10000xi32, #tpu.memory_space<hbm>> -> memref<80xi32, #tpu.memory_space<hbm>>
      %dma_start3A_143 = tpu.memref_slice %arg6[%add3A_8] : memref<10000xi32, #tpu.memory_space<hbm>> -> memref<80xi32, #tpu.memory_space<hbm>>
      tpu.enqueue_dma source(%dma_start3A_143 : memref<80xi32, #tpu.memory_space<hbm>>) target(%arg12 : memref<80xi32, #tpu.memory_space<vmem>>) target_semaphore(%run_scoped3A : memref<!tpu.dma_semaphore, #tpu.memory_space<semaphore_mem>>)
      %dma_wait3A_144 = tpu.memref_slice %arg6[%add3A_8] : memref<10000xi32, #tpu.memory_space<hbm>> -> memref<80xi32, #tpu.memory_space<hbm>>
      %dma_wait3A_145 = tpu.memref_slice %arg6[%add3A_8] : memref<10000xi32, #tpu.memory_space<hbm>> -> memref<80xi32, #tpu.memory_space<hbm>>
      tpu.wait_dma2 semaphore(%run_scoped3A : memref<!tpu.dma_semaphore, #tpu.memory_space<semaphore_mem>>) src(%dma_wait3A_145 : memref<80xi32, #tpu.memory_space<hbm>>) dst(%arg12 : memref<80xi32, #tpu.memory_space<vmem>>)
      tpu.yield
    }) : () -> ()
    "tpu.region"() ({
      %run_scoped3A = tpu.sem_alloc : memref<!tpu.dma_semaphore, #tpu.memory_space<semaphore_mem>>
      %dma_start3A_142 = arith.constant 0 : i32
      %dma_start3A_143 = arith.constant 0 : i32
      %dma_start3A_144 = tpu.memref_slice %arg11[%dma_start3A_142, %dma_start3A_143] : memref<80x128xf32, #tpu.memory_space<vmem>> -> memref<80x128xf32, #tpu.memory_space<vmem>>
      %dma_start3A_145 = arith.constant 0 : i32
      %dma_start3A_146 = arith.constant 0 : i32
      %dma_start3A_147 = tpu.memref_slice %arg8[%dma_start3A_145, %dma_start3A_146] : memref<10000x128xf32, #tpu.memory_space<vmem_shared>> -> memref<10000x128xf32, #tpu.memory_space<vmem_shared>>
      tpu.enqueue_indirect_dma source(%dma_start3A_144 : memref<80x128xf32, #tpu.memory_space<vmem>>) target(%dma_start3A_147 : memref<10000x128xf32, #tpu.memory_space<vmem_shared>>) offsets(%arg12 : memref<80xi32, #tpu.memory_space<vmem>>) semaphore(%run_scoped3A : memref<!tpu.dma_semaphore, #tpu.memory_space<semaphore_mem>>)
      %dma_wait3A_148 = arith.constant 0 : i32
      %dma_wait3A_149 = arith.constant 0 : i32
      %dma_wait3A_150 = tpu.memref_slice %arg11[%dma_wait3A_148, %dma_wait3A_149] : memref<80x128xf32, #tpu.memory_space<vmem>> -> memref<80x128xf32, #tpu.memory_space<vmem>>
      %dma_wait3A_151 = arith.constant 0 : i32
      %dma_wait3A_152 = arith.constant 0 : i32
      %dma_wait3A_153 = tpu.memref_slice %arg8[%dma_wait3A_151, %dma_wait3A_152] : memref<10000x128xf32, #tpu.memory_space<vmem_shared>> -> memref<10000x128xf32, #tpu.memory_space<vmem_shared>>
      tpu.wait_indirect_dma semaphore(%run_scoped3A : memref<!tpu.dma_semaphore, #tpu.memory_space<semaphore_mem>>) src(%dma_wait3A_150 : memref<80x128xf32, #tpu.memory_space<vmem>>) dst(%dma_wait3A_153 : memref<10000x128xf32, #tpu.memory_space<vmem_shared>>)
      tpu.yield
    }) : () -> ()
    %add3A_9 = arith.constant 240 : i32
    %add3A_10 = arith.addi %mul3A_2, %add3A_9 : i32
    "tpu.region"() ({
      %run_scoped3A = tpu.sem_alloc : memref<!tpu.dma_semaphore, #tpu.memory_space<semaphore_mem>>
      %dma_start3A_142 = tpu.memref_slice %arg6[%add3A_10] : memref<10000xi32, #tpu.memory_space<hbm>> -> memref<80xi32, #tpu.memory_space<hbm>>
      %dma_start3A_143 = tpu.memref_slice %arg6[%add3A_10] : memref<10000xi32, #tpu.memory_space<hbm>> -> memref<80xi32, #tpu.memory_space<hbm>>
      tpu.enqueue_dma source(%dma_start3A_143 : memref<80xi32, #tpu.memory_space<hbm>>) target(%arg12 : memref<80xi32, #tpu.memory_space<vmem>>) target_semaphore(%run_scoped3A : memref<!tpu.dma_semaphore, #tpu.memory_space<semaphore_mem>>)
      %dma_wait3A_144 = tpu.memref_slice %arg6[%add3A_10] : memref<10000xi32, #tpu.memory_space<hbm>> -> memref<80xi32, #tpu.memory_space<hbm>>
      %dma_wait3A_145 = tpu.memref_slice %arg6[%add3A_10] : memref<10000xi32, #tpu.memory_space<hbm>> -> memref<80xi32, #tpu.memory_space<hbm>>
      tpu.wait_dma2 semaphore(%run_scoped3A : memref<!tpu.dma_semaphore, #tpu.memory_space<semaphore_mem>>) src(%dma_wait3A_145 : memref<80xi32, #tpu.memory_space<hbm>>) dst(%arg12 : memref<80xi32, #tpu.memory_space<vmem>>)
      tpu.yield
    }) : () -> ()
    "tpu.region"() ({
      %run_scoped3A = tpu.sem_alloc : memref<!tpu.dma_semaphore, #tpu.memory_space<semaphore_mem>>
      %dma_start3A_142 = arith.constant 0 : i32
      %dma_start3A_143 = arith.constant 0 : i32
      %dma_start3A_144 = tpu.memref_slice %arg11[%dma_start3A_142, %dma_start3A_143] : memref<80x128xf32, #tpu.memory_space<vmem>> -> memref<80x128xf32, #tpu.memory_space<vmem>>
      %dma_start3A_145 = arith.constant 0 : i32
      %dma_start3A_146 = arith.constant 0 : i32
      %dma_start3A_147 = tpu.memref_slice %arg8[%dma_start3A_145, %dma_start3A_146] : memref<10000x128xf32, #tpu.memory_space<vmem_shared>> -> memref<10000x128xf32, #tpu.memory_space<vmem_shared>>
      tpu.enqueue_indirect_dma source(%dma_start3A_144 : memref<80x128xf32, #tpu.memory_space<vmem>>) target(%dma_start3A_147 : memref<10000x128xf32, #tpu.memory_space<vmem_shared>>) offsets(%arg12 : memref<80xi32, #tpu.memory_space<vmem>>) semaphore(%run_scoped3A : memref<!tpu.dma_semaphore, #tpu.memory_space<semaphore_mem>>)
      %dma_wait3A_148 = arith.constant 0 : i32
      %dma_wait3A_149 = arith.constant 0 : i32
      %dma_wait3A_150 = tpu.memref_slice %arg11[%dma_wait3A_148, %dma_wait3A_149] : memref<80x128xf32, #tpu.memory_space<vmem>> -> memref<80x128xf32, #tpu.memory_space<vmem>>
      %dma_wait3A_151 = arith.constant 0 : i32
      %dma_wait3A_152 = arith.constant 0 : i32
      %dma_wait3A_153 = tpu.memref_slice %arg8[%dma_wait3A_151, %dma_wait3A_152] : memref<10000x128xf32, #tpu.memory_space<vmem_shared>> -> memref<10000x128xf32, #tpu.memory_space<vmem_shared>>
      tpu.wait_indirect_dma semaphore(%run_scoped3A : memref<!tpu.dma_semaphore, #tpu.memory_space<semaphore_mem>>) src(%dma_wait3A_150 : memref<80x128xf32, #tpu.memory_space<vmem>>) dst(%dma_wait3A_153 : memref<10000x128xf32, #tpu.memory_space<vmem_shared>>)
      tpu.yield
    }) : () -> ()
    %add3A_11 = arith.constant 320 : i32
    %add3A_12 = arith.addi %mul3A_2, %add3A_11 : i32
    "tpu.region"() ({
      %run_scoped3A = tpu.sem_alloc : memref<!tpu.dma_semaphore, #tpu.memory_space<semaphore_mem>>
      %dma_start3A_142 = tpu.memref_slice %arg6[%add3A_12] : memref<10000xi32, #tpu.memory_space<hbm>> -> memref<80xi32, #tpu.memory_space<hbm>>
      %dma_start3A_143 = tpu.memref_slice %arg6[%add3A_12] : memref<10000xi32, #tpu.memory_space<hbm>> -> memref<80xi32, #tpu.memory_space<hbm>>
      tpu.enqueue_dma source(%dma_start3A_143 : memref<80xi32, #tpu.memory_space<hbm>>) target(%arg12 : memref<80xi32, #tpu.memory_space<vmem>>) target_semaphore(%run_scoped3A : memref<!tpu.dma_semaphore, #tpu.memory_space<semaphore_mem>>)
      %dma_wait3A_144 = tpu.memref_slice %arg6[%add3A_12] : memref<10000xi32, #tpu.memory_space<hbm>> -> memref<80xi32, #tpu.memory_space<hbm>>
      %dma_wait3A_145 = tpu.memref_slice %arg6[%add3A_12] : memref<10000xi32, #tpu.memory_space<hbm>> -> memref<80xi32, #tpu.memory_space<hbm>>
      tpu.wait_dma2 semaphore(%run_scoped3A : memref<!tpu.dma_semaphore, #tpu.memory_space<semaphore_mem>>) src(%dma_wait3A_145 : memref<80xi32, #tpu.memory_space<hbm>>) dst(%arg12 : memref<80xi32, #tpu.memory_space<vmem>>)
      tpu.yield
    }) : () -> ()
    "tpu.region"() ({
      %run_scoped3A = tpu.sem_alloc : memref<!tpu.dma_semaphore, #tpu.memory_space<semaphore_mem>>
      %dma_start3A_142 = arith.constant 0 : i32
      %dma_start3A_143 = arith.constant 0 : i32
      %dma_start3A_144 = tpu.memref_slice %arg11[%dma_start3A_142, %dma_start3A_143] : memref<80x128xf32, #tpu.memory_space<vmem>> -> memref<80x128xf32, #tpu.memory_space<vmem>>
      %dma_start3A_145 = arith.constant 0 : i32
      %dma_start3A_146 = arith.constant 0 : i32
      %dma_start3A_147 = tpu.memref_slice %arg8[%dma_start3A_145, %dma_start3A_146] : memref<10000x128xf32, #tpu.memory_space<vmem_shared>> -> memref<10000x128xf32, #tpu.memory_space<vmem_shared>>
      tpu.enqueue_indirect_dma source(%dma_start3A_144 : memref<80x128xf32, #tpu.memory_space<vmem>>) target(%dma_start3A_147 : memref<10000x128xf32, #tpu.memory_space<vmem_shared>>) offsets(%arg12 : memref<80xi32, #tpu.memory_space<vmem>>) semaphore(%run_scoped3A : memref<!tpu.dma_semaphore, #tpu.memory_space<semaphore_mem>>)
      %dma_wait3A_148 = arith.constant 0 : i32
      %dma_wait3A_149 = arith.constant 0 : i32
      %dma_wait3A_150 = tpu.memref_slice %arg11[%dma_wait3A_148, %dma_wait3A_149] : memref<80x128xf32, #tpu.memory_space<vmem>> -> memref<80x128xf32, #tpu.memory_space<vmem>>
      %dma_wait3A_151 = arith.constant 0 : i32
      %dma_wait3A_152 = arith.constant 0 : i32
      %dma_wait3A_153 = tpu.memref_slice %arg8[%dma_wait3A_151, %dma_wait3A_152] : memref<10000x128xf32, #tpu.memory_space<vmem_shared>> -> memref<10000x128xf32, #tpu.memory_space<vmem_shared>>
      tpu.wait_indirect_dma semaphore(%run_scoped3A : memref<!tpu.dma_semaphore, #tpu.memory_space<semaphore_mem>>) src(%dma_wait3A_150 : memref<80x128xf32, #tpu.memory_space<vmem>>) dst(%dma_wait3A_153 : memref<10000x128xf32, #tpu.memory_space<vmem_shared>>)
      tpu.yield
    }) : () -> ()
    %add3A_13 = arith.constant 400 : i32
    %add3A_14 = arith.addi %mul3A_2, %add3A_13 : i32
    "tpu.region"() ({
      %run_scoped3A = tpu.sem_alloc : memref<!tpu.dma_semaphore, #tpu.memory_space<semaphore_mem>>
      %dma_start3A_142 = tpu.memref_slice %arg6[%add3A_14] : memref<10000xi32, #tpu.memory_space<hbm>> -> memref<80xi32, #tpu.memory_space<hbm>>
      %dma_start3A_143 = tpu.memref_slice %arg6[%add3A_14] : memref<10000xi32, #tpu.memory_space<hbm>> -> memref<80xi32, #tpu.memory_space<hbm>>
      tpu.enqueue_dma source(%dma_start3A_143 : memref<80xi32, #tpu.memory_space<hbm>>) target(%arg12 : memref<80xi32, #tpu.memory_space<vmem>>) target_semaphore(%run_scoped3A : memref<!tpu.dma_semaphore, #tpu.memory_space<semaphore_mem>>)
      %dma_wait3A_144 = tpu.memref_slice %arg6[%add3A_14] : memref<10000xi32, #tpu.memory_space<hbm>> -> memref<80xi32, #tpu.memory_space<hbm>>
      %dma_wait3A_145 = tpu.memref_slice %arg6[%add3A_14] : memref<10000xi32, #tpu.memory_space<hbm>> -> memref<80xi32, #tpu.memory_space<hbm>>
      tpu.wait_dma2 semaphore(%run_scoped3A : memref<!tpu.dma_semaphore, #tpu.memory_space<semaphore_mem>>) src(%dma_wait3A_145 : memref<80xi32, #tpu.memory_space<hbm>>) dst(%arg12 : memref<80xi32, #tpu.memory_space<vmem>>)
      tpu.yield
    }) : () -> ()
    "tpu.region"() ({
      %run_scoped3A = tpu.sem_alloc : memref<!tpu.dma_semaphore, #tpu.memory_space<semaphore_mem>>
      %dma_start3A_142 = arith.constant 0 : i32
      %dma_start3A_143 = arith.constant 0 : i32
      %dma_start3A_144 = tpu.memref_slice %arg11[%dma_start3A_142, %dma_start3A_143] : memref<80x128xf32, #tpu.memory_space<vmem>> -> memref<80x128xf32, #tpu.memory_space<vmem>>
      %dma_start3A_145 = arith.constant 0 : i32
      %dma_start3A_146 = arith.constant 0 : i32
      %dma_start3A_147 = tpu.memref_slice %arg8[%dma_start3A_145, %dma_start3A_146] : memref<10000x128xf32, #tpu.memory_space<vmem_shared>> -> memref<10000x128xf32, #tpu.memory_space<vmem_shared>>
      tpu.enqueue_indirect_dma source(%dma_start3A_144 : memref<80x128xf32, #tpu.memory_space<vmem>>) target(%dma_start3A_147 : memref<10000x128xf32, #tpu.memory_space<vmem_shared>>) offsets(%arg12 : memref<80xi32, #tpu.memory_space<vmem>>) semaphore(%run_scoped3A : memref<!tpu.dma_semaphore, #tpu.memory_space<semaphore_mem>>)
      %dma_wait3A_148 = arith.constant 0 : i32
      %dma_wait3A_149 = arith.constant 0 : i32
      %dma_wait3A_150 = tpu.memref_slice %arg11[%dma_wait3A_148, %dma_wait3A_149] : memref<80x128xf32, #tpu.memory_space<vmem>> -> memref<80x128xf32, #tpu.memory_space<vmem>>
      %dma_wait3A_151 = arith.constant 0 : i32
      %dma_wait3A_152 = arith.constant 0 : i32
      %dma_wait3A_153 = tpu.memref_slice %arg8[%dma_wait3A_151, %dma_wait3A_152] : memref<10000x128xf32, #tpu.memory_space<vmem_shared>> -> memref<10000x128xf32, #tpu.memory_space<vmem_shared>>
      tpu.wait_indirect_dma semaphore(%run_scoped3A : memref<!tpu.dma_semaphore, #tpu.memory_space<semaphore_mem>>) src(%dma_wait3A_150 : memref<80x128xf32, #tpu.memory_space<vmem>>) dst(%dma_wait3A_153 : memref<10000x128xf32, #tpu.memory_space<vmem_shared>>)
      tpu.yield
    }) : () -> ()
    %add3A_15 = arith.constant 480 : i32
    %add3A_16 = arith.addi %mul3A_2, %add3A_15 : i32
    "tpu.region"() ({
      %run_scoped3A = tpu.sem_alloc : memref<!tpu.dma_semaphore, #tpu.memory_space<semaphore_mem>>
      %dma_start3A_142 = tpu.memref_slice %arg6[%add3A_16] : memref<10000xi32, #tpu.memory_space<hbm>> -> memref<80xi32, #tpu.memory_space<hbm>>
      %dma_start3A_143 = tpu.memref_slice %arg6[%add3A_16] : memref<10000xi32, #tpu.memory_space<hbm>> -> memref<80xi32, #tpu.memory_space<hbm>>
      tpu.enqueue_dma source(%dma_start3A_143 : memref<80xi32, #tpu.memory_space<hbm>>) target(%arg12 : memref<80xi32, #tpu.memory_space<vmem>>) target_semaphore(%run_scoped3A : memref<!tpu.dma_semaphore, #tpu.memory_space<semaphore_mem>>)
      %dma_wait3A_144 = tpu.memref_slice %arg6[%add3A_16] : memref<10000xi32, #tpu.memory_space<hbm>> -> memref<80xi32, #tpu.memory_space<hbm>>
      %dma_wait3A_145 = tpu.memref_slice %arg6[%add3A_16] : memref<10000xi32, #tpu.memory_space<hbm>> -> memref<80xi32, #tpu.memory_space<hbm>>
      tpu.wait_dma2 semaphore(%run_scoped3A : memref<!tpu.dma_semaphore, #tpu.memory_space<semaphore_mem>>) src(%dma_wait3A_145 : memref<80xi32, #tpu.memory_space<hbm>>) dst(%arg12 : memref<80xi32, #tpu.memory_space<vmem>>)
      tpu.yield
    }) : () -> ()
    "tpu.region"() ({
      %run_scoped3A = tpu.sem_alloc : memref<!tpu.dma_semaphore, #tpu.memory_space<semaphore_mem>>
      %dma_start3A_142 = arith.constant 0 : i32
      %dma_start3A_143 = arith.constant 0 : i32
      %dma_start3A_144 = tpu.memref_slice %arg11[%dma_start3A_142, %dma_start3A_143] : memref<80x128xf32, #tpu.memory_space<vmem>> -> memref<80x128xf32, #tpu.memory_space<vmem>>
      %dma_start3A_145 = arith.constant 0 : i32
      %dma_start3A_146 = arith.constant 0 : i32
      %dma_start3A_147 = tpu.memref_slice %arg8[%dma_start3A_145, %dma_start3A_146] : memref<10000x128xf32, #tpu.memory_space<vmem_shared>> -> memref<10000x128xf32, #tpu.memory_space<vmem_shared>>
      tpu.enqueue_indirect_dma source(%dma_start3A_144 : memref<80x128xf32, #tpu.memory_space<vmem>>) target(%dma_start3A_147 : memref<10000x128xf32, #tpu.memory_space<vmem_shared>>) offsets(%arg12 : memref<80xi32, #tpu.memory_space<vmem>>) semaphore(%run_scoped3A : memref<!tpu.dma_semaphore, #tpu.memory_space<semaphore_mem>>)
      %dma_wait3A_148 = arith.constant 0 : i32
      %dma_wait3A_149 = arith.constant 0 : i32
      %dma_wait3A_150 = tpu.memref_slice %arg11[%dma_wait3A_148, %dma_wait3A_149] : memref<80x128xf32, #tpu.memory_space<vmem>> -> memref<80x128xf32, #tpu.memory_space<vmem>>
      %dma_wait3A_151 = arith.constant 0 : i32
      %dma_wait3A_152 = arith.constant 0 : i32
      %dma_wait3A_153 = tpu.memref_slice %arg8[%dma_wait3A_151, %dma_wait3A_152] : memref<10000x128xf32, #tpu.memory_space<vmem_shared>> -> memref<10000x128xf32, #tpu.memory_space<vmem_shared>>
      tpu.wait_indirect_dma semaphore(%run_scoped3A : memref<!tpu.dma_semaphore, #tpu.memory_space<semaphore_mem>>) src(%dma_wait3A_150 : memref<80x128xf32, #tpu.memory_space<vmem>>) dst(%dma_wait3A_153 : memref<10000x128xf32, #tpu.memory_space<vmem_shared>>)
      tpu.yield
    }) : () -> ()
    %add3A_17 = arith.constant 560 : i32
    %add3A_18 = arith.addi %mul3A_2, %add3A_17 : i32
    "tpu.region"() ({
      %run_scoped3A = tpu.sem_alloc : memref<!tpu.dma_semaphore, #tpu.memory_space<semaphore_mem>>
      %dma_start3A_142 = tpu.memref_slice %arg6[%add3A_18] : memref<10000xi32, #tpu.memory_space<hbm>> -> memref<64xi32, #tpu.memory_space<hbm>>
      %dma_start3A_143 = tpu.memref_slice %arg6[%add3A_18] : memref<10000xi32, #tpu.memory_space<hbm>> -> memref<64xi32, #tpu.memory_space<hbm>>
      tpu.enqueue_dma source(%dma_start3A_143 : memref<64xi32, #tpu.memory_space<hbm>>) target(%arg13 : memref<64xi32, #tpu.memory_space<vmem>>) target_semaphore(%run_scoped3A : memref<!tpu.dma_semaphore, #tpu.memory_space<semaphore_mem>>)
      %dma_wait3A_144 = tpu.memref_slice %arg6[%add3A_18] : memref<10000xi32, #tpu.memory_space<hbm>> -> memref<64xi32, #tpu.memory_space<hbm>>
      %dma_wait3A_145 = tpu.memref_slice %arg6[%add3A_18] : memref<10000xi32, #tpu.memory_space<hbm>> -> memref<64xi32, #tpu.memory_space<hbm>>
      tpu.wait_dma2 semaphore(%run_scoped3A : memref<!tpu.dma_semaphore, #tpu.memory_space<semaphore_mem>>) src(%dma_wait3A_145 : memref<64xi32, #tpu.memory_space<hbm>>) dst(%arg13 : memref<64xi32, #tpu.memory_space<vmem>>)
      tpu.yield
    }) : () -> ()
    "tpu.region"() ({
      %run_scoped3A = tpu.sem_alloc : memref<!tpu.dma_semaphore, #tpu.memory_space<semaphore_mem>>
      %dma_start3A_142 = arith.constant 0 : i32
      %dma_start3A_143 = arith.constant 0 : i32
      %dma_start3A_144 = tpu.memref_slice %arg11[%dma_start3A_142, %dma_start3A_143] : memref<80x128xf32, #tpu.memory_space<vmem>> -> memref<64x128xf32, #tpu.memory_space<vmem>>
      %dma_start3A_145 = arith.constant 0 : i32
      %dma_start3A_146 = arith.constant 0 : i32
      %dma_start3A_147 = tpu.memref_slice %arg8[%dma_start3A_145, %dma_start3A_146] : memref<10000x128xf32, #tpu.memory_space<vmem_shared>> -> memref<10000x128xf32, #tpu.memory_space<vmem_shared>>
      tpu.enqueue_indirect_dma source(%dma_start3A_144 : memref<64x128xf32, #tpu.memory_space<vmem>>) target(%dma_start3A_147 : memref<10000x128xf32, #tpu.memory_space<vmem_shared>>) offsets(%arg13 : memref<64xi32, #tpu.memory_space<vmem>>) semaphore(%run_scoped3A : memref<!tpu.dma_semaphore, #tpu.memory_space<semaphore_mem>>)
      %dma_wait3A_148 = arith.constant 0 : i32
      %dma_wait3A_149 = arith.constant 0 : i32
      %dma_wait3A_150 = tpu.memref_slice %arg11[%dma_wait3A_148, %dma_wait3A_149] : memref<80x128xf32, #tpu.memory_space<vmem>> -> memref<64x128xf32, #tpu.memory_space<vmem>>
      %dma_wait3A_151 = arith.constant 0 : i32
      %dma_wait3A_152 = arith.constant 0 : i32
      %dma_wait3A_153 = tpu.memref_slice %arg8[%dma_wait3A_151, %dma_wait3A_152] : memref<10000x128xf32, #tpu.memory_space<vmem_shared>> -> memref<10000x128xf32, #tpu.memory_space<vmem_shared>>
      tpu.wait_indirect_dma semaphore(%run_scoped3A : memref<!tpu.dma_semaphore, #tpu.memory_space<semaphore_mem>>) src(%dma_wait3A_150 : memref<64x128xf32, #tpu.memory_space<vmem>>) dst(%dma_wait3A_153 : memref<10000x128xf32, #tpu.memory_space<vmem_shared>>)
      tpu.yield
    }) : () -> ()
    %eq3A = arith.constant 0 : i32
    %eq3A_19 = arith.cmpi eq, %arg1, %eq3A : i32
    %convert_element_type3A = arith.extui %eq3A_19 : i1 to i32
    %cond3A = arith.constant 0 : i32
    %cond3A_20 = arith.cmpi ne, %convert_element_type3A, %cond3A : i32
    scf.if %cond3A_20 {
      "tpu.region"() ({
        %run_scoped3A = tpu.sem_alloc : memref<!tpu.dma_semaphore, #tpu.memory_space<semaphore_mem>>
        %dma_start3A_142 = arith.constant 9984 : i32
        %dma_start3A_143 = tpu.memref_slice %arg6[%dma_start3A_142] : memref<10000xi32, #tpu.memory_space<hbm>> -> memref<16xi32, #tpu.memory_space<hbm>>
        %dma_start3A_144 = arith.constant 9984 : i32
        %dma_start3A_145 = tpu.memref_slice %arg6[%dma_start3A_144] : memref<10000xi32, #tpu.memory_space<hbm>> -> memref<16xi32, #tpu.memory_space<hbm>>
        tpu.enqueue_dma source(%dma_start3A_145 : memref<16xi32, #tpu.memory_space<hbm>>) target(%arg14 : memref<16xi32, #tpu.memory_space<vmem>>) target_semaphore(%run_scoped3A : memref<!tpu.dma_semaphore, #tpu.memory_space<semaphore_mem>>)
        %dma_wait3A_146 = arith.constant 9984 : i32
        %dma_wait3A_147 = tpu.memref_slice %arg6[%dma_wait3A_146] : memref<10000xi32, #tpu.memory_space<hbm>> -> memref<16xi32, #tpu.memory_space<hbm>>
        %dma_wait3A_148 = arith.constant 9984 : i32
        %dma_wait3A_149 = tpu.memref_slice %arg6[%dma_wait3A_148] : memref<10000xi32, #tpu.memory_space<hbm>> -> memref<16xi32, #tpu.memory_space<hbm>>
        tpu.wait_dma2 semaphore(%run_scoped3A : memref<!tpu.dma_semaphore, #tpu.memory_space<semaphore_mem>>) src(%dma_wait3A_149 : memref<16xi32, #tpu.memory_space<hbm>>) dst(%arg14 : memref<16xi32, #tpu.memory_space<vmem>>)
        tpu.yield
      }) : () -> ()
      "tpu.region"() ({
        %run_scoped3A = tpu.sem_alloc : memref<!tpu.dma_semaphore, #tpu.memory_space<semaphore_mem>>
        %dma_start3A_142 = arith.constant 0 : i32
        %dma_start3A_143 = arith.constant 0 : i32
        %dma_start3A_144 = tpu.memref_slice %arg11[%dma_start3A_142, %dma_start3A_143] : memref<80x128xf32, #tpu.memory_space<vmem>> -> memref<16x128xf32, #tpu.memory_space<vmem>>
        %dma_start3A_145 = arith.constant 0 : i32
        %dma_start3A_146 = arith.constant 0 : i32
        %dma_start3A_147 = tpu.memref_slice %arg8[%dma_start3A_145, %dma_start3A_146] : memref<10000x128xf32, #tpu.memory_space<vmem_shared>> -> memref<10000x128xf32, #tpu.memory_space<vmem_shared>>
        tpu.enqueue_indirect_dma source(%dma_start3A_144 : memref<16x128xf32, #tpu.memory_space<vmem>>) target(%dma_start3A_147 : memref<10000x128xf32, #tpu.memory_space<vmem_shared>>) offsets(%arg14 : memref<16xi32, #tpu.memory_space<vmem>>) semaphore(%run_scoped3A : memref<!tpu.dma_semaphore, #tpu.memory_space<semaphore_mem>>)
        %dma_wait3A_148 = arith.constant 0 : i32
        %dma_wait3A_149 = arith.constant 0 : i32
        %dma_wait3A_150 = tpu.memref_slice %arg11[%dma_wait3A_148, %dma_wait3A_149] : memref<80x128xf32, #tpu.memory_space<vmem>> -> memref<16x128xf32, #tpu.memory_space<vmem>>
        %dma_wait3A_151 = arith.constant 0 : i32
        %dma_wait3A_152 = arith.constant 0 : i32
        %dma_wait3A_153 = tpu.memref_slice %arg8[%dma_wait3A_151, %dma_wait3A_152] : memref<10000x128xf32, #tpu.memory_space<vmem_shared>> -> memref<10000x128xf32, #tpu.memory_space<vmem_shared>>
        tpu.wait_indirect_dma semaphore(%run_scoped3A : memref<!tpu.dma_semaphore, #tpu.memory_space<semaphore_mem>>) src(%dma_wait3A_150 : memref<16x128xf32, #tpu.memory_space<vmem>>) dst(%dma_wait3A_153 : memref<10000x128xf32, #tpu.memory_space<vmem_shared>>)
        tpu.yield
      }) : () -> ()
    } else {
    }
    "tpu.region"() ({
      %run_scoped3A = tpu.sem_alloc : memref<!tpu.dma_semaphore, #tpu.memory_space<semaphore_mem>>
      %dma_start3A_142 = arith.constant 0 : i32
      %dma_start3A_143 = arith.constant 0 : i32
      %dma_start3A_144 = tpu.memref_slice %arg4[%add3A, %dma_start3A_142, %dma_start3A_143] : memref<32x125x80xi32, #tpu.memory_space<hbm>> -> memref<1x125x80xi32, #tpu.memory_space<hbm>>
      %dma_start3A_145 = tpu.memref_squeeze %dma_start3A_144 : memref<1x125x80xi32, #tpu.memory_space<hbm>> -> memref<125x80xi32, #tpu.memory_space<hbm>>
      %dma_start3A_146 = arith.constant 0 : i32
      %dma_start3A_147 = arith.constant 0 : i32
      %dma_start3A_148 = tpu.memref_slice %arg4[%add3A, %dma_start3A_146, %dma_start3A_147] : memref<32x125x80xi32, #tpu.memory_space<hbm>> -> memref<1x125x80xi32, #tpu.memory_space<hbm>>
      %dma_start3A_149 = tpu.memref_squeeze %dma_start3A_148 : memref<1x125x80xi32, #tpu.memory_space<hbm>> -> memref<125x80xi32, #tpu.memory_space<hbm>>
      tpu.enqueue_dma source(%dma_start3A_149 : memref<125x80xi32, #tpu.memory_space<hbm>>) target(%arg10 : memref<125x80xi32, #tpu.memory_space<vmem>>) target_semaphore(%run_scoped3A : memref<!tpu.dma_semaphore, #tpu.memory_space<semaphore_mem>>)
      %dma_wait3A_150 = arith.constant 0 : i32
      %dma_wait3A_151 = arith.constant 0 : i32
      %dma_wait3A_152 = tpu.memref_slice %arg4[%add3A, %dma_wait3A_150, %dma_wait3A_151] : memref<32x125x80xi32, #tpu.memory_space<hbm>> -> memref<1x125x80xi32, #tpu.memory_space<hbm>>
      %dma_wait3A_153 = tpu.memref_squeeze %dma_wait3A_152 : memref<1x125x80xi32, #tpu.memory_space<hbm>> -> memref<125x80xi32, #tpu.memory_space<hbm>>
      %dma_wait3A_154 = arith.constant 0 : i32
      %dma_wait3A_155 = arith.constant 0 : i32
      %dma_wait3A_156 = tpu.memref_slice %arg4[%add3A, %dma_wait3A_154, %dma_wait3A_155] : memref<32x125x80xi32, #tpu.memory_space<hbm>> -> memref<1x125x80xi32, #tpu.memory_space<hbm>>
      %dma_wait3A_157 = tpu.memref_squeeze %dma_wait3A_156 : memref<1x125x80xi32, #tpu.memory_space<hbm>> -> memref<125x80xi32, #tpu.memory_space<hbm>>
      tpu.wait_dma2 semaphore(%run_scoped3A : memref<!tpu.dma_semaphore, #tpu.memory_space<semaphore_mem>>) src(%dma_wait3A_157 : memref<125x80xi32, #tpu.memory_space<hbm>>) dst(%arg10 : memref<125x80xi32, #tpu.memory_space<vmem>>)
      tpu.yield
    }) : () -> ()
    "tpu.region"() ({
      %run_scoped3A = tpu.sem_alloc : memref<!tpu.dma_semaphore, #tpu.memory_space<semaphore_mem>>
      tpu.enqueue_dma source(%arg2 : memref<80x128xf32, #tpu.memory_space<hbm>>) target(%arg11 : memref<80x128xf32, #tpu.memory_space<vmem>>) target_semaphore(%run_scoped3A : memref<!tpu.dma_semaphore, #tpu.memory_space<semaphore_mem>>)
      tpu.wait_dma2 semaphore(%run_scoped3A : memref<!tpu.dma_semaphore, #tpu.memory_space<semaphore_mem>>) src(%arg2 : memref<80x128xf32, #tpu.memory_space<hbm>>) dst(%arg11 : memref<80x128xf32, #tpu.memory_space<vmem>>)
      tpu.yield
    }) : () -> ()
    %barrier3A = arith.constant 0 : index
    tpu.barrier barrier_id(%barrier3A)
    %scan3A = arith.constant 0 : i32
    %scan3A_21 = arith.constant 0 : i32
    %scan3A_22 = arith.constant 125 : i32
    %scan3A_23 = arith.addi %scan3A_21, %scan3A_22 : i32
    %scan3A_24 = arith.constant 1 : i32
    scf.for %scan3A_142 = %scan3A_21 to %scan3A_23 step %scan3A_24  : i32 {
      "tpu.region"() ({
        %run_scoped3A = tpu.sem_alloc : memref<!tpu.dma_semaphore, #tpu.memory_space<semaphore_mem>>
        %dma_start3A_143 = arith.constant 0 : i32
        %dma_start3A_144 = tpu.memref_slice %arg10[%scan3A_142, %dma_start3A_143] : memref<125x80xi32, #tpu.memory_space<vmem>> -> memref<1x80xi32, #tpu.memory_space<vmem>>
        %dma_start3A_145 = tpu.memref_squeeze %dma_start3A_144 : memref<1x80xi32, #tpu.memory_space<vmem>> -> memref<80xi32, #tpu.memory_space<vmem>>
        %dma_start3A_146 = arith.constant 0 : i32
        %dma_start3A_147 = arith.constant 0 : i32
        %dma_start3A_148 = tpu.memref_slice %arg8[%dma_start3A_146, %dma_start3A_147] : memref<10000x128xf32, #tpu.memory_space<vmem_shared>> -> memref<10000x128xf32, #tpu.memory_space<vmem_shared>>
        tpu.enqueue_indirect_dma source(%arg11 : memref<80x128xf32, #tpu.memory_space<vmem>>) target(%dma_start3A_148 : memref<10000x128xf32, #tpu.memory_space<vmem_shared>>) offsets(%dma_start3A_145 : memref<80xi32, #tpu.memory_space<vmem>>) semaphore(%run_scoped3A : memref<!tpu.dma_semaphore, #tpu.memory_space<semaphore_mem>>) {add = true}
        %dma_wait3A_149 = arith.constant 0 : i32
        %dma_wait3A_150 = tpu.memref_slice %arg10[%scan3A_142, %dma_wait3A_149] : memref<125x80xi32, #tpu.memory_space<vmem>> -> memref<1x80xi32, #tpu.memory_space<vmem>>
        %dma_wait3A_151 = tpu.memref_squeeze %dma_wait3A_150 : memref<1x80xi32, #tpu.memory_space<vmem>> -> memref<80xi32, #tpu.memory_space<vmem>>
        %dma_wait3A_152 = arith.constant 0 : i32
        %dma_wait3A_153 = arith.constant 0 : i32
        %dma_wait3A_154 = tpu.memref_slice %arg8[%dma_wait3A_152, %dma_wait3A_153] : memref<10000x128xf32, #tpu.memory_space<vmem_shared>> -> memref<10000x128xf32, #tpu.memory_space<vmem_shared>>
        tpu.wait_indirect_dma semaphore(%run_scoped3A : memref<!tpu.dma_semaphore, #tpu.memory_space<semaphore_mem>>) src(%arg11 : memref<80x128xf32, #tpu.memory_space<vmem>>) dst(%dma_wait3A_154 : memref<10000x128xf32, #tpu.memory_space<vmem_shared>>)
        tpu.yield
      }) : () -> ()
    }
    %scan3A_25 = arith.constant 125 : i32
    %barrier3A_26 = arith.constant 0 : index
    tpu.barrier barrier_id(%barrier3A_26)
    %add3A_27 = arith.constant 0 : i32
    %add3A_28 = arith.addi %mul3A_2, %add3A_27 : i32
    "tpu.region"() ({
      %run_scoped3A = tpu.sem_alloc : memref<!tpu.dma_semaphore, #tpu.memory_space<semaphore_mem>>
      %dma_start3A_142 = tpu.memref_slice %arg6[%add3A_28] : memref<10000xi32, #tpu.memory_space<hbm>> -> memref<80xi32, #tpu.memory_space<hbm>>
      %dma_start3A_143 = tpu.memref_slice %arg6[%add3A_28] : memref<10000xi32, #tpu.memory_space<hbm>> -> memref<80xi32, #tpu.memory_space<hbm>>
      tpu.enqueue_dma source(%dma_start3A_143 : memref<80xi32, #tpu.memory_space<hbm>>) target(%arg12 : memref<80xi32, #tpu.memory_space<vmem>>) target_semaphore(%run_scoped3A : memref<!tpu.dma_semaphore, #tpu.memory_space<semaphore_mem>>)
      %dma_wait3A_144 = tpu.memref_slice %arg6[%add3A_28] : memref<10000xi32, #tpu.memory_space<hbm>> -> memref<80xi32, #tpu.memory_space<hbm>>
      %dma_wait3A_145 = tpu.memref_slice %arg6[%add3A_28] : memref<10000xi32, #tpu.memory_space<hbm>> -> memref<80xi32, #tpu.memory_space<hbm>>
      tpu.wait_dma2 semaphore(%run_scoped3A : memref<!tpu.dma_semaphore, #tpu.memory_space<semaphore_mem>>) src(%dma_wait3A_145 : memref<80xi32, #tpu.memory_space<hbm>>) dst(%arg12 : memref<80xi32, #tpu.memory_space<vmem>>)
      tpu.yield
    }) : () -> ()
    %dma_start3A = arith.constant 0 : i32
    %dma_start3A_29 = arith.constant 0 : i32
    %dma_start3A_30 = tpu.memref_slice %arg11[%dma_start3A, %dma_start3A_29] : memref<80x128xf32, #tpu.memory_space<vmem>> -> memref<80x128xf32, #tpu.memory_space<vmem>>
    %dma_start3A_31 = arith.constant 0 : i32
    %dma_start3A_32 = arith.constant 0 : i32
    %dma_start3A_33 = tpu.memref_slice %arg8[%dma_start3A_31, %dma_start3A_32] : memref<10000x128xf32, #tpu.memory_space<vmem_shared>> -> memref<10000x128xf32, #tpu.memory_space<vmem_shared>>
    tpu.enqueue_indirect_dma source(%dma_start3A_33 : memref<10000x128xf32, #tpu.memory_space<vmem_shared>>) target(%dma_start3A_30 : memref<80x128xf32, #tpu.memory_space<vmem>>) offsets(%arg12 : memref<80xi32, #tpu.memory_space<vmem>>) semaphore(%arg15 : memref<!tpu.dma_semaphore, #tpu.memory_space<semaphore_mem>>)
    %dma_wait3A = arith.constant 0 : i32
    %dma_wait3A_34 = arith.constant 0 : i32
    %dma_wait3A_35 = tpu.memref_slice %arg11[%dma_wait3A, %dma_wait3A_34] : memref<80x128xf32, #tpu.memory_space<vmem>> -> memref<80x128xf32, #tpu.memory_space<vmem>>
    %dma_wait3A_36 = arith.constant 0 : i32
    %dma_wait3A_37 = arith.constant 0 : i32
    %dma_wait3A_38 = tpu.memref_slice %arg8[%dma_wait3A_36, %dma_wait3A_37] : memref<10000x128xf32, #tpu.memory_space<vmem_shared>> -> memref<10000x128xf32, #tpu.memory_space<vmem_shared>>
    tpu.wait_indirect_dma semaphore(%arg15 : memref<!tpu.dma_semaphore, #tpu.memory_space<semaphore_mem>>) src(%dma_wait3A_38 : memref<10000x128xf32, #tpu.memory_space<vmem_shared>>) dst(%dma_wait3A_35 : memref<80x128xf32, #tpu.memory_space<vmem>>)
    "tpu.region"() ({
      %run_scoped3A = tpu.sem_alloc : memref<!tpu.dma_semaphore, #tpu.memory_space<semaphore_mem>>
      %dma_start3A_142 = arith.constant 0 : i32
      %dma_start3A_143 = arith.constant 0 : i32
      %dma_start3A_144 = tpu.memref_slice %arg11[%dma_start3A_142, %dma_start3A_143] : memref<80x128xf32, #tpu.memory_space<vmem>> -> memref<80x128xf32, #tpu.memory_space<vmem>>
      %dma_start3A_145 = arith.constant 0 : i32
      %dma_start3A_146 = tpu.memref_slice %arg7[%arg0, %add3A_28, %dma_start3A_145] : memref<2x10000x128xf32, #tpu.memory_space<hbm>> -> memref<1x80x128xf32, #tpu.memory_space<hbm>>
      %dma_start3A_147 = tpu.memref_squeeze %dma_start3A_146 : memref<1x80x128xf32, #tpu.memory_space<hbm>> -> memref<80x128xf32, #tpu.memory_space<hbm>>
      %dma_start3A_148 = arith.constant 0 : i32
      %dma_start3A_149 = tpu.memref_slice %arg7[%arg0, %add3A_28, %dma_start3A_148] : memref<2x10000x128xf32, #tpu.memory_space<hbm>> -> memref<1x80x128xf32, #tpu.memory_space<hbm>>
      %dma_start3A_150 = tpu.memref_squeeze %dma_start3A_149 : memref<1x80x128xf32, #tpu.memory_space<hbm>> -> memref<80x128xf32, #tpu.memory_space<hbm>>
      %dma_start3A_151 = arith.constant 0 : i32
      %dma_start3A_152 = arith.constant 0 : i32
      %dma_start3A_153 = tpu.memref_slice %arg11[%dma_start3A_151, %dma_start3A_152] : memref<80x128xf32, #tpu.memory_space<vmem>> -> memref<80x128xf32, #tpu.memory_space<vmem>>
      tpu.enqueue_dma source(%dma_start3A_153 : memref<80x128xf32, #tpu.memory_space<vmem>>) target(%dma_start3A_150 : memref<80x128xf32, #tpu.memory_space<hbm>>) target_semaphore(%run_scoped3A : memref<!tpu.dma_semaphore, #tpu.memory_space<semaphore_mem>>)
      %dma_wait3A_154 = arith.constant 0 : i32
      %dma_wait3A_155 = arith.constant 0 : i32
      %dma_wait3A_156 = tpu.memref_slice %arg11[%dma_wait3A_154, %dma_wait3A_155] : memref<80x128xf32, #tpu.memory_space<vmem>> -> memref<80x128xf32, #tpu.memory_space<vmem>>
      %dma_wait3A_157 = arith.constant 0 : i32
      %dma_wait3A_158 = tpu.memref_slice %arg7[%arg0, %add3A_28, %dma_wait3A_157] : memref<2x10000x128xf32, #tpu.memory_space<hbm>> -> memref<1x80x128xf32, #tpu.memory_space<hbm>>
      %dma_wait3A_159 = tpu.memref_squeeze %dma_wait3A_158 : memref<1x80x128xf32, #tpu.memory_space<hbm>> -> memref<80x128xf32, #tpu.memory_space<hbm>>
      %dma_wait3A_160 = arith.constant 0 : i32
      %dma_wait3A_161 = tpu.memref_slice %arg7[%arg0, %add3A_28, %dma_wait3A_160] : memref<2x10000x128xf32, #tpu.memory_space<hbm>> -> memref<1x80x128xf32, #tpu.memory_space<hbm>>
      %dma_wait3A_162 = tpu.memref_squeeze %dma_wait3A_161 : memref<1x80x128xf32, #tpu.memory_space<hbm>> -> memref<80x128xf32, #tpu.memory_space<hbm>>
      %dma_wait3A_163 = arith.constant 0 : i32
      %dma_wait3A_164 = arith.constant 0 : i32
      %dma_wait3A_165 = tpu.memref_slice %arg11[%dma_wait3A_163, %dma_wait3A_164] : memref<80x128xf32, #tpu.memory_space<vmem>> -> memref<80x128xf32, #tpu.memory_space<vmem>>
      tpu.wait_dma2 semaphore(%run_scoped3A : memref<!tpu.dma_semaphore, #tpu.memory_space<semaphore_mem>>) src(%dma_wait3A_165 : memref<80x128xf32, #tpu.memory_space<vmem>>) dst(%dma_wait3A_162 : memref<80x128xf32, #tpu.memory_space<hbm>>)
      tpu.yield
    }) : () -> ()
    %add3A_39 = arith.constant 80 : i32
    %add3A_40 = arith.addi %mul3A_2, %add3A_39 : i32
    "tpu.region"() ({
      %run_scoped3A = tpu.sem_alloc : memref<!tpu.dma_semaphore, #tpu.memory_space<semaphore_mem>>
      %dma_start3A_142 = tpu.memref_slice %arg6[%add3A_40] : memref<10000xi32, #tpu.memory_space<hbm>> -> memref<80xi32, #tpu.memory_space<hbm>>
      %dma_start3A_143 = tpu.memref_slice %arg6[%add3A_40] : memref<10000xi32, #tpu.memory_space<hbm>> -> memref<80xi32, #tpu.memory_space<hbm>>
      tpu.enqueue_dma source(%dma_start3A_143 : memref<80xi32, #tpu.memory_space<hbm>>) target(%arg12 : memref<80xi32, #tpu.memory_space<vmem>>) target_semaphore(%run_scoped3A : memref<!tpu.dma_semaphore, #tpu.memory_space<semaphore_mem>>)
      %dma_wait3A_144 = tpu.memref_slice %arg6[%add3A_40] : memref<10000xi32, #tpu.memory_space<hbm>> -> memref<80xi32, #tpu.memory_space<hbm>>
      %dma_wait3A_145 = tpu.memref_slice %arg6[%add3A_40] : memref<10000xi32, #tpu.memory_space<hbm>> -> memref<80xi32, #tpu.memory_space<hbm>>
      tpu.wait_dma2 semaphore(%run_scoped3A : memref<!tpu.dma_semaphore, #tpu.memory_space<semaphore_mem>>) src(%dma_wait3A_145 : memref<80xi32, #tpu.memory_space<hbm>>) dst(%arg12 : memref<80xi32, #tpu.memory_space<vmem>>)
      tpu.yield
    }) : () -> ()
    %dma_start3A_41 = arith.constant 0 : i32
    %dma_start3A_42 = arith.constant 0 : i32
    %dma_start3A_43 = tpu.memref_slice %arg11[%dma_start3A_41, %dma_start3A_42] : memref<80x128xf32, #tpu.memory_space<vmem>> -> memref<80x128xf32, #tpu.memory_space<vmem>>
    %dma_start3A_44 = arith.constant 0 : i32
    %dma_start3A_45 = arith.constant 0 : i32
    %dma_start3A_46 = tpu.memref_slice %arg8[%dma_start3A_44, %dma_start3A_45] : memref<10000x128xf32, #tpu.memory_space<vmem_shared>> -> memref<10000x128xf32, #tpu.memory_space<vmem_shared>>
    tpu.enqueue_indirect_dma source(%dma_start3A_46 : memref<10000x128xf32, #tpu.memory_space<vmem_shared>>) target(%dma_start3A_43 : memref<80x128xf32, #tpu.memory_space<vmem>>) offsets(%arg12 : memref<80xi32, #tpu.memory_space<vmem>>) semaphore(%arg15 : memref<!tpu.dma_semaphore, #tpu.memory_space<semaphore_mem>>)
    %dma_wait3A_47 = arith.constant 0 : i32
    %dma_wait3A_48 = arith.constant 0 : i32
    %dma_wait3A_49 = tpu.memref_slice %arg11[%dma_wait3A_47, %dma_wait3A_48] : memref<80x128xf32, #tpu.memory_space<vmem>> -> memref<80x128xf32, #tpu.memory_space<vmem>>
    %dma_wait3A_50 = arith.constant 0 : i32
    %dma_wait3A_51 = arith.constant 0 : i32
    %dma_wait3A_52 = tpu.memref_slice %arg8[%dma_wait3A_50, %dma_wait3A_51] : memref<10000x128xf32, #tpu.memory_space<vmem_shared>> -> memref<10000x128xf32, #tpu.memory_space<vmem_shared>>
    tpu.wait_indirect_dma semaphore(%arg15 : memref<!tpu.dma_semaphore, #tpu.memory_space<semaphore_mem>>) src(%dma_wait3A_52 : memref<10000x128xf32, #tpu.memory_space<vmem_shared>>) dst(%dma_wait3A_49 : memref<80x128xf32, #tpu.memory_space<vmem>>)
    "tpu.region"() ({
      %run_scoped3A = tpu.sem_alloc : memref<!tpu.dma_semaphore, #tpu.memory_space<semaphore_mem>>
      %dma_start3A_142 = arith.constant 0 : i32
      %dma_start3A_143 = arith.constant 0 : i32
      %dma_start3A_144 = tpu.memref_slice %arg11[%dma_start3A_142, %dma_start3A_143] : memref<80x128xf32, #tpu.memory_space<vmem>> -> memref<80x128xf32, #tpu.memory_space<vmem>>
      %dma_start3A_145 = arith.constant 0 : i32
      %dma_start3A_146 = tpu.memref_slice %arg7[%arg0, %add3A_40, %dma_start3A_145] : memref<2x10000x128xf32, #tpu.memory_space<hbm>> -> memref<1x80x128xf32, #tpu.memory_space<hbm>>
      %dma_start3A_147 = tpu.memref_squeeze %dma_start3A_146 : memref<1x80x128xf32, #tpu.memory_space<hbm>> -> memref<80x128xf32, #tpu.memory_space<hbm>>
      %dma_start3A_148 = arith.constant 0 : i32
      %dma_start3A_149 = tpu.memref_slice %arg7[%arg0, %add3A_40, %dma_start3A_148] : memref<2x10000x128xf32, #tpu.memory_space<hbm>> -> memref<1x80x128xf32, #tpu.memory_space<hbm>>
      %dma_start3A_150 = tpu.memref_squeeze %dma_start3A_149 : memref<1x80x128xf32, #tpu.memory_space<hbm>> -> memref<80x128xf32, #tpu.memory_space<hbm>>
      %dma_start3A_151 = arith.constant 0 : i32
      %dma_start3A_152 = arith.constant 0 : i32
      %dma_start3A_153 = tpu.memref_slice %arg11[%dma_start3A_151, %dma_start3A_152] : memref<80x128xf32, #tpu.memory_space<vmem>> -> memref<80x128xf32, #tpu.memory_space<vmem>>
      tpu.enqueue_dma source(%dma_start3A_153 : memref<80x128xf32, #tpu.memory_space<vmem>>) target(%dma_start3A_150 : memref<80x128xf32, #tpu.memory_space<hbm>>) target_semaphore(%run_scoped3A : memref<!tpu.dma_semaphore, #tpu.memory_space<semaphore_mem>>)
      %dma_wait3A_154 = arith.constant 0 : i32
      %dma_wait3A_155 = arith.constant 0 : i32
      %dma_wait3A_156 = tpu.memref_slice %arg11[%dma_wait3A_154, %dma_wait3A_155] : memref<80x128xf32, #tpu.memory_space<vmem>> -> memref<80x128xf32, #tpu.memory_space<vmem>>
      %dma_wait3A_157 = arith.constant 0 : i32
      %dma_wait3A_158 = tpu.memref_slice %arg7[%arg0, %add3A_40, %dma_wait3A_157] : memref<2x10000x128xf32, #tpu.memory_space<hbm>> -> memref<1x80x128xf32, #tpu.memory_space<hbm>>
      %dma_wait3A_159 = tpu.memref_squeeze %dma_wait3A_158 : memref<1x80x128xf32, #tpu.memory_space<hbm>> -> memref<80x128xf32, #tpu.memory_space<hbm>>
      %dma_wait3A_160 = arith.constant 0 : i32
      %dma_wait3A_161 = tpu.memref_slice %arg7[%arg0, %add3A_40, %dma_wait3A_160] : memref<2x10000x128xf32, #tpu.memory_space<hbm>> -> memref<1x80x128xf32, #tpu.memory_space<hbm>>
      %dma_wait3A_162 = tpu.memref_squeeze %dma_wait3A_161 : memref<1x80x128xf32, #tpu.memory_space<hbm>> -> memref<80x128xf32, #tpu.memory_space<hbm>>
      %dma_wait3A_163 = arith.constant 0 : i32
      %dma_wait3A_164 = arith.constant 0 : i32
      %dma_wait3A_165 = tpu.memref_slice %arg11[%dma_wait3A_163, %dma_wait3A_164] : memref<80x128xf32, #tpu.memory_space<vmem>> -> memref<80x128xf32, #tpu.memory_space<vmem>>
      tpu.wait_dma2 semaphore(%run_scoped3A : memref<!tpu.dma_semaphore, #tpu.memory_space<semaphore_mem>>) src(%dma_wait3A_165 : memref<80x128xf32, #tpu.memory_space<vmem>>) dst(%dma_wait3A_162 : memref<80x128xf32, #tpu.memory_space<hbm>>)
      tpu.yield
    }) : () -> ()
    %add3A_53 = arith.constant 160 : i32
    %add3A_54 = arith.addi %mul3A_2, %add3A_53 : i32
    "tpu.region"() ({
      %run_scoped3A = tpu.sem_alloc : memref<!tpu.dma_semaphore, #tpu.memory_space<semaphore_mem>>
      %dma_start3A_142 = tpu.memref_slice %arg6[%add3A_54] : memref<10000xi32, #tpu.memory_space<hbm>> -> memref<80xi32, #tpu.memory_space<hbm>>
      %dma_start3A_143 = tpu.memref_slice %arg6[%add3A_54] : memref<10000xi32, #tpu.memory_space<hbm>> -> memref<80xi32, #tpu.memory_space<hbm>>
      tpu.enqueue_dma source(%dma_start3A_143 : memref<80xi32, #tpu.memory_space<hbm>>) target(%arg12 : memref<80xi32, #tpu.memory_space<vmem>>) target_semaphore(%run_scoped3A : memref<!tpu.dma_semaphore, #tpu.memory_space<semaphore_mem>>)
      %dma_wait3A_144 = tpu.memref_slice %arg6[%add3A_54] : memref<10000xi32, #tpu.memory_space<hbm>> -> memref<80xi32, #tpu.memory_space<hbm>>
      %dma_wait3A_145 = tpu.memref_slice %arg6[%add3A_54] : memref<10000xi32, #tpu.memory_space<hbm>> -> memref<80xi32, #tpu.memory_space<hbm>>
      tpu.wait_dma2 semaphore(%run_scoped3A : memref<!tpu.dma_semaphore, #tpu.memory_space<semaphore_mem>>) src(%dma_wait3A_145 : memref<80xi32, #tpu.memory_space<hbm>>) dst(%arg12 : memref<80xi32, #tpu.memory_space<vmem>>)
      tpu.yield
    }) : () -> ()
    %dma_start3A_55 = arith.constant 0 : i32
    %dma_start3A_56 = arith.constant 0 : i32
    %dma_start3A_57 = tpu.memref_slice %arg11[%dma_start3A_55, %dma_start3A_56] : memref<80x128xf32, #tpu.memory_space<vmem>> -> memref<80x128xf32, #tpu.memory_space<vmem>>
    %dma_start3A_58 = arith.constant 0 : i32
    %dma_start3A_59 = arith.constant 0 : i32
    %dma_start3A_60 = tpu.memref_slice %arg8[%dma_start3A_58, %dma_start3A_59] : memref<10000x128xf32, #tpu.memory_space<vmem_shared>> -> memref<10000x128xf32, #tpu.memory_space<vmem_shared>>
    tpu.enqueue_indirect_dma source(%dma_start3A_60 : memref<10000x128xf32, #tpu.memory_space<vmem_shared>>) target(%dma_start3A_57 : memref<80x128xf32, #tpu.memory_space<vmem>>) offsets(%arg12 : memref<80xi32, #tpu.memory_space<vmem>>) semaphore(%arg15 : memref<!tpu.dma_semaphore, #tpu.memory_space<semaphore_mem>>)
    %dma_wait3A_61 = arith.constant 0 : i32
    %dma_wait3A_62 = arith.constant 0 : i32
    %dma_wait3A_63 = tpu.memref_slice %arg11[%dma_wait3A_61, %dma_wait3A_62] : memref<80x128xf32, #tpu.memory_space<vmem>> -> memref<80x128xf32, #tpu.memory_space<vmem>>
    %dma_wait3A_64 = arith.constant 0 : i32
    %dma_wait3A_65 = arith.constant 0 : i32
    %dma_wait3A_66 = tpu.memref_slice %arg8[%dma_wait3A_64, %dma_wait3A_65] : memref<10000x128xf32, #tpu.memory_space<vmem_shared>> -> memref<10000x128xf32, #tpu.memory_space<vmem_shared>>
    tpu.wait_indirect_dma semaphore(%arg15 : memref<!tpu.dma_semaphore, #tpu.memory_space<semaphore_mem>>) src(%dma_wait3A_66 : memref<10000x128xf32, #tpu.memory_space<vmem_shared>>) dst(%dma_wait3A_63 : memref<80x128xf32, #tpu.memory_space<vmem>>)
    "tpu.region"() ({
      %run_scoped3A = tpu.sem_alloc : memref<!tpu.dma_semaphore, #tpu.memory_space<semaphore_mem>>
      %dma_start3A_142 = arith.constant 0 : i32
      %dma_start3A_143 = arith.constant 0 : i32
      %dma_start3A_144 = tpu.memref_slice %arg11[%dma_start3A_142, %dma_start3A_143] : memref<80x128xf32, #tpu.memory_space<vmem>> -> memref<80x128xf32, #tpu.memory_space<vmem>>
      %dma_start3A_145 = arith.constant 0 : i32
      %dma_start3A_146 = tpu.memref_slice %arg7[%arg0, %add3A_54, %dma_start3A_145] : memref<2x10000x128xf32, #tpu.memory_space<hbm>> -> memref<1x80x128xf32, #tpu.memory_space<hbm>>
      %dma_start3A_147 = tpu.memref_squeeze %dma_start3A_146 : memref<1x80x128xf32, #tpu.memory_space<hbm>> -> memref<80x128xf32, #tpu.memory_space<hbm>>
      %dma_start3A_148 = arith.constant 0 : i32
      %dma_start3A_149 = tpu.memref_slice %arg7[%arg0, %add3A_54, %dma_start3A_148] : memref<2x10000x128xf32, #tpu.memory_space<hbm>> -> memref<1x80x128xf32, #tpu.memory_space<hbm>>
      %dma_start3A_150 = tpu.memref_squeeze %dma_start3A_149 : memref<1x80x128xf32, #tpu.memory_space<hbm>> -> memref<80x128xf32, #tpu.memory_space<hbm>>
      %dma_start3A_151 = arith.constant 0 : i32
      %dma_start3A_152 = arith.constant 0 : i32
      %dma_start3A_153 = tpu.memref_slice %arg11[%dma_start3A_151, %dma_start3A_152] : memref<80x128xf32, #tpu.memory_space<vmem>> -> memref<80x128xf32, #tpu.memory_space<vmem>>
      tpu.enqueue_dma source(%dma_start3A_153 : memref<80x128xf32, #tpu.memory_space<vmem>>) target(%dma_start3A_150 : memref<80x128xf32, #tpu.memory_space<hbm>>) target_semaphore(%run_scoped3A : memref<!tpu.dma_semaphore, #tpu.memory_space<semaphore_mem>>)
      %dma_wait3A_154 = arith.constant 0 : i32
      %dma_wait3A_155 = arith.constant 0 : i32
      %dma_wait3A_156 = tpu.memref_slice %arg11[%dma_wait3A_154, %dma_wait3A_155] : memref<80x128xf32, #tpu.memory_space<vmem>> -> memref<80x128xf32, #tpu.memory_space<vmem>>
      %dma_wait3A_157 = arith.constant 0 : i32
      %dma_wait3A_158 = tpu.memref_slice %arg7[%arg0, %add3A_54, %dma_wait3A_157] : memref<2x10000x128xf32, #tpu.memory_space<hbm>> -> memref<1x80x128xf32, #tpu.memory_space<hbm>>
      %dma_wait3A_159 = tpu.memref_squeeze %dma_wait3A_158 : memref<1x80x128xf32, #tpu.memory_space<hbm>> -> memref<80x128xf32, #tpu.memory_space<hbm>>
      %dma_wait3A_160 = arith.constant 0 : i32
      %dma_wait3A_161 = tpu.memref_slice %arg7[%arg0, %add3A_54, %dma_wait3A_160] : memref<2x10000x128xf32, #tpu.memory_space<hbm>> -> memref<1x80x128xf32, #tpu.memory_space<hbm>>
      %dma_wait3A_162 = tpu.memref_squeeze %dma_wait3A_161 : memref<1x80x128xf32, #tpu.memory_space<hbm>> -> memref<80x128xf32, #tpu.memory_space<hbm>>
      %dma_wait3A_163 = arith.constant 0 : i32
      %dma_wait3A_164 = arith.constant 0 : i32
      %dma_wait3A_165 = tpu.memref_slice %arg11[%dma_wait3A_163, %dma_wait3A_164] : memref<80x128xf32, #tpu.memory_space<vmem>> -> memref<80x128xf32, #tpu.memory_space<vmem>>
      tpu.wait_dma2 semaphore(%run_scoped3A : memref<!tpu.dma_semaphore, #tpu.memory_space<semaphore_mem>>) src(%dma_wait3A_165 : memref<80x128xf32, #tpu.memory_space<vmem>>) dst(%dma_wait3A_162 : memref<80x128xf32, #tpu.memory_space<hbm>>)
      tpu.yield
    }) : () -> ()
    %add3A_67 = arith.constant 240 : i32
    %add3A_68 = arith.addi %mul3A_2, %add3A_67 : i32
    "tpu.region"() ({
      %run_scoped3A = tpu.sem_alloc : memref<!tpu.dma_semaphore, #tpu.memory_space<semaphore_mem>>
      %dma_start3A_142 = tpu.memref_slice %arg6[%add3A_68] : memref<10000xi32, #tpu.memory_space<hbm>> -> memref<80xi32, #tpu.memory_space<hbm>>
      %dma_start3A_143 = tpu.memref_slice %arg6[%add3A_68] : memref<10000xi32, #tpu.memory_space<hbm>> -> memref<80xi32, #tpu.memory_space<hbm>>
      tpu.enqueue_dma source(%dma_start3A_143 : memref<80xi32, #tpu.memory_space<hbm>>) target(%arg12 : memref<80xi32, #tpu.memory_space<vmem>>) target_semaphore(%run_scoped3A : memref<!tpu.dma_semaphore, #tpu.memory_space<semaphore_mem>>)
      %dma_wait3A_144 = tpu.memref_slice %arg6[%add3A_68] : memref<10000xi32, #tpu.memory_space<hbm>> -> memref<80xi32, #tpu.memory_space<hbm>>
      %dma_wait3A_145 = tpu.memref_slice %arg6[%add3A_68] : memref<10000xi32, #tpu.memory_space<hbm>> -> memref<80xi32, #tpu.memory_space<hbm>>
      tpu.wait_dma2 semaphore(%run_scoped3A : memref<!tpu.dma_semaphore, #tpu.memory_space<semaphore_mem>>) src(%dma_wait3A_145 : memref<80xi32, #tpu.memory_space<hbm>>) dst(%arg12 : memref<80xi32, #tpu.memory_space<vmem>>)
      tpu.yield
    }) : () -> ()
    %dma_start3A_69 = arith.constant 0 : i32
    %dma_start3A_70 = arith.constant 0 : i32
    %dma_start3A_71 = tpu.memref_slice %arg11[%dma_start3A_69, %dma_start3A_70] : memref<80x128xf32, #tpu.memory_space<vmem>> -> memref<80x128xf32, #tpu.memory_space<vmem>>
    %dma_start3A_72 = arith.constant 0 : i32
    %dma_start3A_73 = arith.constant 0 : i32
    %dma_start3A_74 = tpu.memref_slice %arg8[%dma_start3A_72, %dma_start3A_73] : memref<10000x128xf32, #tpu.memory_space<vmem_shared>> -> memref<10000x128xf32, #tpu.memory_space<vmem_shared>>
    tpu.enqueue_indirect_dma source(%dma_start3A_74 : memref<10000x128xf32, #tpu.memory_space<vmem_shared>>) target(%dma_start3A_71 : memref<80x128xf32, #tpu.memory_space<vmem>>) offsets(%arg12 : memref<80xi32, #tpu.memory_space<vmem>>) semaphore(%arg15 : memref<!tpu.dma_semaphore, #tpu.memory_space<semaphore_mem>>)
    %dma_wait3A_75 = arith.constant 0 : i32
    %dma_wait3A_76 = arith.constant 0 : i32
    %dma_wait3A_77 = tpu.memref_slice %arg11[%dma_wait3A_75, %dma_wait3A_76] : memref<80x128xf32, #tpu.memory_space<vmem>> -> memref<80x128xf32, #tpu.memory_space<vmem>>
    %dma_wait3A_78 = arith.constant 0 : i32
    %dma_wait3A_79 = arith.constant 0 : i32
    %dma_wait3A_80 = tpu.memref_slice %arg8[%dma_wait3A_78, %dma_wait3A_79] : memref<10000x128xf32, #tpu.memory_space<vmem_shared>> -> memref<10000x128xf32, #tpu.memory_space<vmem_shared>>
    tpu.wait_indirect_dma semaphore(%arg15 : memref<!tpu.dma_semaphore, #tpu.memory_space<semaphore_mem>>) src(%dma_wait3A_80 : memref<10000x128xf32, #tpu.memory_space<vmem_shared>>) dst(%dma_wait3A_77 : memref<80x128xf32, #tpu.memory_space<vmem>>)
    "tpu.region"() ({
      %run_scoped3A = tpu.sem_alloc : memref<!tpu.dma_semaphore, #tpu.memory_space<semaphore_mem>>
      %dma_start3A_142 = arith.constant 0 : i32
      %dma_start3A_143 = arith.constant 0 : i32
      %dma_start3A_144 = tpu.memref_slice %arg11[%dma_start3A_142, %dma_start3A_143] : memref<80x128xf32, #tpu.memory_space<vmem>> -> memref<80x128xf32, #tpu.memory_space<vmem>>
      %dma_start3A_145 = arith.constant 0 : i32
      %dma_start3A_146 = tpu.memref_slice %arg7[%arg0, %add3A_68, %dma_start3A_145] : memref<2x10000x128xf32, #tpu.memory_space<hbm>> -> memref<1x80x128xf32, #tpu.memory_space<hbm>>
      %dma_start3A_147 = tpu.memref_squeeze %dma_start3A_146 : memref<1x80x128xf32, #tpu.memory_space<hbm>> -> memref<80x128xf32, #tpu.memory_space<hbm>>
      %dma_start3A_148 = arith.constant 0 : i32
      %dma_start3A_149 = tpu.memref_slice %arg7[%arg0, %add3A_68, %dma_start3A_148] : memref<2x10000x128xf32, #tpu.memory_space<hbm>> -> memref<1x80x128xf32, #tpu.memory_space<hbm>>
      %dma_start3A_150 = tpu.memref_squeeze %dma_start3A_149 : memref<1x80x128xf32, #tpu.memory_space<hbm>> -> memref<80x128xf32, #tpu.memory_space<hbm>>
      %dma_start3A_151 = arith.constant 0 : i32
      %dma_start3A_152 = arith.constant 0 : i32
      %dma_start3A_153 = tpu.memref_slice %arg11[%dma_start3A_151, %dma_start3A_152] : memref<80x128xf32, #tpu.memory_space<vmem>> -> memref<80x128xf32, #tpu.memory_space<vmem>>
      tpu.enqueue_dma source(%dma_start3A_153 : memref<80x128xf32, #tpu.memory_space<vmem>>) target(%dma_start3A_150 : memref<80x128xf32, #tpu.memory_space<hbm>>) target_semaphore(%run_scoped3A : memref<!tpu.dma_semaphore, #tpu.memory_space<semaphore_mem>>)
      %dma_wait3A_154 = arith.constant 0 : i32
      %dma_wait3A_155 = arith.constant 0 : i32
      %dma_wait3A_156 = tpu.memref_slice %arg11[%dma_wait3A_154, %dma_wait3A_155] : memref<80x128xf32, #tpu.memory_space<vmem>> -> memref<80x128xf32, #tpu.memory_space<vmem>>
      %dma_wait3A_157 = arith.constant 0 : i32
      %dma_wait3A_158 = tpu.memref_slice %arg7[%arg0, %add3A_68, %dma_wait3A_157] : memref<2x10000x128xf32, #tpu.memory_space<hbm>> -> memref<1x80x128xf32, #tpu.memory_space<hbm>>
      %dma_wait3A_159 = tpu.memref_squeeze %dma_wait3A_158 : memref<1x80x128xf32, #tpu.memory_space<hbm>> -> memref<80x128xf32, #tpu.memory_space<hbm>>
      %dma_wait3A_160 = arith.constant 0 : i32
      %dma_wait3A_161 = tpu.memref_slice %arg7[%arg0, %add3A_68, %dma_wait3A_160] : memref<2x10000x128xf32, #tpu.memory_space<hbm>> -> memref<1x80x128xf32, #tpu.memory_space<hbm>>
      %dma_wait3A_162 = tpu.memref_squeeze %dma_wait3A_161 : memref<1x80x128xf32, #tpu.memory_space<hbm>> -> memref<80x128xf32, #tpu.memory_space<hbm>>
      %dma_wait3A_163 = arith.constant 0 : i32
      %dma_wait3A_164 = arith.constant 0 : i32
      %dma_wait3A_165 = tpu.memref_slice %arg11[%dma_wait3A_163, %dma_wait3A_164] : memref<80x128xf32, #tpu.memory_space<vmem>> -> memref<80x128xf32, #tpu.memory_space<vmem>>
      tpu.wait_dma2 semaphore(%run_scoped3A : memref<!tpu.dma_semaphore, #tpu.memory_space<semaphore_mem>>) src(%dma_wait3A_165 : memref<80x128xf32, #tpu.memory_space<vmem>>) dst(%dma_wait3A_162 : memref<80x128xf32, #tpu.memory_space<hbm>>)
      tpu.yield
    }) : () -> ()
    %add3A_81 = arith.constant 320 : i32
    %add3A_82 = arith.addi %mul3A_2, %add3A_81 : i32
    "tpu.region"() ({
      %run_scoped3A = tpu.sem_alloc : memref<!tpu.dma_semaphore, #tpu.memory_space<semaphore_mem>>
      %dma_start3A_142 = tpu.memref_slice %arg6[%add3A_82] : memref<10000xi32, #tpu.memory_space<hbm>> -> memref<80xi32, #tpu.memory_space<hbm>>
      %dma_start3A_143 = tpu.memref_slice %arg6[%add3A_82] : memref<10000xi32, #tpu.memory_space<hbm>> -> memref<80xi32, #tpu.memory_space<hbm>>
      tpu.enqueue_dma source(%dma_start3A_143 : memref<80xi32, #tpu.memory_space<hbm>>) target(%arg12 : memref<80xi32, #tpu.memory_space<vmem>>) target_semaphore(%run_scoped3A : memref<!tpu.dma_semaphore, #tpu.memory_space<semaphore_mem>>)
      %dma_wait3A_144 = tpu.memref_slice %arg6[%add3A_82] : memref<10000xi32, #tpu.memory_space<hbm>> -> memref<80xi32, #tpu.memory_space<hbm>>
      %dma_wait3A_145 = tpu.memref_slice %arg6[%add3A_82] : memref<10000xi32, #tpu.memory_space<hbm>> -> memref<80xi32, #tpu.memory_space<hbm>>
      tpu.wait_dma2 semaphore(%run_scoped3A : memref<!tpu.dma_semaphore, #tpu.memory_space<semaphore_mem>>) src(%dma_wait3A_145 : memref<80xi32, #tpu.memory_space<hbm>>) dst(%arg12 : memref<80xi32, #tpu.memory_space<vmem>>)
      tpu.yield
    }) : () -> ()
    %dma_start3A_83 = arith.constant 0 : i32
    %dma_start3A_84 = arith.constant 0 : i32
    %dma_start3A_85 = tpu.memref_slice %arg11[%dma_start3A_83, %dma_start3A_84] : memref<80x128xf32, #tpu.memory_space<vmem>> -> memref<80x128xf32, #tpu.memory_space<vmem>>
    %dma_start3A_86 = arith.constant 0 : i32
    %dma_start3A_87 = arith.constant 0 : i32
    %dma_start3A_88 = tpu.memref_slice %arg8[%dma_start3A_86, %dma_start3A_87] : memref<10000x128xf32, #tpu.memory_space<vmem_shared>> -> memref<10000x128xf32, #tpu.memory_space<vmem_shared>>
    tpu.enqueue_indirect_dma source(%dma_start3A_88 : memref<10000x128xf32, #tpu.memory_space<vmem_shared>>) target(%dma_start3A_85 : memref<80x128xf32, #tpu.memory_space<vmem>>) offsets(%arg12 : memref<80xi32, #tpu.memory_space<vmem>>) semaphore(%arg15 : memref<!tpu.dma_semaphore, #tpu.memory_space<semaphore_mem>>)
    %dma_wait3A_89 = arith.constant 0 : i32
    %dma_wait3A_90 = arith.constant 0 : i32
    %dma_wait3A_91 = tpu.memref_slice %arg11[%dma_wait3A_89, %dma_wait3A_90] : memref<80x128xf32, #tpu.memory_space<vmem>> -> memref<80x128xf32, #tpu.memory_space<vmem>>
    %dma_wait3A_92 = arith.constant 0 : i32
    %dma_wait3A_93 = arith.constant 0 : i32
    %dma_wait3A_94 = tpu.memref_slice %arg8[%dma_wait3A_92, %dma_wait3A_93] : memref<10000x128xf32, #tpu.memory_space<vmem_shared>> -> memref<10000x128xf32, #tpu.memory_space<vmem_shared>>
    tpu.wait_indirect_dma semaphore(%arg15 : memref<!tpu.dma_semaphore, #tpu.memory_space<semaphore_mem>>) src(%dma_wait3A_94 : memref<10000x128xf32, #tpu.memory_space<vmem_shared>>) dst(%dma_wait3A_91 : memref<80x128xf32, #tpu.memory_space<vmem>>)
    "tpu.region"() ({
      %run_scoped3A = tpu.sem_alloc : memref<!tpu.dma_semaphore, #tpu.memory_space<semaphore_mem>>
      %dma_start3A_142 = arith.constant 0 : i32
      %dma_start3A_143 = arith.constant 0 : i32
      %dma_start3A_144 = tpu.memref_slice %arg11[%dma_start3A_142, %dma_start3A_143] : memref<80x128xf32, #tpu.memory_space<vmem>> -> memref<80x128xf32, #tpu.memory_space<vmem>>
      %dma_start3A_145 = arith.constant 0 : i32
      %dma_start3A_146 = tpu.memref_slice %arg7[%arg0, %add3A_82, %dma_start3A_145] : memref<2x10000x128xf32, #tpu.memory_space<hbm>> -> memref<1x80x128xf32, #tpu.memory_space<hbm>>
      %dma_start3A_147 = tpu.memref_squeeze %dma_start3A_146 : memref<1x80x128xf32, #tpu.memory_space<hbm>> -> memref<80x128xf32, #tpu.memory_space<hbm>>
      %dma_start3A_148 = arith.constant 0 : i32
      %dma_start3A_149 = tpu.memref_slice %arg7[%arg0, %add3A_82, %dma_start3A_148] : memref<2x10000x128xf32, #tpu.memory_space<hbm>> -> memref<1x80x128xf32, #tpu.memory_space<hbm>>
      %dma_start3A_150 = tpu.memref_squeeze %dma_start3A_149 : memref<1x80x128xf32, #tpu.memory_space<hbm>> -> memref<80x128xf32, #tpu.memory_space<hbm>>
      %dma_start3A_151 = arith.constant 0 : i32
      %dma_start3A_152 = arith.constant 0 : i32
      %dma_start3A_153 = tpu.memref_slice %arg11[%dma_start3A_151, %dma_start3A_152] : memref<80x128xf32, #tpu.memory_space<vmem>> -> memref<80x128xf32, #tpu.memory_space<vmem>>
      tpu.enqueue_dma source(%dma_start3A_153 : memref<80x128xf32, #tpu.memory_space<vmem>>) target(%dma_start3A_150 : memref<80x128xf32, #tpu.memory_space<hbm>>) target_semaphore(%run_scoped3A : memref<!tpu.dma_semaphore, #tpu.memory_space<semaphore_mem>>)
      %dma_wait3A_154 = arith.constant 0 : i32
      %dma_wait3A_155 = arith.constant 0 : i32
      %dma_wait3A_156 = tpu.memref_slice %arg11[%dma_wait3A_154, %dma_wait3A_155] : memref<80x128xf32, #tpu.memory_space<vmem>> -> memref<80x128xf32, #tpu.memory_space<vmem>>
      %dma_wait3A_157 = arith.constant 0 : i32
      %dma_wait3A_158 = tpu.memref_slice %arg7[%arg0, %add3A_82, %dma_wait3A_157] : memref<2x10000x128xf32, #tpu.memory_space<hbm>> -> memref<1x80x128xf32, #tpu.memory_space<hbm>>
      %dma_wait3A_159 = tpu.memref_squeeze %dma_wait3A_158 : memref<1x80x128xf32, #tpu.memory_space<hbm>> -> memref<80x128xf32, #tpu.memory_space<hbm>>
      %dma_wait3A_160 = arith.constant 0 : i32
      %dma_wait3A_161 = tpu.memref_slice %arg7[%arg0, %add3A_82, %dma_wait3A_160] : memref<2x10000x128xf32, #tpu.memory_space<hbm>> -> memref<1x80x128xf32, #tpu.memory_space<hbm>>
      %dma_wait3A_162 = tpu.memref_squeeze %dma_wait3A_161 : memref<1x80x128xf32, #tpu.memory_space<hbm>> -> memref<80x128xf32, #tpu.memory_space<hbm>>
      %dma_wait3A_163 = arith.constant 0 : i32
      %dma_wait3A_164 = arith.constant 0 : i32
      %dma_wait3A_165 = tpu.memref_slice %arg11[%dma_wait3A_163, %dma_wait3A_164] : memref<80x128xf32, #tpu.memory_space<vmem>> -> memref<80x128xf32, #tpu.memory_space<vmem>>
      tpu.wait_dma2 semaphore(%run_scoped3A : memref<!tpu.dma_semaphore, #tpu.memory_space<semaphore_mem>>) src(%dma_wait3A_165 : memref<80x128xf32, #tpu.memory_space<vmem>>) dst(%dma_wait3A_162 : memref<80x128xf32, #tpu.memory_space<hbm>>)
      tpu.yield
    }) : () -> ()
    %add3A_95 = arith.constant 400 : i32
    %add3A_96 = arith.addi %mul3A_2, %add3A_95 : i32
    "tpu.region"() ({
      %run_scoped3A = tpu.sem_alloc : memref<!tpu.dma_semaphore, #tpu.memory_space<semaphore_mem>>
      %dma_start3A_142 = tpu.memref_slice %arg6[%add3A_96] : memref<10000xi32, #tpu.memory_space<hbm>> -> memref<80xi32, #tpu.memory_space<hbm>>
      %dma_start3A_143 = tpu.memref_slice %arg6[%add3A_96] : memref<10000xi32, #tpu.memory_space<hbm>> -> memref<80xi32, #tpu.memory_space<hbm>>
      tpu.enqueue_dma source(%dma_start3A_143 : memref<80xi32, #tpu.memory_space<hbm>>) target(%arg12 : memref<80xi32, #tpu.memory_space<vmem>>) target_semaphore(%run_scoped3A : memref<!tpu.dma_semaphore, #tpu.memory_space<semaphore_mem>>)
      %dma_wait3A_144 = tpu.memref_slice %arg6[%add3A_96] : memref<10000xi32, #tpu.memory_space<hbm>> -> memref<80xi32, #tpu.memory_space<hbm>>
      %dma_wait3A_145 = tpu.memref_slice %arg6[%add3A_96] : memref<10000xi32, #tpu.memory_space<hbm>> -> memref<80xi32, #tpu.memory_space<hbm>>
      tpu.wait_dma2 semaphore(%run_scoped3A : memref<!tpu.dma_semaphore, #tpu.memory_space<semaphore_mem>>) src(%dma_wait3A_145 : memref<80xi32, #tpu.memory_space<hbm>>) dst(%arg12 : memref<80xi32, #tpu.memory_space<vmem>>)
      tpu.yield
    }) : () -> ()
    %dma_start3A_97 = arith.constant 0 : i32
    %dma_start3A_98 = arith.constant 0 : i32
    %dma_start3A_99 = tpu.memref_slice %arg11[%dma_start3A_97, %dma_start3A_98] : memref<80x128xf32, #tpu.memory_space<vmem>> -> memref<80x128xf32, #tpu.memory_space<vmem>>
    %dma_start3A_100 = arith.constant 0 : i32
    %dma_start3A_101 = arith.constant 0 : i32
    %dma_start3A_102 = tpu.memref_slice %arg8[%dma_start3A_100, %dma_start3A_101] : memref<10000x128xf32, #tpu.memory_space<vmem_shared>> -> memref<10000x128xf32, #tpu.memory_space<vmem_shared>>
    tpu.enqueue_indirect_dma source(%dma_start3A_102 : memref<10000x128xf32, #tpu.memory_space<vmem_shared>>) target(%dma_start3A_99 : memref<80x128xf32, #tpu.memory_space<vmem>>) offsets(%arg12 : memref<80xi32, #tpu.memory_space<vmem>>) semaphore(%arg15 : memref<!tpu.dma_semaphore, #tpu.memory_space<semaphore_mem>>)
    %dma_wait3A_103 = arith.constant 0 : i32
    %dma_wait3A_104 = arith.constant 0 : i32
    %dma_wait3A_105 = tpu.memref_slice %arg11[%dma_wait3A_103, %dma_wait3A_104] : memref<80x128xf32, #tpu.memory_space<vmem>> -> memref<80x128xf32, #tpu.memory_space<vmem>>
    %dma_wait3A_106 = arith.constant 0 : i32
    %dma_wait3A_107 = arith.constant 0 : i32
    %dma_wait3A_108 = tpu.memref_slice %arg8[%dma_wait3A_106, %dma_wait3A_107] : memref<10000x128xf32, #tpu.memory_space<vmem_shared>> -> memref<10000x128xf32, #tpu.memory_space<vmem_shared>>
    tpu.wait_indirect_dma semaphore(%arg15 : memref<!tpu.dma_semaphore, #tpu.memory_space<semaphore_mem>>) src(%dma_wait3A_108 : memref<10000x128xf32, #tpu.memory_space<vmem_shared>>) dst(%dma_wait3A_105 : memref<80x128xf32, #tpu.memory_space<vmem>>)
    "tpu.region"() ({
      %run_scoped3A = tpu.sem_alloc : memref<!tpu.dma_semaphore, #tpu.memory_space<semaphore_mem>>
      %dma_start3A_142 = arith.constant 0 : i32
      %dma_start3A_143 = arith.constant 0 : i32
      %dma_start3A_144 = tpu.memref_slice %arg11[%dma_start3A_142, %dma_start3A_143] : memref<80x128xf32, #tpu.memory_space<vmem>> -> memref<80x128xf32, #tpu.memory_space<vmem>>
      %dma_start3A_145 = arith.constant 0 : i32
      %dma_start3A_146 = tpu.memref_slice %arg7[%arg0, %add3A_96, %dma_start3A_145] : memref<2x10000x128xf32, #tpu.memory_space<hbm>> -> memref<1x80x128xf32, #tpu.memory_space<hbm>>
      %dma_start3A_147 = tpu.memref_squeeze %dma_start3A_146 : memref<1x80x128xf32, #tpu.memory_space<hbm>> -> memref<80x128xf32, #tpu.memory_space<hbm>>
      %dma_start3A_148 = arith.constant 0 : i32
      %dma_start3A_149 = tpu.memref_slice %arg7[%arg0, %add3A_96, %dma_start3A_148] : memref<2x10000x128xf32, #tpu.memory_space<hbm>> -> memref<1x80x128xf32, #tpu.memory_space<hbm>>
      %dma_start3A_150 = tpu.memref_squeeze %dma_start3A_149 : memref<1x80x128xf32, #tpu.memory_space<hbm>> -> memref<80x128xf32, #tpu.memory_space<hbm>>
      %dma_start3A_151 = arith.constant 0 : i32
      %dma_start3A_152 = arith.constant 0 : i32
      %dma_start3A_153 = tpu.memref_slice %arg11[%dma_start3A_151, %dma_start3A_152] : memref<80x128xf32, #tpu.memory_space<vmem>> -> memref<80x128xf32, #tpu.memory_space<vmem>>
      tpu.enqueue_dma source(%dma_start3A_153 : memref<80x128xf32, #tpu.memory_space<vmem>>) target(%dma_start3A_150 : memref<80x128xf32, #tpu.memory_space<hbm>>) target_semaphore(%run_scoped3A : memref<!tpu.dma_semaphore, #tpu.memory_space<semaphore_mem>>)
      %dma_wait3A_154 = arith.constant 0 : i32
      %dma_wait3A_155 = arith.constant 0 : i32
      %dma_wait3A_156 = tpu.memref_slice %arg11[%dma_wait3A_154, %dma_wait3A_155] : memref<80x128xf32, #tpu.memory_space<vmem>> -> memref<80x128xf32, #tpu.memory_space<vmem>>
      %dma_wait3A_157 = arith.constant 0 : i32
      %dma_wait3A_158 = tpu.memref_slice %arg7[%arg0, %add3A_96, %dma_wait3A_157] : memref<2x10000x128xf32, #tpu.memory_space<hbm>> -> memref<1x80x128xf32, #tpu.memory_space<hbm>>
      %dma_wait3A_159 = tpu.memref_squeeze %dma_wait3A_158 : memref<1x80x128xf32, #tpu.memory_space<hbm>> -> memref<80x128xf32, #tpu.memory_space<hbm>>
      %dma_wait3A_160 = arith.constant 0 : i32
      %dma_wait3A_161 = tpu.memref_slice %arg7[%arg0, %add3A_96, %dma_wait3A_160] : memref<2x10000x128xf32, #tpu.memory_space<hbm>> -> memref<1x80x128xf32, #tpu.memory_space<hbm>>
      %dma_wait3A_162 = tpu.memref_squeeze %dma_wait3A_161 : memref<1x80x128xf32, #tpu.memory_space<hbm>> -> memref<80x128xf32, #tpu.memory_space<hbm>>
      %dma_wait3A_163 = arith.constant 0 : i32
      %dma_wait3A_164 = arith.constant 0 : i32
      %dma_wait3A_165 = tpu.memref_slice %arg11[%dma_wait3A_163, %dma_wait3A_164] : memref<80x128xf32, #tpu.memory_space<vmem>> -> memref<80x128xf32, #tpu.memory_space<vmem>>
      tpu.wait_dma2 semaphore(%run_scoped3A : memref<!tpu.dma_semaphore, #tpu.memory_space<semaphore_mem>>) src(%dma_wait3A_165 : memref<80x128xf32, #tpu.memory_space<vmem>>) dst(%dma_wait3A_162 : memref<80x128xf32, #tpu.memory_space<hbm>>)
      tpu.yield
    }) : () -> ()
    %add3A_109 = arith.constant 480 : i32
    %add3A_110 = arith.addi %mul3A_2, %add3A_109 : i32
    "tpu.region"() ({
      %run_scoped3A = tpu.sem_alloc : memref<!tpu.dma_semaphore, #tpu.memory_space<semaphore_mem>>
      %dma_start3A_142 = tpu.memref_slice %arg6[%add3A_110] : memref<10000xi32, #tpu.memory_space<hbm>> -> memref<80xi32, #tpu.memory_space<hbm>>
      %dma_start3A_143 = tpu.memref_slice %arg6[%add3A_110] : memref<10000xi32, #tpu.memory_space<hbm>> -> memref<80xi32, #tpu.memory_space<hbm>>
      tpu.enqueue_dma source(%dma_start3A_143 : memref<80xi32, #tpu.memory_space<hbm>>) target(%arg12 : memref<80xi32, #tpu.memory_space<vmem>>) target_semaphore(%run_scoped3A : memref<!tpu.dma_semaphore, #tpu.memory_space<semaphore_mem>>)
      %dma_wait3A_144 = tpu.memref_slice %arg6[%add3A_110] : memref<10000xi32, #tpu.memory_space<hbm>> -> memref<80xi32, #tpu.memory_space<hbm>>
      %dma_wait3A_145 = tpu.memref_slice %arg6[%add3A_110] : memref<10000xi32, #tpu.memory_space<hbm>> -> memref<80xi32, #tpu.memory_space<hbm>>
      tpu.wait_dma2 semaphore(%run_scoped3A : memref<!tpu.dma_semaphore, #tpu.memory_space<semaphore_mem>>) src(%dma_wait3A_145 : memref<80xi32, #tpu.memory_space<hbm>>) dst(%arg12 : memref<80xi32, #tpu.memory_space<vmem>>)
      tpu.yield
    }) : () -> ()
    %dma_start3A_111 = arith.constant 0 : i32
    %dma_start3A_112 = arith.constant 0 : i32
    %dma_start3A_113 = tpu.memref_slice %arg11[%dma_start3A_111, %dma_start3A_112] : memref<80x128xf32, #tpu.memory_space<vmem>> -> memref<80x128xf32, #tpu.memory_space<vmem>>
    %dma_start3A_114 = arith.constant 0 : i32
    %dma_start3A_115 = arith.constant 0 : i32
    %dma_start3A_116 = tpu.memref_slice %arg8[%dma_start3A_114, %dma_start3A_115] : memref<10000x128xf32, #tpu.memory_space<vmem_shared>> -> memref<10000x128xf32, #tpu.memory_space<vmem_shared>>
    tpu.enqueue_indirect_dma source(%dma_start3A_116 : memref<10000x128xf32, #tpu.memory_space<vmem_shared>>) target(%dma_start3A_113 : memref<80x128xf32, #tpu.memory_space<vmem>>) offsets(%arg12 : memref<80xi32, #tpu.memory_space<vmem>>) semaphore(%arg15 : memref<!tpu.dma_semaphore, #tpu.memory_space<semaphore_mem>>)
    %dma_wait3A_117 = arith.constant 0 : i32
    %dma_wait3A_118 = arith.constant 0 : i32
    %dma_wait3A_119 = tpu.memref_slice %arg11[%dma_wait3A_117, %dma_wait3A_118] : memref<80x128xf32, #tpu.memory_space<vmem>> -> memref<80x128xf32, #tpu.memory_space<vmem>>
    %dma_wait3A_120 = arith.constant 0 : i32
    %dma_wait3A_121 = arith.constant 0 : i32
    %dma_wait3A_122 = tpu.memref_slice %arg8[%dma_wait3A_120, %dma_wait3A_121] : memref<10000x128xf32, #tpu.memory_space<vmem_shared>> -> memref<10000x128xf32, #tpu.memory_space<vmem_shared>>
    tpu.wait_indirect_dma semaphore(%arg15 : memref<!tpu.dma_semaphore, #tpu.memory_space<semaphore_mem>>) src(%dma_wait3A_122 : memref<10000x128xf32, #tpu.memory_space<vmem_shared>>) dst(%dma_wait3A_119 : memref<80x128xf32, #tpu.memory_space<vmem>>)
    "tpu.region"() ({
      %run_scoped3A = tpu.sem_alloc : memref<!tpu.dma_semaphore, #tpu.memory_space<semaphore_mem>>
      %dma_start3A_142 = arith.constant 0 : i32
      %dma_start3A_143 = arith.constant 0 : i32
      %dma_start3A_144 = tpu.memref_slice %arg11[%dma_start3A_142, %dma_start3A_143] : memref<80x128xf32, #tpu.memory_space<vmem>> -> memref<80x128xf32, #tpu.memory_space<vmem>>
      %dma_start3A_145 = arith.constant 0 : i32
      %dma_start3A_146 = tpu.memref_slice %arg7[%arg0, %add3A_110, %dma_start3A_145] : memref<2x10000x128xf32, #tpu.memory_space<hbm>> -> memref<1x80x128xf32, #tpu.memory_space<hbm>>
      %dma_start3A_147 = tpu.memref_squeeze %dma_start3A_146 : memref<1x80x128xf32, #tpu.memory_space<hbm>> -> memref<80x128xf32, #tpu.memory_space<hbm>>
      %dma_start3A_148 = arith.constant 0 : i32
      %dma_start3A_149 = tpu.memref_slice %arg7[%arg0, %add3A_110, %dma_start3A_148] : memref<2x10000x128xf32, #tpu.memory_space<hbm>> -> memref<1x80x128xf32, #tpu.memory_space<hbm>>
      %dma_start3A_150 = tpu.memref_squeeze %dma_start3A_149 : memref<1x80x128xf32, #tpu.memory_space<hbm>> -> memref<80x128xf32, #tpu.memory_space<hbm>>
      %dma_start3A_151 = arith.constant 0 : i32
      %dma_start3A_152 = arith.constant 0 : i32
      %dma_start3A_153 = tpu.memref_slice %arg11[%dma_start3A_151, %dma_start3A_152] : memref<80x128xf32, #tpu.memory_space<vmem>> -> memref<80x128xf32, #tpu.memory_space<vmem>>
      tpu.enqueue_dma source(%dma_start3A_153 : memref<80x128xf32, #tpu.memory_space<vmem>>) target(%dma_start3A_150 : memref<80x128xf32, #tpu.memory_space<hbm>>) target_semaphore(%run_scoped3A : memref<!tpu.dma_semaphore, #tpu.memory_space<semaphore_mem>>)
      %dma_wait3A_154 = arith.constant 0 : i32
      %dma_wait3A_155 = arith.constant 0 : i32
      %dma_wait3A_156 = tpu.memref_slice %arg11[%dma_wait3A_154, %dma_wait3A_155] : memref<80x128xf32, #tpu.memory_space<vmem>> -> memref<80x128xf32, #tpu.memory_space<vmem>>
      %dma_wait3A_157 = arith.constant 0 : i32
      %dma_wait3A_158 = tpu.memref_slice %arg7[%arg0, %add3A_110, %dma_wait3A_157] : memref<2x10000x128xf32, #tpu.memory_space<hbm>> -> memref<1x80x128xf32, #tpu.memory_space<hbm>>
      %dma_wait3A_159 = tpu.memref_squeeze %dma_wait3A_158 : memref<1x80x128xf32, #tpu.memory_space<hbm>> -> memref<80x128xf32, #tpu.memory_space<hbm>>
      %dma_wait3A_160 = arith.constant 0 : i32
      %dma_wait3A_161 = tpu.memref_slice %arg7[%arg0, %add3A_110, %dma_wait3A_160] : memref<2x10000x128xf32, #tpu.memory_space<hbm>> -> memref<1x80x128xf32, #tpu.memory_space<hbm>>
      %dma_wait3A_162 = tpu.memref_squeeze %dma_wait3A_161 : memref<1x80x128xf32, #tpu.memory_space<hbm>> -> memref<80x128xf32, #tpu.memory_space<hbm>>
      %dma_wait3A_163 = arith.constant 0 : i32
      %dma_wait3A_164 = arith.constant 0 : i32
      %dma_wait3A_165 = tpu.memref_slice %arg11[%dma_wait3A_163, %dma_wait3A_164] : memref<80x128xf32, #tpu.memory_space<vmem>> -> memref<80x128xf32, #tpu.memory_space<vmem>>
      tpu.wait_dma2 semaphore(%run_scoped3A : memref<!tpu.dma_semaphore, #tpu.memory_space<semaphore_mem>>) src(%dma_wait3A_165 : memref<80x128xf32, #tpu.memory_space<vmem>>) dst(%dma_wait3A_162 : memref<80x128xf32, #tpu.memory_space<hbm>>)
      tpu.yield
    }) : () -> ()
    %add3A_123 = arith.constant 560 : i32
    %add3A_124 = arith.addi %mul3A_2, %add3A_123 : i32
    "tpu.region"() ({
      %run_scoped3A = tpu.sem_alloc : memref<!tpu.dma_semaphore, #tpu.memory_space<semaphore_mem>>
      %dma_start3A_142 = tpu.memref_slice %arg6[%add3A_124] : memref<10000xi32, #tpu.memory_space<hbm>> -> memref<64xi32, #tpu.memory_space<hbm>>
      %dma_start3A_143 = tpu.memref_slice %arg6[%add3A_124] : memref<10000xi32, #tpu.memory_space<hbm>> -> memref<64xi32, #tpu.memory_space<hbm>>
      tpu.enqueue_dma source(%dma_start3A_143 : memref<64xi32, #tpu.memory_space<hbm>>) target(%arg13 : memref<64xi32, #tpu.memory_space<vmem>>) target_semaphore(%run_scoped3A : memref<!tpu.dma_semaphore, #tpu.memory_space<semaphore_mem>>)
      %dma_wait3A_144 = tpu.memref_slice %arg6[%add3A_124] : memref<10000xi32, #tpu.memory_space<hbm>> -> memref<64xi32, #tpu.memory_space<hbm>>
      %dma_wait3A_145 = tpu.memref_slice %arg6[%add3A_124] : memref<10000xi32, #tpu.memory_space<hbm>> -> memref<64xi32, #tpu.memory_space<hbm>>
      tpu.wait_dma2 semaphore(%run_scoped3A : memref<!tpu.dma_semaphore, #tpu.memory_space<semaphore_mem>>) src(%dma_wait3A_145 : memref<64xi32, #tpu.memory_space<hbm>>) dst(%arg13 : memref<64xi32, #tpu.memory_space<vmem>>)
      tpu.yield
    }) : () -> ()
    %dma_start3A_125 = arith.constant 0 : i32
    %dma_start3A_126 = arith.constant 0 : i32
    %dma_start3A_127 = tpu.memref_slice %arg11[%dma_start3A_125, %dma_start3A_126] : memref<80x128xf32, #tpu.memory_space<vmem>> -> memref<64x128xf32, #tpu.memory_space<vmem>>
    %dma_start3A_128 = arith.constant 0 : i32
    %dma_start3A_129 = arith.constant 0 : i32
    %dma_start3A_130 = tpu.memref_slice %arg8[%dma_start3A_128, %dma_start3A_129] : memref<10000x128xf32, #tpu.memory_space<vmem_shared>> -> memref<10000x128xf32, #tpu.memory_space<vmem_shared>>
    tpu.enqueue_indirect_dma source(%dma_start3A_130 : memref<10000x128xf32, #tpu.memory_space<vmem_shared>>) target(%dma_start3A_127 : memref<64x128xf32, #tpu.memory_space<vmem>>) offsets(%arg13 : memref<64xi32, #tpu.memory_space<vmem>>) semaphore(%arg15 : memref<!tpu.dma_semaphore, #tpu.memory_space<semaphore_mem>>)
    %dma_wait3A_131 = arith.constant 0 : i32
    %dma_wait3A_132 = arith.constant 0 : i32
    %dma_wait3A_133 = tpu.memref_slice %arg11[%dma_wait3A_131, %dma_wait3A_132] : memref<80x128xf32, #tpu.memory_space<vmem>> -> memref<64x128xf32, #tpu.memory_space<vmem>>
    %dma_wait3A_134 = arith.constant 0 : i32
    %dma_wait3A_135 = arith.constant 0 : i32
    %dma_wait3A_136 = tpu.memref_slice %arg8[%dma_wait3A_134, %dma_wait3A_135] : memref<10000x128xf32, #tpu.memory_space<vmem_shared>> -> memref<10000x128xf32, #tpu.memory_space<vmem_shared>>
    tpu.wait_indirect_dma semaphore(%arg15 : memref<!tpu.dma_semaphore, #tpu.memory_space<semaphore_mem>>) src(%dma_wait3A_136 : memref<10000x128xf32, #tpu.memory_space<vmem_shared>>) dst(%dma_wait3A_133 : memref<64x128xf32, #tpu.memory_space<vmem>>)
    "tpu.region"() ({
      %run_scoped3A = tpu.sem_alloc : memref<!tpu.dma_semaphore, #tpu.memory_space<semaphore_mem>>
      %dma_start3A_142 = arith.constant 0 : i32
      %dma_start3A_143 = arith.constant 0 : i32
      %dma_start3A_144 = tpu.memref_slice %arg11[%dma_start3A_142, %dma_start3A_143] : memref<80x128xf32, #tpu.memory_space<vmem>> -> memref<64x128xf32, #tpu.memory_space<vmem>>
      %dma_start3A_145 = arith.constant 0 : i32
      %dma_start3A_146 = tpu.memref_slice %arg7[%arg0, %add3A_124, %dma_start3A_145] : memref<2x10000x128xf32, #tpu.memory_space<hbm>> -> memref<1x64x128xf32, #tpu.memory_space<hbm>>
      %dma_start3A_147 = tpu.memref_squeeze %dma_start3A_146 : memref<1x64x128xf32, #tpu.memory_space<hbm>> -> memref<64x128xf32, #tpu.memory_space<hbm>>
      %dma_start3A_148 = arith.constant 0 : i32
      %dma_start3A_149 = tpu.memref_slice %arg7[%arg0, %add3A_124, %dma_start3A_148] : memref<2x10000x128xf32, #tpu.memory_space<hbm>> -> memref<1x64x128xf32, #tpu.memory_space<hbm>>
      %dma_start3A_150 = tpu.memref_squeeze %dma_start3A_149 : memref<1x64x128xf32, #tpu.memory_space<hbm>> -> memref<64x128xf32, #tpu.memory_space<hbm>>
      %dma_start3A_151 = arith.constant 0 : i32
      %dma_start3A_152 = arith.constant 0 : i32
      %dma_start3A_153 = tpu.memref_slice %arg11[%dma_start3A_151, %dma_start3A_152] : memref<80x128xf32, #tpu.memory_space<vmem>> -> memref<64x128xf32, #tpu.memory_space<vmem>>
      tpu.enqueue_dma source(%dma_start3A_153 : memref<64x128xf32, #tpu.memory_space<vmem>>) target(%dma_start3A_150 : memref<64x128xf32, #tpu.memory_space<hbm>>) target_semaphore(%run_scoped3A : memref<!tpu.dma_semaphore, #tpu.memory_space<semaphore_mem>>)
      %dma_wait3A_154 = arith.constant 0 : i32
      %dma_wait3A_155 = arith.constant 0 : i32
      %dma_wait3A_156 = tpu.memref_slice %arg11[%dma_wait3A_154, %dma_wait3A_155] : memref<80x128xf32, #tpu.memory_space<vmem>> -> memref<64x128xf32, #tpu.memory_space<vmem>>
      %dma_wait3A_157 = arith.constant 0 : i32
      %dma_wait3A_158 = tpu.memref_slice %arg7[%arg0, %add3A_124, %dma_wait3A_157] : memref<2x10000x128xf32, #tpu.memory_space<hbm>> -> memref<1x64x128xf32, #tpu.memory_space<hbm>>
      %dma_wait3A_159 = tpu.memref_squeeze %dma_wait3A_158 : memref<1x64x128xf32, #tpu.memory_space<hbm>> -> memref<64x128xf32, #tpu.memory_space<hbm>>
      %dma_wait3A_160 = arith.constant 0 : i32
      %dma_wait3A_161 = tpu.memref_slice %arg7[%arg0, %add3A_124, %dma_wait3A_160] : memref<2x10000x128xf32, #tpu.memory_space<hbm>> -> memref<1x64x128xf32, #tpu.memory_space<hbm>>
      %dma_wait3A_162 = tpu.memref_squeeze %dma_wait3A_161 : memref<1x64x128xf32, #tpu.memory_space<hbm>> -> memref<64x128xf32, #tpu.memory_space<hbm>>
      %dma_wait3A_163 = arith.constant 0 : i32
      %dma_wait3A_164 = arith.constant 0 : i32
      %dma_wait3A_165 = tpu.memref_slice %arg11[%dma_wait3A_163, %dma_wait3A_164] : memref<80x128xf32, #tpu.memory_space<vmem>> -> memref<64x128xf32, #tpu.memory_space<vmem>>
      tpu.wait_dma2 semaphore(%run_scoped3A : memref<!tpu.dma_semaphore, #tpu.memory_space<semaphore_mem>>) src(%dma_wait3A_165 : memref<64x128xf32, #tpu.memory_space<vmem>>) dst(%dma_wait3A_162 : memref<64x128xf32, #tpu.memory_space<hbm>>)
      tpu.yield
    }) : () -> ()
    %eq3A_137 = arith.constant 0 : i32
    %eq3A_138 = arith.cmpi eq, %arg1, %eq3A_137 : i32
    %convert_element_type3A_139 = arith.extui %eq3A_138 : i1 to i32
    %cond3A_140 = arith.constant 0 : i32
    %cond3A_141 = arith.cmpi ne, %convert_element_type3A_139, %cond3A_140 : i32
    scf.if %cond3A_141 {
      "tpu.region"() ({
        %run_scoped3A = tpu.sem_alloc : memref<!tpu.dma_semaphore, #tpu.memory_space<semaphore_mem>>
        %dma_start3A_154 = arith.constant 9984 : i32
        %dma_start3A_155 = tpu.memref_slice %arg6[%dma_start3A_154] : memref<10000xi32, #tpu.memory_space<hbm>> -> memref<16xi32, #tpu.memory_space<hbm>>
        %dma_start3A_156 = arith.constant 9984 : i32
        %dma_start3A_157 = tpu.memref_slice %arg6[%dma_start3A_156] : memref<10000xi32, #tpu.memory_space<hbm>> -> memref<16xi32, #tpu.memory_space<hbm>>
        tpu.enqueue_dma source(%dma_start3A_157 : memref<16xi32, #tpu.memory_space<hbm>>) target(%arg14 : memref<16xi32, #tpu.memory_space<vmem>>) target_semaphore(%run_scoped3A : memref<!tpu.dma_semaphore, #tpu.memory_space<semaphore_mem>>)
        %dma_wait3A_158 = arith.constant 9984 : i32
        %dma_wait3A_159 = tpu.memref_slice %arg6[%dma_wait3A_158] : memref<10000xi32, #tpu.memory_space<hbm>> -> memref<16xi32, #tpu.memory_space<hbm>>
        %dma_wait3A_160 = arith.constant 9984 : i32
        %dma_wait3A_161 = tpu.memref_slice %arg6[%dma_wait3A_160] : memref<10000xi32, #tpu.memory_space<hbm>> -> memref<16xi32, #tpu.memory_space<hbm>>
        tpu.wait_dma2 semaphore(%run_scoped3A : memref<!tpu.dma_semaphore, #tpu.memory_space<semaphore_mem>>) src(%dma_wait3A_161 : memref<16xi32, #tpu.memory_space<hbm>>) dst(%arg14 : memref<16xi32, #tpu.memory_space<vmem>>)
        tpu.yield
      }) : () -> ()
      %dma_start3A_142 = arith.constant 0 : i32
      %dma_start3A_143 = arith.constant 0 : i32
      %dma_start3A_144 = tpu.memref_slice %arg11[%dma_start3A_142, %dma_start3A_143] : memref<80x128xf32, #tpu.memory_space<vmem>> -> memref<16x128xf32, #tpu.memory_space<vmem>>
      %dma_start3A_145 = arith.constant 0 : i32
      %dma_start3A_146 = arith.constant 0 : i32
      %dma_start3A_147 = tpu.memref_slice %arg8[%dma_start3A_145, %dma_start3A_146] : memref<10000x128xf32, #tpu.memory_space<vmem_shared>> -> memref<10000x128xf32, #tpu.memory_space<vmem_shared>>
      tpu.enqueue_indirect_dma source(%dma_start3A_147 : memref<10000x128xf32, #tpu.memory_space<vmem_shared>>) target(%dma_start3A_144 : memref<16x128xf32, #tpu.memory_space<vmem>>) offsets(%arg14 : memref<16xi32, #tpu.memory_space<vmem>>) semaphore(%arg15 : memref<!tpu.dma_semaphore, #tpu.memory_space<semaphore_mem>>)
      %dma_wait3A_148 = arith.constant 0 : i32
      %dma_wait3A_149 = arith.constant 0 : i32
      %dma_wait3A_150 = tpu.memref_slice %arg11[%dma_wait3A_148, %dma_wait3A_149] : memref<80x128xf32, #tpu.memory_space<vmem>> -> memref<16x128xf32, #tpu.memory_space<vmem>>
      %dma_wait3A_151 = arith.constant 0 : i32
      %dma_wait3A_152 = arith.constant 0 : i32
      %dma_wait3A_153 = tpu.memref_slice %arg8[%dma_wait3A_151, %dma_wait3A_152] : memref<10000x128xf32, #tpu.memory_space<vmem_shared>> -> memref<10000x128xf32, #tpu.memory_space<vmem_shared>>
      tpu.wait_indirect_dma semaphore(%arg15 : memref<!tpu.dma_semaphore, #tpu.memory_space<semaphore_mem>>) src(%dma_wait3A_153 : memref<10000x128xf32, #tpu.memory_space<vmem_shared>>) dst(%dma_wait3A_150 : memref<16x128xf32, #tpu.memory_space<vmem>>)
      "tpu.region"() ({
        %run_scoped3A = tpu.sem_alloc : memref<!tpu.dma_semaphore, #tpu.memory_space<semaphore_mem>>
        %dma_start3A_154 = arith.constant 0 : i32
        %dma_start3A_155 = arith.constant 0 : i32
        %dma_start3A_156 = tpu.memref_slice %arg11[%dma_start3A_154, %dma_start3A_155] : memref<80x128xf32, #tpu.memory_space<vmem>> -> memref<16x128xf32, #tpu.memory_space<vmem>>
        %dma_start3A_157 = arith.constant 9984 : i32
        %dma_start3A_158 = arith.constant 0 : i32
        %dma_start3A_159 = tpu.memref_slice %arg7[%arg0, %dma_start3A_157, %dma_start3A_158] : memref<2x10000x128xf32, #tpu.memory_space<hbm>> -> memref<1x16x128xf32, #tpu.memory_space<hbm>>
        %dma_start3A_160 = tpu.memref_squeeze %dma_start3A_159 : memref<1x16x128xf32, #tpu.memory_space<hbm>> -> memref<16x128xf32, #tpu.memory_space<hbm>>
        %dma_start3A_161 = arith.constant 9984 : i32
        %dma_start3A_162 = arith.constant 0 : i32
        %dma_start3A_163 = tpu.memref_slice %arg7[%arg0, %dma_start3A_161, %dma_start3A_162] : memref<2x10000x128xf32, #tpu.memory_space<hbm>> -> memref<1x16x128xf32, #tpu.memory_space<hbm>>
        %dma_start3A_164 = tpu.memref_squeeze %dma_start3A_163 : memref<1x16x128xf32, #tpu.memory_space<hbm>> -> memref<16x128xf32, #tpu.memory_space<hbm>>
        %dma_start3A_165 = arith.constant 0 : i32
        %dma_start3A_166 = arith.constant 0 : i32
        %dma_start3A_167 = tpu.memref_slice %arg11[%dma_start3A_165, %dma_start3A_166] : memref<80x128xf32, #tpu.memory_space<vmem>> -> memref<16x128xf32, #tpu.memory_space<vmem>>
        tpu.enqueue_dma source(%dma_start3A_167 : memref<16x128xf32, #tpu.memory_space<vmem>>) target(%dma_start3A_164 : memref<16x128xf32, #tpu.memory_space<hbm>>) target_semaphore(%run_scoped3A : memref<!tpu.dma_semaphore, #tpu.memory_space<semaphore_mem>>)
        %dma_wait3A_168 = arith.constant 0 : i32
        %dma_wait3A_169 = arith.constant 0 : i32
        %dma_wait3A_170 = tpu.memref_slice %arg11[%dma_wait3A_168, %dma_wait3A_169] : memref<80x128xf32, #tpu.memory_space<vmem>> -> memref<16x128xf32, #tpu.memory_space<vmem>>
        %dma_wait3A_171 = arith.constant 9984 : i32
        %dma_wait3A_172 = arith.constant 0 : i32
        %dma_wait3A_173 = tpu.memref_slice %arg7[%arg0, %dma_wait3A_171, %dma_wait3A_172] : memref<2x10000x128xf32, #tpu.memory_space<hbm>> -> memref<1x16x128xf32, #tpu.memory_space<hbm>>
        %dma_wait3A_174 = tpu.memref_squeeze %dma_wait3A_173 : memref<1x16x128xf32, #tpu.memory_space<hbm>> -> memref<16x128xf32, #tpu.memory_space<hbm>>
        %dma_wait3A_175 = arith.constant 9984 : i32
        %dma_wait3A_176 = arith.constant 0 : i32
        %dma_wait3A_177 = tpu.memref_slice %arg7[%arg0, %dma_wait3A_175, %dma_wait3A_176] : memref<2x10000x128xf32, #tpu.memory_space<hbm>> -> memref<1x16x128xf32, #tpu.memory_space<hbm>>
        %dma_wait3A_178 = tpu.memref_squeeze %dma_wait3A_177 : memref<1x16x128xf32, #tpu.memory_space<hbm>> -> memref<16x128xf32, #tpu.memory_space<hbm>>
        %dma_wait3A_179 = arith.constant 0 : i32
        %dma_wait3A_180 = arith.constant 0 : i32
        %dma_wait3A_181 = tpu.memref_slice %arg11[%dma_wait3A_179, %dma_wait3A_180] : memref<80x128xf32, #tpu.memory_space<vmem>> -> memref<16x128xf32, #tpu.memory_space<vmem>>
        tpu.wait_dma2 semaphore(%run_scoped3A : memref<!tpu.dma_semaphore, #tpu.memory_space<semaphore_mem>>) src(%dma_wait3A_181 : memref<16x128xf32, #tpu.memory_space<vmem>>) dst(%dma_wait3A_178 : memref<16x128xf32, #tpu.memory_space<hbm>>)
        tpu.yield
      }) : () -> ()
    } else {
    }
    return
  }
}

#map = affine_map<(d0, d1) -> (0, 0)>
#map1 = affine_map<(d0, d1) -> (0, 0, 0)>
#map2 = affine_map<(d0, d1) -> (0)>
module attributes {stable_mosaic.version = 14 : i64} {
  func.func @k(%arg0: i32, %arg1: i32, %arg2: memref<10000x128xf32, #tpu.memory_space<hbm>>, %arg3: memref<32x125x80xi32, #tpu.memory_space<hbm>>, %arg4: memref<32x125x80xi32, #tpu.memory_space<hbm>>, %arg5: memref<80x128xf32, #tpu.memory_space<hbm>>, %arg6: memref<10000xi32, #tpu.memory_space<hbm>>, %arg7: memref<2x10000x128xf32, #tpu.memory_space<hbm>>, %arg8: memref<10000x128xf32, #tpu.memory_space<vmem_shared>>, %arg9: memref<125x80xi32, #tpu.memory_space<vmem>>, %arg10: memref<125x80xi32, #tpu.memory_space<vmem>>, %arg11: memref<80x128xf32, #tpu.memory_space<vmem>>, %arg12: memref<80xi32, #tpu.memory_space<vmem>>, %arg13: memref<64xi32, #tpu.memory_space<vmem>>, %arg14: memref<16xi32, #tpu.memory_space<vmem>>, %arg15: memref<!tpu.dma_semaphore, #tpu.memory_space<semaphore_mem>>) attributes {dimension_semantics = [#tpu.dimension_semantics<core_parallel>, #tpu.dimension_semantics<subcore_parallel>], iteration_bounds = array<i64: 2, 16>, scalar_prefetch = 0 : i64, scratch_operands = 8 : i64, tpu.core_type = #tpu.core_type<sc_vector_subcore>, window_params = [{transform_indices = #map}, {transform_indices = #map1}, {transform_indices = #map1}, {transform_indices = #map}, {transform_indices = #map2}, {transform_indices = #map1}]} {
    %mul3A = arith.constant 16 : i32
    %mul3A_0 = arith.muli %arg0, %mul3A : i32
    %add3A = arith.addi %mul3A_0, %arg1 : i32
    %mul3A_1 = arith.constant 624 : i32
    %mul3A_2 = arith.muli %arg1, %mul3A_1 : i32
    "tpu.region"() ({
      %run_scoped3A = tpu.sem_alloc : memref<!tpu.dma_semaphore, #tpu.memory_space<semaphore_mem>>
      tpu.enqueue_dma source(%arg5 : memref<80x128xf32, #tpu.memory_space<hbm>>) target(%arg11 : memref<80x128xf32, #tpu.memory_space<vmem>>) target_semaphore(%run_scoped3A : memref<!tpu.dma_semaphore, #tpu.memory_space<semaphore_mem>>)
      tpu.wait_dma2 semaphore(%run_scoped3A : memref<!tpu.dma_semaphore, #tpu.memory_space<semaphore_mem>>) src(%arg5 : memref<80x128xf32, #tpu.memory_space<hbm>>) dst(%arg11 : memref<80x128xf32, #tpu.memory_space<vmem>>)
      tpu.yield
    }) : () -> ()
    %add3A_3 = arith.constant 0 : i32
    %add3A_4 = arith.addi %mul3A_2, %add3A_3 : i32
    "tpu.region"() ({
      %run_scoped3A = tpu.sem_alloc : memref<!tpu.dma_semaphore, #tpu.memory_space<semaphore_mem>>
      %dma_start3A_142 = tpu.memref_slice %arg6[%add3A_4] : memref<10000xi32, #tpu.memory_space<hbm>> -> memref<80xi32, #tpu.memory_space<hbm>>
      %dma_start3A_143 = tpu.memref_slice %arg6[%add3A_4] : memref<10000xi32, #tpu.memory_space<hbm>> -> memref<80xi32, #tpu.memory_space<hbm>>
      tpu.enqueue_dma source(%dma_start3A_143 : memref<80xi32, #tpu.memory_space<hbm>>) target(%arg12 : memref<80xi32, #tpu.memory_space<vmem>>) target_semaphore(%run_scoped3A : memref<!tpu.dma_semaphore, #tpu.memory_space<semaphore_mem>>)
      %dma_wait3A_144 = tpu.memref_slice %arg6[%add3A_4] : memref<10000xi32, #tpu.memory_space<hbm>> -> memref<80xi32, #tpu.memory_space<hbm>>
      %dma_wait3A_145 = tpu.memref_slice %arg6[%add3A_4] : memref<10000xi32, #tpu.memory_space<hbm>> -> memref<80xi32, #tpu.memory_space<hbm>>
      tpu.wait_dma2 semaphore(%run_scoped3A : memref<!tpu.dma_semaphore, #tpu.memory_space<semaphore_mem>>) src(%dma_wait3A_145 : memref<80xi32, #tpu.memory_space<hbm>>) dst(%arg12 : memref<80xi32, #tpu.memory_space<vmem>>)
      tpu.yield
    }) : () -> ()
    "tpu.region"() ({
      %run_scoped3A = tpu.sem_alloc : memref<!tpu.dma_semaphore, #tpu.memory_space<semaphore_mem>>
      %dma_start3A_142 = arith.constant 0 : i32
      %dma_start3A_143 = arith.constant 0 : i32
      %dma_start3A_144 = tpu.memref_slice %arg11[%dma_start3A_142, %dma_start3A_143] : memref<80x128xf32, #tpu.memory_space<vmem>> -> memref<80x128xf32, #tpu.memory_space<vmem>>
      %dma_start3A_145 = arith.constant 0 : i32
      %dma_start3A_146 = arith.constant 0 : i32
      %dma_start3A_147 = tpu.memref_slice %arg8[%dma_start3A_145, %dma_start3A_146] : memref<10000x128xf32, #tpu.memory_space<vmem_shared>> -> memref<10000x128xf32, #tpu.memory_space<vmem_shared>>
      tpu.enqueue_indirect_dma source(%dma_start3A_144 : memref<80x128xf32, #tpu.memory_space<vmem>>) target(%dma_start3A_147 : memref<10000x128xf32, #tpu.memory_space<vmem_shared>>) offsets(%arg12 : memref<80xi32, #tpu.memory_space<vmem>>) semaphore(%run_scoped3A : memref<!tpu.dma_semaphore, #tpu.memory_space<semaphore_mem>>)
      %dma_wait3A_148 = arith.constant 0 : i32
      %dma_wait3A_149 = arith.constant 0 : i32
      %dma_wait3A_150 = tpu.memref_slice %arg11[%dma_wait3A_148, %dma_wait3A_149] : memref<80x128xf32, #tpu.memory_space<vmem>> -> memref<80x128xf32, #tpu.memory_space<vmem>>
      %dma_wait3A_151 = arith.constant 0 : i32
      %dma_wait3A_152 = arith.constant 0 : i32
      %dma_wait3A_153 = tpu.memref_slice %arg8[%dma_wait3A_151, %dma_wait3A_152] : memref<10000x128xf32, #tpu.memory_space<vmem_shared>> -> memref<10000x128xf32, #tpu.memory_space<vmem_shared>>
      tpu.wait_indirect_dma semaphore(%run_scoped3A : memref<!tpu.dma_semaphore, #tpu.memory_space<semaphore_mem>>) src(%dma_wait3A_150 : memref<80x128xf32, #tpu.memory_space<vmem>>) dst(%dma_wait3A_153 : memref<10000x128xf32, #tpu.memory_space<vmem_shared>>)
      tpu.yield
    }) : () -> ()
    %add3A_5 = arith.constant 80 : i32
    %add3A_6 = arith.addi %mul3A_2, %add3A_5 : i32
    "tpu.region"() ({
      %run_scoped3A = tpu.sem_alloc : memref<!tpu.dma_semaphore, #tpu.memory_space<semaphore_mem>>
      %dma_start3A_142 = tpu.memref_slice %arg6[%add3A_6] : memref<10000xi32, #tpu.memory_space<hbm>> -> memref<80xi32, #tpu.memory_space<hbm>>
      %dma_start3A_143 = tpu.memref_slice %arg6[%add3A_6] : memref<10000xi32, #tpu.memory_space<hbm>> -> memref<80xi32, #tpu.memory_space<hbm>>
      tpu.enqueue_dma source(%dma_start3A_143 : memref<80xi32, #tpu.memory_space<hbm>>) target(%arg12 : memref<80xi32, #tpu.memory_space<vmem>>) target_semaphore(%run_scoped3A : memref<!tpu.dma_semaphore, #tpu.memory_space<semaphore_mem>>)
      %dma_wait3A_144 = tpu.memref_slice %arg6[%add3A_6] : memref<10000xi32, #tpu.memory_space<hbm>> -> memref<80xi32, #tpu.memory_space<hbm>>
      %dma_wait3A_145 = tpu.memref_slice %arg6[%add3A_6] : memref<10000xi32, #tpu.memory_space<hbm>> -> memref<80xi32, #tpu.memory_space<hbm>>
      tpu.wait_dma2 semaphore(%run_scoped3A : memref<!tpu.dma_semaphore, #tpu.memory_space<semaphore_mem>>) src(%dma_wait3A_145 : memref<80xi32, #tpu.memory_space<hbm>>) dst(%arg12 : memref<80xi32, #tpu.memory_space<vmem>>)
      tpu.yield
    }) : () -> ()
    "tpu.region"() ({
      %run_scoped3A = tpu.sem_alloc : memref<!tpu.dma_semaphore, #tpu.memory_space<semaphore_mem>>
      %dma_start3A_142 = arith.constant 0 : i32
      %dma_start3A_143 = arith.constant 0 : i32
      %dma_start3A_144 = tpu.memref_slice %arg11[%dma_start3A_142, %dma_start3A_143] : memref<80x128xf32, #tpu.memory_space<vmem>> -> memref<80x128xf32, #tpu.memory_space<vmem>>
      %dma_start3A_145 = arith.constant 0 : i32
      %dma_start3A_146 = arith.constant 0 : i32
      %dma_start3A_147 = tpu.memref_slice %arg8[%dma_start3A_145, %dma_start3A_146] : memref<10000x128xf32, #tpu.memory_space<vmem_shared>> -> memref<10000x128xf32, #tpu.memory_space<vmem_shared>>
      tpu.enqueue_indirect_dma source(%dma_start3A_144 : memref<80x128xf32, #tpu.memory_space<vmem>>) target(%dma_start3A_147 : memref<10000x128xf32, #tpu.memory_space<vmem_shared>>) offsets(%arg12 : memref<80xi32, #tpu.memory_space<vmem>>) semaphore(%run_scoped3A : memref<!tpu.dma_semaphore, #tpu.memory_space<semaphore_mem>>)
      %dma_wait3A_148 = arith.constant 0 : i32
      %dma_wait3A_149 = arith.constant 0 : i32
      %dma_wait3A_150 = tpu.memref_slice %arg11[%dma_wait3A_148, %dma_wait3A_149] : memref<80x128xf32, #tpu.memory_space<vmem>> -> memref<80x128xf32, #tpu.memory_space<vmem>>
      %dma_wait3A_151 = arith.constant 0 : i32
      %dma_wait3A_152 = arith.constant 0 : i32
      %dma_wait3A_153 = tpu.memref_slice %arg8[%dma_wait3A_151, %dma_wait3A_152] : memref<10000x128xf32, #tpu.memory_space<vmem_shared>> -> memref<10000x128xf32, #tpu.memory_space<vmem_shared>>
      tpu.wait_indirect_dma semaphore(%run_scoped3A : memref<!tpu.dma_semaphore, #tpu.memory_space<semaphore_mem>>) src(%dma_wait3A_150 : memref<80x128xf32, #tpu.memory_space<vmem>>) dst(%dma_wait3A_153 : memref<10000x128xf32, #tpu.memory_space<vmem_shared>>)
      tpu.yield
    }) : () -> ()
    %add3A_7 = arith.constant 160 : i32
    %add3A_8 = arith.addi %mul3A_2, %add3A_7 : i32
    "tpu.region"() ({
      %run_scoped3A = tpu.sem_alloc : memref<!tpu.dma_semaphore, #tpu.memory_space<semaphore_mem>>
      %dma_start3A_142 = tpu.memref_slice %arg6[%add3A_8] : memref<10000xi32, #tpu.memory_space<hbm>> -> memref<80xi32, #tpu.memory_space<hbm>>
      %dma_start3A_143 = tpu.memref_slice %arg6[%add3A_8] : memref<10000xi32, #tpu.memory_space<hbm>> -> memref<80xi32, #tpu.memory_space<hbm>>
      tpu.enqueue_dma source(%dma_start3A_143 : memref<80xi32, #tpu.memory_space<hbm>>) target(%arg12 : memref<80xi32, #tpu.memory_space<vmem>>) target_semaphore(%run_scoped3A : memref<!tpu.dma_semaphore, #tpu.memory_space<semaphore_mem>>)
      %dma_wait3A_144 = tpu.memref_slice %arg6[%add3A_8] : memref<10000xi32, #tpu.memory_space<hbm>> -> memref<80xi32, #tpu.memory_space<hbm>>
      %dma_wait3A_145 = tpu.memref_slice %arg6[%add3A_8] : memref<10000xi32, #tpu.memory_space<hbm>> -> memref<80xi32, #tpu.memory_space<hbm>>
      tpu.wait_dma2 semaphore(%run_scoped3A : memref<!tpu.dma_semaphore, #tpu.memory_space<semaphore_mem>>) src(%dma_wait3A_145 : memref<80xi32, #tpu.memory_space<hbm>>) dst(%arg12 : memref<80xi32, #tpu.memory_space<vmem>>)
      tpu.yield
    }) : () -> ()
    "tpu.region"() ({
      %run_scoped3A = tpu.sem_alloc : memref<!tpu.dma_semaphore, #tpu.memory_space<semaphore_mem>>
      %dma_start3A_142 = arith.constant 0 : i32
      %dma_start3A_143 = arith.constant 0 : i32
      %dma_start3A_144 = tpu.memref_slice %arg11[%dma_start3A_142, %dma_start3A_143] : memref<80x128xf32, #tpu.memory_space<vmem>> -> memref<80x128xf32, #tpu.memory_space<vmem>>
      %dma_start3A_145 = arith.constant 0 : i32
      %dma_start3A_146 = arith.constant 0 : i32
      %dma_start3A_147 = tpu.memref_slice %arg8[%dma_start3A_145, %dma_start3A_146] : memref<10000x128xf32, #tpu.memory_space<vmem_shared>> -> memref<10000x128xf32, #tpu.memory_space<vmem_shared>>
      tpu.enqueue_indirect_dma source(%dma_start3A_144 : memref<80x128xf32, #tpu.memory_space<vmem>>) target(%dma_start3A_147 : memref<10000x128xf32, #tpu.memory_space<vmem_shared>>) offsets(%arg12 : memref<80xi32, #tpu.memory_space<vmem>>) semaphore(%run_scoped3A : memref<!tpu.dma_semaphore, #tpu.memory_space<semaphore_mem>>)
      %dma_wait3A_148 = arith.constant 0 : i32
      %dma_wait3A_149 = arith.constant 0 : i32
      %dma_wait3A_150 = tpu.memref_slice %arg11[%dma_wait3A_148, %dma_wait3A_149] : memref<80x128xf32, #tpu.memory_space<vmem>> -> memref<80x128xf32, #tpu.memory_space<vmem>>
      %dma_wait3A_151 = arith.constant 0 : i32
      %dma_wait3A_152 = arith.constant 0 : i32
      %dma_wait3A_153 = tpu.memref_slice %arg8[%dma_wait3A_151, %dma_wait3A_152] : memref<10000x128xf32, #tpu.memory_space<vmem_shared>> -> memref<10000x128xf32, #tpu.memory_space<vmem_shared>>
      tpu.wait_indirect_dma semaphore(%run_scoped3A : memref<!tpu.dma_semaphore, #tpu.memory_space<semaphore_mem>>) src(%dma_wait3A_150 : memref<80x128xf32, #tpu.memory_space<vmem>>) dst(%dma_wait3A_153 : memref<10000x128xf32, #tpu.memory_space<vmem_shared>>)
      tpu.yield
    }) : () -> ()
    %add3A_9 = arith.constant 240 : i32
    %add3A_10 = arith.addi %mul3A_2, %add3A_9 : i32
    "tpu.region"() ({
      %run_scoped3A = tpu.sem_alloc : memref<!tpu.dma_semaphore, #tpu.memory_space<semaphore_mem>>
      %dma_start3A_142 = tpu.memref_slice %arg6[%add3A_10] : memref<10000xi32, #tpu.memory_space<hbm>> -> memref<80xi32, #tpu.memory_space<hbm>>
      %dma_start3A_143 = tpu.memref_slice %arg6[%add3A_10] : memref<10000xi32, #tpu.memory_space<hbm>> -> memref<80xi32, #tpu.memory_space<hbm>>
      tpu.enqueue_dma source(%dma_start3A_143 : memref<80xi32, #tpu.memory_space<hbm>>) target(%arg12 : memref<80xi32, #tpu.memory_space<vmem>>) target_semaphore(%run_scoped3A : memref<!tpu.dma_semaphore, #tpu.memory_space<semaphore_mem>>)
      %dma_wait3A_144 = tpu.memref_slice %arg6[%add3A_10] : memref<10000xi32, #tpu.memory_space<hbm>> -> memref<80xi32, #tpu.memory_space<hbm>>
      %dma_wait3A_145 = tpu.memref_slice %arg6[%add3A_10] : memref<10000xi32, #tpu.memory_space<hbm>> -> memref<80xi32, #tpu.memory_space<hbm>>
      tpu.wait_dma2 semaphore(%run_scoped3A : memref<!tpu.dma_semaphore, #tpu.memory_space<semaphore_mem>>) src(%dma_wait3A_145 : memref<80xi32, #tpu.memory_space<hbm>>) dst(%arg12 : memref<80xi32, #tpu.memory_space<vmem>>)
      tpu.yield
    }) : () -> ()
    "tpu.region"() ({
      %run_scoped3A = tpu.sem_alloc : memref<!tpu.dma_semaphore, #tpu.memory_space<semaphore_mem>>
      %dma_start3A_142 = arith.constant 0 : i32
      %dma_start3A_143 = arith.constant 0 : i32
      %dma_start3A_144 = tpu.memref_slice %arg11[%dma_start3A_142, %dma_start3A_143] : memref<80x128xf32, #tpu.memory_space<vmem>> -> memref<80x128xf32, #tpu.memory_space<vmem>>
      %dma_start3A_145 = arith.constant 0 : i32
      %dma_start3A_146 = arith.constant 0 : i32
      %dma_start3A_147 = tpu.memref_slice %arg8[%dma_start3A_145, %dma_start3A_146] : memref<10000x128xf32, #tpu.memory_space<vmem_shared>> -> memref<10000x128xf32, #tpu.memory_space<vmem_shared>>
      tpu.enqueue_indirect_dma source(%dma_start3A_144 : memref<80x128xf32, #tpu.memory_space<vmem>>) target(%dma_start3A_147 : memref<10000x128xf32, #tpu.memory_space<vmem_shared>>) offsets(%arg12 : memref<80xi32, #tpu.memory_space<vmem>>) semaphore(%run_scoped3A : memref<!tpu.dma_semaphore, #tpu.memory_space<semaphore_mem>>)
      %dma_wait3A_148 = arith.constant 0 : i32
      %dma_wait3A_149 = arith.constant 0 : i32
      %dma_wait3A_150 = tpu.memref_slice %arg11[%dma_wait3A_148, %dma_wait3A_149] : memref<80x128xf32, #tpu.memory_space<vmem>> -> memref<80x128xf32, #tpu.memory_space<vmem>>
      %dma_wait3A_151 = arith.constant 0 : i32
      %dma_wait3A_152 = arith.constant 0 : i32
      %dma_wait3A_153 = tpu.memref_slice %arg8[%dma_wait3A_151, %dma_wait3A_152] : memref<10000x128xf32, #tpu.memory_space<vmem_shared>> -> memref<10000x128xf32, #tpu.memory_space<vmem_shared>>
      tpu.wait_indirect_dma semaphore(%run_scoped3A : memref<!tpu.dma_semaphore, #tpu.memory_space<semaphore_mem>>) src(%dma_wait3A_150 : memref<80x128xf32, #tpu.memory_space<vmem>>) dst(%dma_wait3A_153 : memref<10000x128xf32, #tpu.memory_space<vmem_shared>>)
      tpu.yield
    }) : () -> ()
    %add3A_11 = arith.constant 320 : i32
    %add3A_12 = arith.addi %mul3A_2, %add3A_11 : i32
    "tpu.region"() ({
      %run_scoped3A = tpu.sem_alloc : memref<!tpu.dma_semaphore, #tpu.memory_space<semaphore_mem>>
      %dma_start3A_142 = tpu.memref_slice %arg6[%add3A_12] : memref<10000xi32, #tpu.memory_space<hbm>> -> memref<80xi32, #tpu.memory_space<hbm>>
      %dma_start3A_143 = tpu.memref_slice %arg6[%add3A_12] : memref<10000xi32, #tpu.memory_space<hbm>> -> memref<80xi32, #tpu.memory_space<hbm>>
      tpu.enqueue_dma source(%dma_start3A_143 : memref<80xi32, #tpu.memory_space<hbm>>) target(%arg12 : memref<80xi32, #tpu.memory_space<vmem>>) target_semaphore(%run_scoped3A : memref<!tpu.dma_semaphore, #tpu.memory_space<semaphore_mem>>)
      %dma_wait3A_144 = tpu.memref_slice %arg6[%add3A_12] : memref<10000xi32, #tpu.memory_space<hbm>> -> memref<80xi32, #tpu.memory_space<hbm>>
      %dma_wait3A_145 = tpu.memref_slice %arg6[%add3A_12] : memref<10000xi32, #tpu.memory_space<hbm>> -> memref<80xi32, #tpu.memory_space<hbm>>
      tpu.wait_dma2 semaphore(%run_scoped3A : memref<!tpu.dma_semaphore, #tpu.memory_space<semaphore_mem>>) src(%dma_wait3A_145 : memref<80xi32, #tpu.memory_space<hbm>>) dst(%arg12 : memref<80xi32, #tpu.memory_space<vmem>>)
      tpu.yield
    }) : () -> ()
    "tpu.region"() ({
      %run_scoped3A = tpu.sem_alloc : memref<!tpu.dma_semaphore, #tpu.memory_space<semaphore_mem>>
      %dma_start3A_142 = arith.constant 0 : i32
      %dma_start3A_143 = arith.constant 0 : i32
      %dma_start3A_144 = tpu.memref_slice %arg11[%dma_start3A_142, %dma_start3A_143] : memref<80x128xf32, #tpu.memory_space<vmem>> -> memref<80x128xf32, #tpu.memory_space<vmem>>
      %dma_start3A_145 = arith.constant 0 : i32
      %dma_start3A_146 = arith.constant 0 : i32
      %dma_start3A_147 = tpu.memref_slice %arg8[%dma_start3A_145, %dma_start3A_146] : memref<10000x128xf32, #tpu.memory_space<vmem_shared>> -> memref<10000x128xf32, #tpu.memory_space<vmem_shared>>
      tpu.enqueue_indirect_dma source(%dma_start3A_144 : memref<80x128xf32, #tpu.memory_space<vmem>>) target(%dma_start3A_147 : memref<10000x128xf32, #tpu.memory_space<vmem_shared>>) offsets(%arg12 : memref<80xi32, #tpu.memory_space<vmem>>) semaphore(%run_scoped3A : memref<!tpu.dma_semaphore, #tpu.memory_space<semaphore_mem>>)
      %dma_wait3A_148 = arith.constant 0 : i32
      %dma_wait3A_149 = arith.constant 0 : i32
      %dma_wait3A_150 = tpu.memref_slice %arg11[%dma_wait3A_148, %dma_wait3A_149] : memref<80x128xf32, #tpu.memory_space<vmem>> -> memref<80x128xf32, #tpu.memory_space<vmem>>
      %dma_wait3A_151 = arith.constant 0 : i32
      %dma_wait3A_152 = arith.constant 0 : i32
      %dma_wait3A_153 = tpu.memref_slice %arg8[%dma_wait3A_151, %dma_wait3A_152] : memref<10000x128xf32, #tpu.memory_space<vmem_shared>> -> memref<10000x128xf32, #tpu.memory_space<vmem_shared>>
      tpu.wait_indirect_dma semaphore(%run_scoped3A : memref<!tpu.dma_semaphore, #tpu.memory_space<semaphore_mem>>) src(%dma_wait3A_150 : memref<80x128xf32, #tpu.memory_space<vmem>>) dst(%dma_wait3A_153 : memref<10000x128xf32, #tpu.memory_space<vmem_shared>>)
      tpu.yield
    }) : () -> ()
    %add3A_13 = arith.constant 400 : i32
    %add3A_14 = arith.addi %mul3A_2, %add3A_13 : i32
    "tpu.region"() ({
      %run_scoped3A = tpu.sem_alloc : memref<!tpu.dma_semaphore, #tpu.memory_space<semaphore_mem>>
      %dma_start3A_142 = tpu.memref_slice %arg6[%add3A_14] : memref<10000xi32, #tpu.memory_space<hbm>> -> memref<80xi32, #tpu.memory_space<hbm>>
      %dma_start3A_143 = tpu.memref_slice %arg6[%add3A_14] : memref<10000xi32, #tpu.memory_space<hbm>> -> memref<80xi32, #tpu.memory_space<hbm>>
      tpu.enqueue_dma source(%dma_start3A_143 : memref<80xi32, #tpu.memory_space<hbm>>) target(%arg12 : memref<80xi32, #tpu.memory_space<vmem>>) target_semaphore(%run_scoped3A : memref<!tpu.dma_semaphore, #tpu.memory_space<semaphore_mem>>)
      %dma_wait3A_144 = tpu.memref_slice %arg6[%add3A_14] : memref<10000xi32, #tpu.memory_space<hbm>> -> memref<80xi32, #tpu.memory_space<hbm>>
      %dma_wait3A_145 = tpu.memref_slice %arg6[%add3A_14] : memref<10000xi32, #tpu.memory_space<hbm>> -> memref<80xi32, #tpu.memory_space<hbm>>
      tpu.wait_dma2 semaphore(%run_scoped3A : memref<!tpu.dma_semaphore, #tpu.memory_space<semaphore_mem>>) src(%dma_wait3A_145 : memref<80xi32, #tpu.memory_space<hbm>>) dst(%arg12 : memref<80xi32, #tpu.memory_space<vmem>>)
      tpu.yield
    }) : () -> ()
    "tpu.region"() ({
      %run_scoped3A = tpu.sem_alloc : memref<!tpu.dma_semaphore, #tpu.memory_space<semaphore_mem>>
      %dma_start3A_142 = arith.constant 0 : i32
      %dma_start3A_143 = arith.constant 0 : i32
      %dma_start3A_144 = tpu.memref_slice %arg11[%dma_start3A_142, %dma_start3A_143] : memref<80x128xf32, #tpu.memory_space<vmem>> -> memref<80x128xf32, #tpu.memory_space<vmem>>
      %dma_start3A_145 = arith.constant 0 : i32
      %dma_start3A_146 = arith.constant 0 : i32
      %dma_start3A_147 = tpu.memref_slice %arg8[%dma_start3A_145, %dma_start3A_146] : memref<10000x128xf32, #tpu.memory_space<vmem_shared>> -> memref<10000x128xf32, #tpu.memory_space<vmem_shared>>
      tpu.enqueue_indirect_dma source(%dma_start3A_144 : memref<80x128xf32, #tpu.memory_space<vmem>>) target(%dma_start3A_147 : memref<10000x128xf32, #tpu.memory_space<vmem_shared>>) offsets(%arg12 : memref<80xi32, #tpu.memory_space<vmem>>) semaphore(%run_scoped3A : memref<!tpu.dma_semaphore, #tpu.memory_space<semaphore_mem>>)
      %dma_wait3A_148 = arith.constant 0 : i32
      %dma_wait3A_149 = arith.constant 0 : i32
      %dma_wait3A_150 = tpu.memref_slice %arg11[%dma_wait3A_148, %dma_wait3A_149] : memref<80x128xf32, #tpu.memory_space<vmem>> -> memref<80x128xf32, #tpu.memory_space<vmem>>
      %dma_wait3A_151 = arith.constant 0 : i32
      %dma_wait3A_152 = arith.constant 0 : i32
      %dma_wait3A_153 = tpu.memref_slice %arg8[%dma_wait3A_151, %dma_wait3A_152] : memref<10000x128xf32, #tpu.memory_space<vmem_shared>> -> memref<10000x128xf32, #tpu.memory_space<vmem_shared>>
      tpu.wait_indirect_dma semaphore(%run_scoped3A : memref<!tpu.dma_semaphore, #tpu.memory_space<semaphore_mem>>) src(%dma_wait3A_150 : memref<80x128xf32, #tpu.memory_space<vmem>>) dst(%dma_wait3A_153 : memref<10000x128xf32, #tpu.memory_space<vmem_shared>>)
      tpu.yield
    }) : () -> ()
    %add3A_15 = arith.constant 480 : i32
    %add3A_16 = arith.addi %mul3A_2, %add3A_15 : i32
    "tpu.region"() ({
      %run_scoped3A = tpu.sem_alloc : memref<!tpu.dma_semaphore, #tpu.memory_space<semaphore_mem>>
      %dma_start3A_142 = tpu.memref_slice %arg6[%add3A_16] : memref<10000xi32, #tpu.memory_space<hbm>> -> memref<80xi32, #tpu.memory_space<hbm>>
      %dma_start3A_143 = tpu.memref_slice %arg6[%add3A_16] : memref<10000xi32, #tpu.memory_space<hbm>> -> memref<80xi32, #tpu.memory_space<hbm>>
      tpu.enqueue_dma source(%dma_start3A_143 : memref<80xi32, #tpu.memory_space<hbm>>) target(%arg12 : memref<80xi32, #tpu.memory_space<vmem>>) target_semaphore(%run_scoped3A : memref<!tpu.dma_semaphore, #tpu.memory_space<semaphore_mem>>)
      %dma_wait3A_144 = tpu.memref_slice %arg6[%add3A_16] : memref<10000xi32, #tpu.memory_space<hbm>> -> memref<80xi32, #tpu.memory_space<hbm>>
      %dma_wait3A_145 = tpu.memref_slice %arg6[%add3A_16] : memref<10000xi32, #tpu.memory_space<hbm>> -> memref<80xi32, #tpu.memory_space<hbm>>
      tpu.wait_dma2 semaphore(%run_scoped3A : memref<!tpu.dma_semaphore, #tpu.memory_space<semaphore_mem>>) src(%dma_wait3A_145 : memref<80xi32, #tpu.memory_space<hbm>>) dst(%arg12 : memref<80xi32, #tpu.memory_space<vmem>>)
      tpu.yield
    }) : () -> ()
    "tpu.region"() ({
      %run_scoped3A = tpu.sem_alloc : memref<!tpu.dma_semaphore, #tpu.memory_space<semaphore_mem>>
      %dma_start3A_142 = arith.constant 0 : i32
      %dma_start3A_143 = arith.constant 0 : i32
      %dma_start3A_144 = tpu.memref_slice %arg11[%dma_start3A_142, %dma_start3A_143] : memref<80x128xf32, #tpu.memory_space<vmem>> -> memref<80x128xf32, #tpu.memory_space<vmem>>
      %dma_start3A_145 = arith.constant 0 : i32
      %dma_start3A_146 = arith.constant 0 : i32
      %dma_start3A_147 = tpu.memref_slice %arg8[%dma_start3A_145, %dma_start3A_146] : memref<10000x128xf32, #tpu.memory_space<vmem_shared>> -> memref<10000x128xf32, #tpu.memory_space<vmem_shared>>
      tpu.enqueue_indirect_dma source(%dma_start3A_144 : memref<80x128xf32, #tpu.memory_space<vmem>>) target(%dma_start3A_147 : memref<10000x128xf32, #tpu.memory_space<vmem_shared>>) offsets(%arg12 : memref<80xi32, #tpu.memory_space<vmem>>) semaphore(%run_scoped3A : memref<!tpu.dma_semaphore, #tpu.memory_space<semaphore_mem>>)
      %dma_wait3A_148 = arith.constant 0 : i32
      %dma_wait3A_149 = arith.constant 0 : i32
      %dma_wait3A_150 = tpu.memref_slice %arg11[%dma_wait3A_148, %dma_wait3A_149] : memref<80x128xf32, #tpu.memory_space<vmem>> -> memref<80x128xf32, #tpu.memory_space<vmem>>
      %dma_wait3A_151 = arith.constant 0 : i32
      %dma_wait3A_152 = arith.constant 0 : i32
      %dma_wait3A_153 = tpu.memref_slice %arg8[%dma_wait3A_151, %dma_wait3A_152] : memref<10000x128xf32, #tpu.memory_space<vmem_shared>> -> memref<10000x128xf32, #tpu.memory_space<vmem_shared>>
      tpu.wait_indirect_dma semaphore(%run_scoped3A : memref<!tpu.dma_semaphore, #tpu.memory_space<semaphore_mem>>) src(%dma_wait3A_150 : memref<80x128xf32, #tpu.memory_space<vmem>>) dst(%dma_wait3A_153 : memref<10000x128xf32, #tpu.memory_space<vmem_shared>>)
      tpu.yield
    }) : () -> ()
    %add3A_17 = arith.constant 560 : i32
    %add3A_18 = arith.addi %mul3A_2, %add3A_17 : i32
    "tpu.region"() ({
      %run_scoped3A = tpu.sem_alloc : memref<!tpu.dma_semaphore, #tpu.memory_space<semaphore_mem>>
      %dma_start3A_142 = tpu.memref_slice %arg6[%add3A_18] : memref<10000xi32, #tpu.memory_space<hbm>> -> memref<64xi32, #tpu.memory_space<hbm>>
      %dma_start3A_143 = tpu.memref_slice %arg6[%add3A_18] : memref<10000xi32, #tpu.memory_space<hbm>> -> memref<64xi32, #tpu.memory_space<hbm>>
      tpu.enqueue_dma source(%dma_start3A_143 : memref<64xi32, #tpu.memory_space<hbm>>) target(%arg13 : memref<64xi32, #tpu.memory_space<vmem>>) target_semaphore(%run_scoped3A : memref<!tpu.dma_semaphore, #tpu.memory_space<semaphore_mem>>)
      %dma_wait3A_144 = tpu.memref_slice %arg6[%add3A_18] : memref<10000xi32, #tpu.memory_space<hbm>> -> memref<64xi32, #tpu.memory_space<hbm>>
      %dma_wait3A_145 = tpu.memref_slice %arg6[%add3A_18] : memref<10000xi32, #tpu.memory_space<hbm>> -> memref<64xi32, #tpu.memory_space<hbm>>
      tpu.wait_dma2 semaphore(%run_scoped3A : memref<!tpu.dma_semaphore, #tpu.memory_space<semaphore_mem>>) src(%dma_wait3A_145 : memref<64xi32, #tpu.memory_space<hbm>>) dst(%arg13 : memref<64xi32, #tpu.memory_space<vmem>>)
      tpu.yield
    }) : () -> ()
    "tpu.region"() ({
      %run_scoped3A = tpu.sem_alloc : memref<!tpu.dma_semaphore, #tpu.memory_space<semaphore_mem>>
      %dma_start3A_142 = arith.constant 0 : i32
      %dma_start3A_143 = arith.constant 0 : i32
      %dma_start3A_144 = tpu.memref_slice %arg11[%dma_start3A_142, %dma_start3A_143] : memref<80x128xf32, #tpu.memory_space<vmem>> -> memref<64x128xf32, #tpu.memory_space<vmem>>
      %dma_start3A_145 = arith.constant 0 : i32
      %dma_start3A_146 = arith.constant 0 : i32
      %dma_start3A_147 = tpu.memref_slice %arg8[%dma_start3A_145, %dma_start3A_146] : memref<10000x128xf32, #tpu.memory_space<vmem_shared>> -> memref<10000x128xf32, #tpu.memory_space<vmem_shared>>
      tpu.enqueue_indirect_dma source(%dma_start3A_144 : memref<64x128xf32, #tpu.memory_space<vmem>>) target(%dma_start3A_147 : memref<10000x128xf32, #tpu.memory_space<vmem_shared>>) offsets(%arg13 : memref<64xi32, #tpu.memory_space<vmem>>) semaphore(%run_scoped3A : memref<!tpu.dma_semaphore, #tpu.memory_space<semaphore_mem>>)
      %dma_wait3A_148 = arith.constant 0 : i32
      %dma_wait3A_149 = arith.constant 0 : i32
      %dma_wait3A_150 = tpu.memref_slice %arg11[%dma_wait3A_148, %dma_wait3A_149] : memref<80x128xf32, #tpu.memory_space<vmem>> -> memref<64x128xf32, #tpu.memory_space<vmem>>
      %dma_wait3A_151 = arith.constant 0 : i32
      %dma_wait3A_152 = arith.constant 0 : i32
      %dma_wait3A_153 = tpu.memref_slice %arg8[%dma_wait3A_151, %dma_wait3A_152] : memref<10000x128xf32, #tpu.memory_space<vmem_shared>> -> memref<10000x128xf32, #tpu.memory_space<vmem_shared>>
      tpu.wait_indirect_dma semaphore(%run_scoped3A : memref<!tpu.dma_semaphore, #tpu.memory_space<semaphore_mem>>) src(%dma_wait3A_150 : memref<64x128xf32, #tpu.memory_space<vmem>>) dst(%dma_wait3A_153 : memref<10000x128xf32, #tpu.memory_space<vmem_shared>>)
      tpu.yield
    }) : () -> ()
    %eq3A = arith.constant 0 : i32
    %eq3A_19 = arith.cmpi eq, %arg1, %eq3A : i32
    %convert_element_type3A = arith.extui %eq3A_19 : i1 to i32
    %cond3A = arith.constant 0 : i32
    %cond3A_20 = arith.cmpi ne, %convert_element_type3A, %cond3A : i32
    scf.if %cond3A_20 {
      "tpu.region"() ({
        %run_scoped3A = tpu.sem_alloc : memref<!tpu.dma_semaphore, #tpu.memory_space<semaphore_mem>>
        %dma_start3A_142 = arith.constant 9984 : i32
        %dma_start3A_143 = tpu.memref_slice %arg6[%dma_start3A_142] : memref<10000xi32, #tpu.memory_space<hbm>> -> memref<16xi32, #tpu.memory_space<hbm>>
        %dma_start3A_144 = arith.constant 9984 : i32
        %dma_start3A_145 = tpu.memref_slice %arg6[%dma_start3A_144] : memref<10000xi32, #tpu.memory_space<hbm>> -> memref<16xi32, #tpu.memory_space<hbm>>
        tpu.enqueue_dma source(%dma_start3A_145 : memref<16xi32, #tpu.memory_space<hbm>>) target(%arg14 : memref<16xi32, #tpu.memory_space<vmem>>) target_semaphore(%run_scoped3A : memref<!tpu.dma_semaphore, #tpu.memory_space<semaphore_mem>>)
        %dma_wait3A_146 = arith.constant 9984 : i32
        %dma_wait3A_147 = tpu.memref_slice %arg6[%dma_wait3A_146] : memref<10000xi32, #tpu.memory_space<hbm>> -> memref<16xi32, #tpu.memory_space<hbm>>
        %dma_wait3A_148 = arith.constant 9984 : i32
        %dma_wait3A_149 = tpu.memref_slice %arg6[%dma_wait3A_148] : memref<10000xi32, #tpu.memory_space<hbm>> -> memref<16xi32, #tpu.memory_space<hbm>>
        tpu.wait_dma2 semaphore(%run_scoped3A : memref<!tpu.dma_semaphore, #tpu.memory_space<semaphore_mem>>) src(%dma_wait3A_149 : memref<16xi32, #tpu.memory_space<hbm>>) dst(%arg14 : memref<16xi32, #tpu.memory_space<vmem>>)
        tpu.yield
      }) : () -> ()
      "tpu.region"() ({
        %run_scoped3A = tpu.sem_alloc : memref<!tpu.dma_semaphore, #tpu.memory_space<semaphore_mem>>
        %dma_start3A_142 = arith.constant 0 : i32
        %dma_start3A_143 = arith.constant 0 : i32
        %dma_start3A_144 = tpu.memref_slice %arg11[%dma_start3A_142, %dma_start3A_143] : memref<80x128xf32, #tpu.memory_space<vmem>> -> memref<16x128xf32, #tpu.memory_space<vmem>>
        %dma_start3A_145 = arith.constant 0 : i32
        %dma_start3A_146 = arith.constant 0 : i32
        %dma_start3A_147 = tpu.memref_slice %arg8[%dma_start3A_145, %dma_start3A_146] : memref<10000x128xf32, #tpu.memory_space<vmem_shared>> -> memref<10000x128xf32, #tpu.memory_space<vmem_shared>>
        tpu.enqueue_indirect_dma source(%dma_start3A_144 : memref<16x128xf32, #tpu.memory_space<vmem>>) target(%dma_start3A_147 : memref<10000x128xf32, #tpu.memory_space<vmem_shared>>) offsets(%arg14 : memref<16xi32, #tpu.memory_space<vmem>>) semaphore(%run_scoped3A : memref<!tpu.dma_semaphore, #tpu.memory_space<semaphore_mem>>)
        %dma_wait3A_148 = arith.constant 0 : i32
        %dma_wait3A_149 = arith.constant 0 : i32
        %dma_wait3A_150 = tpu.memref_slice %arg11[%dma_wait3A_148, %dma_wait3A_149] : memref<80x128xf32, #tpu.memory_space<vmem>> -> memref<16x128xf32, #tpu.memory_space<vmem>>
        %dma_wait3A_151 = arith.constant 0 : i32
        %dma_wait3A_152 = arith.constant 0 : i32
        %dma_wait3A_153 = tpu.memref_slice %arg8[%dma_wait3A_151, %dma_wait3A_152] : memref<10000x128xf32, #tpu.memory_space<vmem_shared>> -> memref<10000x128xf32, #tpu.memory_space<vmem_shared>>
        tpu.wait_indirect_dma semaphore(%run_scoped3A : memref<!tpu.dma_semaphore, #tpu.memory_space<semaphore_mem>>) src(%dma_wait3A_150 : memref<16x128xf32, #tpu.memory_space<vmem>>) dst(%dma_wait3A_153 : memref<10000x128xf32, #tpu.memory_space<vmem_shared>>)
        tpu.yield
      }) : () -> ()
    } else {
    }
    "tpu.region"() ({
      %run_scoped3A = tpu.sem_alloc : memref<!tpu.dma_semaphore, #tpu.memory_space<semaphore_mem>>
      %dma_start3A_142 = arith.constant 0 : i32
      %dma_start3A_143 = arith.constant 0 : i32
      %dma_start3A_144 = tpu.memref_slice %arg4[%add3A, %dma_start3A_142, %dma_start3A_143] : memref<32x125x80xi32, #tpu.memory_space<hbm>> -> memref<1x125x80xi32, #tpu.memory_space<hbm>>
      %dma_start3A_145 = tpu.memref_squeeze %dma_start3A_144 : memref<1x125x80xi32, #tpu.memory_space<hbm>> -> memref<125x80xi32, #tpu.memory_space<hbm>>
      %dma_start3A_146 = arith.constant 0 : i32
      %dma_start3A_147 = arith.constant 0 : i32
      %dma_start3A_148 = tpu.memref_slice %arg4[%add3A, %dma_start3A_146, %dma_start3A_147] : memref<32x125x80xi32, #tpu.memory_space<hbm>> -> memref<1x125x80xi32, #tpu.memory_space<hbm>>
      %dma_start3A_149 = tpu.memref_squeeze %dma_start3A_148 : memref<1x125x80xi32, #tpu.memory_space<hbm>> -> memref<125x80xi32, #tpu.memory_space<hbm>>
      tpu.enqueue_dma source(%dma_start3A_149 : memref<125x80xi32, #tpu.memory_space<hbm>>) target(%arg10 : memref<125x80xi32, #tpu.memory_space<vmem>>) target_semaphore(%run_scoped3A : memref<!tpu.dma_semaphore, #tpu.memory_space<semaphore_mem>>)
      %dma_wait3A_150 = arith.constant 0 : i32
      %dma_wait3A_151 = arith.constant 0 : i32
      %dma_wait3A_152 = tpu.memref_slice %arg4[%add3A, %dma_wait3A_150, %dma_wait3A_151] : memref<32x125x80xi32, #tpu.memory_space<hbm>> -> memref<1x125x80xi32, #tpu.memory_space<hbm>>
      %dma_wait3A_153 = tpu.memref_squeeze %dma_wait3A_152 : memref<1x125x80xi32, #tpu.memory_space<hbm>> -> memref<125x80xi32, #tpu.memory_space<hbm>>
      %dma_wait3A_154 = arith.constant 0 : i32
      %dma_wait3A_155 = arith.constant 0 : i32
      %dma_wait3A_156 = tpu.memref_slice %arg4[%add3A, %dma_wait3A_154, %dma_wait3A_155] : memref<32x125x80xi32, #tpu.memory_space<hbm>> -> memref<1x125x80xi32, #tpu.memory_space<hbm>>
      %dma_wait3A_157 = tpu.memref_squeeze %dma_wait3A_156 : memref<1x125x80xi32, #tpu.memory_space<hbm>> -> memref<125x80xi32, #tpu.memory_space<hbm>>
      tpu.wait_dma2 semaphore(%run_scoped3A : memref<!tpu.dma_semaphore, #tpu.memory_space<semaphore_mem>>) src(%dma_wait3A_157 : memref<125x80xi32, #tpu.memory_space<hbm>>) dst(%arg10 : memref<125x80xi32, #tpu.memory_space<vmem>>)
      tpu.yield
    }) : () -> ()
    "tpu.region"() ({
      %run_scoped3A = tpu.sem_alloc : memref<!tpu.dma_semaphore, #tpu.memory_space<semaphore_mem>>
      %dma_start3A_142 = arith.constant 0 : i32
      %dma_start3A_143 = arith.constant 0 : i32
      %dma_start3A_144 = tpu.memref_slice %arg3[%add3A, %dma_start3A_142, %dma_start3A_143] : memref<32x125x80xi32, #tpu.memory_space<hbm>> -> memref<1x125x80xi32, #tpu.memory_space<hbm>>
      %dma_start3A_145 = tpu.memref_squeeze %dma_start3A_144 : memref<1x125x80xi32, #tpu.memory_space<hbm>> -> memref<125x80xi32, #tpu.memory_space<hbm>>
      %dma_start3A_146 = arith.constant 0 : i32
      %dma_start3A_147 = arith.constant 0 : i32
      %dma_start3A_148 = tpu.memref_slice %arg3[%add3A, %dma_start3A_146, %dma_start3A_147] : memref<32x125x80xi32, #tpu.memory_space<hbm>> -> memref<1x125x80xi32, #tpu.memory_space<hbm>>
      %dma_start3A_149 = tpu.memref_squeeze %dma_start3A_148 : memref<1x125x80xi32, #tpu.memory_space<hbm>> -> memref<125x80xi32, #tpu.memory_space<hbm>>
      tpu.enqueue_dma source(%dma_start3A_149 : memref<125x80xi32, #tpu.memory_space<hbm>>) target(%arg9 : memref<125x80xi32, #tpu.memory_space<vmem>>) target_semaphore(%run_scoped3A : memref<!tpu.dma_semaphore, #tpu.memory_space<semaphore_mem>>)
      %dma_wait3A_150 = arith.constant 0 : i32
      %dma_wait3A_151 = arith.constant 0 : i32
      %dma_wait3A_152 = tpu.memref_slice %arg3[%add3A, %dma_wait3A_150, %dma_wait3A_151] : memref<32x125x80xi32, #tpu.memory_space<hbm>> -> memref<1x125x80xi32, #tpu.memory_space<hbm>>
      %dma_wait3A_153 = tpu.memref_squeeze %dma_wait3A_152 : memref<1x125x80xi32, #tpu.memory_space<hbm>> -> memref<125x80xi32, #tpu.memory_space<hbm>>
      %dma_wait3A_154 = arith.constant 0 : i32
      %dma_wait3A_155 = arith.constant 0 : i32
      %dma_wait3A_156 = tpu.memref_slice %arg3[%add3A, %dma_wait3A_154, %dma_wait3A_155] : memref<32x125x80xi32, #tpu.memory_space<hbm>> -> memref<1x125x80xi32, #tpu.memory_space<hbm>>
      %dma_wait3A_157 = tpu.memref_squeeze %dma_wait3A_156 : memref<1x125x80xi32, #tpu.memory_space<hbm>> -> memref<125x80xi32, #tpu.memory_space<hbm>>
      tpu.wait_dma2 semaphore(%run_scoped3A : memref<!tpu.dma_semaphore, #tpu.memory_space<semaphore_mem>>) src(%dma_wait3A_157 : memref<125x80xi32, #tpu.memory_space<hbm>>) dst(%arg9 : memref<125x80xi32, #tpu.memory_space<vmem>>)
      tpu.yield
    }) : () -> ()
    %barrier3A = arith.constant 0 : index
    tpu.barrier barrier_id(%barrier3A)
    %scan3A = arith.constant 0 : i32
    %scan3A_21 = arith.constant 0 : i32
    %scan3A_22 = arith.constant 125 : i32
    %scan3A_23 = arith.addi %scan3A_21, %scan3A_22 : i32
    %scan3A_24 = arith.constant 1 : i32
    scf.for %scan3A_142 = %scan3A_21 to %scan3A_23 step %scan3A_24  : i32 {
      %dma_start3A_143 = arith.constant 0 : i32
      %dma_start3A_144 = tpu.memref_slice %arg9[%scan3A_142, %dma_start3A_143] : memref<125x80xi32, #tpu.memory_space<vmem>> -> memref<1x80xi32, #tpu.memory_space<vmem>>
      %dma_start3A_145 = tpu.memref_squeeze %dma_start3A_144 : memref<1x80xi32, #tpu.memory_space<vmem>> -> memref<80xi32, #tpu.memory_space<vmem>>
      %dma_start3A_146 = arith.constant 0 : i32
      %dma_start3A_147 = arith.constant 0 : i32
      %dma_start3A_148 = tpu.memref_slice %arg2[%dma_start3A_146, %dma_start3A_147] : memref<10000x128xf32, #tpu.memory_space<hbm>> -> memref<10000x128xf32, #tpu.memory_space<hbm>>
      tpu.enqueue_indirect_dma source(%dma_start3A_148 : memref<10000x128xf32, #tpu.memory_space<hbm>>) target(%arg11 : memref<80x128xf32, #tpu.memory_space<vmem>>) offsets(%dma_start3A_145 : memref<80xi32, #tpu.memory_space<vmem>>) semaphore(%arg15 : memref<!tpu.dma_semaphore, #tpu.memory_space<semaphore_mem>>)
      %dma_wait3A_149 = arith.constant 0 : i32
      %dma_wait3A_150 = tpu.memref_slice %arg9[%scan3A_142, %dma_wait3A_149] : memref<125x80xi32, #tpu.memory_space<vmem>> -> memref<1x80xi32, #tpu.memory_space<vmem>>
      %dma_wait3A_151 = tpu.memref_squeeze %dma_wait3A_150 : memref<1x80xi32, #tpu.memory_space<vmem>> -> memref<80xi32, #tpu.memory_space<vmem>>
      %dma_wait3A_152 = arith.constant 0 : i32
      %dma_wait3A_153 = arith.constant 0 : i32
      %dma_wait3A_154 = tpu.memref_slice %arg2[%dma_wait3A_152, %dma_wait3A_153] : memref<10000x128xf32, #tpu.memory_space<hbm>> -> memref<10000x128xf32, #tpu.memory_space<hbm>>
      tpu.wait_indirect_dma semaphore(%arg15 : memref<!tpu.dma_semaphore, #tpu.memory_space<semaphore_mem>>) src(%dma_wait3A_154 : memref<10000x128xf32, #tpu.memory_space<hbm>>) dst(%arg11 : memref<80x128xf32, #tpu.memory_space<vmem>>)
      "tpu.region"() ({
        %run_scoped3A = tpu.sem_alloc : memref<!tpu.dma_semaphore, #tpu.memory_space<semaphore_mem>>
        %dma_start3A_155 = arith.constant 0 : i32
        %dma_start3A_156 = tpu.memref_slice %arg10[%scan3A_142, %dma_start3A_155] : memref<125x80xi32, #tpu.memory_space<vmem>> -> memref<1x80xi32, #tpu.memory_space<vmem>>
        %dma_start3A_157 = tpu.memref_squeeze %dma_start3A_156 : memref<1x80xi32, #tpu.memory_space<vmem>> -> memref<80xi32, #tpu.memory_space<vmem>>
        %dma_start3A_158 = arith.constant 0 : i32
        %dma_start3A_159 = arith.constant 0 : i32
        %dma_start3A_160 = tpu.memref_slice %arg8[%dma_start3A_158, %dma_start3A_159] : memref<10000x128xf32, #tpu.memory_space<vmem_shared>> -> memref<10000x128xf32, #tpu.memory_space<vmem_shared>>
        tpu.enqueue_indirect_dma source(%arg11 : memref<80x128xf32, #tpu.memory_space<vmem>>) target(%dma_start3A_160 : memref<10000x128xf32, #tpu.memory_space<vmem_shared>>) offsets(%dma_start3A_157 : memref<80xi32, #tpu.memory_space<vmem>>) semaphore(%run_scoped3A : memref<!tpu.dma_semaphore, #tpu.memory_space<semaphore_mem>>) {add = true}
        %dma_wait3A_161 = arith.constant 0 : i32
        %dma_wait3A_162 = tpu.memref_slice %arg10[%scan3A_142, %dma_wait3A_161] : memref<125x80xi32, #tpu.memory_space<vmem>> -> memref<1x80xi32, #tpu.memory_space<vmem>>
        %dma_wait3A_163 = tpu.memref_squeeze %dma_wait3A_162 : memref<1x80xi32, #tpu.memory_space<vmem>> -> memref<80xi32, #tpu.memory_space<vmem>>
        %dma_wait3A_164 = arith.constant 0 : i32
        %dma_wait3A_165 = arith.constant 0 : i32
        %dma_wait3A_166 = tpu.memref_slice %arg8[%dma_wait3A_164, %dma_wait3A_165] : memref<10000x128xf32, #tpu.memory_space<vmem_shared>> -> memref<10000x128xf32, #tpu.memory_space<vmem_shared>>
        tpu.wait_indirect_dma semaphore(%run_scoped3A : memref<!tpu.dma_semaphore, #tpu.memory_space<semaphore_mem>>) src(%arg11 : memref<80x128xf32, #tpu.memory_space<vmem>>) dst(%dma_wait3A_166 : memref<10000x128xf32, #tpu.memory_space<vmem_shared>>)
        tpu.yield
      }) : () -> ()
    }
    %scan3A_25 = arith.constant 125 : i32
    %barrier3A_26 = arith.constant 0 : index
    tpu.barrier barrier_id(%barrier3A_26)
    %add3A_27 = arith.constant 0 : i32
    %add3A_28 = arith.addi %mul3A_2, %add3A_27 : i32
    "tpu.region"() ({
      %run_scoped3A = tpu.sem_alloc : memref<!tpu.dma_semaphore, #tpu.memory_space<semaphore_mem>>
      %dma_start3A_142 = tpu.memref_slice %arg6[%add3A_28] : memref<10000xi32, #tpu.memory_space<hbm>> -> memref<80xi32, #tpu.memory_space<hbm>>
      %dma_start3A_143 = tpu.memref_slice %arg6[%add3A_28] : memref<10000xi32, #tpu.memory_space<hbm>> -> memref<80xi32, #tpu.memory_space<hbm>>
      tpu.enqueue_dma source(%dma_start3A_143 : memref<80xi32, #tpu.memory_space<hbm>>) target(%arg12 : memref<80xi32, #tpu.memory_space<vmem>>) target_semaphore(%run_scoped3A : memref<!tpu.dma_semaphore, #tpu.memory_space<semaphore_mem>>)
      %dma_wait3A_144 = tpu.memref_slice %arg6[%add3A_28] : memref<10000xi32, #tpu.memory_space<hbm>> -> memref<80xi32, #tpu.memory_space<hbm>>
      %dma_wait3A_145 = tpu.memref_slice %arg6[%add3A_28] : memref<10000xi32, #tpu.memory_space<hbm>> -> memref<80xi32, #tpu.memory_space<hbm>>
      tpu.wait_dma2 semaphore(%run_scoped3A : memref<!tpu.dma_semaphore, #tpu.memory_space<semaphore_mem>>) src(%dma_wait3A_145 : memref<80xi32, #tpu.memory_space<hbm>>) dst(%arg12 : memref<80xi32, #tpu.memory_space<vmem>>)
      tpu.yield
    }) : () -> ()
    %dma_start3A = arith.constant 0 : i32
    %dma_start3A_29 = arith.constant 0 : i32
    %dma_start3A_30 = tpu.memref_slice %arg11[%dma_start3A, %dma_start3A_29] : memref<80x128xf32, #tpu.memory_space<vmem>> -> memref<80x128xf32, #tpu.memory_space<vmem>>
    %dma_start3A_31 = arith.constant 0 : i32
    %dma_start3A_32 = arith.constant 0 : i32
    %dma_start3A_33 = tpu.memref_slice %arg8[%dma_start3A_31, %dma_start3A_32] : memref<10000x128xf32, #tpu.memory_space<vmem_shared>> -> memref<10000x128xf32, #tpu.memory_space<vmem_shared>>
    tpu.enqueue_indirect_dma source(%dma_start3A_33 : memref<10000x128xf32, #tpu.memory_space<vmem_shared>>) target(%dma_start3A_30 : memref<80x128xf32, #tpu.memory_space<vmem>>) offsets(%arg12 : memref<80xi32, #tpu.memory_space<vmem>>) semaphore(%arg15 : memref<!tpu.dma_semaphore, #tpu.memory_space<semaphore_mem>>)
    %dma_wait3A = arith.constant 0 : i32
    %dma_wait3A_34 = arith.constant 0 : i32
    %dma_wait3A_35 = tpu.memref_slice %arg11[%dma_wait3A, %dma_wait3A_34] : memref<80x128xf32, #tpu.memory_space<vmem>> -> memref<80x128xf32, #tpu.memory_space<vmem>>
    %dma_wait3A_36 = arith.constant 0 : i32
    %dma_wait3A_37 = arith.constant 0 : i32
    %dma_wait3A_38 = tpu.memref_slice %arg8[%dma_wait3A_36, %dma_wait3A_37] : memref<10000x128xf32, #tpu.memory_space<vmem_shared>> -> memref<10000x128xf32, #tpu.memory_space<vmem_shared>>
    tpu.wait_indirect_dma semaphore(%arg15 : memref<!tpu.dma_semaphore, #tpu.memory_space<semaphore_mem>>) src(%dma_wait3A_38 : memref<10000x128xf32, #tpu.memory_space<vmem_shared>>) dst(%dma_wait3A_35 : memref<80x128xf32, #tpu.memory_space<vmem>>)
    "tpu.region"() ({
      %run_scoped3A = tpu.sem_alloc : memref<!tpu.dma_semaphore, #tpu.memory_space<semaphore_mem>>
      %dma_start3A_142 = arith.constant 0 : i32
      %dma_start3A_143 = arith.constant 0 : i32
      %dma_start3A_144 = tpu.memref_slice %arg11[%dma_start3A_142, %dma_start3A_143] : memref<80x128xf32, #tpu.memory_space<vmem>> -> memref<80x128xf32, #tpu.memory_space<vmem>>
      %dma_start3A_145 = arith.constant 0 : i32
      %dma_start3A_146 = tpu.memref_slice %arg7[%arg0, %add3A_28, %dma_start3A_145] : memref<2x10000x128xf32, #tpu.memory_space<hbm>> -> memref<1x80x128xf32, #tpu.memory_space<hbm>>
      %dma_start3A_147 = tpu.memref_squeeze %dma_start3A_146 : memref<1x80x128xf32, #tpu.memory_space<hbm>> -> memref<80x128xf32, #tpu.memory_space<hbm>>
      %dma_start3A_148 = arith.constant 0 : i32
      %dma_start3A_149 = tpu.memref_slice %arg7[%arg0, %add3A_28, %dma_start3A_148] : memref<2x10000x128xf32, #tpu.memory_space<hbm>> -> memref<1x80x128xf32, #tpu.memory_space<hbm>>
      %dma_start3A_150 = tpu.memref_squeeze %dma_start3A_149 : memref<1x80x128xf32, #tpu.memory_space<hbm>> -> memref<80x128xf32, #tpu.memory_space<hbm>>
      %dma_start3A_151 = arith.constant 0 : i32
      %dma_start3A_152 = arith.constant 0 : i32
      %dma_start3A_153 = tpu.memref_slice %arg11[%dma_start3A_151, %dma_start3A_152] : memref<80x128xf32, #tpu.memory_space<vmem>> -> memref<80x128xf32, #tpu.memory_space<vmem>>
      tpu.enqueue_dma source(%dma_start3A_153 : memref<80x128xf32, #tpu.memory_space<vmem>>) target(%dma_start3A_150 : memref<80x128xf32, #tpu.memory_space<hbm>>) target_semaphore(%run_scoped3A : memref<!tpu.dma_semaphore, #tpu.memory_space<semaphore_mem>>)
      %dma_wait3A_154 = arith.constant 0 : i32
      %dma_wait3A_155 = arith.constant 0 : i32
      %dma_wait3A_156 = tpu.memref_slice %arg11[%dma_wait3A_154, %dma_wait3A_155] : memref<80x128xf32, #tpu.memory_space<vmem>> -> memref<80x128xf32, #tpu.memory_space<vmem>>
      %dma_wait3A_157 = arith.constant 0 : i32
      %dma_wait3A_158 = tpu.memref_slice %arg7[%arg0, %add3A_28, %dma_wait3A_157] : memref<2x10000x128xf32, #tpu.memory_space<hbm>> -> memref<1x80x128xf32, #tpu.memory_space<hbm>>
      %dma_wait3A_159 = tpu.memref_squeeze %dma_wait3A_158 : memref<1x80x128xf32, #tpu.memory_space<hbm>> -> memref<80x128xf32, #tpu.memory_space<hbm>>
      %dma_wait3A_160 = arith.constant 0 : i32
      %dma_wait3A_161 = tpu.memref_slice %arg7[%arg0, %add3A_28, %dma_wait3A_160] : memref<2x10000x128xf32, #tpu.memory_space<hbm>> -> memref<1x80x128xf32, #tpu.memory_space<hbm>>
      %dma_wait3A_162 = tpu.memref_squeeze %dma_wait3A_161 : memref<1x80x128xf32, #tpu.memory_space<hbm>> -> memref<80x128xf32, #tpu.memory_space<hbm>>
      %dma_wait3A_163 = arith.constant 0 : i32
      %dma_wait3A_164 = arith.constant 0 : i32
      %dma_wait3A_165 = tpu.memref_slice %arg11[%dma_wait3A_163, %dma_wait3A_164] : memref<80x128xf32, #tpu.memory_space<vmem>> -> memref<80x128xf32, #tpu.memory_space<vmem>>
      tpu.wait_dma2 semaphore(%run_scoped3A : memref<!tpu.dma_semaphore, #tpu.memory_space<semaphore_mem>>) src(%dma_wait3A_165 : memref<80x128xf32, #tpu.memory_space<vmem>>) dst(%dma_wait3A_162 : memref<80x128xf32, #tpu.memory_space<hbm>>)
      tpu.yield
    }) : () -> ()
    %add3A_39 = arith.constant 80 : i32
    %add3A_40 = arith.addi %mul3A_2, %add3A_39 : i32
    "tpu.region"() ({
      %run_scoped3A = tpu.sem_alloc : memref<!tpu.dma_semaphore, #tpu.memory_space<semaphore_mem>>
      %dma_start3A_142 = tpu.memref_slice %arg6[%add3A_40] : memref<10000xi32, #tpu.memory_space<hbm>> -> memref<80xi32, #tpu.memory_space<hbm>>
      %dma_start3A_143 = tpu.memref_slice %arg6[%add3A_40] : memref<10000xi32, #tpu.memory_space<hbm>> -> memref<80xi32, #tpu.memory_space<hbm>>
      tpu.enqueue_dma source(%dma_start3A_143 : memref<80xi32, #tpu.memory_space<hbm>>) target(%arg12 : memref<80xi32, #tpu.memory_space<vmem>>) target_semaphore(%run_scoped3A : memref<!tpu.dma_semaphore, #tpu.memory_space<semaphore_mem>>)
      %dma_wait3A_144 = tpu.memref_slice %arg6[%add3A_40] : memref<10000xi32, #tpu.memory_space<hbm>> -> memref<80xi32, #tpu.memory_space<hbm>>
      %dma_wait3A_145 = tpu.memref_slice %arg6[%add3A_40] : memref<10000xi32, #tpu.memory_space<hbm>> -> memref<80xi32, #tpu.memory_space<hbm>>
      tpu.wait_dma2 semaphore(%run_scoped3A : memref<!tpu.dma_semaphore, #tpu.memory_space<semaphore_mem>>) src(%dma_wait3A_145 : memref<80xi32, #tpu.memory_space<hbm>>) dst(%arg12 : memref<80xi32, #tpu.memory_space<vmem>>)
      tpu.yield
    }) : () -> ()
    %dma_start3A_41 = arith.constant 0 : i32
    %dma_start3A_42 = arith.constant 0 : i32
    %dma_start3A_43 = tpu.memref_slice %arg11[%dma_start3A_41, %dma_start3A_42] : memref<80x128xf32, #tpu.memory_space<vmem>> -> memref<80x128xf32, #tpu.memory_space<vmem>>
    %dma_start3A_44 = arith.constant 0 : i32
    %dma_start3A_45 = arith.constant 0 : i32
    %dma_start3A_46 = tpu.memref_slice %arg8[%dma_start3A_44, %dma_start3A_45] : memref<10000x128xf32, #tpu.memory_space<vmem_shared>> -> memref<10000x128xf32, #tpu.memory_space<vmem_shared>>
    tpu.enqueue_indirect_dma source(%dma_start3A_46 : memref<10000x128xf32, #tpu.memory_space<vmem_shared>>) target(%dma_start3A_43 : memref<80x128xf32, #tpu.memory_space<vmem>>) offsets(%arg12 : memref<80xi32, #tpu.memory_space<vmem>>) semaphore(%arg15 : memref<!tpu.dma_semaphore, #tpu.memory_space<semaphore_mem>>)
    %dma_wait3A_47 = arith.constant 0 : i32
    %dma_wait3A_48 = arith.constant 0 : i32
    %dma_wait3A_49 = tpu.memref_slice %arg11[%dma_wait3A_47, %dma_wait3A_48] : memref<80x128xf32, #tpu.memory_space<vmem>> -> memref<80x128xf32, #tpu.memory_space<vmem>>
    %dma_wait3A_50 = arith.constant 0 : i32
    %dma_wait3A_51 = arith.constant 0 : i32
    %dma_wait3A_52 = tpu.memref_slice %arg8[%dma_wait3A_50, %dma_wait3A_51] : memref<10000x128xf32, #tpu.memory_space<vmem_shared>> -> memref<10000x128xf32, #tpu.memory_space<vmem_shared>>
    tpu.wait_indirect_dma semaphore(%arg15 : memref<!tpu.dma_semaphore, #tpu.memory_space<semaphore_mem>>) src(%dma_wait3A_52 : memref<10000x128xf32, #tpu.memory_space<vmem_shared>>) dst(%dma_wait3A_49 : memref<80x128xf32, #tpu.memory_space<vmem>>)
    "tpu.region"() ({
      %run_scoped3A = tpu.sem_alloc : memref<!tpu.dma_semaphore, #tpu.memory_space<semaphore_mem>>
      %dma_start3A_142 = arith.constant 0 : i32
      %dma_start3A_143 = arith.constant 0 : i32
      %dma_start3A_144 = tpu.memref_slice %arg11[%dma_start3A_142, %dma_start3A_143] : memref<80x128xf32, #tpu.memory_space<vmem>> -> memref<80x128xf32, #tpu.memory_space<vmem>>
      %dma_start3A_145 = arith.constant 0 : i32
      %dma_start3A_146 = tpu.memref_slice %arg7[%arg0, %add3A_40, %dma_start3A_145] : memref<2x10000x128xf32, #tpu.memory_space<hbm>> -> memref<1x80x128xf32, #tpu.memory_space<hbm>>
      %dma_start3A_147 = tpu.memref_squeeze %dma_start3A_146 : memref<1x80x128xf32, #tpu.memory_space<hbm>> -> memref<80x128xf32, #tpu.memory_space<hbm>>
      %dma_start3A_148 = arith.constant 0 : i32
      %dma_start3A_149 = tpu.memref_slice %arg7[%arg0, %add3A_40, %dma_start3A_148] : memref<2x10000x128xf32, #tpu.memory_space<hbm>> -> memref<1x80x128xf32, #tpu.memory_space<hbm>>
      %dma_start3A_150 = tpu.memref_squeeze %dma_start3A_149 : memref<1x80x128xf32, #tpu.memory_space<hbm>> -> memref<80x128xf32, #tpu.memory_space<hbm>>
      %dma_start3A_151 = arith.constant 0 : i32
      %dma_start3A_152 = arith.constant 0 : i32
      %dma_start3A_153 = tpu.memref_slice %arg11[%dma_start3A_151, %dma_start3A_152] : memref<80x128xf32, #tpu.memory_space<vmem>> -> memref<80x128xf32, #tpu.memory_space<vmem>>
      tpu.enqueue_dma source(%dma_start3A_153 : memref<80x128xf32, #tpu.memory_space<vmem>>) target(%dma_start3A_150 : memref<80x128xf32, #tpu.memory_space<hbm>>) target_semaphore(%run_scoped3A : memref<!tpu.dma_semaphore, #tpu.memory_space<semaphore_mem>>)
      %dma_wait3A_154 = arith.constant 0 : i32
      %dma_wait3A_155 = arith.constant 0 : i32
      %dma_wait3A_156 = tpu.memref_slice %arg11[%dma_wait3A_154, %dma_wait3A_155] : memref<80x128xf32, #tpu.memory_space<vmem>> -> memref<80x128xf32, #tpu.memory_space<vmem>>
      %dma_wait3A_157 = arith.constant 0 : i32
      %dma_wait3A_158 = tpu.memref_slice %arg7[%arg0, %add3A_40, %dma_wait3A_157] : memref<2x10000x128xf32, #tpu.memory_space<hbm>> -> memref<1x80x128xf32, #tpu.memory_space<hbm>>
      %dma_wait3A_159 = tpu.memref_squeeze %dma_wait3A_158 : memref<1x80x128xf32, #tpu.memory_space<hbm>> -> memref<80x128xf32, #tpu.memory_space<hbm>>
      %dma_wait3A_160 = arith.constant 0 : i32
      %dma_wait3A_161 = tpu.memref_slice %arg7[%arg0, %add3A_40, %dma_wait3A_160] : memref<2x10000x128xf32, #tpu.memory_space<hbm>> -> memref<1x80x128xf32, #tpu.memory_space<hbm>>
      %dma_wait3A_162 = tpu.memref_squeeze %dma_wait3A_161 : memref<1x80x128xf32, #tpu.memory_space<hbm>> -> memref<80x128xf32, #tpu.memory_space<hbm>>
      %dma_wait3A_163 = arith.constant 0 : i32
      %dma_wait3A_164 = arith.constant 0 : i32
      %dma_wait3A_165 = tpu.memref_slice %arg11[%dma_wait3A_163, %dma_wait3A_164] : memref<80x128xf32, #tpu.memory_space<vmem>> -> memref<80x128xf32, #tpu.memory_space<vmem>>
      tpu.wait_dma2 semaphore(%run_scoped3A : memref<!tpu.dma_semaphore, #tpu.memory_space<semaphore_mem>>) src(%dma_wait3A_165 : memref<80x128xf32, #tpu.memory_space<vmem>>) dst(%dma_wait3A_162 : memref<80x128xf32, #tpu.memory_space<hbm>>)
      tpu.yield
    }) : () -> ()
    %add3A_53 = arith.constant 160 : i32
    %add3A_54 = arith.addi %mul3A_2, %add3A_53 : i32
    "tpu.region"() ({
      %run_scoped3A = tpu.sem_alloc : memref<!tpu.dma_semaphore, #tpu.memory_space<semaphore_mem>>
      %dma_start3A_142 = tpu.memref_slice %arg6[%add3A_54] : memref<10000xi32, #tpu.memory_space<hbm>> -> memref<80xi32, #tpu.memory_space<hbm>>
      %dma_start3A_143 = tpu.memref_slice %arg6[%add3A_54] : memref<10000xi32, #tpu.memory_space<hbm>> -> memref<80xi32, #tpu.memory_space<hbm>>
      tpu.enqueue_dma source(%dma_start3A_143 : memref<80xi32, #tpu.memory_space<hbm>>) target(%arg12 : memref<80xi32, #tpu.memory_space<vmem>>) target_semaphore(%run_scoped3A : memref<!tpu.dma_semaphore, #tpu.memory_space<semaphore_mem>>)
      %dma_wait3A_144 = tpu.memref_slice %arg6[%add3A_54] : memref<10000xi32, #tpu.memory_space<hbm>> -> memref<80xi32, #tpu.memory_space<hbm>>
      %dma_wait3A_145 = tpu.memref_slice %arg6[%add3A_54] : memref<10000xi32, #tpu.memory_space<hbm>> -> memref<80xi32, #tpu.memory_space<hbm>>
      tpu.wait_dma2 semaphore(%run_scoped3A : memref<!tpu.dma_semaphore, #tpu.memory_space<semaphore_mem>>) src(%dma_wait3A_145 : memref<80xi32, #tpu.memory_space<hbm>>) dst(%arg12 : memref<80xi32, #tpu.memory_space<vmem>>)
      tpu.yield
    }) : () -> ()
    %dma_start3A_55 = arith.constant 0 : i32
    %dma_start3A_56 = arith.constant 0 : i32
    %dma_start3A_57 = tpu.memref_slice %arg11[%dma_start3A_55, %dma_start3A_56] : memref<80x128xf32, #tpu.memory_space<vmem>> -> memref<80x128xf32, #tpu.memory_space<vmem>>
    %dma_start3A_58 = arith.constant 0 : i32
    %dma_start3A_59 = arith.constant 0 : i32
    %dma_start3A_60 = tpu.memref_slice %arg8[%dma_start3A_58, %dma_start3A_59] : memref<10000x128xf32, #tpu.memory_space<vmem_shared>> -> memref<10000x128xf32, #tpu.memory_space<vmem_shared>>
    tpu.enqueue_indirect_dma source(%dma_start3A_60 : memref<10000x128xf32, #tpu.memory_space<vmem_shared>>) target(%dma_start3A_57 : memref<80x128xf32, #tpu.memory_space<vmem>>) offsets(%arg12 : memref<80xi32, #tpu.memory_space<vmem>>) semaphore(%arg15 : memref<!tpu.dma_semaphore, #tpu.memory_space<semaphore_mem>>)
    %dma_wait3A_61 = arith.constant 0 : i32
    %dma_wait3A_62 = arith.constant 0 : i32
    %dma_wait3A_63 = tpu.memref_slice %arg11[%dma_wait3A_61, %dma_wait3A_62] : memref<80x128xf32, #tpu.memory_space<vmem>> -> memref<80x128xf32, #tpu.memory_space<vmem>>
    %dma_wait3A_64 = arith.constant 0 : i32
    %dma_wait3A_65 = arith.constant 0 : i32
    %dma_wait3A_66 = tpu.memref_slice %arg8[%dma_wait3A_64, %dma_wait3A_65] : memref<10000x128xf32, #tpu.memory_space<vmem_shared>> -> memref<10000x128xf32, #tpu.memory_space<vmem_shared>>
    tpu.wait_indirect_dma semaphore(%arg15 : memref<!tpu.dma_semaphore, #tpu.memory_space<semaphore_mem>>) src(%dma_wait3A_66 : memref<10000x128xf32, #tpu.memory_space<vmem_shared>>) dst(%dma_wait3A_63 : memref<80x128xf32, #tpu.memory_space<vmem>>)
    "tpu.region"() ({
      %run_scoped3A = tpu.sem_alloc : memref<!tpu.dma_semaphore, #tpu.memory_space<semaphore_mem>>
      %dma_start3A_142 = arith.constant 0 : i32
      %dma_start3A_143 = arith.constant 0 : i32
      %dma_start3A_144 = tpu.memref_slice %arg11[%dma_start3A_142, %dma_start3A_143] : memref<80x128xf32, #tpu.memory_space<vmem>> -> memref<80x128xf32, #tpu.memory_space<vmem>>
      %dma_start3A_145 = arith.constant 0 : i32
      %dma_start3A_146 = tpu.memref_slice %arg7[%arg0, %add3A_54, %dma_start3A_145] : memref<2x10000x128xf32, #tpu.memory_space<hbm>> -> memref<1x80x128xf32, #tpu.memory_space<hbm>>
      %dma_start3A_147 = tpu.memref_squeeze %dma_start3A_146 : memref<1x80x128xf32, #tpu.memory_space<hbm>> -> memref<80x128xf32, #tpu.memory_space<hbm>>
      %dma_start3A_148 = arith.constant 0 : i32
      %dma_start3A_149 = tpu.memref_slice %arg7[%arg0, %add3A_54, %dma_start3A_148] : memref<2x10000x128xf32, #tpu.memory_space<hbm>> -> memref<1x80x128xf32, #tpu.memory_space<hbm>>
      %dma_start3A_150 = tpu.memref_squeeze %dma_start3A_149 : memref<1x80x128xf32, #tpu.memory_space<hbm>> -> memref<80x128xf32, #tpu.memory_space<hbm>>
      %dma_start3A_151 = arith.constant 0 : i32
      %dma_start3A_152 = arith.constant 0 : i32
      %dma_start3A_153 = tpu.memref_slice %arg11[%dma_start3A_151, %dma_start3A_152] : memref<80x128xf32, #tpu.memory_space<vmem>> -> memref<80x128xf32, #tpu.memory_space<vmem>>
      tpu.enqueue_dma source(%dma_start3A_153 : memref<80x128xf32, #tpu.memory_space<vmem>>) target(%dma_start3A_150 : memref<80x128xf32, #tpu.memory_space<hbm>>) target_semaphore(%run_scoped3A : memref<!tpu.dma_semaphore, #tpu.memory_space<semaphore_mem>>)
      %dma_wait3A_154 = arith.constant 0 : i32
      %dma_wait3A_155 = arith.constant 0 : i32
      %dma_wait3A_156 = tpu.memref_slice %arg11[%dma_wait3A_154, %dma_wait3A_155] : memref<80x128xf32, #tpu.memory_space<vmem>> -> memref<80x128xf32, #tpu.memory_space<vmem>>
      %dma_wait3A_157 = arith.constant 0 : i32
      %dma_wait3A_158 = tpu.memref_slice %arg7[%arg0, %add3A_54, %dma_wait3A_157] : memref<2x10000x128xf32, #tpu.memory_space<hbm>> -> memref<1x80x128xf32, #tpu.memory_space<hbm>>
      %dma_wait3A_159 = tpu.memref_squeeze %dma_wait3A_158 : memref<1x80x128xf32, #tpu.memory_space<hbm>> -> memref<80x128xf32, #tpu.memory_space<hbm>>
      %dma_wait3A_160 = arith.constant 0 : i32
      %dma_wait3A_161 = tpu.memref_slice %arg7[%arg0, %add3A_54, %dma_wait3A_160] : memref<2x10000x128xf32, #tpu.memory_space<hbm>> -> memref<1x80x128xf32, #tpu.memory_space<hbm>>
      %dma_wait3A_162 = tpu.memref_squeeze %dma_wait3A_161 : memref<1x80x128xf32, #tpu.memory_space<hbm>> -> memref<80x128xf32, #tpu.memory_space<hbm>>
      %dma_wait3A_163 = arith.constant 0 : i32
      %dma_wait3A_164 = arith.constant 0 : i32
      %dma_wait3A_165 = tpu.memref_slice %arg11[%dma_wait3A_163, %dma_wait3A_164] : memref<80x128xf32, #tpu.memory_space<vmem>> -> memref<80x128xf32, #tpu.memory_space<vmem>>
      tpu.wait_dma2 semaphore(%run_scoped3A : memref<!tpu.dma_semaphore, #tpu.memory_space<semaphore_mem>>) src(%dma_wait3A_165 : memref<80x128xf32, #tpu.memory_space<vmem>>) dst(%dma_wait3A_162 : memref<80x128xf32, #tpu.memory_space<hbm>>)
      tpu.yield
    }) : () -> ()
    %add3A_67 = arith.constant 240 : i32
    %add3A_68 = arith.addi %mul3A_2, %add3A_67 : i32
    "tpu.region"() ({
      %run_scoped3A = tpu.sem_alloc : memref<!tpu.dma_semaphore, #tpu.memory_space<semaphore_mem>>
      %dma_start3A_142 = tpu.memref_slice %arg6[%add3A_68] : memref<10000xi32, #tpu.memory_space<hbm>> -> memref<80xi32, #tpu.memory_space<hbm>>
      %dma_start3A_143 = tpu.memref_slice %arg6[%add3A_68] : memref<10000xi32, #tpu.memory_space<hbm>> -> memref<80xi32, #tpu.memory_space<hbm>>
      tpu.enqueue_dma source(%dma_start3A_143 : memref<80xi32, #tpu.memory_space<hbm>>) target(%arg12 : memref<80xi32, #tpu.memory_space<vmem>>) target_semaphore(%run_scoped3A : memref<!tpu.dma_semaphore, #tpu.memory_space<semaphore_mem>>)
      %dma_wait3A_144 = tpu.memref_slice %arg6[%add3A_68] : memref<10000xi32, #tpu.memory_space<hbm>> -> memref<80xi32, #tpu.memory_space<hbm>>
      %dma_wait3A_145 = tpu.memref_slice %arg6[%add3A_68] : memref<10000xi32, #tpu.memory_space<hbm>> -> memref<80xi32, #tpu.memory_space<hbm>>
      tpu.wait_dma2 semaphore(%run_scoped3A : memref<!tpu.dma_semaphore, #tpu.memory_space<semaphore_mem>>) src(%dma_wait3A_145 : memref<80xi32, #tpu.memory_space<hbm>>) dst(%arg12 : memref<80xi32, #tpu.memory_space<vmem>>)
      tpu.yield
    }) : () -> ()
    %dma_start3A_69 = arith.constant 0 : i32
    %dma_start3A_70 = arith.constant 0 : i32
    %dma_start3A_71 = tpu.memref_slice %arg11[%dma_start3A_69, %dma_start3A_70] : memref<80x128xf32, #tpu.memory_space<vmem>> -> memref<80x128xf32, #tpu.memory_space<vmem>>
    %dma_start3A_72 = arith.constant 0 : i32
    %dma_start3A_73 = arith.constant 0 : i32
    %dma_start3A_74 = tpu.memref_slice %arg8[%dma_start3A_72, %dma_start3A_73] : memref<10000x128xf32, #tpu.memory_space<vmem_shared>> -> memref<10000x128xf32, #tpu.memory_space<vmem_shared>>
    tpu.enqueue_indirect_dma source(%dma_start3A_74 : memref<10000x128xf32, #tpu.memory_space<vmem_shared>>) target(%dma_start3A_71 : memref<80x128xf32, #tpu.memory_space<vmem>>) offsets(%arg12 : memref<80xi32, #tpu.memory_space<vmem>>) semaphore(%arg15 : memref<!tpu.dma_semaphore, #tpu.memory_space<semaphore_mem>>)
    %dma_wait3A_75 = arith.constant 0 : i32
    %dma_wait3A_76 = arith.constant 0 : i32
    %dma_wait3A_77 = tpu.memref_slice %arg11[%dma_wait3A_75, %dma_wait3A_76] : memref<80x128xf32, #tpu.memory_space<vmem>> -> memref<80x128xf32, #tpu.memory_space<vmem>>
    %dma_wait3A_78 = arith.constant 0 : i32
    %dma_wait3A_79 = arith.constant 0 : i32
    %dma_wait3A_80 = tpu.memref_slice %arg8[%dma_wait3A_78, %dma_wait3A_79] : memref<10000x128xf32, #tpu.memory_space<vmem_shared>> -> memref<10000x128xf32, #tpu.memory_space<vmem_shared>>
    tpu.wait_indirect_dma semaphore(%arg15 : memref<!tpu.dma_semaphore, #tpu.memory_space<semaphore_mem>>) src(%dma_wait3A_80 : memref<10000x128xf32, #tpu.memory_space<vmem_shared>>) dst(%dma_wait3A_77 : memref<80x128xf32, #tpu.memory_space<vmem>>)
    "tpu.region"() ({
      %run_scoped3A = tpu.sem_alloc : memref<!tpu.dma_semaphore, #tpu.memory_space<semaphore_mem>>
      %dma_start3A_142 = arith.constant 0 : i32
      %dma_start3A_143 = arith.constant 0 : i32
      %dma_start3A_144 = tpu.memref_slice %arg11[%dma_start3A_142, %dma_start3A_143] : memref<80x128xf32, #tpu.memory_space<vmem>> -> memref<80x128xf32, #tpu.memory_space<vmem>>
      %dma_start3A_145 = arith.constant 0 : i32
      %dma_start3A_146 = tpu.memref_slice %arg7[%arg0, %add3A_68, %dma_start3A_145] : memref<2x10000x128xf32, #tpu.memory_space<hbm>> -> memref<1x80x128xf32, #tpu.memory_space<hbm>>
      %dma_start3A_147 = tpu.memref_squeeze %dma_start3A_146 : memref<1x80x128xf32, #tpu.memory_space<hbm>> -> memref<80x128xf32, #tpu.memory_space<hbm>>
      %dma_start3A_148 = arith.constant 0 : i32
      %dma_start3A_149 = tpu.memref_slice %arg7[%arg0, %add3A_68, %dma_start3A_148] : memref<2x10000x128xf32, #tpu.memory_space<hbm>> -> memref<1x80x128xf32, #tpu.memory_space<hbm>>
      %dma_start3A_150 = tpu.memref_squeeze %dma_start3A_149 : memref<1x80x128xf32, #tpu.memory_space<hbm>> -> memref<80x128xf32, #tpu.memory_space<hbm>>
      %dma_start3A_151 = arith.constant 0 : i32
      %dma_start3A_152 = arith.constant 0 : i32
      %dma_start3A_153 = tpu.memref_slice %arg11[%dma_start3A_151, %dma_start3A_152] : memref<80x128xf32, #tpu.memory_space<vmem>> -> memref<80x128xf32, #tpu.memory_space<vmem>>
      tpu.enqueue_dma source(%dma_start3A_153 : memref<80x128xf32, #tpu.memory_space<vmem>>) target(%dma_start3A_150 : memref<80x128xf32, #tpu.memory_space<hbm>>) target_semaphore(%run_scoped3A : memref<!tpu.dma_semaphore, #tpu.memory_space<semaphore_mem>>)
      %dma_wait3A_154 = arith.constant 0 : i32
      %dma_wait3A_155 = arith.constant 0 : i32
      %dma_wait3A_156 = tpu.memref_slice %arg11[%dma_wait3A_154, %dma_wait3A_155] : memref<80x128xf32, #tpu.memory_space<vmem>> -> memref<80x128xf32, #tpu.memory_space<vmem>>
      %dma_wait3A_157 = arith.constant 0 : i32
      %dma_wait3A_158 = tpu.memref_slice %arg7[%arg0, %add3A_68, %dma_wait3A_157] : memref<2x10000x128xf32, #tpu.memory_space<hbm>> -> memref<1x80x128xf32, #tpu.memory_space<hbm>>
      %dma_wait3A_159 = tpu.memref_squeeze %dma_wait3A_158 : memref<1x80x128xf32, #tpu.memory_space<hbm>> -> memref<80x128xf32, #tpu.memory_space<hbm>>
      %dma_wait3A_160 = arith.constant 0 : i32
      %dma_wait3A_161 = tpu.memref_slice %arg7[%arg0, %add3A_68, %dma_wait3A_160] : memref<2x10000x128xf32, #tpu.memory_space<hbm>> -> memref<1x80x128xf32, #tpu.memory_space<hbm>>
      %dma_wait3A_162 = tpu.memref_squeeze %dma_wait3A_161 : memref<1x80x128xf32, #tpu.memory_space<hbm>> -> memref<80x128xf32, #tpu.memory_space<hbm>>
      %dma_wait3A_163 = arith.constant 0 : i32
      %dma_wait3A_164 = arith.constant 0 : i32
      %dma_wait3A_165 = tpu.memref_slice %arg11[%dma_wait3A_163, %dma_wait3A_164] : memref<80x128xf32, #tpu.memory_space<vmem>> -> memref<80x128xf32, #tpu.memory_space<vmem>>
      tpu.wait_dma2 semaphore(%run_scoped3A : memref<!tpu.dma_semaphore, #tpu.memory_space<semaphore_mem>>) src(%dma_wait3A_165 : memref<80x128xf32, #tpu.memory_space<vmem>>) dst(%dma_wait3A_162 : memref<80x128xf32, #tpu.memory_space<hbm>>)
      tpu.yield
    }) : () -> ()
    %add3A_81 = arith.constant 320 : i32
    %add3A_82 = arith.addi %mul3A_2, %add3A_81 : i32
    "tpu.region"() ({
      %run_scoped3A = tpu.sem_alloc : memref<!tpu.dma_semaphore, #tpu.memory_space<semaphore_mem>>
      %dma_start3A_142 = tpu.memref_slice %arg6[%add3A_82] : memref<10000xi32, #tpu.memory_space<hbm>> -> memref<80xi32, #tpu.memory_space<hbm>>
      %dma_start3A_143 = tpu.memref_slice %arg6[%add3A_82] : memref<10000xi32, #tpu.memory_space<hbm>> -> memref<80xi32, #tpu.memory_space<hbm>>
      tpu.enqueue_dma source(%dma_start3A_143 : memref<80xi32, #tpu.memory_space<hbm>>) target(%arg12 : memref<80xi32, #tpu.memory_space<vmem>>) target_semaphore(%run_scoped3A : memref<!tpu.dma_semaphore, #tpu.memory_space<semaphore_mem>>)
      %dma_wait3A_144 = tpu.memref_slice %arg6[%add3A_82] : memref<10000xi32, #tpu.memory_space<hbm>> -> memref<80xi32, #tpu.memory_space<hbm>>
      %dma_wait3A_145 = tpu.memref_slice %arg6[%add3A_82] : memref<10000xi32, #tpu.memory_space<hbm>> -> memref<80xi32, #tpu.memory_space<hbm>>
      tpu.wait_dma2 semaphore(%run_scoped3A : memref<!tpu.dma_semaphore, #tpu.memory_space<semaphore_mem>>) src(%dma_wait3A_145 : memref<80xi32, #tpu.memory_space<hbm>>) dst(%arg12 : memref<80xi32, #tpu.memory_space<vmem>>)
      tpu.yield
    }) : () -> ()
    %dma_start3A_83 = arith.constant 0 : i32
    %dma_start3A_84 = arith.constant 0 : i32
    %dma_start3A_85 = tpu.memref_slice %arg11[%dma_start3A_83, %dma_start3A_84] : memref<80x128xf32, #tpu.memory_space<vmem>> -> memref<80x128xf32, #tpu.memory_space<vmem>>
    %dma_start3A_86 = arith.constant 0 : i32
    %dma_start3A_87 = arith.constant 0 : i32
    %dma_start3A_88 = tpu.memref_slice %arg8[%dma_start3A_86, %dma_start3A_87] : memref<10000x128xf32, #tpu.memory_space<vmem_shared>> -> memref<10000x128xf32, #tpu.memory_space<vmem_shared>>
    tpu.enqueue_indirect_dma source(%dma_start3A_88 : memref<10000x128xf32, #tpu.memory_space<vmem_shared>>) target(%dma_start3A_85 : memref<80x128xf32, #tpu.memory_space<vmem>>) offsets(%arg12 : memref<80xi32, #tpu.memory_space<vmem>>) semaphore(%arg15 : memref<!tpu.dma_semaphore, #tpu.memory_space<semaphore_mem>>)
    %dma_wait3A_89 = arith.constant 0 : i32
    %dma_wait3A_90 = arith.constant 0 : i32
    %dma_wait3A_91 = tpu.memref_slice %arg11[%dma_wait3A_89, %dma_wait3A_90] : memref<80x128xf32, #tpu.memory_space<vmem>> -> memref<80x128xf32, #tpu.memory_space<vmem>>
    %dma_wait3A_92 = arith.constant 0 : i32
    %dma_wait3A_93 = arith.constant 0 : i32
    %dma_wait3A_94 = tpu.memref_slice %arg8[%dma_wait3A_92, %dma_wait3A_93] : memref<10000x128xf32, #tpu.memory_space<vmem_shared>> -> memref<10000x128xf32, #tpu.memory_space<vmem_shared>>
    tpu.wait_indirect_dma semaphore(%arg15 : memref<!tpu.dma_semaphore, #tpu.memory_space<semaphore_mem>>) src(%dma_wait3A_94 : memref<10000x128xf32, #tpu.memory_space<vmem_shared>>) dst(%dma_wait3A_91 : memref<80x128xf32, #tpu.memory_space<vmem>>)
    "tpu.region"() ({
      %run_scoped3A = tpu.sem_alloc : memref<!tpu.dma_semaphore, #tpu.memory_space<semaphore_mem>>
      %dma_start3A_142 = arith.constant 0 : i32
      %dma_start3A_143 = arith.constant 0 : i32
      %dma_start3A_144 = tpu.memref_slice %arg11[%dma_start3A_142, %dma_start3A_143] : memref<80x128xf32, #tpu.memory_space<vmem>> -> memref<80x128xf32, #tpu.memory_space<vmem>>
      %dma_start3A_145 = arith.constant 0 : i32
      %dma_start3A_146 = tpu.memref_slice %arg7[%arg0, %add3A_82, %dma_start3A_145] : memref<2x10000x128xf32, #tpu.memory_space<hbm>> -> memref<1x80x128xf32, #tpu.memory_space<hbm>>
      %dma_start3A_147 = tpu.memref_squeeze %dma_start3A_146 : memref<1x80x128xf32, #tpu.memory_space<hbm>> -> memref<80x128xf32, #tpu.memory_space<hbm>>
      %dma_start3A_148 = arith.constant 0 : i32
      %dma_start3A_149 = tpu.memref_slice %arg7[%arg0, %add3A_82, %dma_start3A_148] : memref<2x10000x128xf32, #tpu.memory_space<hbm>> -> memref<1x80x128xf32, #tpu.memory_space<hbm>>
      %dma_start3A_150 = tpu.memref_squeeze %dma_start3A_149 : memref<1x80x128xf32, #tpu.memory_space<hbm>> -> memref<80x128xf32, #tpu.memory_space<hbm>>
      %dma_start3A_151 = arith.constant 0 : i32
      %dma_start3A_152 = arith.constant 0 : i32
      %dma_start3A_153 = tpu.memref_slice %arg11[%dma_start3A_151, %dma_start3A_152] : memref<80x128xf32, #tpu.memory_space<vmem>> -> memref<80x128xf32, #tpu.memory_space<vmem>>
      tpu.enqueue_dma source(%dma_start3A_153 : memref<80x128xf32, #tpu.memory_space<vmem>>) target(%dma_start3A_150 : memref<80x128xf32, #tpu.memory_space<hbm>>) target_semaphore(%run_scoped3A : memref<!tpu.dma_semaphore, #tpu.memory_space<semaphore_mem>>)
      %dma_wait3A_154 = arith.constant 0 : i32
      %dma_wait3A_155 = arith.constant 0 : i32
      %dma_wait3A_156 = tpu.memref_slice %arg11[%dma_wait3A_154, %dma_wait3A_155] : memref<80x128xf32, #tpu.memory_space<vmem>> -> memref<80x128xf32, #tpu.memory_space<vmem>>
      %dma_wait3A_157 = arith.constant 0 : i32
      %dma_wait3A_158 = tpu.memref_slice %arg7[%arg0, %add3A_82, %dma_wait3A_157] : memref<2x10000x128xf32, #tpu.memory_space<hbm>> -> memref<1x80x128xf32, #tpu.memory_space<hbm>>
      %dma_wait3A_159 = tpu.memref_squeeze %dma_wait3A_158 : memref<1x80x128xf32, #tpu.memory_space<hbm>> -> memref<80x128xf32, #tpu.memory_space<hbm>>
      %dma_wait3A_160 = arith.constant 0 : i32
      %dma_wait3A_161 = tpu.memref_slice %arg7[%arg0, %add3A_82, %dma_wait3A_160] : memref<2x10000x128xf32, #tpu.memory_space<hbm>> -> memref<1x80x128xf32, #tpu.memory_space<hbm>>
      %dma_wait3A_162 = tpu.memref_squeeze %dma_wait3A_161 : memref<1x80x128xf32, #tpu.memory_space<hbm>> -> memref<80x128xf32, #tpu.memory_space<hbm>>
      %dma_wait3A_163 = arith.constant 0 : i32
      %dma_wait3A_164 = arith.constant 0 : i32
      %dma_wait3A_165 = tpu.memref_slice %arg11[%dma_wait3A_163, %dma_wait3A_164] : memref<80x128xf32, #tpu.memory_space<vmem>> -> memref<80x128xf32, #tpu.memory_space<vmem>>
      tpu.wait_dma2 semaphore(%run_scoped3A : memref<!tpu.dma_semaphore, #tpu.memory_space<semaphore_mem>>) src(%dma_wait3A_165 : memref<80x128xf32, #tpu.memory_space<vmem>>) dst(%dma_wait3A_162 : memref<80x128xf32, #tpu.memory_space<hbm>>)
      tpu.yield
    }) : () -> ()
    %add3A_95 = arith.constant 400 : i32
    %add3A_96 = arith.addi %mul3A_2, %add3A_95 : i32
    "tpu.region"() ({
      %run_scoped3A = tpu.sem_alloc : memref<!tpu.dma_semaphore, #tpu.memory_space<semaphore_mem>>
      %dma_start3A_142 = tpu.memref_slice %arg6[%add3A_96] : memref<10000xi32, #tpu.memory_space<hbm>> -> memref<80xi32, #tpu.memory_space<hbm>>
      %dma_start3A_143 = tpu.memref_slice %arg6[%add3A_96] : memref<10000xi32, #tpu.memory_space<hbm>> -> memref<80xi32, #tpu.memory_space<hbm>>
      tpu.enqueue_dma source(%dma_start3A_143 : memref<80xi32, #tpu.memory_space<hbm>>) target(%arg12 : memref<80xi32, #tpu.memory_space<vmem>>) target_semaphore(%run_scoped3A : memref<!tpu.dma_semaphore, #tpu.memory_space<semaphore_mem>>)
      %dma_wait3A_144 = tpu.memref_slice %arg6[%add3A_96] : memref<10000xi32, #tpu.memory_space<hbm>> -> memref<80xi32, #tpu.memory_space<hbm>>
      %dma_wait3A_145 = tpu.memref_slice %arg6[%add3A_96] : memref<10000xi32, #tpu.memory_space<hbm>> -> memref<80xi32, #tpu.memory_space<hbm>>
      tpu.wait_dma2 semaphore(%run_scoped3A : memref<!tpu.dma_semaphore, #tpu.memory_space<semaphore_mem>>) src(%dma_wait3A_145 : memref<80xi32, #tpu.memory_space<hbm>>) dst(%arg12 : memref<80xi32, #tpu.memory_space<vmem>>)
      tpu.yield
    }) : () -> ()
    %dma_start3A_97 = arith.constant 0 : i32
    %dma_start3A_98 = arith.constant 0 : i32
    %dma_start3A_99 = tpu.memref_slice %arg11[%dma_start3A_97, %dma_start3A_98] : memref<80x128xf32, #tpu.memory_space<vmem>> -> memref<80x128xf32, #tpu.memory_space<vmem>>
    %dma_start3A_100 = arith.constant 0 : i32
    %dma_start3A_101 = arith.constant 0 : i32
    %dma_start3A_102 = tpu.memref_slice %arg8[%dma_start3A_100, %dma_start3A_101] : memref<10000x128xf32, #tpu.memory_space<vmem_shared>> -> memref<10000x128xf32, #tpu.memory_space<vmem_shared>>
    tpu.enqueue_indirect_dma source(%dma_start3A_102 : memref<10000x128xf32, #tpu.memory_space<vmem_shared>>) target(%dma_start3A_99 : memref<80x128xf32, #tpu.memory_space<vmem>>) offsets(%arg12 : memref<80xi32, #tpu.memory_space<vmem>>) semaphore(%arg15 : memref<!tpu.dma_semaphore, #tpu.memory_space<semaphore_mem>>)
    %dma_wait3A_103 = arith.constant 0 : i32
    %dma_wait3A_104 = arith.constant 0 : i32
    %dma_wait3A_105 = tpu.memref_slice %arg11[%dma_wait3A_103, %dma_wait3A_104] : memref<80x128xf32, #tpu.memory_space<vmem>> -> memref<80x128xf32, #tpu.memory_space<vmem>>
    %dma_wait3A_106 = arith.constant 0 : i32
    %dma_wait3A_107 = arith.constant 0 : i32
    %dma_wait3A_108 = tpu.memref_slice %arg8[%dma_wait3A_106, %dma_wait3A_107] : memref<10000x128xf32, #tpu.memory_space<vmem_shared>> -> memref<10000x128xf32, #tpu.memory_space<vmem_shared>>
    tpu.wait_indirect_dma semaphore(%arg15 : memref<!tpu.dma_semaphore, #tpu.memory_space<semaphore_mem>>) src(%dma_wait3A_108 : memref<10000x128xf32, #tpu.memory_space<vmem_shared>>) dst(%dma_wait3A_105 : memref<80x128xf32, #tpu.memory_space<vmem>>)
    "tpu.region"() ({
      %run_scoped3A = tpu.sem_alloc : memref<!tpu.dma_semaphore, #tpu.memory_space<semaphore_mem>>
      %dma_start3A_142 = arith.constant 0 : i32
      %dma_start3A_143 = arith.constant 0 : i32
      %dma_start3A_144 = tpu.memref_slice %arg11[%dma_start3A_142, %dma_start3A_143] : memref<80x128xf32, #tpu.memory_space<vmem>> -> memref<80x128xf32, #tpu.memory_space<vmem>>
      %dma_start3A_145 = arith.constant 0 : i32
      %dma_start3A_146 = tpu.memref_slice %arg7[%arg0, %add3A_96, %dma_start3A_145] : memref<2x10000x128xf32, #tpu.memory_space<hbm>> -> memref<1x80x128xf32, #tpu.memory_space<hbm>>
      %dma_start3A_147 = tpu.memref_squeeze %dma_start3A_146 : memref<1x80x128xf32, #tpu.memory_space<hbm>> -> memref<80x128xf32, #tpu.memory_space<hbm>>
      %dma_start3A_148 = arith.constant 0 : i32
      %dma_start3A_149 = tpu.memref_slice %arg7[%arg0, %add3A_96, %dma_start3A_148] : memref<2x10000x128xf32, #tpu.memory_space<hbm>> -> memref<1x80x128xf32, #tpu.memory_space<hbm>>
      %dma_start3A_150 = tpu.memref_squeeze %dma_start3A_149 : memref<1x80x128xf32, #tpu.memory_space<hbm>> -> memref<80x128xf32, #tpu.memory_space<hbm>>
      %dma_start3A_151 = arith.constant 0 : i32
      %dma_start3A_152 = arith.constant 0 : i32
      %dma_start3A_153 = tpu.memref_slice %arg11[%dma_start3A_151, %dma_start3A_152] : memref<80x128xf32, #tpu.memory_space<vmem>> -> memref<80x128xf32, #tpu.memory_space<vmem>>
      tpu.enqueue_dma source(%dma_start3A_153 : memref<80x128xf32, #tpu.memory_space<vmem>>) target(%dma_start3A_150 : memref<80x128xf32, #tpu.memory_space<hbm>>) target_semaphore(%run_scoped3A : memref<!tpu.dma_semaphore, #tpu.memory_space<semaphore_mem>>)
      %dma_wait3A_154 = arith.constant 0 : i32
      %dma_wait3A_155 = arith.constant 0 : i32
      %dma_wait3A_156 = tpu.memref_slice %arg11[%dma_wait3A_154, %dma_wait3A_155] : memref<80x128xf32, #tpu.memory_space<vmem>> -> memref<80x128xf32, #tpu.memory_space<vmem>>
      %dma_wait3A_157 = arith.constant 0 : i32
      %dma_wait3A_158 = tpu.memref_slice %arg7[%arg0, %add3A_96, %dma_wait3A_157] : memref<2x10000x128xf32, #tpu.memory_space<hbm>> -> memref<1x80x128xf32, #tpu.memory_space<hbm>>
      %dma_wait3A_159 = tpu.memref_squeeze %dma_wait3A_158 : memref<1x80x128xf32, #tpu.memory_space<hbm>> -> memref<80x128xf32, #tpu.memory_space<hbm>>
      %dma_wait3A_160 = arith.constant 0 : i32
      %dma_wait3A_161 = tpu.memref_slice %arg7[%arg0, %add3A_96, %dma_wait3A_160] : memref<2x10000x128xf32, #tpu.memory_space<hbm>> -> memref<1x80x128xf32, #tpu.memory_space<hbm>>
      %dma_wait3A_162 = tpu.memref_squeeze %dma_wait3A_161 : memref<1x80x128xf32, #tpu.memory_space<hbm>> -> memref<80x128xf32, #tpu.memory_space<hbm>>
      %dma_wait3A_163 = arith.constant 0 : i32
      %dma_wait3A_164 = arith.constant 0 : i32
      %dma_wait3A_165 = tpu.memref_slice %arg11[%dma_wait3A_163, %dma_wait3A_164] : memref<80x128xf32, #tpu.memory_space<vmem>> -> memref<80x128xf32, #tpu.memory_space<vmem>>
      tpu.wait_dma2 semaphore(%run_scoped3A : memref<!tpu.dma_semaphore, #tpu.memory_space<semaphore_mem>>) src(%dma_wait3A_165 : memref<80x128xf32, #tpu.memory_space<vmem>>) dst(%dma_wait3A_162 : memref<80x128xf32, #tpu.memory_space<hbm>>)
      tpu.yield
    }) : () -> ()
    %add3A_109 = arith.constant 480 : i32
    %add3A_110 = arith.addi %mul3A_2, %add3A_109 : i32
    "tpu.region"() ({
      %run_scoped3A = tpu.sem_alloc : memref<!tpu.dma_semaphore, #tpu.memory_space<semaphore_mem>>
      %dma_start3A_142 = tpu.memref_slice %arg6[%add3A_110] : memref<10000xi32, #tpu.memory_space<hbm>> -> memref<80xi32, #tpu.memory_space<hbm>>
      %dma_start3A_143 = tpu.memref_slice %arg6[%add3A_110] : memref<10000xi32, #tpu.memory_space<hbm>> -> memref<80xi32, #tpu.memory_space<hbm>>
      tpu.enqueue_dma source(%dma_start3A_143 : memref<80xi32, #tpu.memory_space<hbm>>) target(%arg12 : memref<80xi32, #tpu.memory_space<vmem>>) target_semaphore(%run_scoped3A : memref<!tpu.dma_semaphore, #tpu.memory_space<semaphore_mem>>)
      %dma_wait3A_144 = tpu.memref_slice %arg6[%add3A_110] : memref<10000xi32, #tpu.memory_space<hbm>> -> memref<80xi32, #tpu.memory_space<hbm>>
      %dma_wait3A_145 = tpu.memref_slice %arg6[%add3A_110] : memref<10000xi32, #tpu.memory_space<hbm>> -> memref<80xi32, #tpu.memory_space<hbm>>
      tpu.wait_dma2 semaphore(%run_scoped3A : memref<!tpu.dma_semaphore, #tpu.memory_space<semaphore_mem>>) src(%dma_wait3A_145 : memref<80xi32, #tpu.memory_space<hbm>>) dst(%arg12 : memref<80xi32, #tpu.memory_space<vmem>>)
      tpu.yield
    }) : () -> ()
    %dma_start3A_111 = arith.constant 0 : i32
    %dma_start3A_112 = arith.constant 0 : i32
    %dma_start3A_113 = tpu.memref_slice %arg11[%dma_start3A_111, %dma_start3A_112] : memref<80x128xf32, #tpu.memory_space<vmem>> -> memref<80x128xf32, #tpu.memory_space<vmem>>
    %dma_start3A_114 = arith.constant 0 : i32
    %dma_start3A_115 = arith.constant 0 : i32
    %dma_start3A_116 = tpu.memref_slice %arg8[%dma_start3A_114, %dma_start3A_115] : memref<10000x128xf32, #tpu.memory_space<vmem_shared>> -> memref<10000x128xf32, #tpu.memory_space<vmem_shared>>
    tpu.enqueue_indirect_dma source(%dma_start3A_116 : memref<10000x128xf32, #tpu.memory_space<vmem_shared>>) target(%dma_start3A_113 : memref<80x128xf32, #tpu.memory_space<vmem>>) offsets(%arg12 : memref<80xi32, #tpu.memory_space<vmem>>) semaphore(%arg15 : memref<!tpu.dma_semaphore, #tpu.memory_space<semaphore_mem>>)
    %dma_wait3A_117 = arith.constant 0 : i32
    %dma_wait3A_118 = arith.constant 0 : i32
    %dma_wait3A_119 = tpu.memref_slice %arg11[%dma_wait3A_117, %dma_wait3A_118] : memref<80x128xf32, #tpu.memory_space<vmem>> -> memref<80x128xf32, #tpu.memory_space<vmem>>
    %dma_wait3A_120 = arith.constant 0 : i32
    %dma_wait3A_121 = arith.constant 0 : i32
    %dma_wait3A_122 = tpu.memref_slice %arg8[%dma_wait3A_120, %dma_wait3A_121] : memref<10000x128xf32, #tpu.memory_space<vmem_shared>> -> memref<10000x128xf32, #tpu.memory_space<vmem_shared>>
    tpu.wait_indirect_dma semaphore(%arg15 : memref<!tpu.dma_semaphore, #tpu.memory_space<semaphore_mem>>) src(%dma_wait3A_122 : memref<10000x128xf32, #tpu.memory_space<vmem_shared>>) dst(%dma_wait3A_119 : memref<80x128xf32, #tpu.memory_space<vmem>>)
    "tpu.region"() ({
      %run_scoped3A = tpu.sem_alloc : memref<!tpu.dma_semaphore, #tpu.memory_space<semaphore_mem>>
      %dma_start3A_142 = arith.constant 0 : i32
      %dma_start3A_143 = arith.constant 0 : i32
      %dma_start3A_144 = tpu.memref_slice %arg11[%dma_start3A_142, %dma_start3A_143] : memref<80x128xf32, #tpu.memory_space<vmem>> -> memref<80x128xf32, #tpu.memory_space<vmem>>
      %dma_start3A_145 = arith.constant 0 : i32
      %dma_start3A_146 = tpu.memref_slice %arg7[%arg0, %add3A_110, %dma_start3A_145] : memref<2x10000x128xf32, #tpu.memory_space<hbm>> -> memref<1x80x128xf32, #tpu.memory_space<hbm>>
      %dma_start3A_147 = tpu.memref_squeeze %dma_start3A_146 : memref<1x80x128xf32, #tpu.memory_space<hbm>> -> memref<80x128xf32, #tpu.memory_space<hbm>>
      %dma_start3A_148 = arith.constant 0 : i32
      %dma_start3A_149 = tpu.memref_slice %arg7[%arg0, %add3A_110, %dma_start3A_148] : memref<2x10000x128xf32, #tpu.memory_space<hbm>> -> memref<1x80x128xf32, #tpu.memory_space<hbm>>
      %dma_start3A_150 = tpu.memref_squeeze %dma_start3A_149 : memref<1x80x128xf32, #tpu.memory_space<hbm>> -> memref<80x128xf32, #tpu.memory_space<hbm>>
      %dma_start3A_151 = arith.constant 0 : i32
      %dma_start3A_152 = arith.constant 0 : i32
      %dma_start3A_153 = tpu.memref_slice %arg11[%dma_start3A_151, %dma_start3A_152] : memref<80x128xf32, #tpu.memory_space<vmem>> -> memref<80x128xf32, #tpu.memory_space<vmem>>
      tpu.enqueue_dma source(%dma_start3A_153 : memref<80x128xf32, #tpu.memory_space<vmem>>) target(%dma_start3A_150 : memref<80x128xf32, #tpu.memory_space<hbm>>) target_semaphore(%run_scoped3A : memref<!tpu.dma_semaphore, #tpu.memory_space<semaphore_mem>>)
      %dma_wait3A_154 = arith.constant 0 : i32
      %dma_wait3A_155 = arith.constant 0 : i32
      %dma_wait3A_156 = tpu.memref_slice %arg11[%dma_wait3A_154, %dma_wait3A_155] : memref<80x128xf32, #tpu.memory_space<vmem>> -> memref<80x128xf32, #tpu.memory_space<vmem>>
      %dma_wait3A_157 = arith.constant 0 : i32
      %dma_wait3A_158 = tpu.memref_slice %arg7[%arg0, %add3A_110, %dma_wait3A_157] : memref<2x10000x128xf32, #tpu.memory_space<hbm>> -> memref<1x80x128xf32, #tpu.memory_space<hbm>>
      %dma_wait3A_159 = tpu.memref_squeeze %dma_wait3A_158 : memref<1x80x128xf32, #tpu.memory_space<hbm>> -> memref<80x128xf32, #tpu.memory_space<hbm>>
      %dma_wait3A_160 = arith.constant 0 : i32
      %dma_wait3A_161 = tpu.memref_slice %arg7[%arg0, %add3A_110, %dma_wait3A_160] : memref<2x10000x128xf32, #tpu.memory_space<hbm>> -> memref<1x80x128xf32, #tpu.memory_space<hbm>>
      %dma_wait3A_162 = tpu.memref_squeeze %dma_wait3A_161 : memref<1x80x128xf32, #tpu.memory_space<hbm>> -> memref<80x128xf32, #tpu.memory_space<hbm>>
      %dma_wait3A_163 = arith.constant 0 : i32
      %dma_wait3A_164 = arith.constant 0 : i32
      %dma_wait3A_165 = tpu.memref_slice %arg11[%dma_wait3A_163, %dma_wait3A_164] : memref<80x128xf32, #tpu.memory_space<vmem>> -> memref<80x128xf32, #tpu.memory_space<vmem>>
      tpu.wait_dma2 semaphore(%run_scoped3A : memref<!tpu.dma_semaphore, #tpu.memory_space<semaphore_mem>>) src(%dma_wait3A_165 : memref<80x128xf32, #tpu.memory_space<vmem>>) dst(%dma_wait3A_162 : memref<80x128xf32, #tpu.memory_space<hbm>>)
      tpu.yield
    }) : () -> ()
    %add3A_123 = arith.constant 560 : i32
    %add3A_124 = arith.addi %mul3A_2, %add3A_123 : i32
    "tpu.region"() ({
      %run_scoped3A = tpu.sem_alloc : memref<!tpu.dma_semaphore, #tpu.memory_space<semaphore_mem>>
      %dma_start3A_142 = tpu.memref_slice %arg6[%add3A_124] : memref<10000xi32, #tpu.memory_space<hbm>> -> memref<64xi32, #tpu.memory_space<hbm>>
      %dma_start3A_143 = tpu.memref_slice %arg6[%add3A_124] : memref<10000xi32, #tpu.memory_space<hbm>> -> memref<64xi32, #tpu.memory_space<hbm>>
      tpu.enqueue_dma source(%dma_start3A_143 : memref<64xi32, #tpu.memory_space<hbm>>) target(%arg13 : memref<64xi32, #tpu.memory_space<vmem>>) target_semaphore(%run_scoped3A : memref<!tpu.dma_semaphore, #tpu.memory_space<semaphore_mem>>)
      %dma_wait3A_144 = tpu.memref_slice %arg6[%add3A_124] : memref<10000xi32, #tpu.memory_space<hbm>> -> memref<64xi32, #tpu.memory_space<hbm>>
      %dma_wait3A_145 = tpu.memref_slice %arg6[%add3A_124] : memref<10000xi32, #tpu.memory_space<hbm>> -> memref<64xi32, #tpu.memory_space<hbm>>
      tpu.wait_dma2 semaphore(%run_scoped3A : memref<!tpu.dma_semaphore, #tpu.memory_space<semaphore_mem>>) src(%dma_wait3A_145 : memref<64xi32, #tpu.memory_space<hbm>>) dst(%arg13 : memref<64xi32, #tpu.memory_space<vmem>>)
      tpu.yield
    }) : () -> ()
    %dma_start3A_125 = arith.constant 0 : i32
    %dma_start3A_126 = arith.constant 0 : i32
    %dma_start3A_127 = tpu.memref_slice %arg11[%dma_start3A_125, %dma_start3A_126] : memref<80x128xf32, #tpu.memory_space<vmem>> -> memref<64x128xf32, #tpu.memory_space<vmem>>
    %dma_start3A_128 = arith.constant 0 : i32
    %dma_start3A_129 = arith.constant 0 : i32
    %dma_start3A_130 = tpu.memref_slice %arg8[%dma_start3A_128, %dma_start3A_129] : memref<10000x128xf32, #tpu.memory_space<vmem_shared>> -> memref<10000x128xf32, #tpu.memory_space<vmem_shared>>
    tpu.enqueue_indirect_dma source(%dma_start3A_130 : memref<10000x128xf32, #tpu.memory_space<vmem_shared>>) target(%dma_start3A_127 : memref<64x128xf32, #tpu.memory_space<vmem>>) offsets(%arg13 : memref<64xi32, #tpu.memory_space<vmem>>) semaphore(%arg15 : memref<!tpu.dma_semaphore, #tpu.memory_space<semaphore_mem>>)
    %dma_wait3A_131 = arith.constant 0 : i32
    %dma_wait3A_132 = arith.constant 0 : i32
    %dma_wait3A_133 = tpu.memref_slice %arg11[%dma_wait3A_131, %dma_wait3A_132] : memref<80x128xf32, #tpu.memory_space<vmem>> -> memref<64x128xf32, #tpu.memory_space<vmem>>
    %dma_wait3A_134 = arith.constant 0 : i32
    %dma_wait3A_135 = arith.constant 0 : i32
    %dma_wait3A_136 = tpu.memref_slice %arg8[%dma_wait3A_134, %dma_wait3A_135] : memref<10000x128xf32, #tpu.memory_space<vmem_shared>> -> memref<10000x128xf32, #tpu.memory_space<vmem_shared>>
    tpu.wait_indirect_dma semaphore(%arg15 : memref<!tpu.dma_semaphore, #tpu.memory_space<semaphore_mem>>) src(%dma_wait3A_136 : memref<10000x128xf32, #tpu.memory_space<vmem_shared>>) dst(%dma_wait3A_133 : memref<64x128xf32, #tpu.memory_space<vmem>>)
    "tpu.region"() ({
      %run_scoped3A = tpu.sem_alloc : memref<!tpu.dma_semaphore, #tpu.memory_space<semaphore_mem>>
      %dma_start3A_142 = arith.constant 0 : i32
      %dma_start3A_143 = arith.constant 0 : i32
      %dma_start3A_144 = tpu.memref_slice %arg11[%dma_start3A_142, %dma_start3A_143] : memref<80x128xf32, #tpu.memory_space<vmem>> -> memref<64x128xf32, #tpu.memory_space<vmem>>
      %dma_start3A_145 = arith.constant 0 : i32
      %dma_start3A_146 = tpu.memref_slice %arg7[%arg0, %add3A_124, %dma_start3A_145] : memref<2x10000x128xf32, #tpu.memory_space<hbm>> -> memref<1x64x128xf32, #tpu.memory_space<hbm>>
      %dma_start3A_147 = tpu.memref_squeeze %dma_start3A_146 : memref<1x64x128xf32, #tpu.memory_space<hbm>> -> memref<64x128xf32, #tpu.memory_space<hbm>>
      %dma_start3A_148 = arith.constant 0 : i32
      %dma_start3A_149 = tpu.memref_slice %arg7[%arg0, %add3A_124, %dma_start3A_148] : memref<2x10000x128xf32, #tpu.memory_space<hbm>> -> memref<1x64x128xf32, #tpu.memory_space<hbm>>
      %dma_start3A_150 = tpu.memref_squeeze %dma_start3A_149 : memref<1x64x128xf32, #tpu.memory_space<hbm>> -> memref<64x128xf32, #tpu.memory_space<hbm>>
      %dma_start3A_151 = arith.constant 0 : i32
      %dma_start3A_152 = arith.constant 0 : i32
      %dma_start3A_153 = tpu.memref_slice %arg11[%dma_start3A_151, %dma_start3A_152] : memref<80x128xf32, #tpu.memory_space<vmem>> -> memref<64x128xf32, #tpu.memory_space<vmem>>
      tpu.enqueue_dma source(%dma_start3A_153 : memref<64x128xf32, #tpu.memory_space<vmem>>) target(%dma_start3A_150 : memref<64x128xf32, #tpu.memory_space<hbm>>) target_semaphore(%run_scoped3A : memref<!tpu.dma_semaphore, #tpu.memory_space<semaphore_mem>>)
      %dma_wait3A_154 = arith.constant 0 : i32
      %dma_wait3A_155 = arith.constant 0 : i32
      %dma_wait3A_156 = tpu.memref_slice %arg11[%dma_wait3A_154, %dma_wait3A_155] : memref<80x128xf32, #tpu.memory_space<vmem>> -> memref<64x128xf32, #tpu.memory_space<vmem>>
      %dma_wait3A_157 = arith.constant 0 : i32
      %dma_wait3A_158 = tpu.memref_slice %arg7[%arg0, %add3A_124, %dma_wait3A_157] : memref<2x10000x128xf32, #tpu.memory_space<hbm>> -> memref<1x64x128xf32, #tpu.memory_space<hbm>>
      %dma_wait3A_159 = tpu.memref_squeeze %dma_wait3A_158 : memref<1x64x128xf32, #tpu.memory_space<hbm>> -> memref<64x128xf32, #tpu.memory_space<hbm>>
      %dma_wait3A_160 = arith.constant 0 : i32
      %dma_wait3A_161 = tpu.memref_slice %arg7[%arg0, %add3A_124, %dma_wait3A_160] : memref<2x10000x128xf32, #tpu.memory_space<hbm>> -> memref<1x64x128xf32, #tpu.memory_space<hbm>>
      %dma_wait3A_162 = tpu.memref_squeeze %dma_wait3A_161 : memref<1x64x128xf32, #tpu.memory_space<hbm>> -> memref<64x128xf32, #tpu.memory_space<hbm>>
      %dma_wait3A_163 = arith.constant 0 : i32
      %dma_wait3A_164 = arith.constant 0 : i32
      %dma_wait3A_165 = tpu.memref_slice %arg11[%dma_wait3A_163, %dma_wait3A_164] : memref<80x128xf32, #tpu.memory_space<vmem>> -> memref<64x128xf32, #tpu.memory_space<vmem>>
      tpu.wait_dma2 semaphore(%run_scoped3A : memref<!tpu.dma_semaphore, #tpu.memory_space<semaphore_mem>>) src(%dma_wait3A_165 : memref<64x128xf32, #tpu.memory_space<vmem>>) dst(%dma_wait3A_162 : memref<64x128xf32, #tpu.memory_space<hbm>>)
      tpu.yield
    }) : () -> ()
    %eq3A_137 = arith.constant 0 : i32
    %eq3A_138 = arith.cmpi eq, %arg1, %eq3A_137 : i32
    %convert_element_type3A_139 = arith.extui %eq3A_138 : i1 to i32
    %cond3A_140 = arith.constant 0 : i32
    %cond3A_141 = arith.cmpi ne, %convert_element_type3A_139, %cond3A_140 : i32
    scf.if %cond3A_141 {
      "tpu.region"() ({
        %run_scoped3A = tpu.sem_alloc : memref<!tpu.dma_semaphore, #tpu.memory_space<semaphore_mem>>
        %dma_start3A_154 = arith.constant 9984 : i32
        %dma_start3A_155 = tpu.memref_slice %arg6[%dma_start3A_154] : memref<10000xi32, #tpu.memory_space<hbm>> -> memref<16xi32, #tpu.memory_space<hbm>>
        %dma_start3A_156 = arith.constant 9984 : i32
        %dma_start3A_157 = tpu.memref_slice %arg6[%dma_start3A_156] : memref<10000xi32, #tpu.memory_space<hbm>> -> memref<16xi32, #tpu.memory_space<hbm>>
        tpu.enqueue_dma source(%dma_start3A_157 : memref<16xi32, #tpu.memory_space<hbm>>) target(%arg14 : memref<16xi32, #tpu.memory_space<vmem>>) target_semaphore(%run_scoped3A : memref<!tpu.dma_semaphore, #tpu.memory_space<semaphore_mem>>)
        %dma_wait3A_158 = arith.constant 9984 : i32
        %dma_wait3A_159 = tpu.memref_slice %arg6[%dma_wait3A_158] : memref<10000xi32, #tpu.memory_space<hbm>> -> memref<16xi32, #tpu.memory_space<hbm>>
        %dma_wait3A_160 = arith.constant 9984 : i32
        %dma_wait3A_161 = tpu.memref_slice %arg6[%dma_wait3A_160] : memref<10000xi32, #tpu.memory_space<hbm>> -> memref<16xi32, #tpu.memory_space<hbm>>
        tpu.wait_dma2 semaphore(%run_scoped3A : memref<!tpu.dma_semaphore, #tpu.memory_space<semaphore_mem>>) src(%dma_wait3A_161 : memref<16xi32, #tpu.memory_space<hbm>>) dst(%arg14 : memref<16xi32, #tpu.memory_space<vmem>>)
        tpu.yield
      }) : () -> ()
      %dma_start3A_142 = arith.constant 0 : i32
      %dma_start3A_143 = arith.constant 0 : i32
      %dma_start3A_144 = tpu.memref_slice %arg11[%dma_start3A_142, %dma_start3A_143] : memref<80x128xf32, #tpu.memory_space<vmem>> -> memref<16x128xf32, #tpu.memory_space<vmem>>
      %dma_start3A_145 = arith.constant 0 : i32
      %dma_start3A_146 = arith.constant 0 : i32
      %dma_start3A_147 = tpu.memref_slice %arg8[%dma_start3A_145, %dma_start3A_146] : memref<10000x128xf32, #tpu.memory_space<vmem_shared>> -> memref<10000x128xf32, #tpu.memory_space<vmem_shared>>
      tpu.enqueue_indirect_dma source(%dma_start3A_147 : memref<10000x128xf32, #tpu.memory_space<vmem_shared>>) target(%dma_start3A_144 : memref<16x128xf32, #tpu.memory_space<vmem>>) offsets(%arg14 : memref<16xi32, #tpu.memory_space<vmem>>) semaphore(%arg15 : memref<!tpu.dma_semaphore, #tpu.memory_space<semaphore_mem>>)
      %dma_wait3A_148 = arith.constant 0 : i32
      %dma_wait3A_149 = arith.constant 0 : i32
      %dma_wait3A_150 = tpu.memref_slice %arg11[%dma_wait3A_148, %dma_wait3A_149] : memref<80x128xf32, #tpu.memory_space<vmem>> -> memref<16x128xf32, #tpu.memory_space<vmem>>
      %dma_wait3A_151 = arith.constant 0 : i32
      %dma_wait3A_152 = arith.constant 0 : i32
      %dma_wait3A_153 = tpu.memref_slice %arg8[%dma_wait3A_151, %dma_wait3A_152] : memref<10000x128xf32, #tpu.memory_space<vmem_shared>> -> memref<10000x128xf32, #tpu.memory_space<vmem_shared>>
      tpu.wait_indirect_dma semaphore(%arg15 : memref<!tpu.dma_semaphore, #tpu.memory_space<semaphore_mem>>) src(%dma_wait3A_153 : memref<10000x128xf32, #tpu.memory_space<vmem_shared>>) dst(%dma_wait3A_150 : memref<16x128xf32, #tpu.memory_space<vmem>>)
      "tpu.region"() ({
        %run_scoped3A = tpu.sem_alloc : memref<!tpu.dma_semaphore, #tpu.memory_space<semaphore_mem>>
        %dma_start3A_154 = arith.constant 0 : i32
        %dma_start3A_155 = arith.constant 0 : i32
        %dma_start3A_156 = tpu.memref_slice %arg11[%dma_start3A_154, %dma_start3A_155] : memref<80x128xf32, #tpu.memory_space<vmem>> -> memref<16x128xf32, #tpu.memory_space<vmem>>
        %dma_start3A_157 = arith.constant 9984 : i32
        %dma_start3A_158 = arith.constant 0 : i32
        %dma_start3A_159 = tpu.memref_slice %arg7[%arg0, %dma_start3A_157, %dma_start3A_158] : memref<2x10000x128xf32, #tpu.memory_space<hbm>> -> memref<1x16x128xf32, #tpu.memory_space<hbm>>
        %dma_start3A_160 = tpu.memref_squeeze %dma_start3A_159 : memref<1x16x128xf32, #tpu.memory_space<hbm>> -> memref<16x128xf32, #tpu.memory_space<hbm>>
        %dma_start3A_161 = arith.constant 9984 : i32
        %dma_start3A_162 = arith.constant 0 : i32
        %dma_start3A_163 = tpu.memref_slice %arg7[%arg0, %dma_start3A_161, %dma_start3A_162] : memref<2x10000x128xf32, #tpu.memory_space<hbm>> -> memref<1x16x128xf32, #tpu.memory_space<hbm>>
        %dma_start3A_164 = tpu.memref_squeeze %dma_start3A_163 : memref<1x16x128xf32, #tpu.memory_space<hbm>> -> memref<16x128xf32, #tpu.memory_space<hbm>>
        %dma_start3A_165 = arith.constant 0 : i32
        %dma_start3A_166 = arith.constant 0 : i32
        %dma_start3A_167 = tpu.memref_slice %arg11[%dma_start3A_165, %dma_start3A_166] : memref<80x128xf32, #tpu.memory_space<vmem>> -> memref<16x128xf32, #tpu.memory_space<vmem>>
        tpu.enqueue_dma source(%dma_start3A_167 : memref<16x128xf32, #tpu.memory_space<vmem>>) target(%dma_start3A_164 : memref<16x128xf32, #tpu.memory_space<hbm>>) target_semaphore(%run_scoped3A : memref<!tpu.dma_semaphore, #tpu.memory_space<semaphore_mem>>)
        %dma_wait3A_168 = arith.constant 0 : i32
        %dma_wait3A_169 = arith.constant 0 : i32
        %dma_wait3A_170 = tpu.memref_slice %arg11[%dma_wait3A_168, %dma_wait3A_169] : memref<80x128xf32, #tpu.memory_space<vmem>> -> memref<16x128xf32, #tpu.memory_space<vmem>>
        %dma_wait3A_171 = arith.constant 9984 : i32
        %dma_wait3A_172 = arith.constant 0 : i32
        %dma_wait3A_173 = tpu.memref_slice %arg7[%arg0, %dma_wait3A_171, %dma_wait3A_172] : memref<2x10000x128xf32, #tpu.memory_space<hbm>> -> memref<1x16x128xf32, #tpu.memory_space<hbm>>
        %dma_wait3A_174 = tpu.memref_squeeze %dma_wait3A_173 : memref<1x16x128xf32, #tpu.memory_space<hbm>> -> memref<16x128xf32, #tpu.memory_space<hbm>>
        %dma_wait3A_175 = arith.constant 9984 : i32
        %dma_wait3A_176 = arith.constant 0 : i32
        %dma_wait3A_177 = tpu.memref_slice %arg7[%arg0, %dma_wait3A_175, %dma_wait3A_176] : memref<2x10000x128xf32, #tpu.memory_space<hbm>> -> memref<1x16x128xf32, #tpu.memory_space<hbm>>
        %dma_wait3A_178 = tpu.memref_squeeze %dma_wait3A_177 : memref<1x16x128xf32, #tpu.memory_space<hbm>> -> memref<16x128xf32, #tpu.memory_space<hbm>>
        %dma_wait3A_179 = arith.constant 0 : i32
        %dma_wait3A_180 = arith.constant 0 : i32
        %dma_wait3A_181 = tpu.memref_slice %arg11[%dma_wait3A_179, %dma_wait3A_180] : memref<80x128xf32, #tpu.memory_space<vmem>> -> memref<16x128xf32, #tpu.memory_space<vmem>>
        tpu.wait_dma2 semaphore(%run_scoped3A : memref<!tpu.dma_semaphore, #tpu.memory_space<semaphore_mem>>) src(%dma_wait3A_181 : memref<16x128xf32, #tpu.memory_space<vmem>>) dst(%dma_wait3A_178 : memref<16x128xf32, #tpu.memory_space<hbm>>)
        tpu.yield
      }) : () -> ()
    } else {
    }
    return
  }
}

module attributes {stable_mosaic.version = 14 : i64} {
  func.func @body(%arg0: i32, %arg1: memref<2x1000x128xf32, #tpu.memory_space<vmem>>, %arg2: memref<2x1000x1xf32, #tpu.memory_space<vmem>>, %arg3: memref<1000x128xf32, #tpu.memory_space<vmem>>, %arg4: memref<128x128xf32, #tpu.memory_space<vmem>>, %arg5: memref<128x128xf32, #tpu.memory_space<vmem>>, %arg6: memref<1x128xf32, #tpu.memory_space<vmem>>, %arg7: memref<1000x128xf32, #tpu.memory_space<vmem>>) attributes {dimension_semantics = [#tpu.dimension_semantics<arbitrary>], iteration_bounds = array<i64: 10>, scalar_prefetch = 0 : i64, scratch_operands = 0 : i64, tpu.core_type = #tpu.core_type<tc>, window_params = [{transform_indices = @transform_0, window_bounds = array<i64: 2, 1000, 128>}, {transform_indices = @transform_1, window_bounds = array<i64: 2, 1000, 1>}, {transform_indices = @transform_2, window_bounds = array<i64: 1000, 128>}, {pipeline_mode = #tpu.pipeline_mode<synchronous>, transform_indices = @transform_3, window_bounds = array<i64: 128, 128>}, {pipeline_mode = #tpu.pipeline_mode<synchronous>, transform_indices = @transform_4, window_bounds = array<i64: 128, 128>}, {pipeline_mode = #tpu.pipeline_mode<synchronous>, transform_indices = @transform_5, window_bounds = array<i64: 1, 128>}, {transform_indices = @transform_6, window_bounds = array<i64: 1000, 128>}]} {
    %get3A = arith.constant 0 : index
    %get3A_0 = arith.constant 0 : index
    %get3A_1 = arith.constant 0 : index
    %get3A_2 = vector.load %arg2[%get3A, %get3A_0, %get3A_1] : memref<2x1000x1xf32, #tpu.memory_space<vmem>>, vector<1x1000x1xf32>
    %get3A_3 = vector.shape_cast %get3A_2 : vector<1x1000x1xf32> to vector<1000x1xf32>
    %get3A_4 = arith.constant 1 : index
    %get3A_5 = arith.constant 0 : index
    %get3A_6 = arith.constant 0 : index
    %get3A_7 = vector.load %arg2[%get3A_4, %get3A_5, %get3A_6] : memref<2x1000x1xf32, #tpu.memory_space<vmem>>, vector<1x1000x1xf32>
    %get3A_8 = vector.shape_cast %get3A_7 : vector<1x1000x1xf32> to vector<1000x1xf32>
    %add3A = arith.addf %get3A_3, %get3A_8 : vector<1000x1xf32>
    %max3A = arith.constant 1.000000e+00 : f32
    %max3A_9 = vector.broadcast %max3A : f32 to vector<1000x1xf32>
    %max3A_10 = arith.maximumf %add3A, %max3A_9 : vector<1000x1xf32>
    %get3A_11 = arith.constant 0 : index
    %get3A_12 = arith.constant 0 : index
    %get3A_13 = arith.constant 0 : index
    %get3A_14 = vector.load %arg1[%get3A_11, %get3A_12, %get3A_13] : memref<2x1000x128xf32, #tpu.memory_space<vmem>>, vector<1x1000x128xf32>
    %get3A_15 = vector.shape_cast %get3A_14 : vector<1x1000x128xf32> to vector<1000x128xf32>
    %get3A_16 = arith.constant 1 : index
    %get3A_17 = arith.constant 0 : index
    %get3A_18 = arith.constant 0 : index
    %get3A_19 = vector.load %arg1[%get3A_16, %get3A_17, %get3A_18] : memref<2x1000x128xf32, #tpu.memory_space<vmem>>, vector<1x1000x128xf32>
    %get3A_20 = vector.shape_cast %get3A_19 : vector<1x1000x128xf32> to vector<1000x128xf32>
    %add3A_21 = arith.addf %get3A_15, %get3A_20 : vector<1000x128xf32>
    %div3A = vector.broadcast %max3A_10 : vector<1000x1xf32> to vector<1000x128xf32>
    %div3A_22 = arith.divf %add3A_21, %div3A : vector<1000x128xf32>
    %get3A_23 = arith.constant 0 : index
    %get3A_24 = arith.constant 0 : index
    %get3A_25 = vector.load %arg4[%get3A_23, %get3A_24] : memref<128x128xf32, #tpu.memory_space<vmem>>, vector<128x128xf32>
    %dot_general3A = arith.constant dense<0.000000e+00> : vector<1000x128xf32>
    %dot_general3A_26 = tpu.matmul %div3A_22, %get3A_25, %dot_general3A {dimension_numbers = #tpu.dot_dimension_numbers<[1], [0], [0], [1], [0, 0, 1, 1], [], []>, transpose_lhs_hint = false} : vector<1000x128xf32>, vector<128x128xf32>, vector<1000x128xf32> -> vector<1000x128xf32>
    %get3A_27 = arith.constant 0 : index
    %get3A_28 = arith.constant 0 : index
    %get3A_29 = vector.load %arg3[%get3A_27, %get3A_28] : memref<1000x128xf32, #tpu.memory_space<vmem>>, vector<1000x128xf32>
    %get3A_30 = arith.constant 0 : index
    %get3A_31 = arith.constant 0 : index
    %get3A_32 = vector.load %arg5[%get3A_30, %get3A_31] : memref<128x128xf32, #tpu.memory_space<vmem>>, vector<128x128xf32>
    %dot_general3A_33 = arith.constant dense<0.000000e+00> : vector<1000x128xf32>
    %dot_general3A_34 = tpu.matmul %get3A_29, %get3A_32, %dot_general3A_33 {dimension_numbers = #tpu.dot_dimension_numbers<[1], [0], [0], [1], [0, 0, 1, 1], [], []>, transpose_lhs_hint = false} : vector<1000x128xf32>, vector<128x128xf32>, vector<1000x128xf32> -> vector<1000x128xf32>
    %add3A_35 = arith.addf %dot_general3A_26, %dot_general3A_34 : vector<1000x128xf32>
    %get3A_36 = arith.constant 0 : index
    %get3A_37 = arith.constant 0 : index
    %get3A_38 = vector.load %arg6[%get3A_36, %get3A_37] : memref<1x128xf32, #tpu.memory_space<vmem>>, vector<1x128xf32>
    %add3A_39 = vector.broadcast %get3A_38 : vector<1x128xf32> to vector<1000x128xf32>
    %add3A_40 = arith.addf %add3A_35, %add3A_39 : vector<1000x128xf32>
    %max3A_41 = arith.constant 0.000000e+00 : f32
    %max3A_42 = vector.broadcast %max3A_41 : f32 to vector<1000x128xf32>
    %max3A_43 = arith.maximumf %add3A_40, %max3A_42 : vector<1000x128xf32>
    %swap3A = arith.constant 0 : index
    %swap3A_44 = arith.constant 0 : index
    %swap3A_45 = vector.load %arg7[%swap3A, %swap3A_44] : memref<1000x128xf32, #tpu.memory_space<vmem>>, vector<1000x128xf32>
    tpu.vector_store %arg7[%swap3A, %swap3A_44], %max3A_43 {strides = array<i32>} : memref<1000x128xf32, #tpu.memory_space<vmem>>, vector<1000x128xf32>,
    return
  }
  func.func @transform_0(%arg0: i32) -> (i32, i32, i32) {
    %c0_i32 = arith.constant 0 : i32
    %c0_i32_0 = arith.constant 0 : i32
    %c0_i32_1 = arith.constant 0 : i32
    return %c0_i32, %arg0, %c0_i32_0 : i32, i32, i32
  }
  func.func @transform_1(%arg0: i32) -> (i32, i32, i32) {
    %c0_i32 = arith.constant 0 : i32
    %c0_i32_0 = arith.constant 0 : i32
    %c0_i32_1 = arith.constant 0 : i32
    return %c0_i32, %arg0, %c0_i32_0 : i32, i32, i32
  }
  func.func @transform_2(%arg0: i32) -> (i32, i32) {
    %c0_i32 = arith.constant 0 : i32
    %c0_i32_0 = arith.constant 0 : i32
    return %arg0, %c0_i32 : i32, i32
  }
  func.func @transform_3(%arg0: i32) -> (i32, i32) {
    %c0_i32 = arith.constant 0 : i32
    %c0_i32_0 = arith.constant 0 : i32
    %c0_i32_1 = arith.constant 0 : i32
    return %c0_i32, %c0_i32_0 : i32, i32
  }
  func.func @transform_4(%arg0: i32) -> (i32, i32) {
    %c0_i32 = arith.constant 0 : i32
    %c0_i32_0 = arith.constant 0 : i32
    %c0_i32_1 = arith.constant 0 : i32
    return %c0_i32, %c0_i32_0 : i32, i32
  }
  func.func @transform_5(%arg0: i32) -> (i32, i32) {
    %c0_i32 = arith.constant 0 : i32
    %c0_i32_0 = arith.constant 0 : i32
    %c0_i32_1 = arith.constant 0 : i32
    return %c0_i32, %c0_i32_0 : i32, i32
  }
  func.func @transform_6(%arg0: i32) -> (i32, i32) {
    %c0_i32 = arith.constant 0 : i32
    %c0_i32_0 = arith.constant 0 : i32
    return %arg0, %c0_i32 : i32, i32
  }
}

module attributes {stable_mosaic.version = 14 : i64} {
  func.func @body(%arg0: i32, %arg1: memref<2x1000x128xf32, #tpu.memory_space<vmem>>, %arg2: memref<2x1000x1xf32, #tpu.memory_space<vmem>>, %arg3: memref<1000x128xf32, #tpu.memory_space<vmem>>, %arg4: memref<128x128xf32, #tpu.memory_space<vmem>>, %arg5: memref<128x128xf32, #tpu.memory_space<vmem>>, %arg6: memref<1x128xf32, #tpu.memory_space<vmem>>, %arg7: memref<1000x128xf32, #tpu.memory_space<vmem>>) attributes {dimension_semantics = [#tpu.dimension_semantics<arbitrary>], iteration_bounds = array<i64: 10>, scalar_prefetch = 0 : i64, scratch_operands = 0 : i64, tpu.core_type = #tpu.core_type<tc>, window_params = [{transform_indices = @transform_0, window_bounds = array<i64: 2, 1000, 128>}, {transform_indices = @transform_1, window_bounds = array<i64: 2, 1000, 1>}, {transform_indices = @transform_2, window_bounds = array<i64: 1000, 128>}, {pipeline_mode = #tpu.pipeline_mode<synchronous>, transform_indices = @transform_3, window_bounds = array<i64: 128, 128>}, {pipeline_mode = #tpu.pipeline_mode<synchronous>, transform_indices = @transform_4, window_bounds = array<i64: 128, 128>}, {pipeline_mode = #tpu.pipeline_mode<synchronous>, transform_indices = @transform_5, window_bounds = array<i64: 1, 128>}, {transform_indices = @transform_6, window_bounds = array<i64: 1000, 128>}]} {
    %get3A = arith.constant 0 : index
    %get3A_0 = arith.constant 0 : index
    %get3A_1 = arith.constant 0 : index
    %get3A_2 = vector.load %arg2[%get3A, %get3A_0, %get3A_1] : memref<2x1000x1xf32, #tpu.memory_space<vmem>>, vector<1x1000x1xf32>
    %get3A_3 = vector.shape_cast %get3A_2 : vector<1x1000x1xf32> to vector<1000x1xf32>
    %get3A_4 = arith.constant 1 : index
    %get3A_5 = arith.constant 0 : index
    %get3A_6 = arith.constant 0 : index
    %get3A_7 = vector.load %arg2[%get3A_4, %get3A_5, %get3A_6] : memref<2x1000x1xf32, #tpu.memory_space<vmem>>, vector<1x1000x1xf32>
    %get3A_8 = vector.shape_cast %get3A_7 : vector<1x1000x1xf32> to vector<1000x1xf32>
    %add3A = arith.addf %get3A_3, %get3A_8 : vector<1000x1xf32>
    %max3A = arith.constant 1.000000e+00 : f32
    %max3A_9 = vector.broadcast %max3A : f32 to vector<1000x1xf32>
    %max3A_10 = arith.maximumf %add3A, %max3A_9 : vector<1000x1xf32>
    %get3A_11 = arith.constant 0 : index
    %get3A_12 = arith.constant 0 : index
    %get3A_13 = arith.constant 0 : index
    %get3A_14 = vector.load %arg1[%get3A_11, %get3A_12, %get3A_13] : memref<2x1000x128xf32, #tpu.memory_space<vmem>>, vector<1x1000x128xf32>
    %get3A_15 = vector.shape_cast %get3A_14 : vector<1x1000x128xf32> to vector<1000x128xf32>
    %get3A_16 = arith.constant 1 : index
    %get3A_17 = arith.constant 0 : index
    %get3A_18 = arith.constant 0 : index
    %get3A_19 = vector.load %arg1[%get3A_16, %get3A_17, %get3A_18] : memref<2x1000x128xf32, #tpu.memory_space<vmem>>, vector<1x1000x128xf32>
    %get3A_20 = vector.shape_cast %get3A_19 : vector<1x1000x128xf32> to vector<1000x128xf32>
    %add3A_21 = arith.addf %get3A_15, %get3A_20 : vector<1000x128xf32>
    %div3A = vector.broadcast %max3A_10 : vector<1000x1xf32> to vector<1000x128xf32>
    %div3A_22 = arith.divf %add3A_21, %div3A : vector<1000x128xf32>
    %get3A_23 = arith.constant 0 : index
    %get3A_24 = arith.constant 0 : index
    %get3A_25 = vector.load %arg4[%get3A_23, %get3A_24] : memref<128x128xf32, #tpu.memory_space<vmem>>, vector<128x128xf32>
    %dot_general3A = arith.constant dense<0.000000e+00> : vector<1000x128xf32>
    %dot_general3A_26 = tpu.matmul %div3A_22, %get3A_25, %dot_general3A {dimension_numbers = #tpu.dot_dimension_numbers<[1], [0], [0], [1], [0, 0, 1, 1], [], []>, transpose_lhs_hint = false} : vector<1000x128xf32>, vector<128x128xf32>, vector<1000x128xf32> -> vector<1000x128xf32>
    %get3A_27 = arith.constant 0 : index
    %get3A_28 = arith.constant 0 : index
    %get3A_29 = vector.load %arg3[%get3A_27, %get3A_28] : memref<1000x128xf32, #tpu.memory_space<vmem>>, vector<1000x128xf32>
    %get3A_30 = arith.constant 0 : index
    %get3A_31 = arith.constant 0 : index
    %get3A_32 = vector.load %arg5[%get3A_30, %get3A_31] : memref<128x128xf32, #tpu.memory_space<vmem>>, vector<128x128xf32>
    %dot_general3A_33 = arith.constant dense<0.000000e+00> : vector<1000x128xf32>
    %dot_general3A_34 = tpu.matmul %get3A_29, %get3A_32, %dot_general3A_33 {dimension_numbers = #tpu.dot_dimension_numbers<[1], [0], [0], [1], [0, 0, 1, 1], [], []>, transpose_lhs_hint = false} : vector<1000x128xf32>, vector<128x128xf32>, vector<1000x128xf32> -> vector<1000x128xf32>
    %add3A_35 = arith.addf %dot_general3A_26, %dot_general3A_34 : vector<1000x128xf32>
    %get3A_36 = arith.constant 0 : index
    %get3A_37 = arith.constant 0 : index
    %get3A_38 = vector.load %arg6[%get3A_36, %get3A_37] : memref<1x128xf32, #tpu.memory_space<vmem>>, vector<1x128xf32>
    %add3A_39 = vector.broadcast %get3A_38 : vector<1x128xf32> to vector<1000x128xf32>
    %add3A_40 = arith.addf %add3A_35, %add3A_39 : vector<1000x128xf32>
    %swap3A = arith.constant 0 : index
    %swap3A_41 = arith.constant 0 : index
    %swap3A_42 = vector.load %arg7[%swap3A, %swap3A_41] : memref<1000x128xf32, #tpu.memory_space<vmem>>, vector<1000x128xf32>
    tpu.vector_store %arg7[%swap3A, %swap3A_41], %add3A_40 {strides = array<i32>} : memref<1000x128xf32, #tpu.memory_space<vmem>>, vector<1000x128xf32>,
    return
  }
  func.func @transform_0(%arg0: i32) -> (i32, i32, i32) {
    %c0_i32 = arith.constant 0 : i32
    %c0_i32_0 = arith.constant 0 : i32
    %c0_i32_1 = arith.constant 0 : i32
    return %c0_i32, %arg0, %c0_i32_0 : i32, i32, i32
  }
  func.func @transform_1(%arg0: i32) -> (i32, i32, i32) {
    %c0_i32 = arith.constant 0 : i32
    %c0_i32_0 = arith.constant 0 : i32
    %c0_i32_1 = arith.constant 0 : i32
    return %c0_i32, %arg0, %c0_i32_0 : i32, i32, i32
  }
  func.func @transform_2(%arg0: i32) -> (i32, i32) {
    %c0_i32 = arith.constant 0 : i32
    %c0_i32_0 = arith.constant 0 : i32
    return %arg0, %c0_i32 : i32, i32
  }
  func.func @transform_3(%arg0: i32) -> (i32, i32) {
    %c0_i32 = arith.constant 0 : i32
    %c0_i32_0 = arith.constant 0 : i32
    %c0_i32_1 = arith.constant 0 : i32
    return %c0_i32, %c0_i32_0 : i32, i32
  }
  func.func @transform_4(%arg0: i32) -> (i32, i32) {
    %c0_i32 = arith.constant 0 : i32
    %c0_i32_0 = arith.constant 0 : i32
    %c0_i32_1 = arith.constant 0 : i32
    return %c0_i32, %c0_i32_0 : i32, i32
  }
  func.func @transform_5(%arg0: i32) -> (i32, i32) {
    %c0_i32 = arith.constant 0 : i32
    %c0_i32_0 = arith.constant 0 : i32
    %c0_i32_1 = arith.constant 0 : i32
    return %c0_i32, %c0_i32_0 : i32, i32
  }
  func.func @transform_6(%arg0: i32) -> (i32, i32) {
    %c0_i32 = arith.constant 0 : i32
    %c0_i32_0 = arith.constant 0 : i32
    return %arg0, %c0_i32 : i32, i32
  }
}

</mosaic_0001>

<sc_bundles>
// kernel: kernel.10.cloned.1.call-start
scs
__scs_entry_jumppad:
0x0: {  	(pc) =	sbr.rel $0x88, $3  }
0x1: {  	(tag) =	ssettag $0x0;
	lr =	simm.s32 $0x1  }
0x2: {  	[smem:$0x3F99] =	sst lr;
	_ =	strace $0xD0000000  }
0x3: {  	_ = 	snop  }
0x4: {  	_ = 	snop  }
0x5: {  	_ = 	snop  }
0x6: {  	_ = 	snop  }
0x7: {  	_ = 	snop  }
__scs_overlays_trampoline_lowered:
0x8: {  	[smem:$0x3FA8] =	sst s0  }
0x9: {  	[smem:$0x3FA9] =	sst s1  }
0xa: {  	[smem:$0x3FAA] =	sst s2  }
0xb: {  	[smem:$0x3FAB] =	sst s3  }
0xc: {  	[smem:$0x3FAC] =	sst s4  }
0xd: {  	[smem:$0x3FAD] =	sst s5  }
0xe: {  	[smem:$0x3FAE] =	sst s6  }
0xf: {  	[smem:$0x3FAF] =	sst s7  }
0x10: {  	[smem:$0x3FB0] =	sst s8  }
0x11: {  	[smem:$0x3FB1] =	sst s9;
	s0 =	simm.s32 @!p0 $0x0  }
0x12: {  	s1 =	sld [smem:$0x3F97];
	s0 =	simm.s32 @p0 $0x1  }
0x13: {  	[smem:$0x3FB2] =	sst s0;
	s0 =	simm.s32 @!p1 $0x0  }
0x14: {  	s2 =	sld [smem:$0x3F96];
	s0 =	simm.s32 @p1 $0x1  }
0x15: {  	[smem:$0x3FB3] =	sst s0;
	s0 =	simm.s32 @!p2 $0x0  }
0x16: {  	s3 =	sld [smem:$0x3FDB];
	s0 =	simm.s32 @p2 $0x1  }
0x17: {  	s4 =	simm.s32 $0x1BF5;
	[smem:$0x3FB5] =	sst s0  }
0x18: {  	s0 =	sld [smem:$0x3F98];
	_ =	swait.ge [sflag:s4], $0x0  }
0x19: {  	s7 =	sld [smem:$0x3F99]  }
0x1a: {  	s8 =	sadd.s32 $0xFFFFE003, lr  }
0x1b: {  	s9 =	sadd.s32 $0xFFFFFEF7, lr;
	s5 =	simm.s32 $0xFFFFFFFF;
	p2 =	slt.u32 s8, $0xFFFFF086  }
0x1c: {  	p1 =	slt.u32 s9, $0xF7A;
	s5 =	simm.s32 @!p2 $0x0  }
0x1d: {  	s5 =	simm.s32 @p1 $0x1;
	p0 =	seq.s32 s7, s2  }
0x1e: {  	s7 =	smul.u32 @!p0 $0xF7A, s2;
	p2 =	seq.s32 @!p0 s5, $0x0  }
0x1f: {  	s9 =	smul.u32 $0xF7A, s1;
	s8 =	simm.s32 @!p0 $0x1BF5;
	p2 =	por !p2, p0  }
0x20: {  	[sflag:s8] =	ssyncset.s32 @!p0 $0xFFFFF086;
	s6 =	sadd.s32 @!p0 s3, s7;
	s7 =	simm.s32 @!p0 $0x108  }
0x21: {  	s3 =	sadd.s32 s3, s9;
	s6 =	sadd.s32 @!p0 $0x88, s6;
	s7 =	simm.s32 @p2 $0x1082  }
0x22: {  	[simem:s7], [sflag:s8] =	dma.local @!p0 [hbm:s6], $0xF7A  }
0x23: {  	s9 =	sor.u32 $0xD0000000, s2;
	s6 =	simm.s32 $0x108;
	_ =	swait.ge @!p0 [sflag:s8], $0x0  }
0x24: {  	s3 =	sadd.s32 $0x88, s3;
	s6 =	simm.s32 @!p1 $0x1082;
	[sflag:s4] =	ssyncset.s32 $0xFFFFF086  }
0x25: {  	[simem:s6], [sflag:s4] =	dma.local [hbm:s3], $0xF7A  }
0x26: {  	[smem:$0x3F99] =	sst s1;
	(tag) =	ssettag s2;
	_ =	strace s9  }
0x27: {  	s1 =	sld [smem:$0x3FA9]  }
0x28: {  	s2 =	sld [smem:$0x3FAA]  }
0x29: {  	s4 =	sld [smem:$0x3FAC]  }
0x2a: {  	p0 =	seq.s32 s5, $0x0;
	s5 =	sld [smem:$0x3FAD]  }
0x2b: {  	s6 =	sld [smem:$0x3FAE]  }
0x2c: {  	s7 =	sld [smem:$0x3FAF]  }
0x2d: {  	s3 =	simm.s32 $0x108;
	s8 =	sld [smem:$0x3FB0]  }
0x2e: {  	s3 =	simm.s32 @!p0 $0x1082;
	s9 =	sld [smem:$0x3FB1]  }
0x2f: {  	lr =	sadd.s32 s0, s3;
	s0 =	sld [smem:$0x3FA8]  }
0x30: {  	s3 =	sld [smem:$0x3FAB]  }
0x31: {  	[smem:$0x3FB4] =	sst s10  }
0x32: {  	s10 =	sld [smem:$0x3FB2];
	_ =	sdelay $0x3  }
0x33: {  	p0 =	seq.s32 s10, $0x1;
	s10 =	sld [smem:$0x3FB4];
	_ =	sdelay $0x3  }
0x34: {  	[smem:$0x3FB4] =	sst s10  }
0x35: {  	s10 =	sld [smem:$0x3FB3];
	_ =	sdelay $0x3  }
0x36: {  	p1 =	seq.s32 s10, $0x1;
	s10 =	sld [smem:$0x3FB4];
	_ =	sdelay $0x3  }
0x37: {  	[smem:$0x3FB4] =	sst s10  }
0x38: {  	s10 =	sld [smem:$0x3FB5]  }
0x39: {  	_ = 	snop;
	(pc) =	sbr.ind lr, $3  }
0x3a: {  	_ = 	snop  }
0x3b: {  	_ = 	snop  }
0x3c: {  	p2 =	seq.s32 s10, $0x1;
	s10 =	sld [smem:$0x3FB4]  }
0x3d: {  	_ =	shalt  }
0x3e: {  	_ =	shalt  }
0x3f: {  	_ =	shalt  }
0x40: {  	_ =	shalt  }
0x41: {  	_ =	shalt  }
0x42: {  	_ =	shalt  }
0x43: {  	_ =	shalt  }
0x44: {  	_ =	shalt  }
0x45: {  	_ =	shalt  }
0x46: {  	_ =	shalt  }
0x47: {  	_ =	shalt  }
0x48: {  	_ =	shalt  }
0x49: {  	_ =	shalt  }
0x4a: {  	_ =	shalt  }
0x4b: {  	_ =	shalt  }
0x4c: {  	_ =	shalt  }
0x4d: {  	_ =	shalt  }
0x4e: {  	_ =	shalt  }
0x4f: {  	_ =	shalt  }
0x50: {  	_ =	shalt  }
0x51: {  	_ =	shalt  }
0x52: {  	_ =	shalt  }
0x53: {  	_ =	shalt  }
0x54: {  	_ =	shalt  }
0x55: {  	_ =	shalt  }
0x56: {  	_ =	shalt  }
0x57: {  	_ =	shalt  }
0x58: {  	_ =	shalt  }
0x59: {  	_ =	shalt  }
0x5a: {  	_ =	shalt  }
0x5b: {  	_ =	shalt  }
0x5c: {  	_ =	shalt  }
0x5d: {  	_ =	shalt  }
0x5e: {  	_ =	shalt  }
0x5f: {  	_ =	shalt  }
0x60: {  	_ =	shalt  }
0x61: {  	_ =	shalt  }
0x62: {  	_ =	shalt  }
0x63: {  	_ =	shalt  }
0x64: {  	_ =	shalt  }
0x65: {  	_ =	shalt  }
0x66: {  	_ =	shalt  }
0x67: {  	_ =	shalt  }
0x68: {  	_ =	shalt  }
0x69: {  	_ =	shalt  }
0x6a: {  	_ =	shalt  }
0x6b: {  	_ =	shalt  }
0x6c: {  	_ =	shalt  }
0x6d: {  	_ =	shalt  }
0x6e: {  	_ =	shalt  }
0x6f: {  	_ =	shalt  }
0x70: {  	_ =	shalt  }
0x71: {  	_ =	shalt  }
0x72: {  	_ =	shalt  }
0x73: {  	_ =	shalt  }
0x74: {  	_ =	shalt  }
0x75: {  	_ =	shalt  }
0x76: {  	_ =	shalt  }
0x77: {  	_ =	shalt  }
0x78: {  	_ =	shalt  }
0x79: {  	_ =	shalt  }
0x7a: {  	_ =	shalt  }
0x7b: {  	_ =	shalt  }
0x7c: {  	_ =	shalt  }
0x7d: {  	_ =	shalt  }
0x7e: {  	_ =	shalt  }
0x7f: {  	_ =	shalt  }
0x80: {  	_ =	shalt  }
0x81: {  	_ =	shalt  }
0x82: {  	_ =	shalt  }
0x83: {  	_ =	shalt  }
0x84: {  	_ =	shalt  }
0x85: {  	_ =	shalt  }
0x86: {  	_ =	shalt  }
0x87: {  	_ =	shalt  }
.Lfunc_end0:
.L_simem_size_0:
called_computation.1_lowered:
.L_overlay_start_0:
0x88: {  	s2 =	sld [smem:$0x3FD9]  }
0x89: {  	s3 =	sld [smem:$0x3FFE];
	_ =	sdelay $0x1  }
0x8a: {  	s1 =	srdreg.scid  }
0x8b: {  	s0 =	sand.u32 $0x1, s1  }
0x8c: {  	s17 =	sshll.u32 s0, $0xA;
	s2 =	sadd.s32 s3, s2  }
0x8d: {  	s2 =	sadd.s32 s2, s17  }
0x8e: {  	[smem:$0x3FC0] =	sst s2  }
0x8f: {  	_ = 	snop  }
0x90: {  	s18 =	sld [smem:$0x3FC9];
	(tm) =	ssettm $0x1  }
0x91: {  	s19 =	sld [smem:$0x3FFB];
	_ =	sdelay $0x3  }
0x92: {  	_ =	strace s19  }
0x93: {  	s2 =	sld [smem:$0x3FFC];
	_ =	sdelay $0x3  }
0x94: {  	_ =	strace s2  }
0x95: {  	s2 =	sld [smem:$0x3FFD];
	_ =	sdelay $0x3  }
0x96: {  	_ =	strace s2  }
0x97: {  	_ =	strace $0x8FFFFFFF  }
0x98: {  	s20 =	sld [smem:$0x3FDB];
	_ =	sdelay $0x1  }
0x99: {  	s4 =	simm.s32 $_scs_section_size  }
0x9a: {  	s5 =	simm.s32 $_size__tile_overlayer_lowered;
	s6 =	simm.s32 $_tile_overlayer_lowered  }
0x9b: {  	s7 =	simm.s32 $0x1BFF;
	s21 =	sshll.u32 s6, $0x1;
	s4 =	sadd.s32 s4, s20  }
0x9c: {  	s22 =	simm.s32 $0x0;
	s5 =	sshll.u32 s5, $0x1;
	s6 =	sadd.s32 s21, s4  }
0x9d: {  	[timem:s22], [sflag:s7] =	dma.local [hbm:s6], s5  }
0x9e: {  	_ =	swait.ge [sflag:s7], s5  }
0x9f: {  	s5 =	ssub.s32 $0x0, s5;
	[sflag:s7] =	ssyncset.done $0x0  }
0xa0: {  	[sflag:s7] =	ssyncadd.s32 s5;
	_ =	sdelay $0x1  }
0xa1: {  	s23 =	simm.s32 $0x1B8B  }
0xa2: {  	_ =	swait.ge [sflag:s23], $0x1  }
0xa3: {  	[sflag:s23] =	ssyncset.done $0x0  }
0xa4: {  	[sflag:s23] =	ssyncadd.s32 $0xFFFFFFFF  }
0xa5: {  	s5 =	sld [smem:$0x0]  }
0xa6: {  	s6 =	sand.u32 $0xFFFFFFFE, s1  }
0xa7: {  	p0 =	sne.s32 s1, s6  }
0xa8: {  	s6 =	sshll.u32 @p0 s6, $0xE  }
0xa9: {  	s6 =	sadd.s32 @p0 $0x11B8D, s6;
	s7 =	sshll.u32 @p0 s5, $0x11  }
0xaa: {  	s6 =	sor.u32 @p0 s7, s6  }
0xab: {  	[sflag:s6] =	ssyncadd.remote.s32 @p0 $0x1;
	_ =	sdelay $0x1  }
0xac: {  	s6 =	simm.s32 @p0 $0x1B8D  }
0xad: {  	_ =	swait.eq @p0 [sflag:s6], $0x1  }
0xae: {  	[sflag:s6] =	ssyncadd.s32 @p0 $0xFFFFFFFF  }
0xaf: {  	s7 =	sshll.u32 @!p0 s1, $0xE  }
0xb0: {  	s7 =	sor.u32 @!p0 $0x4000, s7;
	s6 =	simm.s32 @!p0 $0x1B8D  }
0xb1: {  	s5 =	sshll.u32 @!p0 s5, $0x11;
	s7 =	sadd.s32 @!p0 $0x11B8D, s7;
	_ =	swait.eq @!p0 [sflag:s6], $0x1  }
0xb2: {  	s5 =	sor.u32 @!p0 s5, s7;
	[sflag:s6] =	ssyncadd.s32 @!p0 $0xFFFFFFFF  }
0xb3: {  	s25 =	simm.s32 $0x1B8E;
	s24 =	sld [smem:$0x3FFE];
	[sflag:s5] =	ssyncadd.remote.s32 @!p0 $0x1  }
0xb4: {  	s26 =	simm.s32 $execute0_lowered;
	[smem:$0x3FD2] =	sst s25  }
0xb5: {  	s6 =	sshll.u32 s26, $0x1;
	_ =	strace $0x80000049;
	[dreg:$0x1] =	wrdreg $0xFFFFFFFF  }
0xb6: {  	s28 =	simm.s32 $_size_execute0_lowered;
	s4 =	sadd.s32 s4, s6;
	[dreg:$0x0] =	wrdreg $0x0  }
0xb7: {  	s6 =	sshll.u32 s28, $0x1;
	[dreg:$0x2] =	wrdreg s4  }
0xb8: {  	[dreg:$0x3] =	wrdreg s6  }
0xb9: {  	[dreg:$0x4] =	wrdreg $0xC0  }
0xba: {  	_ =	task [dreg:s22], $0x5FFFF  }
0xbb: {  	[dreg:$0x1] =	wrdreg $0xFFFFFFFF  }
0xbc: {  	[dreg:$0x0] =	wrdreg $0x60  }
0xbd: {  	[dreg:$0x2] =	wrdreg s18  }
0xbe: {  	[dreg:$0x3] =	wrdreg s24  }
0xbf: {  	[dreg:$0x4] =	wrdreg $0x0  }
0xc0: {  	[dreg:$0x5] =	wrdreg $0xA  }
0xc1: {  	_ =	task.clear_ibuf [dreg:s22], $0x6FFFF;
	_ =	strace $0x90000049  }
0xc2: {  	s29 =	simm.s32 $0xA;
	_ =	strace $0x8000004B  }
0xc3: {  	_ =	swait.ge [sflag:s29], $0x1  }
0xc4: {  	[sflag:s29] =	ssyncadd.s32 $0xFFFFFFFF  }
0xc5: {  	_ =	strace $0x9000004B  }
0xc6: {  	_ =	sfence  }
0xc7: {  	s30 =	sld [smem:$0x0];
	_ =	sdelay $0x2  }
0xc8: {  	s31 =	sshll.u32 s1, $0xD;
	s1 =	sshrl.u32 s1, $0x2  }
0xc9: {  	s4 =	sand.u32 $0x4000, s31;
	s1 =	sadd.s32 s1, s30  }
0xca: {  	s0 =	sor.u32 s4, s0;
	s1 =	sshll.u32 s1, $0x11  }
0xcb: {  	s0 =	sor.u32 s1, s0  }
0xcc: {  	s0 =	sadd.s32 $0x8F2B, s0  }
0xcd: {  	[sflag:s0] =	ssyncadd.remote.s32 $0x1  }
0xce: {  	_ =	sfence.sel $0xFFFF  }
0xcf: {  	[dreg:$0x0] =	wrdreg $0xFFFFFFFF;
	(pc) =	sbr.abs _section_cstart, $3  }
0xd0: {  	[dreg:$0x1] =	wrdreg $0xFFFFFFFF  }
0xd1: {  	_ =	task.clear_ibuf [dreg:s22], $0x2FFFF;
	_ =	strace $0x9FFFFFFF  }
0xd2: {  	(tm) =	ssettm $0x7FFFFFFF  }
0xd3: {  	_ =	shalt  }
tec
execute0_lowered:
.L_overlay_start_1:
0x0: {  	(tag) =	ssettag $0x1  }
0x1: {  	s1 =	rddreg [dreg:$0x0]  }
0x2: {  	s0 =	rddreg [dreg:$0x1]  }
0x3: {  	s2 =	rddreg [dreg:$0x2]  }
0x4: {  	s4 =	srdreg.scid;
	s3 =	simm.s32 $0x0;
	s12 =	stileid.u32  }
0x5: {  	s28 =	simm.s32 $0x2;
	s29 =	simm.s32 $0x1E080;
	s30 =	simm.s32 $0x50  }
0x6: {  	s31 =	simm.s32 $0x1E100;
	s10 =	sand.u32 $0x1, s4;
	[smem:$0x7FF] =	sst s3  }
0x7: {  	s5 =	sshll.u32 s12, $0xB;
	s11 =	smul.u32 $0x270, s12;
	s14 =	sadd.s32 $0x22000, s0  }
0x8: {  	p0 =	sne.s32 s12, $0x0;
	s4 =	sshll.u32 s10, $0xF;
	s20 =	ssub.s32 $0x2, s10  }
0x9: {  	_ =	strace $0x8000004A;
	s4 =	sor.u32 s5, s4;
	s21 =	sshrl.u32 s20, $0x1  }
0xa: {  	s15 =	sadd.s32 $0x50, s11;
	s22 =	sshrl.u32 s11, $0x3;
	s16 =	sadd.s32 $0xA0, s11  }
0xb: {  	s17 =	sadd.s32 $0xF0, s11;
	s18 =	sadd.s32 $0x140, s11;
	s19 =	sadd.s32 $0x190, s11  }
0xc: {  	s13 =	sadd.s32 s4, s0;
	s25 =	ssub.s32 s20, s21;
	s23 =	sshrl.u32 s15, $0x3  }
0xd: {  	s4 =	sadd.s32 s14, s22;
	s6 =	sshrl.u32 s16, $0x3;
	s7 =	sshrl.u32 s17, $0x3  }
0xe: {  	s8 =	sshrl.u32 s18, $0x3;
	s9 =	sshrl.u32 s19, $0x3;
	s20 =	sadd.s32 $0x1E0, s11  }
0xf: {  	s21 =	smul.u32 $0x138800, s10;
	s22 =	sadd.s32 $0x230, s11;
	s15 =	sshll.u32 s15, $0x7  }
0x10: {  	s16 =	sshll.u32 s16, $0x7;
	s17 =	sshll.u32 s17, $0x7;
	s18 =	sshll.u32 s18, $0x7  }
0x11: {  	s5 =	sadd.s32 s14, s23;
	s6 =	sadd.s32 s14, s6;
	s7 =	sadd.s32 s14, s7  }
0x12: {  	s8 =	sadd.s32 s14, s8;
	s9 =	sadd.s32 s14, s9;
	s24 =	sshrl.u32 s20, $0x3  }
0x13: {  	s23 =	smul.u32 $0x13800, s12;
	s11 =	sshrl.u32 s22, $0x3;
	s25 =	smax.u32 s25, $0x1  }
0x14: {  	s12 =	simm.s32 $0x1;
	s10 =	sadd.s32 s14, s24;
	s15 =	sadd.s32 s21, s15  }
0x15: {  	s26 =	sadd.s32 s23, s21;
	s23 =	sadd.s32 $0x70E00, s0;
	s15 =	sshrl.u32 s15, $0x3  }
0x16: {  	s11 =	sadd.s32 s14, s11;
	s14 =	sshrl.u32 s26, $0x3;
	s15 =	sadd.s32 s23, s15  }
0x17: {  	s14 =	sadd.s32 s23, s14;
	[dreg:$0x5] =	wrdreg s15;
	s15 =	sadd.s32 s21, s17  }
0x18: {  	s17 =	sshll.u32 s19, $0x7;
	s19 =	sshll.u32 s22, $0x7;
	[dreg:$0x4] =	wrdreg s14  }
0x19: {  	s14 =	sadd.s32 s21, s16;
	s16 =	sadd.s32 s21, s18;
	s24 =	sshrl.u32 s15, $0x3  }
0x1a: {  	s18 =	sshll.u32 s20, $0x7;
	s20 =	sadd.s32 s21, s19;
	s14 =	sshrl.u32 s14, $0x3  }
0x1b: {  	s26 =	sshrl.u32 s16, $0x3;
	s15 =	sadd.s32 s21, s18;
	s14 =	sadd.s32 s23, s14  }
0x1c: {  	s16 =	sadd.s32 s23, s26;
	s22 =	sshrl.u32 s15, $0x3;
	[dreg:$0x6] =	wrdreg s14  }
0x1d: {  	s26 =	sshrl.u32 s21, $0x3;
	s14 =	sadd.s32 s23, s24;
	[dreg:$0x8] =	wrdreg s16  }
0x1e: {  	s24 =	sshrl.u32 s20, $0x3;
	[dreg:$0x7] =	wrdreg s14;
	s14 =	sadd.s32 s21, s17  }
0x1f: {  	s20 =	sadd.s32 $0x22600, s0;
	s19 =	sadd.s32 s23, s24;
	s14 =	sshrl.u32 s14, $0x3  }
0x20: {  	s21 =	sadd.s32 $0x224E0, s0;
	s0 =	simm.s32 $0x40;
	s14 =	sadd.s32 s23, s14  }
0x21: {  	[dreg:$0x9] =	wrdreg s14;
	s14 =	sadd.s32 s23, s22;
	s22 =	sadd.s32 $0x2000, s13  }
0x22: {  	[dreg:$0xa] =	wrdreg s14;
	s14 =	sadd.s32 s23, s26;
	s23 =	sadd.s32 $0x12000, s13  }
0x23: {  	s26 =	simm.s32 $0x1B880;
	s13 =	simm.s32 $0x0;
	s24 =	sadd.s32 $0x27000, s14  }
.LBB2_1:
0x24: {  	[tilespmem:s26], [sflag:$0x2] =	stream.linear.gather [hbm4b:s20+s3], $0x2800, $0x38;
	[tilespmem:$0x1E200] =	vst v63  }
0x25: {  	_ =	swait.ge [sflag:s28], $0x2800  }
0x26: {  	[sflag:s28] =	ssyncset.done $0x0  }
0x27: {  	[sflag:s28] =	ssyncadd.s32 $0xFFFFD800  }
0x28: {  	[tilespmem:s29], [sflag:$0x2] =	stream.linear.gather [hbm4b:s4+s3], $0x50, $0x38;
	[tilespmem:$0x1E200] =	vst v63  }
0x29: {  	_ =	swait.ge [sflag:s28], $0x50  }
0x2a: {  	[sflag:s28] =	ssyncset.done $0x0  }
0x2b: {  	[sflag:s28] =	ssyncadd.s32 $0xFFFFFFB0  }
0x2c: {  	[spmem:s2] =	stream.indirect.scatter [tilespmem:s26], [sflag:$0x2], $0x80, s29, s30, $0xb8;
	[tilespmem:$0x1E200] =	vst v63  }
0x2d: {  	_ =	swait.ge [sflag:s28], $0x2800  }
0x2e: {  	[sflag:s28] =	ssyncset.done $0x0  }
0x2f: {  	[sflag:s28] =	ssyncadd.s32 $0xFFFFD800  }
0x30: {  	[tilespmem:s29], [sflag:$0x2] =	stream.linear.gather [hbm4b:s5+s3], $0x50, $0x38;
	[tilespmem:$0x1E200] =	vst v63  }
0x31: {  	_ =	swait.ge [sflag:s28], $0x50  }
0x32: {  	[sflag:s28] =	ssyncset.done $0x0  }
0x33: {  	[sflag:s28] =	ssyncadd.s32 $0xFFFFFFB0  }
0x34: {  	[spmem:s2] =	stream.indirect.scatter [tilespmem:s26], [sflag:$0x2], $0x80, s29, s30, $0xb8;
	[tilespmem:$0x1E200] =	vst v63  }
0x35: {  	_ =	swait.ge [sflag:s28], $0x2800  }
0x36: {  	[sflag:s28] =	ssyncset.done $0x0  }
0x37: {  	[sflag:s28] =	ssyncadd.s32 $0xFFFFD800  }
0x38: {  	[tilespmem:s29], [sflag:$0x2] =	stream.linear.gather [hbm4b:s6+s3], $0x50, $0x38;
	[tilespmem:$0x1E200] =	vst v63  }
0x39: {  	_ =	swait.ge [sflag:s28], $0x50  }
0x3a: {  	[sflag:s28] =	ssyncset.done $0x0  }
0x3b: {  	[sflag:s28] =	ssyncadd.s32 $0xFFFFFFB0  }
0x3c: {  	[spmem:s2] =	stream.indirect.scatter [tilespmem:s26], [sflag:$0x2], $0x80, s29, s30, $0xb8;
	[tilespmem:$0x1E200] =	vst v63  }
0x3d: {  	_ =	swait.ge [sflag:s28], $0x2800  }
0x3e: {  	[sflag:s28] =	ssyncset.done $0x0  }
0x3f: {  	[sflag:s28] =	ssyncadd.s32 $0xFFFFD800  }
0x40: {  	[tilespmem:s29], [sflag:$0x2] =	stream.linear.gather [hbm4b:s7+s3], $0x50, $0x38;
	[tilespmem:$0x1E200] =	vst v63  }
0x41: {  	_ =	swait.ge [sflag:s28], $0x50  }
0x42: {  	[sflag:s28] =	ssyncset.done $0x0  }
0x43: {  	[sflag:s28] =	ssyncadd.s32 $0xFFFFFFB0  }
0x44: {  	[spmem:s2] =	stream.indirect.scatter [tilespmem:s26], [sflag:$0x2], $0x80, s29, s30, $0xb8;
	[tilespmem:$0x1E200] =	vst v63  }
0x45: {  	_ =	swait.ge [sflag:s28], $0x2800  }
0x46: {  	[sflag:s28] =	ssyncset.done $0x0  }
0x47: {  	[sflag:s28] =	ssyncadd.s32 $0xFFFFD800  }
0x48: {  	[tilespmem:s29], [sflag:$0x2] =	stream.linear.gather [hbm4b:s8+s3], $0x50, $0x38;
	[tilespmem:$0x1E200] =	vst v63  }
0x49: {  	_ =	swait.ge [sflag:s28], $0x50  }
0x4a: {  	[sflag:s28] =	ssyncset.done $0x0  }
0x4b: {  	[sflag:s28] =	ssyncadd.s32 $0xFFFFFFB0  }
0x4c: {  	[spmem:s2] =	stream.indirect.scatter [tilespmem:s26], [sflag:$0x2], $0x80, s29, s30, $0xb8;
	[tilespmem:$0x1E200] =	vst v63  }
0x4d: {  	_ =	swait.ge [sflag:s28], $0x2800  }
0x4e: {  	[sflag:s28] =	ssyncset.done $0x0  }
0x4f: {  	[sflag:s28] =	ssyncadd.s32 $0xFFFFD800  }
0x50: {  	[tilespmem:s29], [sflag:$0x2] =	stream.linear.gather [hbm4b:s9+s3], $0x50, $0x38;
	[tilespmem:$0x1E200] =	vst v63  }
0x51: {  	_ =	swait.ge [sflag:s28], $0x50  }
0x52: {  	[sflag:s28] =	ssyncset.done $0x0  }
0x53: {  	[sflag:s28] =	ssyncadd.s32 $0xFFFFFFB0  }
0x54: {  	[spmem:s2] =	stream.indirect.scatter [tilespmem:s26], [sflag:$0x2], $0x80, s29, s30, $0xb8;
	[tilespmem:$0x1E200] =	vst v63  }
0x55: {  	_ =	swait.ge [sflag:s28], $0x2800  }
0x56: {  	[sflag:s28] =	ssyncset.done $0x0  }
0x57: {  	[sflag:s28] =	ssyncadd.s32 $0xFFFFD800  }
0x58: {  	[tilespmem:s29], [sflag:$0x2] =	stream.linear.gather [hbm4b:s10+s3], $0x50, $0x38;
	[tilespmem:$0x1E200] =	vst v63  }
0x59: {  	_ =	swait.ge [sflag:s28], $0x50  }
0x5a: {  	[sflag:s28] =	ssyncset.done $0x0  }
0x5b: {  	[sflag:s28] =	ssyncadd.s32 $0xFFFFFFB0  }
0x5c: {  	[spmem:s2] =	stream.indirect.scatter [tilespmem:s26], [sflag:$0x2], $0x80, s29, s30, $0xb8;
	[tilespmem:$0x1E200] =	vst v63  }
0x5d: {  	_ =	swait.ge [sflag:s28], $0x2800  }
0x5e: {  	[sflag:s28] =	ssyncset.done $0x0  }
0x5f: {  	[sflag:s28] =	ssyncadd.s32 $0xFFFFD800  }
0x60: {  	[tilespmem:s31], [sflag:$0x2] =	stream.linear.gather [hbm4b:s11+s3], $0x40, $0x38;
	[tilespmem:$0x1E200] =	vst v63  }
0x61: {  	_ =	swait.ge [sflag:s28], $0x40  }
0x62: {  	[sflag:s28] =	ssyncset.done $0x0  }
0x63: {  	[sflag:s28] =	ssyncadd.s32 $0xFFFFFFC0  }
0x64: {  	[spmem:s2] =	stream.indirect.scatter [tilespmem:s26], [sflag:$0x2], $0x80, s31, s0, $0xb8;
	[tilespmem:$0x1E200] =	vst v63  }
0x65: {  	_ =	swait.ge [sflag:s28], $0x2000  }
0x66: {  	[sflag:s28] =	ssyncset.done $0x0  }
0x67: {  	s14 =	simm.s32 @!p0 $0x0;
	s15 =	simm.s32 @!p0 $0x1E180;
	[sflag:s28] =	ssyncadd.s32 $0xFFFFE000  }
0x68: {  	[tilespmem:s15], [sflag:$0x2] =	stream.linear.gather @!p0 [hbm4b:s21+s14], $0x10, $0x38;
	[tilespmem:$0x1E200] =	vst v63  }
0x69: {  	s14 =	simm.s32 @!p0 $0x2  }
0x6a: {  	_ =	swait.ge @!p0 [sflag:s14], $0x10  }
0x6b: {  	[sflag:s14] =	ssyncset.done @!p0 $0x0  }
0x6c: {  	s16 =	simm.s32 @!p0 $0x10;
	s17 =	simm.s32 @!p0 $0x1B880;
	[sflag:s14] =	ssyncadd.s32 @!p0 $0xFFFFFFF0  }
0x6d: {  	[spmem:s2] =	stream.indirect.scatter @!p0 [tilespmem:s17], [sflag:$0x2], $0x80, s15, s16, $0xb8;
	[tilespmem:$0x1E200] =	vst v63  }
0x6e: {  	_ =	swait.ge @!p0 [sflag:s14], $0x800  }
0x6f: {  	[sflag:s14] =	ssyncset.done @!p0 $0x0  }
0x70: {  	s15 =	simm.s32 $0x17880;
	[sflag:s14] =	ssyncadd.s32 @!p0 $0xFFFFF800  }
0x71: {  	[tilespmem:s15], [sflag:$0x2] =	stream.linear.gather [hbm4b:s22+s3], $0x3E80, $0x38;
	[tilespmem:$0x1E200] =	vst v63  }
0x72: {  	_ =	swait.ge [sflag:s28], $0x3E80  }
0x73: {  	[sflag:s28] =	ssyncset.done $0x0  }
0x74: {  	s16 =	simm.s32 $0x13880;
	[sflag:s28] =	ssyncadd.s32 $0xFFFFC180  }
0x75: {  	[tilespmem:s16], [sflag:$0x2] =	stream.linear.gather [hbm4b:s23+s3], $0x3E80, $0x38;
	[tilespmem:$0x1E200] =	vst v63  }
0x76: {  	_ =	swait.ge [sflag:s28], $0x3E80  }
0x77: {  	[sflag:s28] =	ssyncset.done $0x0  }
0x78: {  	[sflag:s28] =	ssyncadd.s32 $0xFFFFC180  }
0x79: {  	s17 =	simm.s32 $0x13880;
	[bflag:$0x0] =	sbarrier.arrive $0xFFFF  }
0x7a: {  	[tilespmem:s26], [sflag:$0x1] =	stream.indirect.gather [hbm4b:s1+s30], $0x80, s17, s30, $0xb8;
	[tilespmem:$0x1E200] =	vst v63  }
0x7b: {  	_ =	swait.ge [sflag:s12], $0x2800  }
0x7c: {  	[sflag:s12] =	ssyncset.done $0x0  }
0x7d: {  	s18 =	simm.s32 $0x17880;
	[sflag:s12] =	ssyncadd.s32 $0xFFFFD800  }
0x7e: {  	[spmem:s2] =	stream.indirect.scatter.add.f32 [tilespmem:s26], [sflag:$0x2], $0x80, s18, s30, $0xb8;
	[tilespmem:$0x1E200] =	vst v63  }
0x7f: {  	_ =	swait.ge [sflag:s28], $0x2800  }
0x80: {  	s14 =	simm.s32 $0x80;
	s15 =	simm.s32 $0x400;
	[sflag:s28] =	ssyncset.done $0x0  }
.LBB2_2:
0x81: {  	s16 =	sadd.s32 $0x13880, s14  }
0x82: {  	[sflag:s28] =	ssyncadd.s32 $0xFFFFD800;
	s17 =	smov.u32 s15;
	s18 =	sadd.s32 $0x200, s15  }
0x83: {  	[tilespmem:s26], [sflag:$0x1] =	stream.indirect.gather [hbm4b:s1+s30], $0x80, s16, s30, $0xb8;
	[tilespmem:$0x1E200] =	vst v63  }
0x84: {  	p1 =	sne.s32 s15, $0xF800;
	_ =	swait.ge [sflag:s12], $0x2800  }
.Ltmp0:
0x85: {  	[sflag:s12] =	ssyncset.done $0x0;
	(pc) =	sbr.rel @p1 .LBB2_2-.Ltmp0, $4  }
0x86: {  	s14 =	sadd.s32 $0x17880, s14;
	[sflag:s12] =	ssyncadd.s32 $0xFFFFD800  }
0x87: {  	[spmem:s2] =	stream.indirect.scatter.add.f32 [tilespmem:s26], [sflag:$0x2], $0x80, s14, s30, $0xb8;
	[tilespmem:$0x1E200] =	vst v63  }
0x88: {  	_ =	swait.ge [sflag:s28], $0x2800  }
0x89: {  	s15 =	smov.u32 s18;
	s14 =	sshra.s32 s17, $0x2;
	[sflag:s28] =	ssyncset.done $0x0  }
0x8a: {  	s15 =	sadd.s32 $0x13880, s14;
	[sflag:s28] =	ssyncadd.s32 $0xFFFFD800  }
0x8b: {  	[tilespmem:s26], [sflag:$0x1] =	stream.indirect.gather [hbm4b:s1+s30], $0x80, s15, s30, $0xb8;
	[tilespmem:$0x1E200] =	vst v63  }
0x8c: {  	_ =	swait.ge [sflag:s12], $0x2800  }
0x8d: {  	[sflag:s12] =	ssyncset.done $0x0  }
0x8e: {  	s15 =	sadd.s32 $0x17880, s14;
	[sflag:s12] =	ssyncadd.s32 $0xFFFFD800  }
0x8f: {  	[spmem:s2] =	stream.indirect.scatter.add.f32 [tilespmem:s26], [sflag:$0x2], $0x80, s15, s30, $0xb8;
	[tilespmem:$0x1E200] =	vst v63  }
0x90: {  	_ =	swait.ge [sflag:s28], $0x2800  }
0x91: {  	[sflag:s28] =	ssyncset.done $0x0  }
0x92: {  	[sflag:s28] =	ssyncadd.s32 $0xFFFFD800  }
0x93: {  	[bflag:$0x0] =	sbarrier.arrive $0xFFFF  }
0x94: {  	[tilespmem:s29], [sflag:$0x2] =	stream.linear.gather [hbm4b:s4+s3], $0x50, $0x38;
	[tilespmem:$0x1E200] =	vst v63  }
0x95: {  	_ =	swait.ge [sflag:s28], $0x50  }
0x96: {  	[sflag:s28] =	ssyncset.done $0x0  }
0x97: {  	[sflag:s28] =	ssyncadd.s32 $0xFFFFFFB0  }
0x98: {  	[tilespmem:s26], [sflag:$0x1] =	stream.indirect.gather [spmem:s2], $0x80, s29, s30, $0xb8;
	[tilespmem:$0x1E200] =	vst v63  }
0x99: {  	_ =	swait.ge [sflag:s12], $0x2800  }
0x9a: {  	[sflag:s12] =	ssyncset.done $0x0  }
0x9b: {  	s16 =	rddreg [dreg:$0x4];
	[sflag:s12] =	ssyncadd.s32 $0xFFFFD800  }
0x9c: {  	[hbm4b:s16+s3] =	stream.linear.scatter [tilespmem:s26], [sflag:$0x2], $0x2800, $0x38;
	[tilespmem:$0x1E200] =	vst v63  }
0x9d: {  	_ =	swait.ge [sflag:s28], $0x2800  }
0x9e: {  	[sflag:s28] =	ssyncset.done $0x0  }
0x9f: {  	[sflag:s28] =	ssyncadd.s32 $0xFFFFD800  }
0xa0: {  	[tilespmem:s29], [sflag:$0x2] =	stream.linear.gather [hbm4b:s5+s3], $0x50, $0x38;
	[tilespmem:$0x1E200] =	vst v63  }
0xa1: {  	_ =	swait.ge [sflag:s28], $0x50  }
0xa2: {  	[sflag:s28] =	ssyncset.done $0x0  }
0xa3: {  	[sflag:s28] =	ssyncadd.s32 $0xFFFFFFB0  }
0xa4: {  	[tilespmem:s26], [sflag:$0x1] =	stream.indirect.gather [spmem:s2], $0x80, s29, s30, $0xb8;
	[tilespmem:$0x1E200] =	vst v63  }
0xa5: {  	_ =	swait.ge [sflag:s12], $0x2800  }
0xa6: {  	[sflag:s12] =	ssyncset.done $0x0  }
0xa7: {  	s17 =	rddreg [dreg:$0x5];
	[sflag:s12] =	ssyncadd.s32 $0xFFFFD800  }
0xa8: {  	[hbm4b:s17+s3] =	stream.linear.scatter [tilespmem:s26], [sflag:$0x2], $0x2800, $0x38;
	[tilespmem:$0x1E200] =	vst v63  }
0xa9: {  	_ =	swait.ge [sflag:s28], $0x2800  }
0xaa: {  	[sflag:s28] =	ssyncset.done $0x0  }
0xab: {  	[sflag:s28] =	ssyncadd.s32 $0xFFFFD800  }
0xac: {  	[tilespmem:s29], [sflag:$0x2] =	stream.linear.gather [hbm4b:s6+s3], $0x50, $0x38;
	[tilespmem:$0x1E200] =	vst v63  }
0xad: {  	_ =	swait.ge [sflag:s28], $0x50  }
0xae: {  	[sflag:s28] =	ssyncset.done $0x0  }
0xaf: {  	[sflag:s28] =	ssyncadd.s32 $0xFFFFFFB0  }
0xb0: {  	[tilespmem:s26], [sflag:$0x1] =	stream.indirect.gather [spmem:s2], $0x80, s29, s30, $0xb8;
	[tilespmem:$0x1E200] =	vst v63  }
0xb1: {  	_ =	swait.ge [sflag:s12], $0x2800  }
0xb2: {  	[sflag:s12] =	ssyncset.done $0x0  }
0xb3: {  	s18 =	rddreg [dreg:$0x6];
	[sflag:s12] =	ssyncadd.s32 $0xFFFFD800  }
0xb4: {  	[hbm4b:s18+s3] =	stream.linear.scatter [tilespmem:s26], [sflag:$0x2], $0x2800, $0x38;
	[tilespmem:$0x1E200] =	vst v63  }
0xb5: {  	_ =	swait.ge [sflag:s28], $0x2800  }
0xb6: {  	[sflag:s28] =	ssyncset.done $0x0  }
0xb7: {  	[sflag:s28] =	ssyncadd.s32 $0xFFFFD800  }
0xb8: {  	[tilespmem:s29], [sflag:$0x2] =	stream.linear.gather [hbm4b:s7+s3], $0x50, $0x38;
	[tilespmem:$0x1E200] =	vst v63  }
0xb9: {  	_ =	swait.ge [sflag:s28], $0x50  }
0xba: {  	[sflag:s28] =	ssyncset.done $0x0  }
0xbb: {  	[sflag:s28] =	ssyncadd.s32 $0xFFFFFFB0  }
0xbc: {  	[tilespmem:s26], [sflag:$0x1] =	stream.indirect.gather [spmem:s2], $0x80, s29, s30, $0xb8;
	[tilespmem:$0x1E200] =	vst v63  }
0xbd: {  	_ =	swait.ge [sflag:s12], $0x2800  }
0xbe: {  	[sflag:s12] =	ssyncset.done $0x0  }
0xbf: {  	s15 =	rddreg [dreg:$0x7];
	[sflag:s12] =	ssyncadd.s32 $0xFFFFD800  }
0xc0: {  	[hbm4b:s15+s3] =	stream.linear.scatter [tilespmem:s26], [sflag:$0x2], $0x2800, $0x38;
	[tilespmem:$0x1E200] =	vst v63  }
0xc1: {  	_ =	swait.ge [sflag:s28], $0x2800  }
0xc2: {  	[sflag:s28] =	ssyncset.done $0x0  }
0xc3: {  	[sflag:s28] =	ssyncadd.s32 $0xFFFFD800  }
0xc4: {  	[tilespmem:s29], [sflag:$0x2] =	stream.linear.gather [hbm4b:s8+s3], $0x50, $0x38;
	[tilespmem:$0x1E200] =	vst v63  }
0xc5: {  	_ =	swait.ge [sflag:s28], $0x50  }
0xc6: {  	[sflag:s28] =	ssyncset.done $0x0  }
0xc7: {  	[sflag:s28] =	ssyncadd.s32 $0xFFFFFFB0  }
0xc8: {  	[tilespmem:s26], [sflag:$0x1] =	stream.indirect.gather [spmem:s2], $0x80, s29, s30, $0xb8;
	[tilespmem:$0x1E200] =	vst v63  }
0xc9: {  	_ =	swait.ge [sflag:s12], $0x2800  }
0xca: {  	[sflag:s12] =	ssyncset.done $0x0  }
0xcb: {  	s16 =	rddreg [dreg:$0x8];
	[sflag:s12] =	ssyncadd.s32 $0xFFFFD800  }
0xcc: {  	[hbm4b:s16+s3] =	stream.linear.scatter [tilespmem:s26], [sflag:$0x2], $0x2800, $0x38;
	[tilespmem:$0x1E200] =	vst v63  }
0xcd: {  	_ =	swait.ge [sflag:s28], $0x2800  }
0xce: {  	[sflag:s28] =	ssyncset.done $0x0  }
0xcf: {  	[sflag:s28] =	ssyncadd.s32 $0xFFFFD800  }
0xd0: {  	[tilespmem:s29], [sflag:$0x2] =	stream.linear.gather [hbm4b:s9+s3], $0x50, $0x38;
	[tilespmem:$0x1E200] =	vst v63  }
0xd1: {  	_ =	swait.ge [sflag:s28], $0x50  }
0xd2: {  	[sflag:s28] =	ssyncset.done $0x0  }
0xd3: {  	[sflag:s28] =	ssyncadd.s32 $0xFFFFFFB0  }
0xd4: {  	[tilespmem:s26], [sflag:$0x1] =	stream.indirect.gather [spmem:s2], $0x80, s29, s30, $0xb8;
	[tilespmem:$0x1E200] =	vst v63  }
0xd5: {  	_ =	swait.ge [sflag:s12], $0x2800  }
0xd6: {  	[sflag:s12] =	ssyncset.done $0x0  }
0xd7: {  	s17 =	rddreg [dreg:$0x9];
	[sflag:s12] =	ssyncadd.s32 $0xFFFFD800  }
0xd8: {  	[hbm4b:s17+s3] =	stream.linear.scatter [tilespmem:s26], [sflag:$0x2], $0x2800, $0x38;
	[tilespmem:$0x1E200] =	vst v63  }
0xd9: {  	_ =	swait.ge [sflag:s28], $0x2800  }
0xda: {  	[sflag:s28] =	ssyncset.done $0x0  }
0xdb: {  	[sflag:s28] =	ssyncadd.s32 $0xFFFFD800  }
0xdc: {  	[tilespmem:s29], [sflag:$0x2] =	stream.linear.gather [hbm4b:s10+s3], $0x50, $0x38;
	[tilespmem:$0x1E200] =	vst v63  }
0xdd: {  	_ =	swait.ge [sflag:s28], $0x50  }
0xde: {  	[sflag:s28] =	ssyncset.done $0x0  }
0xdf: {  	[sflag:s28] =	ssyncadd.s32 $0xFFFFFFB0  }
0xe0: {  	[tilespmem:s26], [sflag:$0x1] =	stream.indirect.gather [spmem:s2], $0x80, s29, s30, $0xb8;
	[tilespmem:$0x1E200] =	vst v63  }
0xe1: {  	_ =	swait.ge [sflag:s12], $0x2800  }
0xe2: {  	[sflag:s12] =	ssyncset.done $0x0  }
0xe3: {  	s18 =	rddreg [dreg:$0xa];
	[sflag:s12] =	ssyncadd.s32 $0xFFFFD800  }
0xe4: {  	[hbm4b:s18+s3] =	stream.linear.scatter [tilespmem:s26], [sflag:$0x2], $0x2800, $0x38;
	[tilespmem:$0x1E200] =	vst v63  }
0xe5: {  	_ =	swait.ge [sflag:s28], $0x2800  }
0xe6: {  	[sflag:s28] =	ssyncset.done $0x0  }
0xe7: {  	[sflag:s28] =	ssyncadd.s32 $0xFFFFD800  }
0xe8: {  	[tilespmem:s31], [sflag:$0x2] =	stream.linear.gather [hbm4b:s11+s3], $0x40, $0x38;
	[tilespmem:$0x1E200] =	vst v63  }
0xe9: {  	_ =	swait.ge [sflag:s28], $0x40  }
0xea: {  	[sflag:s28] =	ssyncset.done $0x0  }
0xeb: {  	[sflag:s28] =	ssyncadd.s32 $0xFFFFFFC0  }
0xec: {  	[tilespmem:s26], [sflag:$0x1] =	stream.indirect.gather [spmem:s2], $0x80, s31, s0, $0xb8;
	[tilespmem:$0x1E200] =	vst v63  }
0xed: {  	_ =	swait.ge [sflag:s12], $0x2000  }
0xee: {  	[sflag:s12] =	ssyncset.done $0x0  }
0xef: {  	[sflag:s12] =	ssyncadd.s32 $0xFFFFE000  }
0xf0: {  	[hbm4b:s19+s3] =	stream.linear.scatter [tilespmem:s26], [sflag:$0x2], $0x2000, $0x38;
	[tilespmem:$0x1E200] =	vst v63  }
0xf1: {  	_ =	swait.ge [sflag:s28], $0x2000  }
0xf2: {  	s14 =	simm.s32 @!p0 $0x0;
	[sflag:s28] =	ssyncset.done $0x0  }
0xf3: {  	s15 =	simm.s32 @!p0 $0x1E180;
	s16 =	simm.s32 @!p0 $0x2;
	[sflag:s28] =	ssyncadd.s32 $0xFFFFE000  }
0xf4: {  	[tilespmem:s15], [sflag:$0x2] =	stream.linear.gather @!p0 [hbm4b:s21+s14], $0x10, $0x38;
	[tilespmem:$0x1E200] =	vst v63  }
0xf5: {  	_ =	swait.ge @!p0 [sflag:s16], $0x10  }
0xf6: {  	[sflag:s16] =	ssyncset.done @!p0 $0x0  }
0xf7: {  	s17 =	simm.s32 @!p0 $0x10;
	s18 =	simm.s32 @!p0 $0x1B880;
	[sflag:s16] =	ssyncadd.s32 @!p0 $0xFFFFFFF0  }
0xf8: {  	[tilespmem:s18], [sflag:$0x1] =	stream.indirect.gather @!p0 [spmem:s2], $0x80, s15, s17, $0xb8;
	[tilespmem:$0x1E200] =	vst v63  }
0xf9: {  	s15 =	simm.s32 @!p0 $0x1  }
0xfa: {  	s13 =	sadd.s32 $0x1, s13;
	_ =	swait.ge @!p0 [sflag:s15], $0x800  }
0xfb: {  	p1 =	sne.s32 s13, s25;
	[sflag:s15] =	ssyncset.done @!p0 $0x0  }
.Ltmp1:
0xfc: {  	[sflag:s15] =	ssyncadd.s32 @!p0 $0xFFFFF800;
	(pc) =	sbr.rel @p1 .LBB2_1-.Ltmp1, $4  }
0xfd: {  	[hbm4b:s24+s14] =	stream.linear.scatter @!p0 [tilespmem:s18], [sflag:$0x2], $0x800, $0x38;
	[tilespmem:$0x1E200] =	vst v63  }
0xfe: {  	_ =	swait.ge @!p0 [sflag:s16], $0x800  }
0xff: {  	[sflag:s16] =	ssyncset.done @!p0 $0x0  }
0x100: {  	[sflag:s16] =	ssyncadd.s32 @!p0 $0xFFFFF800  }
0x101: {  	_ =	sfence.sel $0x180000  }
0x102: {  	[bflag:$0x0] =	sbarrier.arrive $0xFFFF  }
0x103: {  	_ =	strace $0x9000004A  }
0x104: {  	[bflag:$0x2] =	sbarrier.arrive $0xFFFF  }
0x105: {  	s0 =	rddreg [dreg:$0x3]  }
0x106: {  	s0 =	sadd.s32 @!p0 $0x100000, s0  }
0x107: {  	[sflag:s0] =	ssyncadd.tile.s32 @!p0 $0x1;
	_ =	shalt  }
.Lfunc_end2:
_tile_overlayer_lowered:
.L_overlay_start_2:
0x108: {  	(tag) =	ssettag $0x2  }
0x109: {  	s0 =	rddreg [dreg:$0x0];
	s2 =	stileid.u32  }
0x10a: {  	s1 =	rddreg [dreg:$0x1];
	p0 =	sne.s32 s2, $0x0  }
0x10b: {  	s3 =	rddreg [dreg:$0x2];
	[bflag:$0x3] =	sbarrier.arrive $0xFFFF;
	s2 =	simm.s32 @!p0 $0x1C02  }
0x10c: {  	[timem:s3], [sflag:s2] =	dma.local @!p0 [hbm:s0], s1  }
0x10d: {  	s0 =	simm.s32 @!p0 $0x2  }
0x10e: {  	_ =	swait.ge @!p0 [sflag:s0], s1  }
0x10f: {  	s1 =	ssub.s32 @!p0 $0x0, s1;
	[sflag:s0] =	ssyncset.done @!p0 $0x0  }
0x110: {  	[sflag:s0] =	ssyncadd.s32 @!p0 s1  }
0x111: {  	[bflag:$0x3] =	sbarrier.arrive $0xFFFF  }
0x112: {  	_ =	shalt  }

// kernel: kernel.13.cloned.1.call-start
scs
__scs_entry_jumppad:
0x0: {  	(pc) =	sbr.rel $0x88, $3  }
0x1: {  	(tag) =	ssettag $0x0;
	lr =	simm.s32 $0x1  }
0x2: {  	[smem:$0x3F99] =	sst lr;
	_ =	strace $0xD0000000  }
0x3: {  	_ = 	snop  }
0x4: {  	_ = 	snop  }
0x5: {  	_ = 	snop  }
0x6: {  	_ = 	snop  }
0x7: {  	_ = 	snop  }
__scs_overlays_trampoline_lowered:
0x8: {  	[smem:$0x3FA8] =	sst s0  }
0x9: {  	[smem:$0x3FA9] =	sst s1  }
0xa: {  	[smem:$0x3FAA] =	sst s2  }
0xb: {  	[smem:$0x3FAB] =	sst s3  }
0xc: {  	[smem:$0x3FAC] =	sst s4  }
0xd: {  	[smem:$0x3FAD] =	sst s5  }
0xe: {  	[smem:$0x3FAE] =	sst s6  }
0xf: {  	[smem:$0x3FAF] =	sst s7  }
0x10: {  	[smem:$0x3FB0] =	sst s8  }
0x11: {  	[smem:$0x3FB1] =	sst s9;
	s0 =	simm.s32 @!p0 $0x0  }
0x12: {  	s1 =	sld [smem:$0x3F97];
	s0 =	simm.s32 @p0 $0x1  }
0x13: {  	[smem:$0x3FB2] =	sst s0;
	s0 =	simm.s32 @!p1 $0x0  }
0x14: {  	s2 =	sld [smem:$0x3F96];
	s0 =	simm.s32 @p1 $0x1  }
0x15: {  	[smem:$0x3FB3] =	sst s0;
	s0 =	simm.s32 @!p2 $0x0  }
0x16: {  	s3 =	sld [smem:$0x3FDB];
	s0 =	simm.s32 @p2 $0x1  }
0x17: {  	s4 =	simm.s32 $0x1BF5;
	[smem:$0x3FB5] =	sst s0  }
0x18: {  	s0 =	sld [smem:$0x3F98];
	_ =	swait.ge [sflag:s4], $0x0  }
0x19: {  	s7 =	sld [smem:$0x3F99]  }
0x1a: {  	s8 =	sadd.s32 $0xFFFFE003, lr  }
0x1b: {  	s9 =	sadd.s32 $0xFFFFFEF7, lr;
	s5 =	simm.s32 $0xFFFFFFFF;
	p2 =	slt.u32 s8, $0xFFFFF086  }
0x1c: {  	p1 =	slt.u32 s9, $0xF7A;
	s5 =	simm.s32 @!p2 $0x0  }
0x1d: {  	s5 =	simm.s32 @p1 $0x1;
	p0 =	seq.s32 s7, s2  }
0x1e: {  	s7 =	smul.u32 @!p0 $0xF7A, s2;
	p2 =	seq.s32 @!p0 s5, $0x0  }
0x1f: {  	s9 =	smul.u32 $0xF7A, s1;
	s8 =	simm.s32 @!p0 $0x1BF5;
	p2 =	por !p2, p0  }
0x20: {  	[sflag:s8] =	ssyncset.s32 @!p0 $0xFFFFF086;
	s6 =	sadd.s32 @!p0 s3, s7;
	s7 =	simm.s32 @!p0 $0x108  }
0x21: {  	s3 =	sadd.s32 s3, s9;
	s6 =	sadd.s32 @!p0 $0x88, s6;
	s7 =	simm.s32 @p2 $0x1082  }
0x22: {  	[simem:s7], [sflag:s8] =	dma.local @!p0 [hbm:s6], $0xF7A  }
0x23: {  	s9 =	sor.u32 $0xD0000000, s2;
	s6 =	simm.s32 $0x108;
	_ =	swait.ge @!p0 [sflag:s8], $0x0  }
0x24: {  	s3 =	sadd.s32 $0x88, s3;
	s6 =	simm.s32 @!p1 $0x1082;
	[sflag:s4] =	ssyncset.s32 $0xFFFFF086  }
0x25: {  	[simem:s6], [sflag:s4] =	dma.local [hbm:s3], $0xF7A  }
0x26: {  	[smem:$0x3F99] =	sst s1;
	(tag) =	ssettag s2;
	_ =	strace s9  }
0x27: {  	s1 =	sld [smem:$0x3FA9]  }
0x28: {  	s2 =	sld [smem:$0x3FAA]  }
0x29: {  	s4 =	sld [smem:$0x3FAC]  }
0x2a: {  	p0 =	seq.s32 s5, $0x0;
	s5 =	sld [smem:$0x3FAD]  }
0x2b: {  	s6 =	sld [smem:$0x3FAE]  }
0x2c: {  	s7 =	sld [smem:$0x3FAF]  }
0x2d: {  	s3 =	simm.s32 $0x108;
	s8 =	sld [smem:$0x3FB0]  }
0x2e: {  	s3 =	simm.s32 @!p0 $0x1082;
	s9 =	sld [smem:$0x3FB1]  }
0x2f: {  	lr =	sadd.s32 s0, s3;
	s0 =	sld [smem:$0x3FA8]  }
0x30: {  	s3 =	sld [smem:$0x3FAB]  }
0x31: {  	[smem:$0x3FB4] =	sst s10  }
0x32: {  	s10 =	sld [smem:$0x3FB2];
	_ =	sdelay $0x3  }
0x33: {  	p0 =	seq.s32 s10, $0x1;
	s10 =	sld [smem:$0x3FB4];
	_ =	sdelay $0x3  }
0x34: {  	[smem:$0x3FB4] =	sst s10  }
0x35: {  	s10 =	sld [smem:$0x3FB3];
	_ =	sdelay $0x3  }
0x36: {  	p1 =	seq.s32 s10, $0x1;
	s10 =	sld [smem:$0x3FB4];
	_ =	sdelay $0x3  }
0x37: {  	[smem:$0x3FB4] =	sst s10  }
0x38: {  	s10 =	sld [smem:$0x3FB5]  }
0x39: {  	_ = 	snop;
	(pc) =	sbr.ind lr, $3  }
0x3a: {  	_ = 	snop  }
0x3b: {  	_ = 	snop  }
0x3c: {  	p2 =	seq.s32 s10, $0x1;
	s10 =	sld [smem:$0x3FB4]  }
0x3d: {  	_ =	shalt  }
0x3e: {  	_ =	shalt  }
0x3f: {  	_ =	shalt  }
0x40: {  	_ =	shalt  }
0x41: {  	_ =	shalt  }
0x42: {  	_ =	shalt  }
0x43: {  	_ =	shalt  }
0x44: {  	_ =	shalt  }
0x45: {  	_ =	shalt  }
0x46: {  	_ =	shalt  }
0x47: {  	_ =	shalt  }
0x48: {  	_ =	shalt  }
0x49: {  	_ =	shalt  }
0x4a: {  	_ =	shalt  }
0x4b: {  	_ =	shalt  }
0x4c: {  	_ =	shalt  }
0x4d: {  	_ =	shalt  }
0x4e: {  	_ =	shalt  }
0x4f: {  	_ =	shalt  }
0x50: {  	_ =	shalt  }
0x51: {  	_ =	shalt  }
0x52: {  	_ =	shalt  }
0x53: {  	_ =	shalt  }
0x54: {  	_ =	shalt  }
0x55: {  	_ =	shalt  }
0x56: {  	_ =	shalt  }
0x57: {  	_ =	shalt  }
0x58: {  	_ =	shalt  }
0x59: {  	_ =	shalt  }
0x5a: {  	_ =	shalt  }
0x5b: {  	_ =	shalt  }
0x5c: {  	_ =	shalt  }
0x5d: {  	_ =	shalt  }
0x5e: {  	_ =	shalt  }
0x5f: {  	_ =	shalt  }
0x60: {  	_ =	shalt  }
0x61: {  	_ =	shalt  }
0x62: {  	_ =	shalt  }
0x63: {  	_ =	shalt  }
0x64: {  	_ =	shalt  }
0x65: {  	_ =	shalt  }
0x66: {  	_ =	shalt  }
0x67: {  	_ =	shalt  }
0x68: {  	_ =	shalt  }
0x69: {  	_ =	shalt  }
0x6a: {  	_ =	shalt  }
0x6b: {  	_ =	shalt  }
0x6c: {  	_ =	shalt  }
0x6d: {  	_ =	shalt  }
0x6e: {  	_ =	shalt  }
0x6f: {  	_ =	shalt  }
0x70: {  	_ =	shalt  }
0x71: {  	_ =	shalt  }
0x72: {  	_ =	shalt  }
0x73: {  	_ =	shalt  }
0x74: {  	_ =	shalt  }
0x75: {  	_ =	shalt  }
0x76: {  	_ =	shalt  }
0x77: {  	_ =	shalt  }
0x78: {  	_ =	shalt  }
0x79: {  	_ =	shalt  }
0x7a: {  	_ =	shalt  }
0x7b: {  	_ =	shalt  }
0x7c: {  	_ =	shalt  }
0x7d: {  	_ =	shalt  }
0x7e: {  	_ =	shalt  }
0x7f: {  	_ =	shalt  }
0x80: {  	_ =	shalt  }
0x81: {  	_ =	shalt  }
0x82: {  	_ =	shalt  }
0x83: {  	_ =	shalt  }
0x84: {  	_ =	shalt  }
0x85: {  	_ =	shalt  }
0x86: {  	_ =	shalt  }
0x87: {  	_ =	shalt  }
.Lfunc_end0:
.L_simem_size_0:
called_computation.2_lowered:
.L_overlay_start_0:
0x88: {  	s2 =	sld [smem:$0x3FD9]  }
0x89: {  	s3 =	sld [smem:$0x3FFE];
	_ =	sdelay $0x1  }
0x8a: {  	s1 =	srdreg.scid  }
0x8b: {  	s0 =	sand.u32 $0x1, s1  }
0x8c: {  	s17 =	sshll.u32 s0, $0xA;
	s2 =	sadd.s32 s3, s2  }
0x8d: {  	s2 =	sadd.s32 s2, s17  }
0x8e: {  	[smem:$0x3FC0] =	sst s2  }
0x8f: {  	_ = 	snop  }
0x90: {  	s2 =	sld [smem:$0x3FD0];
	(tm) =	ssettm $0x1  }
0x91: {  	s18 =	sld [smem:$0x3FFB];
	_ =	sdelay $0x3  }
0x92: {  	_ =	strace s18  }
0x93: {  	s3 =	sld [smem:$0x3FFC];
	_ =	sdelay $0x3  }
0x94: {  	_ =	strace s3  }
0x95: {  	s3 =	sld [smem:$0x3FFD];
	_ =	sdelay $0x3  }
0x96: {  	_ =	strace s3  }
0x97: {  	_ =	strace $0x8FFFFFFF  }
0x98: {  	s19 =	sld [smem:$0x3FDB];
	_ =	sdelay $0x1  }
0x99: {  	s4 =	simm.s32 $_scs_section_size  }
0x9a: {  	s5 =	simm.s32 $_size__tile_overlayer_lowered;
	s6 =	simm.s32 $_tile_overlayer_lowered  }
0x9b: {  	s22 =	simm.s32 $0x1BFF;
	s21 =	sshll.u32 s6, $0x1;
	s3 =	sadd.s32 s4, s19  }
0x9c: {  	s7 =	simm.s32 $0x0;
	s20 =	sshll.u32 s5, $0x1;
	s5 =	sadd.s32 s21, s3  }
0x9d: {  	[timem:s7], [sflag:s22] =	dma.local [hbm:s5], s20  }
0x9e: {  	_ =	swait.ge [sflag:s22], s20  }
0x9f: {  	s4 =	ssub.s32 $0x0, s20;
	[sflag:s22] =	ssyncset.done $0x0  }
0xa0: {  	[sflag:s22] =	ssyncadd.s32 s4;
	_ =	sdelay $0x1  }
0xa1: {  	s23 =	simm.s32 $0x1B8B  }
0xa2: {  	_ =	swait.ge [sflag:s23], $0x1  }
0xa3: {  	[sflag:s23] =	ssyncset.done $0x0  }
0xa4: {  	s25 =	simm.s32 $0x1B8E;
	s24 =	sld [smem:$0x3FFE];
	[sflag:s23] =	ssyncadd.s32 $0xFFFFFFFF  }
0xa5: {  	s26 =	simm.s32 $execute0_lowered;
	[smem:$0x3FD2] =	sst s25  }
0xa6: {  	s5 =	sshll.u32 s26, $0x1;
	_ =	strace $0x8000004C;
	[dreg:$0x1] =	wrdreg $0xFFFFFFFF  }
0xa7: {  	s28 =	simm.s32 $_size_execute0_lowered;
	s3 =	sadd.s32 s3, s5;
	[dreg:$0x0] =	wrdreg $0x0  }
0xa8: {  	s5 =	sshll.u32 s28, $0x1;
	[dreg:$0x2] =	wrdreg s3  }
0xa9: {  	[dreg:$0x3] =	wrdreg s5  }
0xaa: {  	[dreg:$0x4] =	wrdreg $0xC0  }
0xab: {  	_ =	task [dreg:s7], $0x5FFFF  }
0xac: {  	[dreg:$0x1] =	wrdreg $0xFFFFFFFF  }
0xad: {  	[dreg:$0x0] =	wrdreg $0x60  }
0xae: {  	[dreg:$0x2] =	wrdreg s2  }
0xaf: {  	[dreg:$0x3] =	wrdreg s24  }
0xb0: {  	[dreg:$0x4] =	wrdreg $0x0  }
0xb1: {  	[dreg:$0x5] =	wrdreg $0x9  }
0xb2: {  	_ =	task.clear_ibuf [dreg:s7], $0x6FFFF;
	_ =	strace $0x9000004C  }
0xb3: {  	s29 =	simm.s32 $0x9;
	_ =	strace $0x8000004E  }
0xb4: {  	_ =	swait.ge [sflag:s29], $0x1  }
0xb5: {  	[sflag:s29] =	ssyncadd.s32 $0xFFFFFFFF  }
0xb6: {  	_ =	strace $0x9000004E  }
0xb7: {  	_ =	sfence  }
0xb8: {  	s30 =	sld [smem:$0x0];
	_ =	sdelay $0x2  }
0xb9: {  	s31 =	sshll.u32 s1, $0xD;
	s1 =	sshrl.u32 s1, $0x2  }
0xba: {  	s3 =	sand.u32 $0x4000, s31;
	s1 =	sadd.s32 s1, s30  }
0xbb: {  	s0 =	sor.u32 s3, s0;
	s1 =	sshll.u32 s1, $0x11  }
0xbc: {  	s0 =	sor.u32 s1, s0  }
0xbd: {  	s0 =	sadd.s32 $0x8F2B, s0  }
0xbe: {  	[sflag:s0] =	ssyncadd.remote.s32 $0x1  }
0xbf: {  	_ =	sfence.sel $0xFFFF  }
0xc0: {  	[dreg:$0x0] =	wrdreg $0xFFFFFFFF;
	(pc) =	sbr.abs _section_cstart, $3  }
0xc1: {  	[dreg:$0x1] =	wrdreg $0xFFFFFFFF  }
0xc2: {  	_ =	task.clear_ibuf [dreg:s7], $0x2FFFF;
	_ =	strace $0x9FFFFFFF  }
0xc3: {  	(tm) =	ssettm $0x7FFFFFFF  }
tec
execute0_lowered:
.L_overlay_start_1:
0x0: {  	(tag) =	ssettag $0x1  }
0x1: {  	s1 =	rddreg [dreg:$0x0]  }
0x2: {  	s0 =	rddreg [dreg:$0x1]  }
0x3: {  	s2 =	rddreg [dreg:$0x2]  }
0x4: {  	s4 =	srdreg.scid;
	s3 =	simm.s32 $0x0;
	s12 =	stileid.u32  }
0x5: {  	s28 =	simm.s32 $0x2;
	s29 =	simm.s32 $0x1E080;
	s30 =	simm.s32 $0x50  }
0x6: {  	s31 =	simm.s32 $0x1E100;
	s10 =	sand.u32 $0x1, s4;
	[smem:$0x7FF] =	sst s3  }
0x7: {  	s5 =	sshll.u32 s12, $0xB;
	s11 =	smul.u32 $0x270, s12;
	s14 =	sadd.s32 $0x22000, s0  }
0x8: {  	p0 =	sne.s32 s12, $0x0;
	s4 =	sshll.u32 s10, $0xF;
	s20 =	ssub.s32 $0x2, s10  }
0x9: {  	_ =	strace $0x8000004D;
	s4 =	sor.u32 s5, s4;
	s21 =	sshrl.u32 s20, $0x1  }
0xa: {  	s15 =	sadd.s32 $0x50, s11;
	s22 =	sshrl.u32 s11, $0x3;
	s16 =	sadd.s32 $0xA0, s11  }
0xb: {  	s17 =	sadd.s32 $0xF0, s11;
	s18 =	sadd.s32 $0x140, s11;
	s19 =	sadd.s32 $0x190, s11  }
0xc: {  	s13 =	sadd.s32 s4, s0;
	s25 =	ssub.s32 s20, s21;
	s23 =	sshrl.u32 s15, $0x3  }
0xd: {  	s4 =	sadd.s32 s14, s22;
	s6 =	sshrl.u32 s16, $0x3;
	s7 =	sshrl.u32 s17, $0x3  }
0xe: {  	s8 =	sshrl.u32 s18, $0x3;
	s9 =	sshrl.u32 s19, $0x3;
	s20 =	sadd.s32 $0x1E0, s11  }
0xf: {  	s21 =	smul.u32 $0x138800, s10;
	s22 =	sadd.s32 $0x230, s11;
	s15 =	sshll.u32 s15, $0x7  }
0x10: {  	s16 =	sshll.u32 s16, $0x7;
	s17 =	sshll.u32 s17, $0x7;
	s18 =	sshll.u32 s18, $0x7  }
0x11: {  	s5 =	sadd.s32 s14, s23;
	s6 =	sadd.s32 s14, s6;
	s7 =	sadd.s32 s14, s7  }
0x12: {  	s8 =	sadd.s32 s14, s8;
	s9 =	sadd.s32 s14, s9;
	s24 =	sshrl.u32 s20, $0x3  }
0x13: {  	s23 =	smul.u32 $0x13800, s12;
	s11 =	sshrl.u32 s22, $0x3;
	s25 =	smax.u32 s25, $0x1  }
0x14: {  	s12 =	simm.s32 $0x1;
	s10 =	sadd.s32 s14, s24;
	s15 =	sadd.s32 s21, s15  }
0x15: {  	s26 =	sadd.s32 s23, s21;
	s23 =	sadd.s32 $0x70E00, s0;
	s15 =	sshrl.u32 s15, $0x3  }
0x16: {  	s11 =	sadd.s32 s14, s11;
	s14 =	sshrl.u32 s26, $0x3;
	s15 =	sadd.s32 s23, s15  }
0x17: {  	s14 =	sadd.s32 s23, s14;
	[dreg:$0x5] =	wrdreg s15;
	s15 =	sadd.s32 s21, s17  }
0x18: {  	s17 =	sshll.u32 s19, $0x7;
	s19 =	sshll.u32 s22, $0x7;
	[dreg:$0x4] =	wrdreg s14  }
0x19: {  	s14 =	sadd.s32 s21, s16;
	s16 =	sadd.s32 s21, s18;
	s24 =	sshrl.u32 s15, $0x3  }
0x1a: {  	s18 =	sshll.u32 s20, $0x7;
	s20 =	sadd.s32 s21, s19;
	s14 =	sshrl.u32 s14, $0x3  }
0x1b: {  	s26 =	sshrl.u32 s16, $0x3;
	s15 =	sadd.s32 s21, s18;
	s14 =	sadd.s32 s23, s14  }
0x1c: {  	s16 =	sadd.s32 s23, s26;
	s22 =	sshrl.u32 s15, $0x3;
	[dreg:$0x6] =	wrdreg s14  }
0x1d: {  	s26 =	sshrl.u32 s21, $0x3;
	s14 =	sadd.s32 s23, s24;
	[dreg:$0x8] =	wrdreg s16  }
0x1e: {  	s24 =	sshrl.u32 s20, $0x3;
	[dreg:$0x7] =	wrdreg s14;
	s14 =	sadd.s32 s21, s17  }
0x1f: {  	s20 =	sadd.s32 $0x22600, s0;
	s19 =	sadd.s32 s23, s24;
	s14 =	sshrl.u32 s14, $0x3  }
0x20: {  	s21 =	sadd.s32 $0x224E0, s0;
	s0 =	simm.s32 $0x40;
	s14 =	sadd.s32 s23, s14  }
0x21: {  	[dreg:$0x9] =	wrdreg s14;
	s14 =	sadd.s32 s23, s22;
	s22 =	sadd.s32 $0x2000, s13  }
0x22: {  	[dreg:$0xa] =	wrdreg s14;
	s14 =	sadd.s32 s23, s26;
	s23 =	sadd.s32 $0x12000, s13  }
0x23: {  	s26 =	simm.s32 $0x1B880;
	s13 =	simm.s32 $0x0;
	s24 =	sadd.s32 $0x27000, s14  }
.LBB2_1:
0x24: {  	[tilespmem:s26], [sflag:$0x2] =	stream.linear.gather [hbm4b:s20+s3], $0x2800, $0x38;
	[tilespmem:$0x1E200] =	vst v63  }
0x25: {  	_ =	swait.ge [sflag:s28], $0x2800  }
0x26: {  	[sflag:s28] =	ssyncset.done $0x0  }
0x27: {  	[sflag:s28] =	ssyncadd.s32 $0xFFFFD800  }
0x28: {  	[tilespmem:s29], [sflag:$0x2] =	stream.linear.gather [hbm4b:s4+s3], $0x50, $0x38;
	[tilespmem:$0x1E200] =	vst v63  }
0x29: {  	_ =	swait.ge [sflag:s28], $0x50  }
0x2a: {  	[sflag:s28] =	ssyncset.done $0x0  }
0x2b: {  	[sflag:s28] =	ssyncadd.s32 $0xFFFFFFB0  }
0x2c: {  	[spmem:s2] =	stream.indirect.scatter [tilespmem:s26], [sflag:$0x2], $0x80, s29, s30, $0xb8;
	[tilespmem:$0x1E200] =	vst v63  }
0x2d: {  	_ =	swait.ge [sflag:s28], $0x2800  }
0x2e: {  	[sflag:s28] =	ssyncset.done $0x0  }
0x2f: {  	[sflag:s28] =	ssyncadd.s32 $0xFFFFD800  }
0x30: {  	[tilespmem:s29], [sflag:$0x2] =	stream.linear.gather [hbm4b:s5+s3], $0x50, $0x38;
	[tilespmem:$0x1E200] =	vst v63  }
0x31: {  	_ =	swait.ge [sflag:s28], $0x50  }
0x32: {  	[sflag:s28] =	ssyncset.done $0x0  }
0x33: {  	[sflag:s28] =	ssyncadd.s32 $0xFFFFFFB0  }
0x34: {  	[spmem:s2] =	stream.indirect.scatter [tilespmem:s26], [sflag:$0x2], $0x80, s29, s30, $0xb8;
	[tilespmem:$0x1E200] =	vst v63  }
0x35: {  	_ =	swait.ge [sflag:s28], $0x2800  }
0x36: {  	[sflag:s28] =	ssyncset.done $0x0  }
0x37: {  	[sflag:s28] =	ssyncadd.s32 $0xFFFFD800  }
0x38: {  	[tilespmem:s29], [sflag:$0x2] =	stream.linear.gather [hbm4b:s6+s3], $0x50, $0x38;
	[tilespmem:$0x1E200] =	vst v63  }
0x39: {  	_ =	swait.ge [sflag:s28], $0x50  }
0x3a: {  	[sflag:s28] =	ssyncset.done $0x0  }
0x3b: {  	[sflag:s28] =	ssyncadd.s32 $0xFFFFFFB0  }
0x3c: {  	[spmem:s2] =	stream.indirect.scatter [tilespmem:s26], [sflag:$0x2], $0x80, s29, s30, $0xb8;
	[tilespmem:$0x1E200] =	vst v63  }
0x3d: {  	_ =	swait.ge [sflag:s28], $0x2800  }
0x3e: {  	[sflag:s28] =	ssyncset.done $0x0  }
0x3f: {  	[sflag:s28] =	ssyncadd.s32 $0xFFFFD800  }
0x40: {  	[tilespmem:s29], [sflag:$0x2] =	stream.linear.gather [hbm4b:s7+s3], $0x50, $0x38;
	[tilespmem:$0x1E200] =	vst v63  }
0x41: {  	_ =	swait.ge [sflag:s28], $0x50  }
0x42: {  	[sflag:s28] =	ssyncset.done $0x0  }
0x43: {  	[sflag:s28] =	ssyncadd.s32 $0xFFFFFFB0  }
0x44: {  	[spmem:s2] =	stream.indirect.scatter [tilespmem:s26], [sflag:$0x2], $0x80, s29, s30, $0xb8;
	[tilespmem:$0x1E200] =	vst v63  }
0x45: {  	_ =	swait.ge [sflag:s28], $0x2800  }
0x46: {  	[sflag:s28] =	ssyncset.done $0x0  }
0x47: {  	[sflag:s28] =	ssyncadd.s32 $0xFFFFD800  }
0x48: {  	[tilespmem:s29], [sflag:$0x2] =	stream.linear.gather [hbm4b:s8+s3], $0x50, $0x38;
	[tilespmem:$0x1E200] =	vst v63  }
0x49: {  	_ =	swait.ge [sflag:s28], $0x50  }
0x4a: {  	[sflag:s28] =	ssyncset.done $0x0  }
0x4b: {  	[sflag:s28] =	ssyncadd.s32 $0xFFFFFFB0  }
0x4c: {  	[spmem:s2] =	stream.indirect.scatter [tilespmem:s26], [sflag:$0x2], $0x80, s29, s30, $0xb8;
	[tilespmem:$0x1E200] =	vst v63  }
0x4d: {  	_ =	swait.ge [sflag:s28], $0x2800  }
0x4e: {  	[sflag:s28] =	ssyncset.done $0x0  }
0x4f: {  	[sflag:s28] =	ssyncadd.s32 $0xFFFFD800  }
0x50: {  	[tilespmem:s29], [sflag:$0x2] =	stream.linear.gather [hbm4b:s9+s3], $0x50, $0x38;
	[tilespmem:$0x1E200] =	vst v63  }
0x51: {  	_ =	swait.ge [sflag:s28], $0x50  }
0x52: {  	[sflag:s28] =	ssyncset.done $0x0  }
0x53: {  	[sflag:s28] =	ssyncadd.s32 $0xFFFFFFB0  }
0x54: {  	[spmem:s2] =	stream.indirect.scatter [tilespmem:s26], [sflag:$0x2], $0x80, s29, s30, $0xb8;
	[tilespmem:$0x1E200] =	vst v63  }
0x55: {  	_ =	swait.ge [sflag:s28], $0x2800  }
0x56: {  	[sflag:s28] =	ssyncset.done $0x0  }
0x57: {  	[sflag:s28] =	ssyncadd.s32 $0xFFFFD800  }
0x58: {  	[tilespmem:s29], [sflag:$0x2] =	stream.linear.gather [hbm4b:s10+s3], $0x50, $0x38;
	[tilespmem:$0x1E200] =	vst v63  }
0x59: {  	_ =	swait.ge [sflag:s28], $0x50  }
0x5a: {  	[sflag:s28] =	ssyncset.done $0x0  }
0x5b: {  	[sflag:s28] =	ssyncadd.s32 $0xFFFFFFB0  }
0x5c: {  	[spmem:s2] =	stream.indirect.scatter [tilespmem:s26], [sflag:$0x2], $0x80, s29, s30, $0xb8;
	[tilespmem:$0x1E200] =	vst v63  }
0x5d: {  	_ =	swait.ge [sflag:s28], $0x2800  }
0x5e: {  	[sflag:s28] =	ssyncset.done $0x0  }
0x5f: {  	[sflag:s28] =	ssyncadd.s32 $0xFFFFD800  }
0x60: {  	[tilespmem:s31], [sflag:$0x2] =	stream.linear.gather [hbm4b:s11+s3], $0x40, $0x38;
	[tilespmem:$0x1E200] =	vst v63  }
0x61: {  	_ =	swait.ge [sflag:s28], $0x40  }
0x62: {  	[sflag:s28] =	ssyncset.done $0x0  }
0x63: {  	[sflag:s28] =	ssyncadd.s32 $0xFFFFFFC0  }
0x64: {  	[spmem:s2] =	stream.indirect.scatter [tilespmem:s26], [sflag:$0x2], $0x80, s31, s0, $0xb8;
	[tilespmem:$0x1E200] =	vst v63  }
0x65: {  	_ =	swait.ge [sflag:s28], $0x2000  }
0x66: {  	[sflag:s28] =	ssyncset.done $0x0  }
0x67: {  	s14 =	simm.s32 @!p0 $0x0;
	s15 =	simm.s32 @!p0 $0x1E180;
	[sflag:s28] =	ssyncadd.s32 $0xFFFFE000  }
0x68: {  	[tilespmem:s15], [sflag:$0x2] =	stream.linear.gather @!p0 [hbm4b:s21+s14], $0x10, $0x38;
	[tilespmem:$0x1E200] =	vst v63  }
0x69: {  	s14 =	simm.s32 @!p0 $0x2  }
0x6a: {  	_ =	swait.ge @!p0 [sflag:s14], $0x10  }
0x6b: {  	[sflag:s14] =	ssyncset.done @!p0 $0x0  }
0x6c: {  	s16 =	simm.s32 @!p0 $0x10;
	s17 =	simm.s32 @!p0 $0x1B880;
	[sflag:s14] =	ssyncadd.s32 @!p0 $0xFFFFFFF0  }
0x6d: {  	[spmem:s2] =	stream.indirect.scatter @!p0 [tilespmem:s17], [sflag:$0x2], $0x80, s15, s16, $0xb8;
	[tilespmem:$0x1E200] =	vst v63  }
0x6e: {  	_ =	swait.ge @!p0 [sflag:s14], $0x800  }
0x6f: {  	[sflag:s14] =	ssyncset.done @!p0 $0x0  }
0x70: {  	s15 =	simm.s32 $0x17880;
	[sflag:s14] =	ssyncadd.s32 @!p0 $0xFFFFF800  }
0x71: {  	[tilespmem:s15], [sflag:$0x2] =	stream.linear.gather [hbm4b:s22+s3], $0x3E80, $0x38;
	[tilespmem:$0x1E200] =	vst v63  }
0x72: {  	_ =	swait.ge [sflag:s28], $0x3E80  }
0x73: {  	[sflag:s28] =	ssyncset.done $0x0  }
0x74: {  	s16 =	simm.s32 $0x13880;
	[sflag:s28] =	ssyncadd.s32 $0xFFFFC180  }
0x75: {  	[tilespmem:s16], [sflag:$0x2] =	stream.linear.gather [hbm4b:s23+s3], $0x3E80, $0x38;
	[tilespmem:$0x1E200] =	vst v63  }
0x76: {  	_ =	swait.ge [sflag:s28], $0x3E80  }
0x77: {  	[sflag:s28] =	ssyncset.done $0x0  }
0x78: {  	[sflag:s28] =	ssyncadd.s32 $0xFFFFC180  }
0x79: {  	s17 =	simm.s32 $0x13880;
	[bflag:$0x0] =	sbarrier.arrive $0xFFFF  }
0x7a: {  	[tilespmem:s26], [sflag:$0x1] =	stream.indirect.gather [hbm4b:s1+s30], $0x80, s17, s30, $0xb8;
	[tilespmem:$0x1E200] =	vst v63  }
0x7b: {  	_ =	swait.ge [sflag:s12], $0x2800  }
0x7c: {  	[sflag:s12] =	ssyncset.done $0x0  }
0x7d: {  	s18 =	simm.s32 $0x17880;
	[sflag:s12] =	ssyncadd.s32 $0xFFFFD800  }
0x7e: {  	[spmem:s2] =	stream.indirect.scatter.add.f32 [tilespmem:s26], [sflag:$0x2], $0x80, s18, s30, $0xb8;
	[tilespmem:$0x1E200] =	vst v63  }
0x7f: {  	_ =	swait.ge [sflag:s28], $0x2800  }
0x80: {  	s14 =	simm.s32 $0x80;
	s15 =	simm.s32 $0x400;
	[sflag:s28] =	ssyncset.done $0x0  }
.LBB2_2:
0x81: {  	s16 =	sadd.s32 $0x13880, s14  }
0x82: {  	[sflag:s28] =	ssyncadd.s32 $0xFFFFD800;
	s17 =	smov.u32 s15;
	s18 =	sadd.s32 $0x200, s15  }
0x83: {  	[tilespmem:s26], [sflag:$0x1] =	stream.indirect.gather [hbm4b:s1+s30], $0x80, s16, s30, $0xb8;
	[tilespmem:$0x1E200] =	vst v63  }
0x84: {  	p1 =	sne.s32 s15, $0xF800;
	_ =	swait.ge [sflag:s12], $0x2800  }
.Ltmp0:
0x85: {  	[sflag:s12] =	ssyncset.done $0x0;
	(pc) =	sbr.rel @p1 .LBB2_2-.Ltmp0, $4  }
0x86: {  	s14 =	sadd.s32 $0x17880, s14;
	[sflag:s12] =	ssyncadd.s32 $0xFFFFD800  }
0x87: {  	[spmem:s2] =	stream.indirect.scatter.add.f32 [tilespmem:s26], [sflag:$0x2], $0x80, s14, s30, $0xb8;
	[tilespmem:$0x1E200] =	vst v63  }
0x88: {  	_ =	swait.ge [sflag:s28], $0x2800  }
0x89: {  	s15 =	smov.u32 s18;
	s14 =	sshra.s32 s17, $0x2;
	[sflag:s28] =	ssyncset.done $0x0  }
0x8a: {  	s15 =	sadd.s32 $0x13880, s14;
	[sflag:s28] =	ssyncadd.s32 $0xFFFFD800  }
0x8b: {  	[tilespmem:s26], [sflag:$0x1] =	stream.indirect.gather [hbm4b:s1+s30], $0x80, s15, s30, $0xb8;
	[tilespmem:$0x1E200] =	vst v63  }
0x8c: {  	_ =	swait.ge [sflag:s12], $0x2800  }
0x8d: {  	[sflag:s12] =	ssyncset.done $0x0  }
0x8e: {  	s15 =	sadd.s32 $0x17880, s14;
	[sflag:s12] =	ssyncadd.s32 $0xFFFFD800  }
0x8f: {  	[spmem:s2] =	stream.indirect.scatter.add.f32 [tilespmem:s26], [sflag:$0x2], $0x80, s15, s30, $0xb8;
	[tilespmem:$0x1E200] =	vst v63  }
0x90: {  	_ =	swait.ge [sflag:s28], $0x2800  }
0x91: {  	[sflag:s28] =	ssyncset.done $0x0  }
0x92: {  	[sflag:s28] =	ssyncadd.s32 $0xFFFFD800  }
0x93: {  	[bflag:$0x0] =	sbarrier.arrive $0xFFFF  }
0x94: {  	[tilespmem:s29], [sflag:$0x2] =	stream.linear.gather [hbm4b:s4+s3], $0x50, $0x38;
	[tilespmem:$0x1E200] =	vst v63  }
0x95: {  	_ =	swait.ge [sflag:s28], $0x50  }
0x96: {  	[sflag:s28] =	ssyncset.done $0x0  }
0x97: {  	[sflag:s28] =	ssyncadd.s32 $0xFFFFFFB0  }
0x98: {  	[tilespmem:s26], [sflag:$0x1] =	stream.indirect.gather [spmem:s2], $0x80, s29, s30, $0xb8;
	[tilespmem:$0x1E200] =	vst v63  }
0x99: {  	_ =	swait.ge [sflag:s12], $0x2800  }
0x9a: {  	[sflag:s12] =	ssyncset.done $0x0  }
0x9b: {  	s16 =	rddreg [dreg:$0x4];
	[sflag:s12] =	ssyncadd.s32 $0xFFFFD800  }
0x9c: {  	[hbm4b:s16+s3] =	stream.linear.scatter [tilespmem:s26], [sflag:$0x2], $0x2800, $0x38;
	[tilespmem:$0x1E200] =	vst v63  }
0x9d: {  	_ =	swait.ge [sflag:s28], $0x2800  }
0x9e: {  	[sflag:s28] =	ssyncset.done $0x0  }
0x9f: {  	[sflag:s28] =	ssyncadd.s32 $0xFFFFD800  }
0xa0: {  	[tilespmem:s29], [sflag:$0x2] =	stream.linear.gather [hbm4b:s5+s3], $0x50, $0x38;
	[tilespmem:$0x1E200] =	vst v63  }
0xa1: {  	_ =	swait.ge [sflag:s28], $0x50  }
0xa2: {  	[sflag:s28] =	ssyncset.done $0x0  }
0xa3: {  	[sflag:s28] =	ssyncadd.s32 $0xFFFFFFB0  }
0xa4: {  	[tilespmem:s26], [sflag:$0x1] =	stream.indirect.gather [spmem:s2], $0x80, s29, s30, $0xb8;
	[tilespmem:$0x1E200] =	vst v63  }
0xa5: {  	_ =	swait.ge [sflag:s12], $0x2800  }
0xa6: {  	[sflag:s12] =	ssyncset.done $0x0  }
0xa7: {  	s17 =	rddreg [dreg:$0x5];
	[sflag:s12] =	ssyncadd.s32 $0xFFFFD800  }
0xa8: {  	[hbm4b:s17+s3] =	stream.linear.scatter [tilespmem:s26], [sflag:$0x2], $0x2800, $0x38;
	[tilespmem:$0x1E200] =	vst v63  }
0xa9: {  	_ =	swait.ge [sflag:s28], $0x2800  }
0xaa: {  	[sflag:s28] =	ssyncset.done $0x0  }
0xab: {  	[sflag:s28] =	ssyncadd.s32 $0xFFFFD800  }
0xac: {  	[tilespmem:s29], [sflag:$0x2] =	stream.linear.gather [hbm4b:s6+s3], $0x50, $0x38;
	[tilespmem:$0x1E200] =	vst v63  }
0xad: {  	_ =	swait.ge [sflag:s28], $0x50  }
0xae: {  	[sflag:s28] =	ssyncset.done $0x0  }
0xaf: {  	[sflag:s28] =	ssyncadd.s32 $0xFFFFFFB0  }
0xb0: {  	[tilespmem:s26], [sflag:$0x1] =	stream.indirect.gather [spmem:s2], $0x80, s29, s30, $0xb8;
	[tilespmem:$0x1E200] =	vst v63  }
0xb1: {  	_ =	swait.ge [sflag:s12], $0x2800  }
0xb2: {  	[sflag:s12] =	ssyncset.done $0x0  }
0xb3: {  	s18 =	rddreg [dreg:$0x6];
	[sflag:s12] =	ssyncadd.s32 $0xFFFFD800  }
0xb4: {  	[hbm4b:s18+s3] =	stream.linear.scatter [tilespmem:s26], [sflag:$0x2], $0x2800, $0x38;
	[tilespmem:$0x1E200] =	vst v63  }
0xb5: {  	_ =	swait.ge [sflag:s28], $0x2800  }
0xb6: {  	[sflag:s28] =	ssyncset.done $0x0  }
0xb7: {  	[sflag:s28] =	ssyncadd.s32 $0xFFFFD800  }
0xb8: {  	[tilespmem:s29], [sflag:$0x2] =	stream.linear.gather [hbm4b:s7+s3], $0x50, $0x38;
	[tilespmem:$0x1E200] =	vst v63  }
0xb9: {  	_ =	swait.ge [sflag:s28], $0x50  }
0xba: {  	[sflag:s28] =	ssyncset.done $0x0  }
0xbb: {  	[sflag:s28] =	ssyncadd.s32 $0xFFFFFFB0  }
0xbc: {  	[tilespmem:s26], [sflag:$0x1] =	stream.indirect.gather [spmem:s2], $0x80, s29, s30, $0xb8;
	[tilespmem:$0x1E200] =	vst v63  }
0xbd: {  	_ =	swait.ge [sflag:s12], $0x2800  }
0xbe: {  	[sflag:s12] =	ssyncset.done $0x0  }
0xbf: {  	s15 =	rddreg [dreg:$0x7];
	[sflag:s12] =	ssyncadd.s32 $0xFFFFD800  }
0xc0: {  	[hbm4b:s15+s3] =	stream.linear.scatter [tilespmem:s26], [sflag:$0x2], $0x2800, $0x38;
	[tilespmem:$0x1E200] =	vst v63  }
0xc1: {  	_ =	swait.ge [sflag:s28], $0x2800  }
0xc2: {  	[sflag:s28] =	ssyncset.done $0x0  }
0xc3: {  	[sflag:s28] =	ssyncadd.s32 $0xFFFFD800  }
0xc4: {  	[tilespmem:s29], [sflag:$0x2] =	stream.linear.gather [hbm4b:s8+s3], $0x50, $0x38;
	[tilespmem:$0x1E200] =	vst v63  }
0xc5: {  	_ =	swait.ge [sflag:s28], $0x50  }
0xc6: {  	[sflag:s28] =	ssyncset.done $0x0  }
0xc7: {  	[sflag:s28] =	ssyncadd.s32 $0xFFFFFFB0  }
0xc8: {  	[tilespmem:s26], [sflag:$0x1] =	stream.indirect.gather [spmem:s2], $0x80, s29, s30, $0xb8;
	[tilespmem:$0x1E200] =	vst v63  }
0xc9: {  	_ =	swait.ge [sflag:s12], $0x2800  }
0xca: {  	[sflag:s12] =	ssyncset.done $0x0  }
0xcb: {  	s16 =	rddreg [dreg:$0x8];
	[sflag:s12] =	ssyncadd.s32 $0xFFFFD800  }
0xcc: {  	[hbm4b:s16+s3] =	stream.linear.scatter [tilespmem:s26], [sflag:$0x2], $0x2800, $0x38;
	[tilespmem:$0x1E200] =	vst v63  }
0xcd: {  	_ =	swait.ge [sflag:s28], $0x2800  }
0xce: {  	[sflag:s28] =	ssyncset.done $0x0  }
0xcf: {  	[sflag:s28] =	ssyncadd.s32 $0xFFFFD800  }
0xd0: {  	[tilespmem:s29], [sflag:$0x2] =	stream.linear.gather [hbm4b:s9+s3], $0x50, $0x38;
	[tilespmem:$0x1E200] =	vst v63  }
0xd1: {  	_ =	swait.ge [sflag:s28], $0x50  }
0xd2: {  	[sflag:s28] =	ssyncset.done $0x0  }
0xd3: {  	[sflag:s28] =	ssyncadd.s32 $0xFFFFFFB0  }
0xd4: {  	[tilespmem:s26], [sflag:$0x1] =	stream.indirect.gather [spmem:s2], $0x80, s29, s30, $0xb8;
	[tilespmem:$0x1E200] =	vst v63  }
0xd5: {  	_ =	swait.ge [sflag:s12], $0x2800  }
0xd6: {  	[sflag:s12] =	ssyncset.done $0x0  }
0xd7: {  	s17 =	rddreg [dreg:$0x9];
	[sflag:s12] =	ssyncadd.s32 $0xFFFFD800  }
0xd8: {  	[hbm4b:s17+s3] =	stream.linear.scatter [tilespmem:s26], [sflag:$0x2], $0x2800, $0x38;
	[tilespmem:$0x1E200] =	vst v63  }
0xd9: {  	_ =	swait.ge [sflag:s28], $0x2800  }
0xda: {  	[sflag:s28] =	ssyncset.done $0x0  }
0xdb: {  	[sflag:s28] =	ssyncadd.s32 $0xFFFFD800  }
0xdc: {  	[tilespmem:s29], [sflag:$0x2] =	stream.linear.gather [hbm4b:s10+s3], $0x50, $0x38;
	[tilespmem:$0x1E200] =	vst v63  }
0xdd: {  	_ =	swait.ge [sflag:s28], $0x50  }
0xde: {  	[sflag:s28] =	ssyncset.done $0x0  }
0xdf: {  	[sflag:s28] =	ssyncadd.s32 $0xFFFFFFB0  }
0xe0: {  	[tilespmem:s26], [sflag:$0x1] =	stream.indirect.gather [spmem:s2], $0x80, s29, s30, $0xb8;
	[tilespmem:$0x1E200] =	vst v63  }
0xe1: {  	_ =	swait.ge [sflag:s12], $0x2800  }
0xe2: {  	[sflag:s12] =	ssyncset.done $0x0  }
0xe3: {  	s18 =	rddreg [dreg:$0xa];
	[sflag:s12] =	ssyncadd.s32 $0xFFFFD800  }
0xe4: {  	[hbm4b:s18+s3] =	stream.linear.scatter [tilespmem:s26], [sflag:$0x2], $0x2800, $0x38;
	[tilespmem:$0x1E200] =	vst v63  }
0xe5: {  	_ =	swait.ge [sflag:s28], $0x2800  }
0xe6: {  	[sflag:s28] =	ssyncset.done $0x0  }
0xe7: {  	[sflag:s28] =	ssyncadd.s32 $0xFFFFD800  }
0xe8: {  	[tilespmem:s31], [sflag:$0x2] =	stream.linear.gather [hbm4b:s11+s3], $0x40, $0x38;
	[tilespmem:$0x1E200] =	vst v63  }
0xe9: {  	_ =	swait.ge [sflag:s28], $0x40  }
0xea: {  	[sflag:s28] =	ssyncset.done $0x0  }
0xeb: {  	[sflag:s28] =	ssyncadd.s32 $0xFFFFFFC0  }
0xec: {  	[tilespmem:s26], [sflag:$0x1] =	stream.indirect.gather [spmem:s2], $0x80, s31, s0, $0xb8;
	[tilespmem:$0x1E200] =	vst v63  }
0xed: {  	_ =	swait.ge [sflag:s12], $0x2000  }
0xee: {  	[sflag:s12] =	ssyncset.done $0x0  }
0xef: {  	[sflag:s12] =	ssyncadd.s32 $0xFFFFE000  }
0xf0: {  	[hbm4b:s19+s3] =	stream.linear.scatter [tilespmem:s26], [sflag:$0x2], $0x2000, $0x38;
	[tilespmem:$0x1E200] =	vst v63  }
0xf1: {  	_ =	swait.ge [sflag:s28], $0x2000  }
0xf2: {  	s14 =	simm.s32 @!p0 $0x0;
	[sflag:s28] =	ssyncset.done $0x0  }
0xf3: {  	s15 =	simm.s32 @!p0 $0x1E180;
	s16 =	simm.s32 @!p0 $0x2;
	[sflag:s28] =	ssyncadd.s32 $0xFFFFE000  }
0xf4: {  	[tilespmem:s15], [sflag:$0x2] =	stream.linear.gather @!p0 [hbm4b:s21+s14], $0x10, $0x38;
	[tilespmem:$0x1E200] =	vst v63  }
0xf5: {  	_ =	swait.ge @!p0 [sflag:s16], $0x10  }
0xf6: {  	[sflag:s16] =	ssyncset.done @!p0 $0x0  }
0xf7: {  	s17 =	simm.s32 @!p0 $0x10;
	s18 =	simm.s32 @!p0 $0x1B880;
	[sflag:s16] =	ssyncadd.s32 @!p0 $0xFFFFFFF0  }
0xf8: {  	[tilespmem:s18], [sflag:$0x1] =	stream.indirect.gather @!p0 [spmem:s2], $0x80, s15, s17, $0xb8;
	[tilespmem:$0x1E200] =	vst v63  }
0xf9: {  	s15 =	simm.s32 @!p0 $0x1  }
0xfa: {  	s13 =	sadd.s32 $0x1, s13;
	_ =	swait.ge @!p0 [sflag:s15], $0x800  }
0xfb: {  	p1 =	sne.s32 s13, s25;
	[sflag:s15] =	ssyncset.done @!p0 $0x0  }
.Ltmp1:
0xfc: {  	[sflag:s15] =	ssyncadd.s32 @!p0 $0xFFFFF800;
	(pc) =	sbr.rel @p1 .LBB2_1-.Ltmp1, $4  }
0xfd: {  	[hbm4b:s24+s14] =	stream.linear.scatter @!p0 [tilespmem:s18], [sflag:$0x2], $0x800, $0x38;
	[tilespmem:$0x1E200] =	vst v63  }
0xfe: {  	_ =	swait.ge @!p0 [sflag:s16], $0x800  }
0xff: {  	[sflag:s16] =	ssyncset.done @!p0 $0x0  }
0x100: {  	[sflag:s16] =	ssyncadd.s32 @!p0 $0xFFFFF800  }
0x101: {  	_ =	sfence.sel $0x180000  }
0x102: {  	[bflag:$0x0] =	sbarrier.arrive $0xFFFF  }
0x103: {  	_ =	strace $0x9000004D  }
0x104: {  	[bflag:$0x2] =	sbarrier.arrive $0xFFFF  }
0x105: {  	s0 =	rddreg [dreg:$0x3]  }
0x106: {  	s0 =	sadd.s32 @!p0 $0x100000, s0  }
0x107: {  	[sflag:s0] =	ssyncadd.tile.s32 @!p0 $0x1;
	_ =	shalt  }
.Lfunc_end2:
_tile_overlayer_lowered:
.L_overlay_start_2:
0x108: {  	(tag) =	ssettag $0x2  }
0x109: {  	s0 =	rddreg [dreg:$0x0];
	s2 =	stileid.u32  }
0x10a: {  	s1 =	rddreg [dreg:$0x1];
	p0 =	sne.s32 s2, $0x0  }
0x10b: {  	s3 =	rddreg [dreg:$0x2];
	[bflag:$0x3] =	sbarrier.arrive $0xFFFF;
	s2 =	simm.s32 @!p0 $0x1C02  }
0x10c: {  	[timem:s3], [sflag:s2] =	dma.local @!p0 [hbm:s0], s1  }
0x10d: {  	s0 =	simm.s32 @!p0 $0x2  }
0x10e: {  	_ =	swait.ge @!p0 [sflag:s0], s1  }
0x10f: {  	s1 =	ssub.s32 @!p0 $0x0, s1;
	[sflag:s0] =	ssyncset.done @!p0 $0x0  }
0x110: {  	[sflag:s0] =	ssyncadd.s32 @!p0 s1  }
0x111: {  	[bflag:$0x3] =	sbarrier.arrive $0xFFFF  }
0x112: {  	_ =	shalt  }

// kernel: kernel.7.cloned.1.call-start
scs
__scs_entry_jumppad:
0x0: {  	(pc) =	sbr.rel $0x88, $3  }
0x1: {  	(tag) =	ssettag $0x0;
	lr =	simm.s32 $0x1  }
0x2: {  	[smem:$0x3F99] =	sst lr;
	_ =	strace $0xD0000000  }
0x3: {  	_ = 	snop  }
0x4: {  	_ = 	snop  }
0x5: {  	_ = 	snop  }
0x6: {  	_ = 	snop  }
0x7: {  	_ = 	snop  }
__scs_overlays_trampoline_lowered:
0x8: {  	[smem:$0x3FA8] =	sst s0  }
0x9: {  	[smem:$0x3FA9] =	sst s1  }
0xa: {  	[smem:$0x3FAA] =	sst s2  }
0xb: {  	[smem:$0x3FAB] =	sst s3  }
0xc: {  	[smem:$0x3FAC] =	sst s4  }
0xd: {  	[smem:$0x3FAD] =	sst s5  }
0xe: {  	[smem:$0x3FAE] =	sst s6  }
0xf: {  	[smem:$0x3FAF] =	sst s7  }
0x10: {  	[smem:$0x3FB0] =	sst s8  }
0x11: {  	[smem:$0x3FB1] =	sst s9;
	s0 =	simm.s32 @!p0 $0x0  }
0x12: {  	s1 =	sld [smem:$0x3F97];
	s0 =	simm.s32 @p0 $0x1  }
0x13: {  	[smem:$0x3FB2] =	sst s0;
	s0 =	simm.s32 @!p1 $0x0  }
0x14: {  	s2 =	sld [smem:$0x3F96];
	s0 =	simm.s32 @p1 $0x1  }
0x15: {  	[smem:$0x3FB3] =	sst s0;
	s0 =	simm.s32 @!p2 $0x0  }
0x16: {  	s3 =	sld [smem:$0x3FDB];
	s0 =	simm.s32 @p2 $0x1  }
0x17: {  	s4 =	simm.s32 $0x1BF5;
	[smem:$0x3FB5] =	sst s0  }
0x18: {  	s0 =	sld [smem:$0x3F98];
	_ =	swait.ge [sflag:s4], $0x0  }
0x19: {  	s7 =	sld [smem:$0x3F99]  }
0x1a: {  	s8 =	sadd.s32 $0xFFFFE003, lr  }
0x1b: {  	s9 =	sadd.s32 $0xFFFFFEF7, lr;
	s5 =	simm.s32 $0xFFFFFFFF;
	p2 =	slt.u32 s8, $0xFFFFF086  }
0x1c: {  	p1 =	slt.u32 s9, $0xF7A;
	s5 =	simm.s32 @!p2 $0x0  }
0x1d: {  	s5 =	simm.s32 @p1 $0x1;
	p0 =	seq.s32 s7, s2  }
0x1e: {  	s7 =	smul.u32 @!p0 $0xF7A, s2;
	p2 =	seq.s32 @!p0 s5, $0x0  }
0x1f: {  	s9 =	smul.u32 $0xF7A, s1;
	s8 =	simm.s32 @!p0 $0x1BF5;
	p2 =	por !p2, p0  }
0x20: {  	[sflag:s8] =	ssyncset.s32 @!p0 $0xFFFFF086;
	s6 =	sadd.s32 @!p0 s3, s7;
	s7 =	simm.s32 @!p0 $0x108  }
0x21: {  	s3 =	sadd.s32 s3, s9;
	s6 =	sadd.s32 @!p0 $0x88, s6;
	s7 =	simm.s32 @p2 $0x1082  }
0x22: {  	[simem:s7], [sflag:s8] =	dma.local @!p0 [hbm:s6], $0xF7A  }
0x23: {  	s9 =	sor.u32 $0xD0000000, s2;
	s6 =	simm.s32 $0x108;
	_ =	swait.ge @!p0 [sflag:s8], $0x0  }
0x24: {  	s3 =	sadd.s32 $0x88, s3;
	s6 =	simm.s32 @!p1 $0x1082;
	[sflag:s4] =	ssyncset.s32 $0xFFFFF086  }
0x25: {  	[simem:s6], [sflag:s4] =	dma.local [hbm:s3], $0xF7A  }
0x26: {  	[smem:$0x3F99] =	sst s1;
	(tag) =	ssettag s2;
	_ =	strace s9  }
0x27: {  	s1 =	sld [smem:$0x3FA9]  }
0x28: {  	s2 =	sld [smem:$0x3FAA]  }
0x29: {  	s4 =	sld [smem:$0x3FAC]  }
0x2a: {  	p0 =	seq.s32 s5, $0x0;
	s5 =	sld [smem:$0x3FAD]  }
0x2b: {  	s6 =	sld [smem:$0x3FAE]  }
0x2c: {  	s7 =	sld [smem:$0x3FAF]  }
0x2d: {  	s3 =	simm.s32 $0x108;
	s8 =	sld [smem:$0x3FB0]  }
0x2e: {  	s3 =	simm.s32 @!p0 $0x1082;
	s9 =	sld [smem:$0x3FB1]  }
0x2f: {  	lr =	sadd.s32 s0, s3;
	s0 =	sld [smem:$0x3FA8]  }
0x30: {  	s3 =	sld [smem:$0x3FAB]  }
0x31: {  	[smem:$0x3FB4] =	sst s10  }
0x32: {  	s10 =	sld [smem:$0x3FB2];
	_ =	sdelay $0x3  }
0x33: {  	p0 =	seq.s32 s10, $0x1;
	s10 =	sld [smem:$0x3FB4];
	_ =	sdelay $0x3  }
0x34: {  	[smem:$0x3FB4] =	sst s10  }
0x35: {  	s10 =	sld [smem:$0x3FB3];
	_ =	sdelay $0x3  }
0x36: {  	p1 =	seq.s32 s10, $0x1;
	s10 =	sld [smem:$0x3FB4];
	_ =	sdelay $0x3  }
0x37: {  	[smem:$0x3FB4] =	sst s10  }
0x38: {  	s10 =	sld [smem:$0x3FB5]  }
0x39: {  	_ = 	snop;
	(pc) =	sbr.ind lr, $3  }
0x3a: {  	_ = 	snop  }
0x3b: {  	_ = 	snop  }
0x3c: {  	p2 =	seq.s32 s10, $0x1;
	s10 =	sld [smem:$0x3FB4]  }
0x3d: {  	_ =	shalt  }
0x3e: {  	_ =	shalt  }
0x3f: {  	_ =	shalt  }
0x40: {  	_ =	shalt  }
0x41: {  	_ =	shalt  }
0x42: {  	_ =	shalt  }
0x43: {  	_ =	shalt  }
0x44: {  	_ =	shalt  }
0x45: {  	_ =	shalt  }
0x46: {  	_ =	shalt  }
0x47: {  	_ =	shalt  }
0x48: {  	_ =	shalt  }
0x49: {  	_ =	shalt  }
0x4a: {  	_ =	shalt  }
0x4b: {  	_ =	shalt  }
0x4c: {  	_ =	shalt  }
0x4d: {  	_ =	shalt  }
0x4e: {  	_ =	shalt  }
0x4f: {  	_ =	shalt  }
0x50: {  	_ =	shalt  }
0x51: {  	_ =	shalt  }
0x52: {  	_ =	shalt  }
0x53: {  	_ =	shalt  }
0x54: {  	_ =	shalt  }
0x55: {  	_ =	shalt  }
0x56: {  	_ =	shalt  }
0x57: {  	_ =	shalt  }
0x58: {  	_ =	shalt  }
0x59: {  	_ =	shalt  }
0x5a: {  	_ =	shalt  }
0x5b: {  	_ =	shalt  }
0x5c: {  	_ =	shalt  }
0x5d: {  	_ =	shalt  }
0x5e: {  	_ =	shalt  }
0x5f: {  	_ =	shalt  }
0x60: {  	_ =	shalt  }
0x61: {  	_ =	shalt  }
0x62: {  	_ =	shalt  }
0x63: {  	_ =	shalt  }
0x64: {  	_ =	shalt  }
0x65: {  	_ =	shalt  }
0x66: {  	_ =	shalt  }
0x67: {  	_ =	shalt  }
0x68: {  	_ =	shalt  }
0x69: {  	_ =	shalt  }
0x6a: {  	_ =	shalt  }
0x6b: {  	_ =	shalt  }
0x6c: {  	_ =	shalt  }
0x6d: {  	_ =	shalt  }
0x6e: {  	_ =	shalt  }
0x6f: {  	_ =	shalt  }
0x70: {  	_ =	shalt  }
0x71: {  	_ =	shalt  }
0x72: {  	_ =	shalt  }
0x73: {  	_ =	shalt  }
0x74: {  	_ =	shalt  }
0x75: {  	_ =	shalt  }
0x76: {  	_ =	shalt  }
0x77: {  	_ =	shalt  }
0x78: {  	_ =	shalt  }
0x79: {  	_ =	shalt  }
0x7a: {  	_ =	shalt  }
0x7b: {  	_ =	shalt  }
0x7c: {  	_ =	shalt  }
0x7d: {  	_ =	shalt  }
0x7e: {  	_ =	shalt  }
0x7f: {  	_ =	shalt  }
0x80: {  	_ =	shalt  }
0x81: {  	_ =	shalt  }
0x82: {  	_ =	shalt  }
0x83: {  	_ =	shalt  }
0x84: {  	_ =	shalt  }
0x85: {  	_ =	shalt  }
0x86: {  	_ =	shalt  }
0x87: {  	_ =	shalt  }
.Lfunc_end0:
.L_simem_size_0:
called_computation_lowered:
.L_overlay_start_0:
0x88: {  	s2 =	sld [smem:$0x3FD9]  }
0x89: {  	s3 =	sld [smem:$0x3FFE];
	_ =	sdelay $0x1  }
0x8a: {  	s1 =	srdreg.scid  }
0x8b: {  	s0 =	sand.u32 $0x1, s1  }
0x8c: {  	s17 =	sshll.u32 s0, $0xA;
	s2 =	sadd.s32 s3, s2  }
0x8d: {  	s2 =	sadd.s32 s2, s17  }
0x8e: {  	[smem:$0x3FC0] =	sst s2  }
0x8f: {  	_ = 	snop  }
0x90: {  	s2 =	sld [smem:$0x3FD0];
	(tm) =	ssettm $0x1  }
0x91: {  	s18 =	sld [smem:$0x3FFB];
	_ =	sdelay $0x3  }
0x92: {  	_ =	strace s18  }
0x93: {  	s3 =	sld [smem:$0x3FFC];
	_ =	sdelay $0x3  }
0x94: {  	_ =	strace s3  }
0x95: {  	s3 =	sld [smem:$0x3FFD];
	_ =	sdelay $0x3  }
0x96: {  	_ =	strace s3  }
0x97: {  	_ =	strace $0x8FFFFFFF  }
0x98: {  	s19 =	sld [smem:$0x3FDB];
	_ =	sdelay $0x1  }
0x99: {  	s4 =	simm.s32 $_scs_section_size  }
0x9a: {  	s5 =	simm.s32 $_size__tile_overlayer_lowered;
	s6 =	simm.s32 $_tile_overlayer_lowered  }
0x9b: {  	s22 =	simm.s32 $0x1BFF;
	s21 =	sshll.u32 s6, $0x1;
	s3 =	sadd.s32 s4, s19  }
0x9c: {  	s7 =	simm.s32 $0x0;
	s20 =	sshll.u32 s5, $0x1;
	s5 =	sadd.s32 s21, s3  }
0x9d: {  	[timem:s7], [sflag:s22] =	dma.local [hbm:s5], s20  }
0x9e: {  	_ =	swait.ge [sflag:s22], s20  }
0x9f: {  	s4 =	ssub.s32 $0x0, s20;
	[sflag:s22] =	ssyncset.done $0x0  }
0xa0: {  	[sflag:s22] =	ssyncadd.s32 s4;
	_ =	sdelay $0x1  }
0xa1: {  	s23 =	simm.s32 $0x1B8B  }
0xa2: {  	_ =	swait.ge [sflag:s23], $0x1  }
0xa3: {  	[sflag:s23] =	ssyncset.done $0x0  }
0xa4: {  	s25 =	simm.s32 $0x1B8E;
	s24 =	sld [smem:$0x3FFE];
	[sflag:s23] =	ssyncadd.s32 $0xFFFFFFFF  }
0xa5: {  	s26 =	simm.s32 $execute0_lowered;
	[smem:$0x3FD2] =	sst s25  }
0xa6: {  	s5 =	sshll.u32 s26, $0x1;
	_ =	strace $0x80000046;
	[dreg:$0x1] =	wrdreg $0xFFFFFFFF  }
0xa7: {  	s28 =	simm.s32 $_size_execute0_lowered;
	s3 =	sadd.s32 s3, s5;
	[dreg:$0x0] =	wrdreg $0x0  }
0xa8: {  	s5 =	sshll.u32 s28, $0x1;
	[dreg:$0x2] =	wrdreg s3  }
0xa9: {  	[dreg:$0x3] =	wrdreg s5  }
0xaa: {  	[dreg:$0x4] =	wrdreg $0xC0  }
0xab: {  	_ =	task [dreg:s7], $0x5FFFF  }
0xac: {  	[dreg:$0x1] =	wrdreg $0xFFFFFFFF  }
0xad: {  	[dreg:$0x0] =	wrdreg $0x60  }
0xae: {  	[dreg:$0x2] =	wrdreg s2  }
0xaf: {  	[dreg:$0x3] =	wrdreg s24  }
0xb0: {  	[dreg:$0x4] =	wrdreg $0x0  }
0xb1: {  	[dreg:$0x5] =	wrdreg $0x9  }
0xb2: {  	_ =	task.clear_ibuf [dreg:s7], $0x6FFFF;
	_ =	strace $0x90000046  }
0xb3: {  	s29 =	simm.s32 $0x9;
	_ =	strace $0x80000048  }
0xb4: {  	_ =	swait.ge [sflag:s29], $0x1  }
0xb5: {  	[sflag:s29] =	ssyncadd.s32 $0xFFFFFFFF  }
0xb6: {  	_ =	strace $0x90000048  }
0xb7: {  	_ =	sfence  }
0xb8: {  	s30 =	sld [smem:$0x0];
	_ =	sdelay $0x2  }
0xb9: {  	s31 =	sshll.u32 s1, $0xD;
	s1 =	sshrl.u32 s1, $0x2  }
0xba: {  	s3 =	sand.u32 $0x4000, s31;
	s1 =	sadd.s32 s1, s30  }
0xbb: {  	s0 =	sor.u32 s3, s0;
	s1 =	sshll.u32 s1, $0x11  }
0xbc: {  	s0 =	sor.u32 s1, s0  }
0xbd: {  	s0 =	sadd.s32 $0x8F2B, s0  }
0xbe: {  	[sflag:s0] =	ssyncadd.remote.s32 $0x1  }
0xbf: {  	_ =	sfence.sel $0xFFFF  }
0xc0: {  	[dreg:$0x0] =	wrdreg $0xFFFFFFFF;
	(pc) =	sbr.abs _section_cstart, $3  }
0xc1: {  	[dreg:$0x1] =	wrdreg $0xFFFFFFFF  }
0xc2: {  	_ =	task.clear_ibuf [dreg:s7], $0x2FFFF;
	_ =	strace $0x9FFFFFFF  }
0xc3: {  	(tm) =	ssettm $0x7FFFFFFF  }
tec
execute0_lowered:
.L_overlay_start_1:
0x0: {  	(tag) =	ssettag $0x1  }
0x1: {  	s0 =	rddreg [dreg:$0x1]  }
0x2: {  	s2 =	rddreg [dreg:$0x2]  }
0x3: {  	s3 =	simm.s32 $0x0;
	s4 =	srdreg.scid;
	s1 =	stileid.u32  }
0x4: {  	s28 =	simm.s32 $0x1A080;
	s29 =	simm.s32 $0x50;
	s30 =	simm.s32 $0x1A100  }
0x5: {  	s31 =	simm.s32 $0x40;
	[smem:$0x7FF] =	sst s3;
	s12 =	sand.u32 $0x1, s4  }
0x6: {  	s20 =	sshll.u32 s1, $0xB;
	s10 =	smul.u32 $0x270, s1;
	s11 =	sadd.s32 $0x22000, s0  }
0x7: {  	s26 =	smul.u32 $0x13800, s1;
	p0 =	sne.s32 s1, $0x0;
	s1 =	simm.s32 $0x1  }
0x8: {  	s5 =	ssub.s32 $0x2, s12;
	s13 =	sadd.s32 s20, s0;
	_ =	strace $0x80000047  }
0x9: {  	s21 =	sshrl.u32 s5, $0x1;
	s22 =	sshrl.u32 s10, $0x3;
	s14 =	sadd.s32 $0x50, s10  }
0xa: {  	s15 =	sadd.s32 $0xA0, s10;
	s16 =	sadd.s32 $0xF0, s10;
	s17 =	sadd.s32 $0x140, s10  }
0xb: {  	s18 =	sadd.s32 $0x190, s10;
	s19 =	sadd.s32 $0x1E0, s10;
	s24 =	ssub.s32 s5, s21  }
0xc: {  	s4 =	sadd.s32 s11, s22;
	s23 =	sshrl.u32 s14, $0x3;
	s6 =	sshrl.u32 s15, $0x3  }
0xd: {  	s7 =	sshrl.u32 s16, $0x3;
	s8 =	sshrl.u32 s17, $0x3;
	s9 =	sshrl.u32 s18, $0x3  }
0xe: {  	s20 =	sshrl.u32 s19, $0x3;
	s21 =	sadd.s32 $0x230, s10;
	s22 =	smul.u32 $0x138800, s12  }
0xf: {  	s12 =	sshll.u32 s12, $0xF;
	s15 =	sshll.u32 s15, $0x7;
	s5 =	sadd.s32 s11, s23  }
0x10: {  	s6 =	sadd.s32 s11, s6;
	s7 =	sadd.s32 s11, s7;
	s8 =	sadd.s32 s11, s8  }
0x11: {  	s9 =	sadd.s32 s11, s9;
	s10 =	sadd.s32 s11, s20;
	s25 =	sshrl.u32 s21, $0x3  }
0x12: {  	s12 =	sadd.s32 s12, s13;
	s23 =	sadd.s32 $0x22C00, s0;
	s20 =	sshll.u32 s16, $0x7  }
0x13: {  	s24 =	smax.u32 s24, $0x1;
	s11 =	sadd.s32 s11, s25;
	s25 =	sshll.u32 s14, $0x7  }
0x14: {  	s26 =	sadd.s32 s26, s22;
	s15 =	sadd.s32 s22, s15;
	s13 =	sadd.s32 s22, s25  }
0x15: {  	s14 =	sshrl.u32 s26, $0x3;
	s25 =	sshll.u32 s17, $0x7;
	s13 =	sshrl.u32 s13, $0x3  }
0x16: {  	s14 =	sadd.s32 s23, s14;
	s16 =	sadd.s32 s22, s25;
	s25 =	sshll.u32 s21, $0x7  }
0x17: {  	s21 =	sadd.s32 $0x224E0, s0;
	[dreg:$0x4] =	wrdreg s14;
	s13 =	sadd.s32 s23, s13  }
0x18: {  	s14 =	sshrl.u32 s15, $0x3;
	s15 =	sadd.s32 s22, s20;
	s16 =	sshrl.u32 s16, $0x3  }
0x19: {  	s20 =	sshll.u32 s19, $0x7;
	s19 =	sadd.s32 s22, s25;
	s25 =	simm.s32 $0x17880  }
0x1a: {  	[dreg:$0x5] =	wrdreg s13;
	s26 =	sadd.s32 s23, s14;
	s15 =	sshrl.u32 s15, $0x3  }
0x1b: {  	s14 =	sshll.u32 s18, $0x7;
	s18 =	sadd.s32 s23, s16;
	[dreg:$0x6] =	wrdreg s26  }
0x1c: {  	s19 =	sshrl.u32 s19, $0x3;
	s15 =	sadd.s32 s23, s15;
	[dreg:$0x8] =	wrdreg s18  }
0x1d: {  	s17 =	sadd.s32 s22, s14;
	s18 =	sadd.s32 s22, s20;
	s26 =	sshrl.u32 s22, $0x3  }
0x1e: {  	s19 =	sadd.s32 s23, s19;
	s20 =	sadd.s32 $0x22600, s0;
	s22 =	sadd.s32 $0x2000, s12  }
0x1f: {  	s0 =	simm.s32 $0x0;
	s17 =	sshrl.u32 s17, $0x3;
	s18 =	sshrl.u32 s18, $0x3  }
0x20: {  	s17 =	sadd.s32 s23, s17;
	s18 =	sadd.s32 s23, s18;
	s23 =	sadd.s32 s23, s26  }
0x21: {  	[dreg:$0x7] =	wrdreg s15;
	s26 =	simm.s32 $0x2;
	s23 =	sadd.s32 $0x27000, s23  }
.LBB2_1:
0x22: {  	[tilespmem:s25], [sflag:$0x2] =	stream.linear.gather [hbm4b:s20+s3], $0x2800, $0x38;
	[tilespmem:$0x1A200] =	vst v63  }
0x23: {  	_ =	swait.ge [sflag:s26], $0x2800  }
0x24: {  	[sflag:s26] =	ssyncset.done $0x0  }
0x25: {  	[sflag:s26] =	ssyncadd.s32 $0xFFFFD800  }
0x26: {  	[tilespmem:s28], [sflag:$0x2] =	stream.linear.gather [hbm4b:s4+s3], $0x50, $0x38;
	[tilespmem:$0x1A200] =	vst v63  }
0x27: {  	_ =	swait.ge [sflag:s26], $0x50  }
0x28: {  	[sflag:s26] =	ssyncset.done $0x0  }
0x29: {  	[sflag:s26] =	ssyncadd.s32 $0xFFFFFFB0  }
0x2a: {  	[spmem:s2] =	stream.indirect.scatter [tilespmem:s25], [sflag:$0x2], $0x80, s28, s29, $0xb8;
	[tilespmem:$0x1A200] =	vst v63  }
0x2b: {  	_ =	swait.ge [sflag:s26], $0x2800  }
0x2c: {  	[sflag:s26] =	ssyncset.done $0x0  }
0x2d: {  	[sflag:s26] =	ssyncadd.s32 $0xFFFFD800  }
0x2e: {  	[tilespmem:s28], [sflag:$0x2] =	stream.linear.gather [hbm4b:s5+s3], $0x50, $0x38;
	[tilespmem:$0x1A200] =	vst v63  }
0x2f: {  	_ =	swait.ge [sflag:s26], $0x50  }
0x30: {  	[sflag:s26] =	ssyncset.done $0x0  }
0x31: {  	[sflag:s26] =	ssyncadd.s32 $0xFFFFFFB0  }
0x32: {  	[spmem:s2] =	stream.indirect.scatter [tilespmem:s25], [sflag:$0x2], $0x80, s28, s29, $0xb8;
	[tilespmem:$0x1A200] =	vst v63  }
0x33: {  	_ =	swait.ge [sflag:s26], $0x2800  }
0x34: {  	[sflag:s26] =	ssyncset.done $0x0  }
0x35: {  	[sflag:s26] =	ssyncadd.s32 $0xFFFFD800  }
0x36: {  	[tilespmem:s28], [sflag:$0x2] =	stream.linear.gather [hbm4b:s6+s3], $0x50, $0x38;
	[tilespmem:$0x1A200] =	vst v63  }
0x37: {  	_ =	swait.ge [sflag:s26], $0x50  }
0x38: {  	[sflag:s26] =	ssyncset.done $0x0  }
0x39: {  	[sflag:s26] =	ssyncadd.s32 $0xFFFFFFB0  }
0x3a: {  	[spmem:s2] =	stream.indirect.scatter [tilespmem:s25], [sflag:$0x2], $0x80, s28, s29, $0xb8;
	[tilespmem:$0x1A200] =	vst v63  }
0x3b: {  	_ =	swait.ge [sflag:s26], $0x2800  }
0x3c: {  	[sflag:s26] =	ssyncset.done $0x0  }
0x3d: {  	[sflag:s26] =	ssyncadd.s32 $0xFFFFD800  }
0x3e: {  	[tilespmem:s28], [sflag:$0x2] =	stream.linear.gather [hbm4b:s7+s3], $0x50, $0x38;
	[tilespmem:$0x1A200] =	vst v63  }
0x3f: {  	_ =	swait.ge [sflag:s26], $0x50  }
0x40: {  	[sflag:s26] =	ssyncset.done $0x0  }
0x41: {  	[sflag:s26] =	ssyncadd.s32 $0xFFFFFFB0  }
0x42: {  	[spmem:s2] =	stream.indirect.scatter [tilespmem:s25], [sflag:$0x2], $0x80, s28, s29, $0xb8;
	[tilespmem:$0x1A200] =	vst v63  }
0x43: {  	_ =	swait.ge [sflag:s26], $0x2800  }
0x44: {  	[sflag:s26] =	ssyncset.done $0x0  }
0x45: {  	[sflag:s26] =	ssyncadd.s32 $0xFFFFD800  }
0x46: {  	[tilespmem:s28], [sflag:$0x2] =	stream.linear.gather [hbm4b:s8+s3], $0x50, $0x38;
	[tilespmem:$0x1A200] =	vst v63  }
0x47: {  	_ =	swait.ge [sflag:s26], $0x50  }
0x48: {  	[sflag:s26] =	ssyncset.done $0x0  }
0x49: {  	[sflag:s26] =	ssyncadd.s32 $0xFFFFFFB0  }
0x4a: {  	[spmem:s2] =	stream.indirect.scatter [tilespmem:s25], [sflag:$0x2], $0x80, s28, s29, $0xb8;
	[tilespmem:$0x1A200] =	vst v63  }
0x4b: {  	_ =	swait.ge [sflag:s26], $0x2800  }
0x4c: {  	[sflag:s26] =	ssyncset.done $0x0  }
0x4d: {  	[sflag:s26] =	ssyncadd.s32 $0xFFFFD800  }
0x4e: {  	[tilespmem:s28], [sflag:$0x2] =	stream.linear.gather [hbm4b:s9+s3], $0x50, $0x38;
	[tilespmem:$0x1A200] =	vst v63  }
0x4f: {  	_ =	swait.ge [sflag:s26], $0x50  }
0x50: {  	[sflag:s26] =	ssyncset.done $0x0  }
0x51: {  	[sflag:s26] =	ssyncadd.s32 $0xFFFFFFB0  }
0x52: {  	[spmem:s2] =	stream.indirect.scatter [tilespmem:s25], [sflag:$0x2], $0x80, s28, s29, $0xb8;
	[tilespmem:$0x1A200] =	vst v63  }
0x53: {  	_ =	swait.ge [sflag:s26], $0x2800  }
0x54: {  	[sflag:s26] =	ssyncset.done $0x0  }
0x55: {  	[sflag:s26] =	ssyncadd.s32 $0xFFFFD800  }
0x56: {  	[tilespmem:s28], [sflag:$0x2] =	stream.linear.gather [hbm4b:s10+s3], $0x50, $0x38;
	[tilespmem:$0x1A200] =	vst v63  }
0x57: {  	_ =	swait.ge [sflag:s26], $0x50  }
0x58: {  	[sflag:s26] =	ssyncset.done $0x0  }
0x59: {  	[sflag:s26] =	ssyncadd.s32 $0xFFFFFFB0  }
0x5a: {  	[spmem:s2] =	stream.indirect.scatter [tilespmem:s25], [sflag:$0x2], $0x80, s28, s29, $0xb8;
	[tilespmem:$0x1A200] =	vst v63  }
0x5b: {  	_ =	swait.ge [sflag:s26], $0x2800  }
0x5c: {  	[sflag:s26] =	ssyncset.done $0x0  }
0x5d: {  	[sflag:s26] =	ssyncadd.s32 $0xFFFFD800  }
0x5e: {  	[tilespmem:s30], [sflag:$0x2] =	stream.linear.gather [hbm4b:s11+s3], $0x40, $0x38;
	[tilespmem:$0x1A200] =	vst v63  }
0x5f: {  	_ =	swait.ge [sflag:s26], $0x40  }
0x60: {  	[sflag:s26] =	ssyncset.done $0x0  }
0x61: {  	[sflag:s26] =	ssyncadd.s32 $0xFFFFFFC0  }
0x62: {  	[spmem:s2] =	stream.indirect.scatter [tilespmem:s25], [sflag:$0x2], $0x80, s30, s31, $0xb8;
	[tilespmem:$0x1A200] =	vst v63  }
0x63: {  	_ =	swait.ge [sflag:s26], $0x2000  }
0x64: {  	[sflag:s26] =	ssyncset.done $0x0  }
0x65: {  	s12 =	simm.s32 @!p0 $0x0;
	s13 =	simm.s32 @!p0 $0x1A180;
	[sflag:s26] =	ssyncadd.s32 $0xFFFFE000  }
0x66: {  	[tilespmem:s13], [sflag:$0x2] =	stream.linear.gather @!p0 [hbm4b:s21+s12], $0x10, $0x38;
	[tilespmem:$0x1A200] =	vst v63  }
0x67: {  	s12 =	simm.s32 @!p0 $0x2  }
0x68: {  	_ =	swait.ge @!p0 [sflag:s12], $0x10  }
0x69: {  	[sflag:s12] =	ssyncset.done @!p0 $0x0  }
0x6a: {  	s14 =	simm.s32 @!p0 $0x10;
	s15 =	simm.s32 @!p0 $0x17880;
	[sflag:s12] =	ssyncadd.s32 @!p0 $0xFFFFFFF0  }
0x6b: {  	[spmem:s2] =	stream.indirect.scatter @!p0 [tilespmem:s15], [sflag:$0x2], $0x80, s13, s14, $0xb8;
	[tilespmem:$0x1A200] =	vst v63  }
0x6c: {  	_ =	swait.ge @!p0 [sflag:s12], $0x800  }
0x6d: {  	[sflag:s12] =	ssyncset.done @!p0 $0x0  }
0x6e: {  	s14 =	simm.s32 $0x13880;
	[sflag:s12] =	ssyncadd.s32 @!p0 $0xFFFFF800  }
0x6f: {  	[tilespmem:s14], [sflag:$0x2] =	stream.linear.gather [hbm4b:s22+s3], $0x3E80, $0x38;
	[tilespmem:$0x1A200] =	vst v63  }
0x70: {  	_ =	swait.ge [sflag:s26], $0x3E80  }
0x71: {  	[sflag:s26] =	ssyncset.done $0x0  }
0x72: {  	[sflag:s26] =	ssyncadd.s32 $0xFFFFC180  }
0x73: {  	s15 =	rddreg [dreg:$0x0]  }
0x74: {  	[tilespmem:s25], [sflag:$0x2] =	stream.linear.gather [hbm4b:s15+s3], $0x2800, $0x38;
	[tilespmem:$0x1A200] =	vst v63  }
0x75: {  	_ =	swait.ge [sflag:s26], $0x2800  }
0x76: {  	[sflag:s26] =	ssyncset.done $0x0  }
0x77: {  	[sflag:s26] =	ssyncadd.s32 $0xFFFFD800  }
0x78: {  	s16 =	simm.s32 $0x13880;
	[bflag:$0x0] =	sbarrier.arrive $0xFFFF  }
0x79: {  	[spmem:s2] =	stream.indirect.scatter.add.f32 [tilespmem:s25], [sflag:$0x2], $0x80, s16, s29, $0xb8;
	[tilespmem:$0x1A200] =	vst v63  }
0x7a: {  	s12 =	simm.s32 $0x200;
	_ =	swait.ge [sflag:s26], $0x2800  }
.LBB2_2:
0x7b: {  	s13 =	sshra.s32 s12, $0x2;
	[sflag:s26] =	ssyncset.done $0x0;
	p1 =	sne.s32 s12, $0xF800  }
.Ltmp0:
0x7c: {  	s13 =	sadd.s32 $0x13880, s13;
	[sflag:s26] =	ssyncadd.s32 $0xFFFFD800;
	(pc) =	sbr.rel @p1 .LBB2_2-.Ltmp0, $3  }
0x7d: {  	[spmem:s2] =	stream.indirect.scatter.add.f32 [tilespmem:s25], [sflag:$0x2], $0x80, s13, s29, $0xb8;
	[tilespmem:$0x1A200] =	vst v63  }
0x7e: {  	s12 =	sadd.s32 $0x200, s12;
	_ =	sdelay $0x1  }
0x7f: {  	_ =	swait.ge [sflag:s26], $0x2800  }
0x80: {  	[sflag:s26] =	ssyncset.done $0x0  }
0x81: {  	[sflag:s26] =	ssyncadd.s32 $0xFFFFD800  }
0x82: {  	[bflag:$0x0] =	sbarrier.arrive $0xFFFF  }
0x83: {  	[tilespmem:s28], [sflag:$0x2] =	stream.linear.gather [hbm4b:s4+s3], $0x50, $0x38;
	[tilespmem:$0x1A200] =	vst v63  }
0x84: {  	_ =	swait.ge [sflag:s26], $0x50  }
0x85: {  	[sflag:s26] =	ssyncset.done $0x0  }
0x86: {  	[sflag:s26] =	ssyncadd.s32 $0xFFFFFFB0  }
0x87: {  	[tilespmem:s25], [sflag:$0x1] =	stream.indirect.gather [spmem:s2], $0x80, s28, s29, $0xb8;
	[tilespmem:$0x1A200] =	vst v63  }
0x88: {  	_ =	swait.ge [sflag:s1], $0x2800  }
0x89: {  	[sflag:s1] =	ssyncset.done $0x0  }
0x8a: {  	s12 =	rddreg [dreg:$0x4];
	[sflag:s1] =	ssyncadd.s32 $0xFFFFD800  }
0x8b: {  	[hbm4b:s12+s3] =	stream.linear.scatter [tilespmem:s25], [sflag:$0x2], $0x2800, $0x38;
	[tilespmem:$0x1A200] =	vst v63  }
0x8c: {  	_ =	swait.ge [sflag:s26], $0x2800  }
0x8d: {  	[sflag:s26] =	ssyncset.done $0x0  }
0x8e: {  	[sflag:s26] =	ssyncadd.s32 $0xFFFFD800  }
0x8f: {  	[tilespmem:s28], [sflag:$0x2] =	stream.linear.gather [hbm4b:s5+s3], $0x50, $0x38;
	[tilespmem:$0x1A200] =	vst v63  }
0x90: {  	_ =	swait.ge [sflag:s26], $0x50  }
0x91: {  	[sflag:s26] =	ssyncset.done $0x0  }
0x92: {  	[sflag:s26] =	ssyncadd.s32 $0xFFFFFFB0  }
0x93: {  	[tilespmem:s25], [sflag:$0x1] =	stream.indirect.gather [spmem:s2], $0x80, s28, s29, $0xb8;
	[tilespmem:$0x1A200] =	vst v63  }
0x94: {  	_ =	swait.ge [sflag:s1], $0x2800  }
0x95: {  	[sflag:s1] =	ssyncset.done $0x0  }
0x96: {  	s13 =	rddreg [dreg:$0x5];
	[sflag:s1] =	ssyncadd.s32 $0xFFFFD800  }
0x97: {  	[hbm4b:s13+s3] =	stream.linear.scatter [tilespmem:s25], [sflag:$0x2], $0x2800, $0x38;
	[tilespmem:$0x1A200] =	vst v63  }
0x98: {  	_ =	swait.ge [sflag:s26], $0x2800  }
0x99: {  	[sflag:s26] =	ssyncset.done $0x0  }
0x9a: {  	[sflag:s26] =	ssyncadd.s32 $0xFFFFD800  }
0x9b: {  	[tilespmem:s28], [sflag:$0x2] =	stream.linear.gather [hbm4b:s6+s3], $0x50, $0x38;
	[tilespmem:$0x1A200] =	vst v63  }
0x9c: {  	_ =	swait.ge [sflag:s26], $0x50  }
0x9d: {  	[sflag:s26] =	ssyncset.done $0x0  }
0x9e: {  	[sflag:s26] =	ssyncadd.s32 $0xFFFFFFB0  }
0x9f: {  	[tilespmem:s25], [sflag:$0x1] =	stream.indirect.gather [spmem:s2], $0x80, s28, s29, $0xb8;
	[tilespmem:$0x1A200] =	vst v63  }
0xa0: {  	_ =	swait.ge [sflag:s1], $0x2800  }
0xa1: {  	[sflag:s1] =	ssyncset.done $0x0  }
0xa2: {  	s14 =	rddreg [dreg:$0x6];
	[sflag:s1] =	ssyncadd.s32 $0xFFFFD800  }
0xa3: {  	[hbm4b:s14+s3] =	stream.linear.scatter [tilespmem:s25], [sflag:$0x2], $0x2800, $0x38;
	[tilespmem:$0x1A200] =	vst v63  }
0xa4: {  	_ =	swait.ge [sflag:s26], $0x2800  }
0xa5: {  	[sflag:s26] =	ssyncset.done $0x0  }
0xa6: {  	[sflag:s26] =	ssyncadd.s32 $0xFFFFD800  }
0xa7: {  	[tilespmem:s28], [sflag:$0x2] =	stream.linear.gather [hbm4b:s7+s3], $0x50, $0x38;
	[tilespmem:$0x1A200] =	vst v63  }
0xa8: {  	_ =	swait.ge [sflag:s26], $0x50  }
0xa9: {  	[sflag:s26] =	ssyncset.done $0x0  }
0xaa: {  	[sflag:s26] =	ssyncadd.s32 $0xFFFFFFB0  }
0xab: {  	[tilespmem:s25], [sflag:$0x1] =	stream.indirect.gather [spmem:s2], $0x80, s28, s29, $0xb8;
	[tilespmem:$0x1A200] =	vst v63  }
0xac: {  	_ =	swait.ge [sflag:s1], $0x2800  }
0xad: {  	[sflag:s1] =	ssyncset.done $0x0  }
0xae: {  	s15 =	rddreg [dreg:$0x7];
	[sflag:s1] =	ssyncadd.s32 $0xFFFFD800  }
0xaf: {  	[hbm4b:s15+s3] =	stream.linear.scatter [tilespmem:s25], [sflag:$0x2], $0x2800, $0x38;
	[tilespmem:$0x1A200] =	vst v63  }
0xb0: {  	_ =	swait.ge [sflag:s26], $0x2800  }
0xb1: {  	[sflag:s26] =	ssyncset.done $0x0  }
0xb2: {  	[sflag:s26] =	ssyncadd.s32 $0xFFFFD800  }
0xb3: {  	[tilespmem:s28], [sflag:$0x2] =	stream.linear.gather [hbm4b:s8+s3], $0x50, $0x38;
	[tilespmem:$0x1A200] =	vst v63  }
0xb4: {  	_ =	swait.ge [sflag:s26], $0x50  }
0xb5: {  	[sflag:s26] =	ssyncset.done $0x0  }
0xb6: {  	[sflag:s26] =	ssyncadd.s32 $0xFFFFFFB0  }
0xb7: {  	[tilespmem:s25], [sflag:$0x1] =	stream.indirect.gather [spmem:s2], $0x80, s28, s29, $0xb8;
	[tilespmem:$0x1A200] =	vst v63  }
0xb8: {  	_ =	swait.ge [sflag:s1], $0x2800  }
0xb9: {  	[sflag:s1] =	ssyncset.done $0x0  }
0xba: {  	s16 =	rddreg [dreg:$0x8];
	[sflag:s1] =	ssyncadd.s32 $0xFFFFD800  }
0xbb: {  	[hbm4b:s16+s3] =	stream.linear.scatter [tilespmem:s25], [sflag:$0x2], $0x2800, $0x38;
	[tilespmem:$0x1A200] =	vst v63  }
0xbc: {  	_ =	swait.ge [sflag:s26], $0x2800  }
0xbd: {  	[sflag:s26] =	ssyncset.done $0x0  }
0xbe: {  	[sflag:s26] =	ssyncadd.s32 $0xFFFFD800  }
0xbf: {  	[tilespmem:s28], [sflag:$0x2] =	stream.linear.gather [hbm4b:s9+s3], $0x50, $0x38;
	[tilespmem:$0x1A200] =	vst v63  }
0xc0: {  	_ =	swait.ge [sflag:s26], $0x50  }
0xc1: {  	[sflag:s26] =	ssyncset.done $0x0  }
0xc2: {  	[sflag:s26] =	ssyncadd.s32 $0xFFFFFFB0  }
0xc3: {  	[tilespmem:s25], [sflag:$0x1] =	stream.indirect.gather [spmem:s2], $0x80, s28, s29, $0xb8;
	[tilespmem:$0x1A200] =	vst v63  }
0xc4: {  	_ =	swait.ge [sflag:s1], $0x2800  }
0xc5: {  	[sflag:s1] =	ssyncset.done $0x0  }
0xc6: {  	[sflag:s1] =	ssyncadd.s32 $0xFFFFD800  }
0xc7: {  	[hbm4b:s17+s3] =	stream.linear.scatter [tilespmem:s25], [sflag:$0x2], $0x2800, $0x38;
	[tilespmem:$0x1A200] =	vst v63  }
0xc8: {  	_ =	swait.ge [sflag:s26], $0x2800  }
0xc9: {  	[sflag:s26] =	ssyncset.done $0x0  }
0xca: {  	[sflag:s26] =	ssyncadd.s32 $0xFFFFD800  }
0xcb: {  	[tilespmem:s28], [sflag:$0x2] =	stream.linear.gather [hbm4b:s10+s3], $0x50, $0x38;
	[tilespmem:$0x1A200] =	vst v63  }
0xcc: {  	_ =	swait.ge [sflag:s26], $0x50  }
0xcd: {  	[sflag:s26] =	ssyncset.done $0x0  }
0xce: {  	[sflag:s26] =	ssyncadd.s32 $0xFFFFFFB0  }
0xcf: {  	[tilespmem:s25], [sflag:$0x1] =	stream.indirect.gather [spmem:s2], $0x80, s28, s29, $0xb8;
	[tilespmem:$0x1A200] =	vst v63  }
0xd0: {  	_ =	swait.ge [sflag:s1], $0x2800  }
0xd1: {  	[sflag:s1] =	ssyncset.done $0x0  }
0xd2: {  	[sflag:s1] =	ssyncadd.s32 $0xFFFFD800  }
0xd3: {  	[hbm4b:s18+s3] =	stream.linear.scatter [tilespmem:s25], [sflag:$0x2], $0x2800, $0x38;
	[tilespmem:$0x1A200] =	vst v63  }
0xd4: {  	_ =	swait.ge [sflag:s26], $0x2800  }
0xd5: {  	[sflag:s26] =	ssyncset.done $0x0  }
0xd6: {  	[sflag:s26] =	ssyncadd.s32 $0xFFFFD800  }
0xd7: {  	[tilespmem:s30], [sflag:$0x2] =	stream.linear.gather [hbm4b:s11+s3], $0x40, $0x38;
	[tilespmem:$0x1A200] =	vst v63  }
0xd8: {  	_ =	swait.ge [sflag:s26], $0x40  }
0xd9: {  	[sflag:s26] =	ssyncset.done $0x0  }
0xda: {  	[sflag:s26] =	ssyncadd.s32 $0xFFFFFFC0  }
0xdb: {  	[tilespmem:s25], [sflag:$0x1] =	stream.indirect.gather [spmem:s2], $0x80, s30, s31, $0xb8;
	[tilespmem:$0x1A200] =	vst v63  }
0xdc: {  	_ =	swait.ge [sflag:s1], $0x2000  }
0xdd: {  	[sflag:s1] =	ssyncset.done $0x0  }
0xde: {  	[sflag:s1] =	ssyncadd.s32 $0xFFFFE000  }
0xdf: {  	[hbm4b:s19+s3] =	stream.linear.scatter [tilespmem:s25], [sflag:$0x2], $0x2000, $0x38;
	[tilespmem:$0x1A200] =	vst v63  }
0xe0: {  	_ =	swait.ge [sflag:s26], $0x2000  }
0xe1: {  	s12 =	simm.s32 @!p0 $0x0;
	[sflag:s26] =	ssyncset.done $0x0  }
0xe2: {  	s13 =	simm.s32 @!p0 $0x1A180;
	s14 =	simm.s32 @!p0 $0x2;
	[sflag:s26] =	ssyncadd.s32 $0xFFFFE000  }
0xe3: {  	[tilespmem:s13], [sflag:$0x2] =	stream.linear.gather @!p0 [hbm4b:s21+s12], $0x10, $0x38;
	[tilespmem:$0x1A200] =	vst v63  }
0xe4: {  	_ =	swait.ge @!p0 [sflag:s14], $0x10  }
0xe5: {  	[sflag:s14] =	ssyncset.done @!p0 $0x0  }
0xe6: {  	s15 =	simm.s32 @!p0 $0x10;
	s16 =	simm.s32 @!p0 $0x17880;
	[sflag:s14] =	ssyncadd.s32 @!p0 $0xFFFFFFF0  }
0xe7: {  	[tilespmem:s16], [sflag:$0x1] =	stream.indirect.gather @!p0 [spmem:s2], $0x80, s13, s15, $0xb8;
	[tilespmem:$0x1A200] =	vst v63  }
0xe8: {  	s13 =	simm.s32 @!p0 $0x1  }
0xe9: {  	s0 =	sadd.s32 $0x1, s0;
	_ =	swait.ge @!p0 [sflag:s13], $0x800  }
0xea: {  	p1 =	sne.s32 s0, s24;
	[sflag:s13] =	ssyncset.done @!p0 $0x0  }
.Ltmp1:
0xeb: {  	[sflag:s13] =	ssyncadd.s32 @!p0 $0xFFFFF800;
	(pc) =	sbr.rel @p1 .LBB2_1-.Ltmp1, $4  }
0xec: {  	[hbm4b:s23+s12] =	stream.linear.scatter @!p0 [tilespmem:s16], [sflag:$0x2], $0x800, $0x38;
	[tilespmem:$0x1A200] =	vst v63  }
0xed: {  	_ =	swait.ge @!p0 [sflag:s14], $0x800  }
0xee: {  	[sflag:s14] =	ssyncset.done @!p0 $0x0  }
0xef: {  	[sflag:s14] =	ssyncadd.s32 @!p0 $0xFFFFF800  }
0xf0: {  	_ =	sfence.sel $0x180000  }
0xf1: {  	[bflag:$0x0] =	sbarrier.arrive $0xFFFF  }
0xf2: {  	_ =	strace $0x90000047  }
0xf3: {  	[bflag:$0x2] =	sbarrier.arrive $0xFFFF  }
0xf4: {  	s0 =	rddreg [dreg:$0x3]  }
0xf5: {  	s0 =	sadd.s32 @!p0 $0x100000, s0  }
0xf6: {  	[sflag:s0] =	ssyncadd.tile.s32 @!p0 $0x1;
	_ =	shalt  }
.Lfunc_end2:
_tile_overlayer_lowered:
.L_overlay_start_2:
0xf7: {  	(tag) =	ssettag $0x2  }
0xf8: {  	s0 =	rddreg [dreg:$0x0];
	s2 =	stileid.u32  }
0xf9: {  	s1 =	rddreg [dreg:$0x1];
	p0 =	sne.s32 s2, $0x0  }
0xfa: {  	s3 =	rddreg [dreg:$0x2];
	[bflag:$0x3] =	sbarrier.arrive $0xFFFF;
	s2 =	simm.s32 @!p0 $0x1C02  }
0xfb: {  	[timem:s3], [sflag:s2] =	dma.local @!p0 [hbm:s0], s1  }
0xfc: {  	s0 =	simm.s32 @!p0 $0x2  }
0xfd: {  	_ =	swait.ge @!p0 [sflag:s0], s1  }
0xfe: {  	s1 =	ssub.s32 @!p0 $0x0, s1;
	[sflag:s0] =	ssyncset.done @!p0 $0x0  }
0xff: {  	[sflag:s0] =	ssyncadd.s32 @!p0 s1  }
0x100: {  	[bflag:$0x3] =	sbarrier.arrive $0xFFFF  }
0x101: {  	_ =	shalt  }

</sc_bundles>
